<compile_context>
chip_gen: v7x
topology: tpu7x:2x2x1
jax: 0.10.2.dev20260603
libtpu: 0.0.44.dev20260713+nightly
codegen_flags: <defaults>
</compile_context>

<pallas_src>
import jax
import jax.numpy as jnp
from jax import lax
from jax.experimental import pallas as pl
from jax.experimental.pallas import tpu as pltpu
from jax.experimental.pallas import tpu_sc as plsc

BATCH = 16384
D = 64
NC = 2
NS = 16
NW = NC * NS
B_PER_W = BATCH // NW
CHUNK = 128
N_CHUNKS = B_PER_W // CHUNK


def _body(w_team, w_player, w_season, w_down,
          idx_team, idx_player, idx_season, idx_down,
          out,
          iv_t, iv_p, iv_s, iv_d,
          b_t0, b_p0, b_s0, b_d0,
          b_t1, b_p1, b_s1, b_d1,
          o_v0, o_v1,
          sem_g, sem_o):
    wid = lax.axis_index("s") * NC + lax.axis_index("c")
    base = wid * B_PER_W

    bufs = ((b_t0, b_p0, b_s0, b_d0), (b_t1, b_p1, b_s1, b_d1))
    o_vs = (o_v0, o_v1)
    tables = (w_team, w_player, w_season, w_down)
    ivs = (iv_t, iv_p, iv_s, iv_d)

    ih = [pltpu.async_copy(ihbm.at[pl.ds(base, B_PER_W)], iv, sem_g)
          for ihbm, iv in zip((idx_team, idx_player, idx_season, idx_down), ivs)]

    def fire_gathers(c, s):
        sl = pl.ds(c * CHUNK, CHUNK)
        return [pltpu.async_copy(tab.at[iv.at[sl]], buf, sem_g)
                for tab, iv, buf in zip(tables, ivs, bufs[s])]

    gh = []
    sl0 = pl.ds(0, CHUNK)
    for h, tab, iv, buf in zip(ih, tables, ivs, bufs[0]):
        h.wait()
        gh.append(pltpu.async_copy(tab.at[iv.at[sl0]], buf, sem_g))
    oh = [None, None]
    dvecs = [lax.iota(jnp.int32, 16) + jj * 16 for jj in range(D // 16)]
    for c in range(N_CHUNKS):
        cur = c % 2
        for h in gh:
            h.wait()
        if c + 1 < N_CHUNKS:
            gh = fire_gathers(c + 1, 1 - cur)
        if oh[cur] is not None:
            for h in oh[cur]:
                h.wait()
        bt, bp, bs, bd = bufs[cur]
        o_v = o_vs[cur]

        def row(r2, _):
            for u in range(2):
                r = r2 * 2 + u
                col = jnp.full((16,), r, jnp.int32)
                for jj in range(D // 16):
                    sl = pl.ds(jj * 16, 16)
                    acc = (bt[r, sl] + bp[r, sl]) + (bs[r, sl] + bd[r, sl])
                    plsc.store_scatter(o_v, [dvecs[jj], col], acc)
            return 0

        lax.fori_loop(0, CHUNK // 2, row, 0)
        j = wid * N_CHUNKS + c
        oh[cur] = [pltpu.async_copy(
            o_v.at[pl.ds(k * 8, 8), pl.ds(0, CHUNK)], out.at[k, j], sem_o)
            for k in range(D // 8)]
    for hs in oh:
        if hs is not None:
            for h in hs:
                h.wait()


@jax.jit
def _meta_embed(team_ID, player_ids, season_ID, down_ID,
                W_team, W_player, W_season, W_down):
    run = pl.kernel(
        _body,
        out_type=jax.ShapeDtypeStruct((D // 8, BATCH // 128, 8, 128), jnp.float32),
        mesh=plsc.VectorSubcoreMesh(
            core_axis_name="c", subcore_axis_name="s",
            num_cores=NC, num_subcores=NS),
        scratch_types=[
            pltpu.VMEM((B_PER_W,), jnp.int32),
            pltpu.VMEM((B_PER_W,), jnp.int32),
            pltpu.VMEM((B_PER_W,), jnp.int32),
            pltpu.VMEM((B_PER_W,), jnp.int32),
            pltpu.VMEM((CHUNK, D), jnp.float32),
            pltpu.VMEM((CHUNK, D), jnp.float32),
            pltpu.VMEM((CHUNK, D), jnp.float32),
            pltpu.VMEM((CHUNK, D), jnp.float32),
            pltpu.VMEM((CHUNK, D), jnp.float32),
            pltpu.VMEM((CHUNK, D), jnp.float32),
            pltpu.VMEM((CHUNK, D), jnp.float32),
            pltpu.VMEM((CHUNK, D), jnp.float32),
            pltpu.VMEM((D, CHUNK + 5), jnp.float32),
            pltpu.VMEM((D, CHUNK + 5), jnp.float32),
            pltpu.SemaphoreType.DMA,
            pltpu.SemaphoreType.DMA,
        ],
        compiler_params=pltpu.CompilerParams(use_tc_tiling_on_sc=False, needs_layout_passes=False),
    )
    out4 = run(W_team, W_player, W_season, W_down,
               team_ID.astype(jnp.int32), player_ids.astype(jnp.int32),
               season_ID.astype(jnp.int32), down_ID.astype(jnp.int32))
    return jnp.transpose(out4, (1, 3, 0, 2)).reshape(BATCH, D)


def kernel(team_ID, player_ids, season_ID, down_ID,
           W_team, W_player, W_season, W_down):
    return _meta_embed(team_ID, player_ids, season_ID, down_ID,
                       W_team, W_player, W_season, W_down)

# --- scband reference (transcript-rebuilt; emitter-appended) ---
"""Pipeline reference for scband-meta-embedding-78357383348486 (READ-ONLY COPY).

The authoritative reference and input builder live on the scoring server;
editing this copy changes nothing except your own understanding.
"""

import jax, jax.numpy as jnp
import numpy as np

BATCH = 16384
EMBED_DIM = 64
TEAM_V = 1000
PLAYER_V = 100000
SEASON_V = 1000
DOWN_V = 1000


def setup_inputs(seed: int = 0) -> dict:
    key = jax.random.key(seed)
    k1, k2, k3, k4, k5, k6, k7, k8 = jax.random.split(key, 8)
    team_ID = jax.random.randint(k1, (BATCH,), 0, TEAM_V, dtype=jnp.int64) if jax.config.jax_enable_x64 else jax.random.randint(k1, (BATCH,), 0, TEAM_V).astype(jnp.int32)
    player_ids = jax.random.randint(k2, (BATCH,), 0, PLAYER_V).astype(jnp.int32)
    season_ID = jax.random.randint(k3, (BATCH,), 0, SEASON_V).astype(jnp.int32)
    down_ID = jax.random.randint(k4, (BATCH,), 0, DOWN_V).astype(jnp.int32)
    team_ID = jnp.asarray(team_ID, dtype=jnp.int32)
    # Embedding tables (uniform init like keras Embedding default)
    W_team = jax.random.uniform(k5, (TEAM_V, EMBED_DIM), minval=-0.05, maxval=0.05, dtype=jnp.float32)
    W_player = jax.random.uniform(k6, (PLAYER_V, EMBED_DIM), minval=-0.05, maxval=0.05, dtype=jnp.float32)
    W_season = jax.random.uniform(k7, (SEASON_V, EMBED_DIM), minval=-0.05, maxval=0.05, dtype=jnp.float32)
    W_down = jax.random.uniform(k8, (DOWN_V, EMBED_DIM), minval=-0.05, maxval=0.05, dtype=jnp.float32)
    return {
        "team_ID": team_ID,
        "player_ids": player_ids,
        "season_ID": season_ID,
        "down_ID": down_ID,
        "W_team": W_team,
        "W_player": W_player,
        "W_season": W_season,
        "W_down": W_down,
    }


def reference(team_ID, player_ids, season_ID, down_ID, W_team, W_player, W_season, W_down):
    team_embed = jnp.take(W_team, team_ID, axis=0)
    player_embed = jnp.take(W_player, player_ids, axis=0)
    season_embed = jnp.take(W_season, season_ID, axis=0)
    down_embed = jnp.take(W_down, down_ID, axis=0)
    added = team_embed + player_embed + season_embed + down_embed
    return added

if __name__ == "__main__":
    import jax
    _d = setup_inputs()
    print(jax.jit(kernel)(*tuple(_d.values())))

</pallas_src>

<mosaic_0001>
#map = affine_map<(d0, d1) -> (0, 0)>
#map1 = affine_map<(d0, d1) -> (0)>
#map2 = affine_map<(d0, d1) -> (0, 0, 0, 0)>
module attributes {stable_mosaic.version = 14 : i64} {
  func.func @_body(%arg0: i32, %arg1: i32, %arg2: memref<1000x64xf32, #tpu.memory_space<hbm>>, %arg3: memref<100000x64xf32, #tpu.memory_space<hbm>>, %arg4: memref<1000x64xf32, #tpu.memory_space<hbm>>, %arg5: memref<1000x64xf32, #tpu.memory_space<hbm>>, %arg6: memref<16384xi32, #tpu.memory_space<hbm>>, %arg7: memref<16384xi32, #tpu.memory_space<hbm>>, %arg8: memref<16384xi32, #tpu.memory_space<hbm>>, %arg9: memref<16384xi32, #tpu.memory_space<hbm>>, %arg10: memref<8x128x8x128xf32, #tpu.memory_space<hbm>>, %arg11: memref<512xi32, #tpu.memory_space<vmem>>, %arg12: memref<512xi32, #tpu.memory_space<vmem>>, %arg13: memref<512xi32, #tpu.memory_space<vmem>>, %arg14: memref<512xi32, #tpu.memory_space<vmem>>, %arg15: memref<128x64xf32, #tpu.memory_space<vmem>>, %arg16: memref<128x64xf32, #tpu.memory_space<vmem>>, %arg17: memref<128x64xf32, #tpu.memory_space<vmem>>, %arg18: memref<128x64xf32, #tpu.memory_space<vmem>>, %arg19: memref<128x64xf32, #tpu.memory_space<vmem>>, %arg20: memref<128x64xf32, #tpu.memory_space<vmem>>, %arg21: memref<128x64xf32, #tpu.memory_space<vmem>>, %arg22: memref<128x64xf32, #tpu.memory_space<vmem>>, %arg23: memref<64x133xf32, #tpu.memory_space<vmem>>, %arg24: memref<64x133xf32, #tpu.memory_space<vmem>>, %arg25: memref<!tpu.dma_semaphore, #tpu.memory_space<semaphore_mem>>, %arg26: memref<!tpu.dma_semaphore, #tpu.memory_space<semaphore_mem>>) attributes {dimension_semantics = [#tpu.dimension_semantics<core_parallel>, #tpu.dimension_semantics<subcore_parallel>], iteration_bounds = array<i64: 2, 16>, scalar_prefetch = 0 : i64, scratch_operands = 16 : i64, tpu.core_type = #tpu.core_type<sc_vector_subcore>, window_params = [{transform_indices = #map}, {transform_indices = #map}, {transform_indices = #map}, {transform_indices = #map}, {transform_indices = #map1}, {transform_indices = #map1}, {transform_indices = #map1}, {transform_indices = #map1}, {transform_indices = #map2}]} {
    %mul3A = arith.constant 2 : i32
    %mul3A_0 = arith.muli %arg1, %mul3A : i32
    %add3A = arith.addi %mul3A_0, %arg0 : i32
    %mul3A_1 = arith.constant 512 : i32
    %mul3A_2 = arith.muli %add3A, %mul3A_1 : i32
    %dma_start3A = tpu.memref_slice %arg6[%mul3A_2] : memref<16384xi32, #tpu.memory_space<hbm>> -> memref<512xi32, #tpu.memory_space<hbm>>
    %dma_start3A_3 = tpu.memref_slice %arg6[%mul3A_2] : memref<16384xi32, #tpu.memory_space<hbm>> -> memref<512xi32, #tpu.memory_space<hbm>>
    tpu.enqueue_dma source(%dma_start3A_3 : memref<512xi32, #tpu.memory_space<hbm>>) target(%arg11 : memref<512xi32, #tpu.memory_space<vmem>>) target_semaphore(%arg25 : memref<!tpu.dma_semaphore, #tpu.memory_space<semaphore_mem>>)
    %dma_start3A_4 = tpu.memref_slice %arg7[%mul3A_2] : memref<16384xi32, #tpu.memory_space<hbm>> -> memref<512xi32, #tpu.memory_space<hbm>>
    %dma_start3A_5 = tpu.memref_slice %arg7[%mul3A_2] : memref<16384xi32, #tpu.memory_space<hbm>> -> memref<512xi32, #tpu.memory_space<hbm>>
    tpu.enqueue_dma source(%dma_start3A_5 : memref<512xi32, #tpu.memory_space<hbm>>) target(%arg12 : memref<512xi32, #tpu.memory_space<vmem>>) target_semaphore(%arg25 : memref<!tpu.dma_semaphore, #tpu.memory_space<semaphore_mem>>)
    %dma_start3A_6 = tpu.memref_slice %arg8[%mul3A_2] : memref<16384xi32, #tpu.memory_space<hbm>> -> memref<512xi32, #tpu.memory_space<hbm>>
    %dma_start3A_7 = tpu.memref_slice %arg8[%mul3A_2] : memref<16384xi32, #tpu.memory_space<hbm>> -> memref<512xi32, #tpu.memory_space<hbm>>
    tpu.enqueue_dma source(%dma_start3A_7 : memref<512xi32, #tpu.memory_space<hbm>>) target(%arg13 : memref<512xi32, #tpu.memory_space<vmem>>) target_semaphore(%arg25 : memref<!tpu.dma_semaphore, #tpu.memory_space<semaphore_mem>>)
    %dma_start3A_8 = tpu.memref_slice %arg9[%mul3A_2] : memref<16384xi32, #tpu.memory_space<hbm>> -> memref<512xi32, #tpu.memory_space<hbm>>
    %dma_start3A_9 = tpu.memref_slice %arg9[%mul3A_2] : memref<16384xi32, #tpu.memory_space<hbm>> -> memref<512xi32, #tpu.memory_space<hbm>>
    tpu.enqueue_dma source(%dma_start3A_9 : memref<512xi32, #tpu.memory_space<hbm>>) target(%arg14 : memref<512xi32, #tpu.memory_space<vmem>>) target_semaphore(%arg25 : memref<!tpu.dma_semaphore, #tpu.memory_space<semaphore_mem>>)
    %dma_wait3A = tpu.memref_slice %arg6[%mul3A_2] : memref<16384xi32, #tpu.memory_space<hbm>> -> memref<512xi32, #tpu.memory_space<hbm>>
    %dma_wait3A_10 = tpu.memref_slice %arg6[%mul3A_2] : memref<16384xi32, #tpu.memory_space<hbm>> -> memref<512xi32, #tpu.memory_space<hbm>>
    tpu.wait_dma2 semaphore(%arg25 : memref<!tpu.dma_semaphore, #tpu.memory_space<semaphore_mem>>) src(%dma_wait3A_10 : memref<512xi32, #tpu.memory_space<hbm>>) dst(%arg11 : memref<512xi32, #tpu.memory_space<vmem>>)
    %dma_start3A_11 = arith.constant 0 : i32
    %dma_start3A_12 = tpu.memref_slice %arg11[%dma_start3A_11] : memref<512xi32, #tpu.memory_space<vmem>> -> memref<128xi32, #tpu.memory_space<vmem>>
    %dma_start3A_13 = arith.constant 0 : i32
    %dma_start3A_14 = arith.constant 0 : i32
    %dma_start3A_15 = tpu.memref_slice %arg2[%dma_start3A_13, %dma_start3A_14] : memref<1000x64xf32, #tpu.memory_space<hbm>> -> memref<1000x64xf32, #tpu.memory_space<hbm>>
    tpu.enqueue_indirect_dma source(%dma_start3A_15 : memref<1000x64xf32, #tpu.memory_space<hbm>>) target(%arg15 : memref<128x64xf32, #tpu.memory_space<vmem>>) offsets(%dma_start3A_12 : memref<128xi32, #tpu.memory_space<vmem>>) semaphore(%arg25 : memref<!tpu.dma_semaphore, #tpu.memory_space<semaphore_mem>>)
    %dma_wait3A_16 = tpu.memref_slice %arg7[%mul3A_2] : memref<16384xi32, #tpu.memory_space<hbm>> -> memref<512xi32, #tpu.memory_space<hbm>>
    %dma_wait3A_17 = tpu.memref_slice %arg7[%mul3A_2] : memref<16384xi32, #tpu.memory_space<hbm>> -> memref<512xi32, #tpu.memory_space<hbm>>
    tpu.wait_dma2 semaphore(%arg25 : memref<!tpu.dma_semaphore, #tpu.memory_space<semaphore_mem>>) src(%dma_wait3A_17 : memref<512xi32, #tpu.memory_space<hbm>>) dst(%arg12 : memref<512xi32, #tpu.memory_space<vmem>>)
    %dma_start3A_18 = arith.constant 0 : i32
    %dma_start3A_19 = tpu.memref_slice %arg12[%dma_start3A_18] : memref<512xi32, #tpu.memory_space<vmem>> -> memref<128xi32, #tpu.memory_space<vmem>>
    %dma_start3A_20 = arith.constant 0 : i32
    %dma_start3A_21 = arith.constant 0 : i32
    %dma_start3A_22 = tpu.memref_slice %arg3[%dma_start3A_20, %dma_start3A_21] : memref<100000x64xf32, #tpu.memory_space<hbm>> -> memref<100000x64xf32, #tpu.memory_space<hbm>>
    tpu.enqueue_indirect_dma source(%dma_start3A_22 : memref<100000x64xf32, #tpu.memory_space<hbm>>) target(%arg16 : memref<128x64xf32, #tpu.memory_space<vmem>>) offsets(%dma_start3A_19 : memref<128xi32, #tpu.memory_space<vmem>>) semaphore(%arg25 : memref<!tpu.dma_semaphore, #tpu.memory_space<semaphore_mem>>)
    %dma_wait3A_23 = tpu.memref_slice %arg8[%mul3A_2] : memref<16384xi32, #tpu.memory_space<hbm>> -> memref<512xi32, #tpu.memory_space<hbm>>
    %dma_wait3A_24 = tpu.memref_slice %arg8[%mul3A_2] : memref<16384xi32, #tpu.memory_space<hbm>> -> memref<512xi32, #tpu.memory_space<hbm>>
    tpu.wait_dma2 semaphore(%arg25 : memref<!tpu.dma_semaphore, #tpu.memory_space<semaphore_mem>>) src(%dma_wait3A_24 : memref<512xi32, #tpu.memory_space<hbm>>) dst(%arg13 : memref<512xi32, #tpu.memory_space<vmem>>)
    %dma_start3A_25 = arith.constant 0 : i32
    %dma_start3A_26 = tpu.memref_slice %arg13[%dma_start3A_25] : memref<512xi32, #tpu.memory_space<vmem>> -> memref<128xi32, #tpu.memory_space<vmem>>
    %dma_start3A_27 = arith.constant 0 : i32
    %dma_start3A_28 = arith.constant 0 : i32
    %dma_start3A_29 = tpu.memref_slice %arg4[%dma_start3A_27, %dma_start3A_28] : memref<1000x64xf32, #tpu.memory_space<hbm>> -> memref<1000x64xf32, #tpu.memory_space<hbm>>
    tpu.enqueue_indirect_dma source(%dma_start3A_29 : memref<1000x64xf32, #tpu.memory_space<hbm>>) target(%arg17 : memref<128x64xf32, #tpu.memory_space<vmem>>) offsets(%dma_start3A_26 : memref<128xi32, #tpu.memory_space<vmem>>) semaphore(%arg25 : memref<!tpu.dma_semaphore, #tpu.memory_space<semaphore_mem>>)
    %dma_wait3A_30 = tpu.memref_slice %arg9[%mul3A_2] : memref<16384xi32, #tpu.memory_space<hbm>> -> memref<512xi32, #tpu.memory_space<hbm>>
    %dma_wait3A_31 = tpu.memref_slice %arg9[%mul3A_2] : memref<16384xi32, #tpu.memory_space<hbm>> -> memref<512xi32, #tpu.memory_space<hbm>>
    tpu.wait_dma2 semaphore(%arg25 : memref<!tpu.dma_semaphore, #tpu.memory_space<semaphore_mem>>) src(%dma_wait3A_31 : memref<512xi32, #tpu.memory_space<hbm>>) dst(%arg14 : memref<512xi32, #tpu.memory_space<vmem>>)
    %dma_start3A_32 = arith.constant 0 : i32
    %dma_start3A_33 = tpu.memref_slice %arg14[%dma_start3A_32] : memref<512xi32, #tpu.memory_space<vmem>> -> memref<128xi32, #tpu.memory_space<vmem>>
    %dma_start3A_34 = arith.constant 0 : i32
    %dma_start3A_35 = arith.constant 0 : i32
    %dma_start3A_36 = tpu.memref_slice %arg5[%dma_start3A_34, %dma_start3A_35] : memref<1000x64xf32, #tpu.memory_space<hbm>> -> memref<1000x64xf32, #tpu.memory_space<hbm>>
    tpu.enqueue_indirect_dma source(%dma_start3A_36 : memref<1000x64xf32, #tpu.memory_space<hbm>>) target(%arg18 : memref<128x64xf32, #tpu.memory_space<vmem>>) offsets(%dma_start3A_33 : memref<128xi32, #tpu.memory_space<vmem>>) semaphore(%arg25 : memref<!tpu.dma_semaphore, #tpu.memory_space<semaphore_mem>>)
    %iota3A = tpu.iota {dimensions = array<i32: 0>} : vector<16xi32>
    %add3A_37 = arith.constant 0 : i32
    %add3A_38 = vector.broadcast %add3A_37 : i32 to vector<16xi32>
    %add3A_39 = arith.addi %iota3A, %add3A_38 : vector<16xi32>
    %iota3A_40 = tpu.iota {dimensions = array<i32: 0>} : vector<16xi32>
    %add3A_41 = arith.constant 16 : i32
    %add3A_42 = vector.broadcast %add3A_41 : i32 to vector<16xi32>
    %add3A_43 = arith.addi %iota3A_40, %add3A_42 : vector<16xi32>
    %iota3A_44 = tpu.iota {dimensions = array<i32: 0>} : vector<16xi32>
    %add3A_45 = arith.constant 32 : i32
    %add3A_46 = vector.broadcast %add3A_45 : i32 to vector<16xi32>
    %add3A_47 = arith.addi %iota3A_44, %add3A_46 : vector<16xi32>
    %iota3A_48 = tpu.iota {dimensions = array<i32: 0>} : vector<16xi32>
    %add3A_49 = arith.constant 48 : i32
    %add3A_50 = vector.broadcast %add3A_49 : i32 to vector<16xi32>
    %add3A_51 = arith.addi %iota3A_48, %add3A_50 : vector<16xi32>
    %dma_wait3A_52 = arith.constant 0 : i32
    %dma_wait3A_53 = tpu.memref_slice %arg11[%dma_wait3A_52] : memref<512xi32, #tpu.memory_space<vmem>> -> memref<128xi32, #tpu.memory_space<vmem>>
    %dma_wait3A_54 = arith.constant 0 : i32
    %dma_wait3A_55 = arith.constant 0 : i32
    %dma_wait3A_56 = tpu.memref_slice %arg2[%dma_wait3A_54, %dma_wait3A_55] : memref<1000x64xf32, #tpu.memory_space<hbm>> -> memref<1000x64xf32, #tpu.memory_space<hbm>>
    tpu.wait_indirect_dma semaphore(%arg25 : memref<!tpu.dma_semaphore, #tpu.memory_space<semaphore_mem>>) src(%dma_wait3A_56 : memref<1000x64xf32, #tpu.memory_space<hbm>>) dst(%arg15 : memref<128x64xf32, #tpu.memory_space<vmem>>)
    %dma_wait3A_57 = arith.constant 0 : i32
    %dma_wait3A_58 = tpu.memref_slice %arg12[%dma_wait3A_57] : memref<512xi32, #tpu.memory_space<vmem>> -> memref<128xi32, #tpu.memory_space<vmem>>
    %dma_wait3A_59 = arith.constant 0 : i32
    %dma_wait3A_60 = arith.constant 0 : i32
    %dma_wait3A_61 = tpu.memref_slice %arg3[%dma_wait3A_59, %dma_wait3A_60] : memref<100000x64xf32, #tpu.memory_space<hbm>> -> memref<100000x64xf32, #tpu.memory_space<hbm>>
    tpu.wait_indirect_dma semaphore(%arg25 : memref<!tpu.dma_semaphore, #tpu.memory_space<semaphore_mem>>) src(%dma_wait3A_61 : memref<100000x64xf32, #tpu.memory_space<hbm>>) dst(%arg16 : memref<128x64xf32, #tpu.memory_space<vmem>>)
    %dma_wait3A_62 = arith.constant 0 : i32
    %dma_wait3A_63 = tpu.memref_slice %arg13[%dma_wait3A_62] : memref<512xi32, #tpu.memory_space<vmem>> -> memref<128xi32, #tpu.memory_space<vmem>>
    %dma_wait3A_64 = arith.constant 0 : i32
    %dma_wait3A_65 = arith.constant 0 : i32
    %dma_wait3A_66 = tpu.memref_slice %arg4[%dma_wait3A_64, %dma_wait3A_65] : memref<1000x64xf32, #tpu.memory_space<hbm>> -> memref<1000x64xf32, #tpu.memory_space<hbm>>
    tpu.wait_indirect_dma semaphore(%arg25 : memref<!tpu.dma_semaphore, #tpu.memory_space<semaphore_mem>>) src(%dma_wait3A_66 : memref<1000x64xf32, #tpu.memory_space<hbm>>) dst(%arg17 : memref<128x64xf32, #tpu.memory_space<vmem>>)
    %dma_wait3A_67 = arith.constant 0 : i32
    %dma_wait3A_68 = tpu.memref_slice %arg14[%dma_wait3A_67] : memref<512xi32, #tpu.memory_space<vmem>> -> memref<128xi32, #tpu.memory_space<vmem>>
    %dma_wait3A_69 = arith.constant 0 : i32
    %dma_wait3A_70 = arith.constant 0 : i32
    %dma_wait3A_71 = tpu.memref_slice %arg5[%dma_wait3A_69, %dma_wait3A_70] : memref<1000x64xf32, #tpu.memory_space<hbm>> -> memref<1000x64xf32, #tpu.memory_space<hbm>>
    tpu.wait_indirect_dma semaphore(%arg25 : memref<!tpu.dma_semaphore, #tpu.memory_space<semaphore_mem>>) src(%dma_wait3A_71 : memref<1000x64xf32, #tpu.memory_space<hbm>>) dst(%arg18 : memref<128x64xf32, #tpu.memory_space<vmem>>)
    %dma_start3A_72 = arith.constant 128 : i32
    %dma_start3A_73 = tpu.memref_slice %arg11[%dma_start3A_72] : memref<512xi32, #tpu.memory_space<vmem>> -> memref<128xi32, #tpu.memory_space<vmem>>
    %dma_start3A_74 = arith.constant 0 : i32
    %dma_start3A_75 = arith.constant 0 : i32
    %dma_start3A_76 = tpu.memref_slice %arg2[%dma_start3A_74, %dma_start3A_75] : memref<1000x64xf32, #tpu.memory_space<hbm>> -> memref<1000x64xf32, #tpu.memory_space<hbm>>
    tpu.enqueue_indirect_dma source(%dma_start3A_76 : memref<1000x64xf32, #tpu.memory_space<hbm>>) target(%arg19 : memref<128x64xf32, #tpu.memory_space<vmem>>) offsets(%dma_start3A_73 : memref<128xi32, #tpu.memory_space<vmem>>) semaphore(%arg25 : memref<!tpu.dma_semaphore, #tpu.memory_space<semaphore_mem>>)
    %dma_start3A_77 = arith.constant 128 : i32
    %dma_start3A_78 = tpu.memref_slice %arg12[%dma_start3A_77] : memref<512xi32, #tpu.memory_space<vmem>> -> memref<128xi32, #tpu.memory_space<vmem>>
    %dma_start3A_79 = arith.constant 0 : i32
    %dma_start3A_80 = arith.constant 0 : i32
    %dma_start3A_81 = tpu.memref_slice %arg3[%dma_start3A_79, %dma_start3A_80] : memref<100000x64xf32, #tpu.memory_space<hbm>> -> memref<100000x64xf32, #tpu.memory_space<hbm>>
    tpu.enqueue_indirect_dma source(%dma_start3A_81 : memref<100000x64xf32, #tpu.memory_space<hbm>>) target(%arg20 : memref<128x64xf32, #tpu.memory_space<vmem>>) offsets(%dma_start3A_78 : memref<128xi32, #tpu.memory_space<vmem>>) semaphore(%arg25 : memref<!tpu.dma_semaphore, #tpu.memory_space<semaphore_mem>>)
    %dma_start3A_82 = arith.constant 128 : i32
    %dma_start3A_83 = tpu.memref_slice %arg13[%dma_start3A_82] : memref<512xi32, #tpu.memory_space<vmem>> -> memref<128xi32, #tpu.memory_space<vmem>>
    %dma_start3A_84 = arith.constant 0 : i32
    %dma_start3A_85 = arith.constant 0 : i32
    %dma_start3A_86 = tpu.memref_slice %arg4[%dma_start3A_84, %dma_start3A_85] : memref<1000x64xf32, #tpu.memory_space<hbm>> -> memref<1000x64xf32, #tpu.memory_space<hbm>>
    tpu.enqueue_indirect_dma source(%dma_start3A_86 : memref<1000x64xf32, #tpu.memory_space<hbm>>) target(%arg21 : memref<128x64xf32, #tpu.memory_space<vmem>>) offsets(%dma_start3A_83 : memref<128xi32, #tpu.memory_space<vmem>>) semaphore(%arg25 : memref<!tpu.dma_semaphore, #tpu.memory_space<semaphore_mem>>)
    %dma_start3A_87 = arith.constant 128 : i32
    %dma_start3A_88 = tpu.memref_slice %arg14[%dma_start3A_87] : memref<512xi32, #tpu.memory_space<vmem>> -> memref<128xi32, #tpu.memory_space<vmem>>
    %dma_start3A_89 = arith.constant 0 : i32
    %dma_start3A_90 = arith.constant 0 : i32
    %dma_start3A_91 = tpu.memref_slice %arg5[%dma_start3A_89, %dma_start3A_90] : memref<1000x64xf32, #tpu.memory_space<hbm>> -> memref<1000x64xf32, #tpu.memory_space<hbm>>
    tpu.enqueue_indirect_dma source(%dma_start3A_91 : memref<1000x64xf32, #tpu.memory_space<hbm>>) target(%arg22 : memref<128x64xf32, #tpu.memory_space<vmem>>) offsets(%dma_start3A_88 : memref<128xi32, #tpu.memory_space<vmem>>) semaphore(%arg25 : memref<!tpu.dma_semaphore, #tpu.memory_space<semaphore_mem>>)
    %scan3A = arith.constant 0 : i32
    %scan3A_92 = arith.constant 0 : i32
    %scan3A_93 = arith.constant 64 : i32
    %scan3A_94 = arith.addi %scan3A_92, %scan3A_93 : i32
    %scan3A_95 = arith.constant 1 : i32
    %scan3A_96 = scf.for %scan3A_1195 = %scan3A_92 to %scan3A_94 step %scan3A_95 iter_args(%scan3A_1196 = %scan3A) -> (i32)  : i32 {
      %mul3A_1197 = arith.constant 2 : i32
      %mul3A_1198 = arith.muli %scan3A_1195, %mul3A_1197 : i32
      %add3A_1199 = arith.constant 0 : i32
      %add3A_1200 = arith.addi %mul3A_1198, %add3A_1199 : i32
      %broadcast_in_dim3A = vector.broadcast %add3A_1200 : i32 to vector<16xi32>
      %get3A = arith.index_cast %add3A_1200 : i32 to index
      %get3A_1201 = arith.constant 0 : index
      %get3A_1202 = tpu.vector_load %arg15[%get3A, %get3A_1201] {strides = array<i32>} : memref<128x64xf32, #tpu.memory_space<vmem>>, vector<16xf32>,
      %get3A_1203 = arith.index_cast %add3A_1200 : i32 to index
      %get3A_1204 = arith.constant 0 : index
      %get3A_1205 = tpu.vector_load %arg16[%get3A_1203, %get3A_1204] {strides = array<i32>} : memref<128x64xf32, #tpu.memory_space<vmem>>, vector<16xf32>,
      %add3A_1206 = arith.addf %get3A_1202, %get3A_1205 : vector<16xf32>
      %get3A_1207 = arith.index_cast %add3A_1200 : i32 to index
      %get3A_1208 = arith.constant 0 : index
      %get3A_1209 = tpu.vector_load %arg17[%get3A_1207, %get3A_1208] {strides = array<i32>} : memref<128x64xf32, #tpu.memory_space<vmem>>, vector<16xf32>,
      %get3A_1210 = arith.index_cast %add3A_1200 : i32 to index
      %get3A_1211 = arith.constant 0 : index
      %get3A_1212 = tpu.vector_load %arg18[%get3A_1210, %get3A_1211] {strides = array<i32>} : memref<128x64xf32, #tpu.memory_space<vmem>>, vector<16xf32>,
      %add3A_1213 = arith.addf %get3A_1209, %get3A_1212 : vector<16xf32>
      %add3A_1214 = arith.addf %add3A_1206, %add3A_1213 : vector<16xf32>
      tpu.vector_store_idx %arg23[%add3A_39, %broadcast_in_dim3A], %add3A_1214 : memref<64x133xf32, #tpu.memory_space<vmem>>[vector<16xi32>, vector<16xi32>], vector<16xf32>,
      %get3A_1215 = arith.index_cast %add3A_1200 : i32 to index
      %get3A_1216 = arith.constant 16 : index
      %get3A_1217 = tpu.vector_load %arg15[%get3A_1215, %get3A_1216] {strides = array<i32>} : memref<128x64xf32, #tpu.memory_space<vmem>>, vector<16xf32>,
      %get3A_1218 = arith.index_cast %add3A_1200 : i32 to index
      %get3A_1219 = arith.constant 16 : index
      %get3A_1220 = tpu.vector_load %arg16[%get3A_1218, %get3A_1219] {strides = array<i32>} : memref<128x64xf32, #tpu.memory_space<vmem>>, vector<16xf32>,
      %add3A_1221 = arith.addf %get3A_1217, %get3A_1220 : vector<16xf32>
      %get3A_1222 = arith.index_cast %add3A_1200 : i32 to index
      %get3A_1223 = arith.constant 16 : index
      %get3A_1224 = tpu.vector_load %arg17[%get3A_1222, %get3A_1223] {strides = array<i32>} : memref<128x64xf32, #tpu.memory_space<vmem>>, vector<16xf32>,
      %get3A_1225 = arith.index_cast %add3A_1200 : i32 to index
      %get3A_1226 = arith.constant 16 : index
      %get3A_1227 = tpu.vector_load %arg18[%get3A_1225, %get3A_1226] {strides = array<i32>} : memref<128x64xf32, #tpu.memory_space<vmem>>, vector<16xf32>,
      %add3A_1228 = arith.addf %get3A_1224, %get3A_1227 : vector<16xf32>
      %add3A_1229 = arith.addf %add3A_1221, %add3A_1228 : vector<16xf32>
      tpu.vector_store_idx %arg23[%add3A_43, %broadcast_in_dim3A], %add3A_1229 : memref<64x133xf32, #tpu.memory_space<vmem>>[vector<16xi32>, vector<16xi32>], vector<16xf32>,
      %get3A_1230 = arith.index_cast %add3A_1200 : i32 to index
      %get3A_1231 = arith.constant 32 : index
      %get3A_1232 = tpu.vector_load %arg15[%get3A_1230, %get3A_1231] {strides = array<i32>} : memref<128x64xf32, #tpu.memory_space<vmem>>, vector<16xf32>,
      %get3A_1233 = arith.index_cast %add3A_1200 : i32 to index
      %get3A_1234 = arith.constant 32 : index
      %get3A_1235 = tpu.vector_load %arg16[%get3A_1233, %get3A_1234] {strides = array<i32>} : memref<128x64xf32, #tpu.memory_space<vmem>>, vector<16xf32>,
      %add3A_1236 = arith.addf %get3A_1232, %get3A_1235 : vector<16xf32>
      %get3A_1237 = arith.index_cast %add3A_1200 : i32 to index
      %get3A_1238 = arith.constant 32 : index
      %get3A_1239 = tpu.vector_load %arg17[%get3A_1237, %get3A_1238] {strides = array<i32>} : memref<128x64xf32, #tpu.memory_space<vmem>>, vector<16xf32>,
      %get3A_1240 = arith.index_cast %add3A_1200 : i32 to index
      %get3A_1241 = arith.constant 32 : index
      %get3A_1242 = tpu.vector_load %arg18[%get3A_1240, %get3A_1241] {strides = array<i32>} : memref<128x64xf32, #tpu.memory_space<vmem>>, vector<16xf32>,
      %add3A_1243 = arith.addf %get3A_1239, %get3A_1242 : vector<16xf32>
      %add3A_1244 = arith.addf %add3A_1236, %add3A_1243 : vector<16xf32>
      tpu.vector_store_idx %arg23[%add3A_47, %broadcast_in_dim3A], %add3A_1244 : memref<64x133xf32, #tpu.memory_space<vmem>>[vector<16xi32>, vector<16xi32>], vector<16xf32>,
      %get3A_1245 = arith.index_cast %add3A_1200 : i32 to index
      %get3A_1246 = arith.constant 48 : index
      %get3A_1247 = tpu.vector_load %arg15[%get3A_1245, %get3A_1246] {strides = array<i32>} : memref<128x64xf32, #tpu.memory_space<vmem>>, vector<16xf32>,
      %get3A_1248 = arith.index_cast %add3A_1200 : i32 to index
      %get3A_1249 = arith.constant 48 : index
      %get3A_1250 = tpu.vector_load %arg16[%get3A_1248, %get3A_1249] {strides = array<i32>} : memref<128x64xf32, #tpu.memory_space<vmem>>, vector<16xf32>,
      %add3A_1251 = arith.addf %get3A_1247, %get3A_1250 : vector<16xf32>
      %get3A_1252 = arith.index_cast %add3A_1200 : i32 to index
      %get3A_1253 = arith.constant 48 : index
      %get3A_1254 = tpu.vector_load %arg17[%get3A_1252, %get3A_1253] {strides = array<i32>} : memref<128x64xf32, #tpu.memory_space<vmem>>, vector<16xf32>,
      %get3A_1255 = arith.index_cast %add3A_1200 : i32 to index
      %get3A_1256 = arith.constant 48 : index
      %get3A_1257 = tpu.vector_load %arg18[%get3A_1255, %get3A_1256] {strides = array<i32>} : memref<128x64xf32, #tpu.memory_space<vmem>>, vector<16xf32>,
      %add3A_1258 = arith.addf %get3A_1254, %get3A_1257 : vector<16xf32>
      %add3A_1259 = arith.addf %add3A_1251, %add3A_1258 : vector<16xf32>
      tpu.vector_store_idx %arg23[%add3A_51, %broadcast_in_dim3A], %add3A_1259 : memref<64x133xf32, #tpu.memory_space<vmem>>[vector<16xi32>, vector<16xi32>], vector<16xf32>,
      %mul3A_1260 = arith.constant 2 : i32
      %mul3A_1261 = arith.muli %scan3A_1195, %mul3A_1260 : i32
      %add3A_1262 = arith.constant 1 : i32
      %add3A_1263 = arith.addi %mul3A_1261, %add3A_1262 : i32
      %broadcast_in_dim3A_1264 = vector.broadcast %add3A_1263 : i32 to vector<16xi32>
      %get3A_1265 = arith.index_cast %add3A_1263 : i32 to index
      %get3A_1266 = arith.constant 0 : index
      %get3A_1267 = tpu.vector_load %arg15[%get3A_1265, %get3A_1266] {strides = array<i32>} : memref<128x64xf32, #tpu.memory_space<vmem>>, vector<16xf32>,
      %get3A_1268 = arith.index_cast %add3A_1263 : i32 to index
      %get3A_1269 = arith.constant 0 : index
      %get3A_1270 = tpu.vector_load %arg16[%get3A_1268, %get3A_1269] {strides = array<i32>} : memref<128x64xf32, #tpu.memory_space<vmem>>, vector<16xf32>,
      %add3A_1271 = arith.addf %get3A_1267, %get3A_1270 : vector<16xf32>
      %get3A_1272 = arith.index_cast %add3A_1263 : i32 to index
      %get3A_1273 = arith.constant 0 : index
      %get3A_1274 = tpu.vector_load %arg17[%get3A_1272, %get3A_1273] {strides = array<i32>} : memref<128x64xf32, #tpu.memory_space<vmem>>, vector<16xf32>,
      %get3A_1275 = arith.index_cast %add3A_1263 : i32 to index
      %get3A_1276 = arith.constant 0 : index
      %get3A_1277 = tpu.vector_load %arg18[%get3A_1275, %get3A_1276] {strides = array<i32>} : memref<128x64xf32, #tpu.memory_space<vmem>>, vector<16xf32>,
      %add3A_1278 = arith.addf %get3A_1274, %get3A_1277 : vector<16xf32>
      %add3A_1279 = arith.addf %add3A_1271, %add3A_1278 : vector<16xf32>
      tpu.vector_store_idx %arg23[%add3A_39, %broadcast_in_dim3A_1264], %add3A_1279 : memref<64x133xf32, #tpu.memory_space<vmem>>[vector<16xi32>, vector<16xi32>], vector<16xf32>,
      %get3A_1280 = arith.index_cast %add3A_1263 : i32 to index
      %get3A_1281 = arith.constant 16 : index
      %get3A_1282 = tpu.vector_load %arg15[%get3A_1280, %get3A_1281] {strides = array<i32>} : memref<128x64xf32, #tpu.memory_space<vmem>>, vector<16xf32>,
      %get3A_1283 = arith.index_cast %add3A_1263 : i32 to index
      %get3A_1284 = arith.constant 16 : index
      %get3A_1285 = tpu.vector_load %arg16[%get3A_1283, %get3A_1284] {strides = array<i32>} : memref<128x64xf32, #tpu.memory_space<vmem>>, vector<16xf32>,
      %add3A_1286 = arith.addf %get3A_1282, %get3A_1285 : vector<16xf32>
      %get3A_1287 = arith.index_cast %add3A_1263 : i32 to index
      %get3A_1288 = arith.constant 16 : index
      %get3A_1289 = tpu.vector_load %arg17[%get3A_1287, %get3A_1288] {strides = array<i32>} : memref<128x64xf32, #tpu.memory_space<vmem>>, vector<16xf32>,
      %get3A_1290 = arith.index_cast %add3A_1263 : i32 to index
      %get3A_1291 = arith.constant 16 : index
      %get3A_1292 = tpu.vector_load %arg18[%get3A_1290, %get3A_1291] {strides = array<i32>} : memref<128x64xf32, #tpu.memory_space<vmem>>, vector<16xf32>,
      %add3A_1293 = arith.addf %get3A_1289, %get3A_1292 : vector<16xf32>
      %add3A_1294 = arith.addf %add3A_1286, %add3A_1293 : vector<16xf32>
      tpu.vector_store_idx %arg23[%add3A_43, %broadcast_in_dim3A_1264], %add3A_1294 : memref<64x133xf32, #tpu.memory_space<vmem>>[vector<16xi32>, vector<16xi32>], vector<16xf32>,
      %get3A_1295 = arith.index_cast %add3A_1263 : i32 to index
      %get3A_1296 = arith.constant 32 : index
      %get3A_1297 = tpu.vector_load %arg15[%get3A_1295, %get3A_1296] {strides = array<i32>} : memref<128x64xf32, #tpu.memory_space<vmem>>, vector<16xf32>,
      %get3A_1298 = arith.index_cast %add3A_1263 : i32 to index
      %get3A_1299 = arith.constant 32 : index
      %get3A_1300 = tpu.vector_load %arg16[%get3A_1298, %get3A_1299] {strides = array<i32>} : memref<128x64xf32, #tpu.memory_space<vmem>>, vector<16xf32>,
      %add3A_1301 = arith.addf %get3A_1297, %get3A_1300 : vector<16xf32>
      %get3A_1302 = arith.index_cast %add3A_1263 : i32 to index
      %get3A_1303 = arith.constant 32 : index
      %get3A_1304 = tpu.vector_load %arg17[%get3A_1302, %get3A_1303] {strides = array<i32>} : memref<128x64xf32, #tpu.memory_space<vmem>>, vector<16xf32>,
      %get3A_1305 = arith.index_cast %add3A_1263 : i32 to index
      %get3A_1306 = arith.constant 32 : index
      %get3A_1307 = tpu.vector_load %arg18[%get3A_1305, %get3A_1306] {strides = array<i32>} : memref<128x64xf32, #tpu.memory_space<vmem>>, vector<16xf32>,
      %add3A_1308 = arith.addf %get3A_1304, %get3A_1307 : vector<16xf32>
      %add3A_1309 = arith.addf %add3A_1301, %add3A_1308 : vector<16xf32>
      tpu.vector_store_idx %arg23[%add3A_47, %broadcast_in_dim3A_1264], %add3A_1309 : memref<64x133xf32, #tpu.memory_space<vmem>>[vector<16xi32>, vector<16xi32>], vector<16xf32>,
      %get3A_1310 = arith.index_cast %add3A_1263 : i32 to index
      %get3A_1311 = arith.constant 48 : index
      %get3A_1312 = tpu.vector_load %arg15[%get3A_1310, %get3A_1311] {strides = array<i32>} : memref<128x64xf32, #tpu.memory_space<vmem>>, vector<16xf32>,
      %get3A_1313 = arith.index_cast %add3A_1263 : i32 to index
      %get3A_1314 = arith.constant 48 : index
      %get3A_1315 = tpu.vector_load %arg16[%get3A_1313, %get3A_1314] {strides = array<i32>} : memref<128x64xf32, #tpu.memory_space<vmem>>, vector<16xf32>,
      %add3A_1316 = arith.addf %get3A_1312, %get3A_1315 : vector<16xf32>
      %get3A_1317 = arith.index_cast %add3A_1263 : i32 to index
      %get3A_1318 = arith.constant 48 : index
      %get3A_1319 = tpu.vector_load %arg17[%get3A_1317, %get3A_1318] {strides = array<i32>} : memref<128x64xf32, #tpu.memory_space<vmem>>, vector<16xf32>,
      %get3A_1320 = arith.index_cast %add3A_1263 : i32 to index
      %get3A_1321 = arith.constant 48 : index
      %get3A_1322 = tpu.vector_load %arg18[%get3A_1320, %get3A_1321] {strides = array<i32>} : memref<128x64xf32, #tpu.memory_space<vmem>>, vector<16xf32>,
      %add3A_1323 = arith.addf %get3A_1319, %get3A_1322 : vector<16xf32>
      %add3A_1324 = arith.addf %add3A_1316, %add3A_1323 : vector<16xf32>
      tpu.vector_store_idx %arg23[%add3A_51, %broadcast_in_dim3A_1264], %add3A_1324 : memref<64x133xf32, #tpu.memory_space<vmem>>[vector<16xi32>, vector<16xi32>], vector<16xf32>,
      %scan3A_1325 = arith.constant 0 : i32
      scf.yield %scan3A_1325 : i32
    }
    %scan3A_97 = arith.constant 64 : i32
    %mul3A_98 = arith.constant 4 : i32
    %mul3A_99 = arith.muli %add3A, %mul3A_98 : i32
    %add3A_100 = arith.constant 0 : i32
    %add3A_101 = arith.addi %mul3A_99, %add3A_100 : i32
    %dma_start3A_102 = arith.constant 0 : i32
    %dma_start3A_103 = arith.constant 0 : i32
    %dma_start3A_104 = arith.constant 0 : i32
    %dma_start3A_105 = tpu.memref_slice %arg23[%dma_start3A_103, %dma_start3A_104] : memref<64x133xf32, #tpu.memory_space<vmem>> -> memref<8x128xf32, #tpu.memory_space<vmem>>
    %dma_start3A_106 = arith.constant 0 : i32
    %dma_start3A_107 = arith.constant 0 : i32
    %dma_start3A_108 = tpu.memref_slice %arg10[%dma_start3A_102, %add3A_101, %dma_start3A_106, %dma_start3A_107] : memref<8x128x8x128xf32, #tpu.memory_space<hbm>> -> memref<1x1x8x128xf32, #tpu.memory_space<hbm>>
    %dma_start3A_109 = tpu.memref_squeeze %dma_start3A_108 : memref<1x1x8x128xf32, #tpu.memory_space<hbm>> -> memref<8x128xf32, #tpu.memory_space<hbm>>
    %dma_start3A_110 = arith.constant 0 : i32
    %dma_start3A_111 = arith.constant 0 : i32
    %dma_start3A_112 = tpu.memref_slice %arg10[%dma_start3A_102, %add3A_101, %dma_start3A_110, %dma_start3A_111] : memref<8x128x8x128xf32, #tpu.memory_space<hbm>> -> memref<1x1x8x128xf32, #tpu.memory_space<hbm>>
    %dma_start3A_113 = tpu.memref_squeeze %dma_start3A_112 : memref<1x1x8x128xf32, #tpu.memory_space<hbm>> -> memref<8x128xf32, #tpu.memory_space<hbm>>
    %dma_start3A_114 = arith.constant 0 : i32
    %dma_start3A_115 = arith.constant 0 : i32
    %dma_start3A_116 = tpu.memref_slice %arg23[%dma_start3A_114, %dma_start3A_115] : memref<64x133xf32, #tpu.memory_space<vmem>> -> memref<8x128xf32, #tpu.memory_space<vmem>>
    tpu.enqueue_dma source(%dma_start3A_116 : memref<8x128xf32, #tpu.memory_space<vmem>>) target(%dma_start3A_113 : memref<8x128xf32, #tpu.memory_space<hbm>>) target_semaphore(%arg26 : memref<!tpu.dma_semaphore, #tpu.memory_space<semaphore_mem>>)
    %dma_start3A_117 = arith.constant 1 : i32
    %dma_start3A_118 = arith.constant 8 : i32
    %dma_start3A_119 = arith.constant 0 : i32
    %dma_start3A_120 = tpu.memref_slice %arg23[%dma_start3A_118, %dma_start3A_119] : memref<64x133xf32, #tpu.memory_space<vmem>> -> memref<8x128xf32, #tpu.memory_space<vmem>>
    %dma_start3A_121 = arith.constant 0 : i32
    %dma_start3A_122 = arith.constant 0 : i32
    %dma_start3A_123 = tpu.memref_slice %arg10[%dma_start3A_117, %add3A_101, %dma_start3A_121, %dma_start3A_122] : memref<8x128x8x128xf32, #tpu.memory_space<hbm>> -> memref<1x1x8x128xf32, #tpu.memory_space<hbm>>
    %dma_start3A_124 = tpu.memref_squeeze %dma_start3A_123 : memref<1x1x8x128xf32, #tpu.memory_space<hbm>> -> memref<8x128xf32, #tpu.memory_space<hbm>>
    %dma_start3A_125 = arith.constant 0 : i32
    %dma_start3A_126 = arith.constant 0 : i32
    %dma_start3A_127 = tpu.memref_slice %arg10[%dma_start3A_117, %add3A_101, %dma_start3A_125, %dma_start3A_126] : memref<8x128x8x128xf32, #tpu.memory_space<hbm>> -> memref<1x1x8x128xf32, #tpu.memory_space<hbm>>
    %dma_start3A_128 = tpu.memref_squeeze %dma_start3A_127 : memref<1x1x8x128xf32, #tpu.memory_space<hbm>> -> memref<8x128xf32, #tpu.memory_space<hbm>>
    %dma_start3A_129 = arith.constant 8 : i32
    %dma_start3A_130 = arith.constant 0 : i32
    %dma_start3A_131 = tpu.memref_slice %arg23[%dma_start3A_129, %dma_start3A_130] : memref<64x133xf32, #tpu.memory_space<vmem>> -> memref<8x128xf32, #tpu.memory_space<vmem>>
    tpu.enqueue_dma source(%dma_start3A_131 : memref<8x128xf32, #tpu.memory_space<vmem>>) target(%dma_start3A_128 : memref<8x128xf32, #tpu.memory_space<hbm>>) target_semaphore(%arg26 : memref<!tpu.dma_semaphore, #tpu.memory_space<semaphore_mem>>)
    %dma_start3A_132 = arith.constant 2 : i32
    %dma_start3A_133 = arith.constant 16 : i32
    %dma_start3A_134 = arith.constant 0 : i32
    %dma_start3A_135 = tpu.memref_slice %arg23[%dma_start3A_133, %dma_start3A_134] : memref<64x133xf32, #tpu.memory_space<vmem>> -> memref<8x128xf32, #tpu.memory_space<vmem>>
    %dma_start3A_136 = arith.constant 0 : i32
    %dma_start3A_137 = arith.constant 0 : i32
    %dma_start3A_138 = tpu.memref_slice %arg10[%dma_start3A_132, %add3A_101, %dma_start3A_136, %dma_start3A_137] : memref<8x128x8x128xf32, #tpu.memory_space<hbm>> -> memref<1x1x8x128xf32, #tpu.memory_space<hbm>>
    %dma_start3A_139 = tpu.memref_squeeze %dma_start3A_138 : memref<1x1x8x128xf32, #tpu.memory_space<hbm>> -> memref<8x128xf32, #tpu.memory_space<hbm>>
    %dma_start3A_140 = arith.constant 0 : i32
    %dma_start3A_141 = arith.constant 0 : i32
    %dma_start3A_142 = tpu.memref_slice %arg10[%dma_start3A_132, %add3A_101, %dma_start3A_140, %dma_start3A_141] : memref<8x128x8x128xf32, #tpu.memory_space<hbm>> -> memref<1x1x8x128xf32, #tpu.memory_space<hbm>>
    %dma_start3A_143 = tpu.memref_squeeze %dma_start3A_142 : memref<1x1x8x128xf32, #tpu.memory_space<hbm>> -> memref<8x128xf32, #tpu.memory_space<hbm>>
    %dma_start3A_144 = arith.constant 16 : i32
    %dma_start3A_145 = arith.constant 0 : i32
    %dma_start3A_146 = tpu.memref_slice %arg23[%dma_start3A_144, %dma_start3A_145] : memref<64x133xf32, #tpu.memory_space<vmem>> -> memref<8x128xf32, #tpu.memory_space<vmem>>
    tpu.enqueue_dma source(%dma_start3A_146 : memref<8x128xf32, #tpu.memory_space<vmem>>) target(%dma_start3A_143 : memref<8x128xf32, #tpu.memory_space<hbm>>) target_semaphore(%arg26 : memref<!tpu.dma_semaphore, #tpu.memory_space<semaphore_mem>>)
    %dma_start3A_147 = arith.constant 3 : i32
    %dma_start3A_148 = arith.constant 24 : i32
    %dma_start3A_149 = arith.constant 0 : i32
    %dma_start3A_150 = tpu.memref_slice %arg23[%dma_start3A_148, %dma_start3A_149] : memref<64x133xf32, #tpu.memory_space<vmem>> -> memref<8x128xf32, #tpu.memory_space<vmem>>
    %dma_start3A_151 = arith.constant 0 : i32
    %dma_start3A_152 = arith.constant 0 : i32
    %dma_start3A_153 = tpu.memref_slice %arg10[%dma_start3A_147, %add3A_101, %dma_start3A_151, %dma_start3A_152] : memref<8x128x8x128xf32, #tpu.memory_space<hbm>> -> memref<1x1x8x128xf32, #tpu.memory_space<hbm>>
    %dma_start3A_154 = tpu.memref_squeeze %dma_start3A_153 : memref<1x1x8x128xf32, #tpu.memory_space<hbm>> -> memref<8x128xf32, #tpu.memory_space<hbm>>
    %dma_start3A_155 = arith.constant 0 : i32
    %dma_start3A_156 = arith.constant 0 : i32
    %dma_start3A_157 = tpu.memref_slice %arg10[%dma_start3A_147, %add3A_101, %dma_start3A_155, %dma_start3A_156] : memref<8x128x8x128xf32, #tpu.memory_space<hbm>> -> memref<1x1x8x128xf32, #tpu.memory_space<hbm>>
    %dma_start3A_158 = tpu.memref_squeeze %dma_start3A_157 : memref<1x1x8x128xf32, #tpu.memory_space<hbm>> -> memref<8x128xf32, #tpu.memory_space<hbm>>
    %dma_start3A_159 = arith.constant 24 : i32
    %dma_start3A_160 = arith.constant 0 : i32
    %dma_start3A_161 = tpu.memref_slice %arg23[%dma_start3A_159, %dma_start3A_160] : memref<64x133xf32, #tpu.memory_space<vmem>> -> memref<8x128xf32, #tpu.memory_space<vmem>>
    tpu.enqueue_dma source(%dma_start3A_161 : memref<8x128xf32, #tpu.memory_space<vmem>>) target(%dma_start3A_158 : memref<8x128xf32, #tpu.memory_space<hbm>>) target_semaphore(%arg26 : memref<!tpu.dma_semaphore, #tpu.memory_space<semaphore_mem>>)
    %dma_start3A_162 = arith.constant 4 : i32
    %dma_start3A_163 = arith.constant 32 : i32
    %dma_start3A_164 = arith.constant 0 : i32
    %dma_start3A_165 = tpu.memref_slice %arg23[%dma_start3A_163, %dma_start3A_164] : memref<64x133xf32, #tpu.memory_space<vmem>> -> memref<8x128xf32, #tpu.memory_space<vmem>>
    %dma_start3A_166 = arith.constant 0 : i32
    %dma_start3A_167 = arith.constant 0 : i32
    %dma_start3A_168 = tpu.memref_slice %arg10[%dma_start3A_162, %add3A_101, %dma_start3A_166, %dma_start3A_167] : memref<8x128x8x128xf32, #tpu.memory_space<hbm>> -> memref<1x1x8x128xf32, #tpu.memory_space<hbm>>
    %dma_start3A_169 = tpu.memref_squeeze %dma_start3A_168 : memref<1x1x8x128xf32, #tpu.memory_space<hbm>> -> memref<8x128xf32, #tpu.memory_space<hbm>>
    %dma_start3A_170 = arith.constant 0 : i32
    %dma_start3A_171 = arith.constant 0 : i32
    %dma_start3A_172 = tpu.memref_slice %arg10[%dma_start3A_162, %add3A_101, %dma_start3A_170, %dma_start3A_171] : memref<8x128x8x128xf32, #tpu.memory_space<hbm>> -> memref<1x1x8x128xf32, #tpu.memory_space<hbm>>
    %dma_start3A_173 = tpu.memref_squeeze %dma_start3A_172 : memref<1x1x8x128xf32, #tpu.memory_space<hbm>> -> memref<8x128xf32, #tpu.memory_space<hbm>>
    %dma_start3A_174 = arith.constant 32 : i32
    %dma_start3A_175 = arith.constant 0 : i32
    %dma_start3A_176 = tpu.memref_slice %arg23[%dma_start3A_174, %dma_start3A_175] : memref<64x133xf32, #tpu.memory_space<vmem>> -> memref<8x128xf32, #tpu.memory_space<vmem>>
    tpu.enqueue_dma source(%dma_start3A_176 : memref<8x128xf32, #tpu.memory_space<vmem>>) target(%dma_start3A_173 : memref<8x128xf32, #tpu.memory_space<hbm>>) target_semaphore(%arg26 : memref<!tpu.dma_semaphore, #tpu.memory_space<semaphore_mem>>)
    %dma_start3A_177 = arith.constant 5 : i32
    %dma_start3A_178 = arith.constant 40 : i32
    %dma_start3A_179 = arith.constant 0 : i32
    %dma_start3A_180 = tpu.memref_slice %arg23[%dma_start3A_178, %dma_start3A_179] : memref<64x133xf32, #tpu.memory_space<vmem>> -> memref<8x128xf32, #tpu.memory_space<vmem>>
    %dma_start3A_181 = arith.constant 0 : i32
    %dma_start3A_182 = arith.constant 0 : i32
    %dma_start3A_183 = tpu.memref_slice %arg10[%dma_start3A_177, %add3A_101, %dma_start3A_181, %dma_start3A_182] : memref<8x128x8x128xf32, #tpu.memory_space<hbm>> -> memref<1x1x8x128xf32, #tpu.memory_space<hbm>>
    %dma_start3A_184 = tpu.memref_squeeze %dma_start3A_183 : memref<1x1x8x128xf32, #tpu.memory_space<hbm>> -> memref<8x128xf32, #tpu.memory_space<hbm>>
    %dma_start3A_185 = arith.constant 0 : i32
    %dma_start3A_186 = arith.constant 0 : i32
    %dma_start3A_187 = tpu.memref_slice %arg10[%dma_start3A_177, %add3A_101, %dma_start3A_185, %dma_start3A_186] : memref<8x128x8x128xf32, #tpu.memory_space<hbm>> -> memref<1x1x8x128xf32, #tpu.memory_space<hbm>>
    %dma_start3A_188 = tpu.memref_squeeze %dma_start3A_187 : memref<1x1x8x128xf32, #tpu.memory_space<hbm>> -> memref<8x128xf32, #tpu.memory_space<hbm>>
    %dma_start3A_189 = arith.constant 40 : i32
    %dma_start3A_190 = arith.constant 0 : i32
    %dma_start3A_191 = tpu.memref_slice %arg23[%dma_start3A_189, %dma_start3A_190] : memref<64x133xf32, #tpu.memory_space<vmem>> -> memref<8x128xf32, #tpu.memory_space<vmem>>
    tpu.enqueue_dma source(%dma_start3A_191 : memref<8x128xf32, #tpu.memory_space<vmem>>) target(%dma_start3A_188 : memref<8x128xf32, #tpu.memory_space<hbm>>) target_semaphore(%arg26 : memref<!tpu.dma_semaphore, #tpu.memory_space<semaphore_mem>>)
    %dma_start3A_192 = arith.constant 6 : i32
    %dma_start3A_193 = arith.constant 48 : i32
    %dma_start3A_194 = arith.constant 0 : i32
    %dma_start3A_195 = tpu.memref_slice %arg23[%dma_start3A_193, %dma_start3A_194] : memref<64x133xf32, #tpu.memory_space<vmem>> -> memref<8x128xf32, #tpu.memory_space<vmem>>
    %dma_start3A_196 = arith.constant 0 : i32
    %dma_start3A_197 = arith.constant 0 : i32
    %dma_start3A_198 = tpu.memref_slice %arg10[%dma_start3A_192, %add3A_101, %dma_start3A_196, %dma_start3A_197] : memref<8x128x8x128xf32, #tpu.memory_space<hbm>> -> memref<1x1x8x128xf32, #tpu.memory_space<hbm>>
    %dma_start3A_199 = tpu.memref_squeeze %dma_start3A_198 : memref<1x1x8x128xf32, #tpu.memory_space<hbm>> -> memref<8x128xf32, #tpu.memory_space<hbm>>
    %dma_start3A_200 = arith.constant 0 : i32
    %dma_start3A_201 = arith.constant 0 : i32
    %dma_start3A_202 = tpu.memref_slice %arg10[%dma_start3A_192, %add3A_101, %dma_start3A_200, %dma_start3A_201] : memref<8x128x8x128xf32, #tpu.memory_space<hbm>> -> memref<1x1x8x128xf32, #tpu.memory_space<hbm>>
    %dma_start3A_203 = tpu.memref_squeeze %dma_start3A_202 : memref<1x1x8x128xf32, #tpu.memory_space<hbm>> -> memref<8x128xf32, #tpu.memory_space<hbm>>
    %dma_start3A_204 = arith.constant 48 : i32
    %dma_start3A_205 = arith.constant 0 : i32
    %dma_start3A_206 = tpu.memref_slice %arg23[%dma_start3A_204, %dma_start3A_205] : memref<64x133xf32, #tpu.memory_space<vmem>> -> memref<8x128xf32, #tpu.memory_space<vmem>>
    tpu.enqueue_dma source(%dma_start3A_206 : memref<8x128xf32, #tpu.memory_space<vmem>>) target(%dma_start3A_203 : memref<8x128xf32, #tpu.memory_space<hbm>>) target_semaphore(%arg26 : memref<!tpu.dma_semaphore, #tpu.memory_space<semaphore_mem>>)
    %dma_start3A_207 = arith.constant 7 : i32
    %dma_start3A_208 = arith.constant 56 : i32
    %dma_start3A_209 = arith.constant 0 : i32
    %dma_start3A_210 = tpu.memref_slice %arg23[%dma_start3A_208, %dma_start3A_209] : memref<64x133xf32, #tpu.memory_space<vmem>> -> memref<8x128xf32, #tpu.memory_space<vmem>>
    %dma_start3A_211 = arith.constant 0 : i32
    %dma_start3A_212 = arith.constant 0 : i32
    %dma_start3A_213 = tpu.memref_slice %arg10[%dma_start3A_207, %add3A_101, %dma_start3A_211, %dma_start3A_212] : memref<8x128x8x128xf32, #tpu.memory_space<hbm>> -> memref<1x1x8x128xf32, #tpu.memory_space<hbm>>
    %dma_start3A_214 = tpu.memref_squeeze %dma_start3A_213 : memref<1x1x8x128xf32, #tpu.memory_space<hbm>> -> memref<8x128xf32, #tpu.memory_space<hbm>>
    %dma_start3A_215 = arith.constant 0 : i32
    %dma_start3A_216 = arith.constant 0 : i32
    %dma_start3A_217 = tpu.memref_slice %arg10[%dma_start3A_207, %add3A_101, %dma_start3A_215, %dma_start3A_216] : memref<8x128x8x128xf32, #tpu.memory_space<hbm>> -> memref<1x1x8x128xf32, #tpu.memory_space<hbm>>
    %dma_start3A_218 = tpu.memref_squeeze %dma_start3A_217 : memref<1x1x8x128xf32, #tpu.memory_space<hbm>> -> memref<8x128xf32, #tpu.memory_space<hbm>>
    %dma_start3A_219 = arith.constant 56 : i32
    %dma_start3A_220 = arith.constant 0 : i32
    %dma_start3A_221 = tpu.memref_slice %arg23[%dma_start3A_219, %dma_start3A_220] : memref<64x133xf32, #tpu.memory_space<vmem>> -> memref<8x128xf32, #tpu.memory_space<vmem>>
    tpu.enqueue_dma source(%dma_start3A_221 : memref<8x128xf32, #tpu.memory_space<vmem>>) target(%dma_start3A_218 : memref<8x128xf32, #tpu.memory_space<hbm>>) target_semaphore(%arg26 : memref<!tpu.dma_semaphore, #tpu.memory_space<semaphore_mem>>)
    %dma_wait3A_222 = arith.constant 128 : i32
    %dma_wait3A_223 = tpu.memref_slice %arg11[%dma_wait3A_222] : memref<512xi32, #tpu.memory_space<vmem>> -> memref<128xi32, #tpu.memory_space<vmem>>
    %dma_wait3A_224 = arith.constant 0 : i32
    %dma_wait3A_225 = arith.constant 0 : i32
    %dma_wait3A_226 = tpu.memref_slice %arg2[%dma_wait3A_224, %dma_wait3A_225] : memref<1000x64xf32, #tpu.memory_space<hbm>> -> memref<1000x64xf32, #tpu.memory_space<hbm>>
    tpu.wait_indirect_dma semaphore(%arg25 : memref<!tpu.dma_semaphore, #tpu.memory_space<semaphore_mem>>) src(%dma_wait3A_226 : memref<1000x64xf32, #tpu.memory_space<hbm>>) dst(%arg19 : memref<128x64xf32, #tpu.memory_space<vmem>>)
    %dma_wait3A_227 = arith.constant 128 : i32
    %dma_wait3A_228 = tpu.memref_slice %arg12[%dma_wait3A_227] : memref<512xi32, #tpu.memory_space<vmem>> -> memref<128xi32, #tpu.memory_space<vmem>>
    %dma_wait3A_229 = arith.constant 0 : i32
    %dma_wait3A_230 = arith.constant 0 : i32
    %dma_wait3A_231 = tpu.memref_slice %arg3[%dma_wait3A_229, %dma_wait3A_230] : memref<100000x64xf32, #tpu.memory_space<hbm>> -> memref<100000x64xf32, #tpu.memory_space<hbm>>
    tpu.wait_indirect_dma semaphore(%arg25 : memref<!tpu.dma_semaphore, #tpu.memory_space<semaphore_mem>>) src(%dma_wait3A_231 : memref<100000x64xf32, #tpu.memory_space<hbm>>) dst(%arg20 : memref<128x64xf32, #tpu.memory_space<vmem>>)
    %dma_wait3A_232 = arith.constant 128 : i32
    %dma_wait3A_233 = tpu.memref_slice %arg13[%dma_wait3A_232] : memref<512xi32, #tpu.memory_space<vmem>> -> memref<128xi32, #tpu.memory_space<vmem>>
    %dma_wait3A_234 = arith.constant 0 : i32
    %dma_wait3A_235 = arith.constant 0 : i32
    %dma_wait3A_236 = tpu.memref_slice %arg4[%dma_wait3A_234, %dma_wait3A_235] : memref<1000x64xf32, #tpu.memory_space<hbm>> -> memref<1000x64xf32, #tpu.memory_space<hbm>>
    tpu.wait_indirect_dma semaphore(%arg25 : memref<!tpu.dma_semaphore, #tpu.memory_space<semaphore_mem>>) src(%dma_wait3A_236 : memref<1000x64xf32, #tpu.memory_space<hbm>>) dst(%arg21 : memref<128x64xf32, #tpu.memory_space<vmem>>)
    %dma_wait3A_237 = arith.constant 128 : i32
    %dma_wait3A_238 = tpu.memref_slice %arg14[%dma_wait3A_237] : memref<512xi32, #tpu.memory_space<vmem>> -> memref<128xi32, #tpu.memory_space<vmem>>
    %dma_wait3A_239 = arith.constant 0 : i32
    %dma_wait3A_240 = arith.constant 0 : i32
    %dma_wait3A_241 = tpu.memref_slice %arg5[%dma_wait3A_239, %dma_wait3A_240] : memref<1000x64xf32, #tpu.memory_space<hbm>> -> memref<1000x64xf32, #tpu.memory_space<hbm>>
    tpu.wait_indirect_dma semaphore(%arg25 : memref<!tpu.dma_semaphore, #tpu.memory_space<semaphore_mem>>) src(%dma_wait3A_241 : memref<1000x64xf32, #tpu.memory_space<hbm>>) dst(%arg22 : memref<128x64xf32, #tpu.memory_space<vmem>>)
    %dma_start3A_242 = arith.constant 256 : i32
    %dma_start3A_243 = tpu.memref_slice %arg11[%dma_start3A_242] : memref<512xi32, #tpu.memory_space<vmem>> -> memref<128xi32, #tpu.memory_space<vmem>>
    %dma_start3A_244 = arith.constant 0 : i32
    %dma_start3A_245 = arith.constant 0 : i32
    %dma_start3A_246 = tpu.memref_slice %arg2[%dma_start3A_244, %dma_start3A_245] : memref<1000x64xf32, #tpu.memory_space<hbm>> -> memref<1000x64xf32, #tpu.memory_space<hbm>>
    tpu.enqueue_indirect_dma source(%dma_start3A_246 : memref<1000x64xf32, #tpu.memory_space<hbm>>) target(%arg15 : memref<128x64xf32, #tpu.memory_space<vmem>>) offsets(%dma_start3A_243 : memref<128xi32, #tpu.memory_space<vmem>>) semaphore(%arg25 : memref<!tpu.dma_semaphore, #tpu.memory_space<semaphore_mem>>)
    %dma_start3A_247 = arith.constant 256 : i32
    %dma_start3A_248 = tpu.memref_slice %arg12[%dma_start3A_247] : memref<512xi32, #tpu.memory_space<vmem>> -> memref<128xi32, #tpu.memory_space<vmem>>
    %dma_start3A_249 = arith.constant 0 : i32
    %dma_start3A_250 = arith.constant 0 : i32
    %dma_start3A_251 = tpu.memref_slice %arg3[%dma_start3A_249, %dma_start3A_250] : memref<100000x64xf32, #tpu.memory_space<hbm>> -> memref<100000x64xf32, #tpu.memory_space<hbm>>
    tpu.enqueue_indirect_dma source(%dma_start3A_251 : memref<100000x64xf32, #tpu.memory_space<hbm>>) target(%arg16 : memref<128x64xf32, #tpu.memory_space<vmem>>) offsets(%dma_start3A_248 : memref<128xi32, #tpu.memory_space<vmem>>) semaphore(%arg25 : memref<!tpu.dma_semaphore, #tpu.memory_space<semaphore_mem>>)
    %dma_start3A_252 = arith.constant 256 : i32
    %dma_start3A_253 = tpu.memref_slice %arg13[%dma_start3A_252] : memref<512xi32, #tpu.memory_space<vmem>> -> memref<128xi32, #tpu.memory_space<vmem>>
    %dma_start3A_254 = arith.constant 0 : i32
    %dma_start3A_255 = arith.constant 0 : i32
    %dma_start3A_256 = tpu.memref_slice %arg4[%dma_start3A_254, %dma_start3A_255] : memref<1000x64xf32, #tpu.memory_space<hbm>> -> memref<1000x64xf32, #tpu.memory_space<hbm>>
    tpu.enqueue_indirect_dma source(%dma_start3A_256 : memref<1000x64xf32, #tpu.memory_space<hbm>>) target(%arg17 : memref<128x64xf32, #tpu.memory_space<vmem>>) offsets(%dma_start3A_253 : memref<128xi32, #tpu.memory_space<vmem>>) semaphore(%arg25 : memref<!tpu.dma_semaphore, #tpu.memory_space<semaphore_mem>>)
    %dma_start3A_257 = arith.constant 256 : i32
    %dma_start3A_258 = tpu.memref_slice %arg14[%dma_start3A_257] : memref<512xi32, #tpu.memory_space<vmem>> -> memref<128xi32, #tpu.memory_space<vmem>>
    %dma_start3A_259 = arith.constant 0 : i32
    %dma_start3A_260 = arith.constant 0 : i32
    %dma_start3A_261 = tpu.memref_slice %arg5[%dma_start3A_259, %dma_start3A_260] : memref<1000x64xf32, #tpu.memory_space<hbm>> -> memref<1000x64xf32, #tpu.memory_space<hbm>>
    tpu.enqueue_indirect_dma source(%dma_start3A_261 : memref<1000x64xf32, #tpu.memory_space<hbm>>) target(%arg18 : memref<128x64xf32, #tpu.memory_space<vmem>>) offsets(%dma_start3A_258 : memref<128xi32, #tpu.memory_space<vmem>>) semaphore(%arg25 : memref<!tpu.dma_semaphore, #tpu.memory_space<semaphore_mem>>)
    %scan3A_262 = arith.constant 0 : i32
    %scan3A_263 = arith.constant 0 : i32
    %scan3A_264 = arith.constant 64 : i32
    %scan3A_265 = arith.addi %scan3A_263, %scan3A_264 : i32
    %scan3A_266 = arith.constant 1 : i32
    %scan3A_267 = scf.for %scan3A_1195 = %scan3A_263 to %scan3A_265 step %scan3A_266 iter_args(%scan3A_1196 = %scan3A_262) -> (i32)  : i32 {
      %mul3A_1197 = arith.constant 2 : i32
      %mul3A_1198 = arith.muli %scan3A_1195, %mul3A_1197 : i32
      %add3A_1199 = arith.constant 0 : i32
      %add3A_1200 = arith.addi %mul3A_1198, %add3A_1199 : i32
      %broadcast_in_dim3A = vector.broadcast %add3A_1200 : i32 to vector<16xi32>
      %get3A = arith.index_cast %add3A_1200 : i32 to index
      %get3A_1201 = arith.constant 0 : index
      %get3A_1202 = tpu.vector_load %arg19[%get3A, %get3A_1201] {strides = array<i32>} : memref<128x64xf32, #tpu.memory_space<vmem>>, vector<16xf32>,
      %get3A_1203 = arith.index_cast %add3A_1200 : i32 to index
      %get3A_1204 = arith.constant 0 : index
      %get3A_1205 = tpu.vector_load %arg20[%get3A_1203, %get3A_1204] {strides = array<i32>} : memref<128x64xf32, #tpu.memory_space<vmem>>, vector<16xf32>,
      %add3A_1206 = arith.addf %get3A_1202, %get3A_1205 : vector<16xf32>
      %get3A_1207 = arith.index_cast %add3A_1200 : i32 to index
      %get3A_1208 = arith.constant 0 : index
      %get3A_1209 = tpu.vector_load %arg21[%get3A_1207, %get3A_1208] {strides = array<i32>} : memref<128x64xf32, #tpu.memory_space<vmem>>, vector<16xf32>,
      %get3A_1210 = arith.index_cast %add3A_1200 : i32 to index
      %get3A_1211 = arith.constant 0 : index
      %get3A_1212 = tpu.vector_load %arg22[%get3A_1210, %get3A_1211] {strides = array<i32>} : memref<128x64xf32, #tpu.memory_space<vmem>>, vector<16xf32>,
      %add3A_1213 = arith.addf %get3A_1209, %get3A_1212 : vector<16xf32>
      %add3A_1214 = arith.addf %add3A_1206, %add3A_1213 : vector<16xf32>
      tpu.vector_store_idx %arg24[%add3A_39, %broadcast_in_dim3A], %add3A_1214 : memref<64x133xf32, #tpu.memory_space<vmem>>[vector<16xi32>, vector<16xi32>], vector<16xf32>,
      %get3A_1215 = arith.index_cast %add3A_1200 : i32 to index
      %get3A_1216 = arith.constant 16 : index
      %get3A_1217 = tpu.vector_load %arg19[%get3A_1215, %get3A_1216] {strides = array<i32>} : memref<128x64xf32, #tpu.memory_space<vmem>>, vector<16xf32>,
      %get3A_1218 = arith.index_cast %add3A_1200 : i32 to index
      %get3A_1219 = arith.constant 16 : index
      %get3A_1220 = tpu.vector_load %arg20[%get3A_1218, %get3A_1219] {strides = array<i32>} : memref<128x64xf32, #tpu.memory_space<vmem>>, vector<16xf32>,
      %add3A_1221 = arith.addf %get3A_1217, %get3A_1220 : vector<16xf32>
      %get3A_1222 = arith.index_cast %add3A_1200 : i32 to index
      %get3A_1223 = arith.constant 16 : index
      %get3A_1224 = tpu.vector_load %arg21[%get3A_1222, %get3A_1223] {strides = array<i32>} : memref<128x64xf32, #tpu.memory_space<vmem>>, vector<16xf32>,
      %get3A_1225 = arith.index_cast %add3A_1200 : i32 to index
      %get3A_1226 = arith.constant 16 : index
      %get3A_1227 = tpu.vector_load %arg22[%get3A_1225, %get3A_1226] {strides = array<i32>} : memref<128x64xf32, #tpu.memory_space<vmem>>, vector<16xf32>,
      %add3A_1228 = arith.addf %get3A_1224, %get3A_1227 : vector<16xf32>
      %add3A_1229 = arith.addf %add3A_1221, %add3A_1228 : vector<16xf32>
      tpu.vector_store_idx %arg24[%add3A_43, %broadcast_in_dim3A], %add3A_1229 : memref<64x133xf32, #tpu.memory_space<vmem>>[vector<16xi32>, vector<16xi32>], vector<16xf32>,
      %get3A_1230 = arith.index_cast %add3A_1200 : i32 to index
      %get3A_1231 = arith.constant 32 : index
      %get3A_1232 = tpu.vector_load %arg19[%get3A_1230, %get3A_1231] {strides = array<i32>} : memref<128x64xf32, #tpu.memory_space<vmem>>, vector<16xf32>,
      %get3A_1233 = arith.index_cast %add3A_1200 : i32 to index
      %get3A_1234 = arith.constant 32 : index
      %get3A_1235 = tpu.vector_load %arg20[%get3A_1233, %get3A_1234] {strides = array<i32>} : memref<128x64xf32, #tpu.memory_space<vmem>>, vector<16xf32>,
      %add3A_1236 = arith.addf %get3A_1232, %get3A_1235 : vector<16xf32>
      %get3A_1237 = arith.index_cast %add3A_1200 : i32 to index
      %get3A_1238 = arith.constant 32 : index
      %get3A_1239 = tpu.vector_load %arg21[%get3A_1237, %get3A_1238] {strides = array<i32>} : memref<128x64xf32, #tpu.memory_space<vmem>>, vector<16xf32>,
      %get3A_1240 = arith.index_cast %add3A_1200 : i32 to index
      %get3A_1241 = arith.constant 32 : index
      %get3A_1242 = tpu.vector_load %arg22[%get3A_1240, %get3A_1241] {strides = array<i32>} : memref<128x64xf32, #tpu.memory_space<vmem>>, vector<16xf32>,
      %add3A_1243 = arith.addf %get3A_1239, %get3A_1242 : vector<16xf32>
      %add3A_1244 = arith.addf %add3A_1236, %add3A_1243 : vector<16xf32>
      tpu.vector_store_idx %arg24[%add3A_47, %broadcast_in_dim3A], %add3A_1244 : memref<64x133xf32, #tpu.memory_space<vmem>>[vector<16xi32>, vector<16xi32>], vector<16xf32>,
      %get3A_1245 = arith.index_cast %add3A_1200 : i32 to index
      %get3A_1246 = arith.constant 48 : index
      %get3A_1247 = tpu.vector_load %arg19[%get3A_1245, %get3A_1246] {strides = array<i32>} : memref<128x64xf32, #tpu.memory_space<vmem>>, vector<16xf32>,
      %get3A_1248 = arith.index_cast %add3A_1200 : i32 to index
      %get3A_1249 = arith.constant 48 : index
      %get3A_1250 = tpu.vector_load %arg20[%get3A_1248, %get3A_1249] {strides = array<i32>} : memref<128x64xf32, #tpu.memory_space<vmem>>, vector<16xf32>,
      %add3A_1251 = arith.addf %get3A_1247, %get3A_1250 : vector<16xf32>
      %get3A_1252 = arith.index_cast %add3A_1200 : i32 to index
      %get3A_1253 = arith.constant 48 : index
      %get3A_1254 = tpu.vector_load %arg21[%get3A_1252, %get3A_1253] {strides = array<i32>} : memref<128x64xf32, #tpu.memory_space<vmem>>, vector<16xf32>,
      %get3A_1255 = arith.index_cast %add3A_1200 : i32 to index
      %get3A_1256 = arith.constant 48 : index
      %get3A_1257 = tpu.vector_load %arg22[%get3A_1255, %get3A_1256] {strides = array<i32>} : memref<128x64xf32, #tpu.memory_space<vmem>>, vector<16xf32>,
      %add3A_1258 = arith.addf %get3A_1254, %get3A_1257 : vector<16xf32>
      %add3A_1259 = arith.addf %add3A_1251, %add3A_1258 : vector<16xf32>
      tpu.vector_store_idx %arg24[%add3A_51, %broadcast_in_dim3A], %add3A_1259 : memref<64x133xf32, #tpu.memory_space<vmem>>[vector<16xi32>, vector<16xi32>], vector<16xf32>,
      %mul3A_1260 = arith.constant 2 : i32
      %mul3A_1261 = arith.muli %scan3A_1195, %mul3A_1260 : i32
      %add3A_1262 = arith.constant 1 : i32
      %add3A_1263 = arith.addi %mul3A_1261, %add3A_1262 : i32
      %broadcast_in_dim3A_1264 = vector.broadcast %add3A_1263 : i32 to vector<16xi32>
      %get3A_1265 = arith.index_cast %add3A_1263 : i32 to index
      %get3A_1266 = arith.constant 0 : index
      %get3A_1267 = tpu.vector_load %arg19[%get3A_1265, %get3A_1266] {strides = array<i32>} : memref<128x64xf32, #tpu.memory_space<vmem>>, vector<16xf32>,
      %get3A_1268 = arith.index_cast %add3A_1263 : i32 to index
      %get3A_1269 = arith.constant 0 : index
      %get3A_1270 = tpu.vector_load %arg20[%get3A_1268, %get3A_1269] {strides = array<i32>} : memref<128x64xf32, #tpu.memory_space<vmem>>, vector<16xf32>,
      %add3A_1271 = arith.addf %get3A_1267, %get3A_1270 : vector<16xf32>
      %get3A_1272 = arith.index_cast %add3A_1263 : i32 to index
      %get3A_1273 = arith.constant 0 : index
      %get3A_1274 = tpu.vector_load %arg21[%get3A_1272, %get3A_1273] {strides = array<i32>} : memref<128x64xf32, #tpu.memory_space<vmem>>, vector<16xf32>,
      %get3A_1275 = arith.index_cast %add3A_1263 : i32 to index
      %get3A_1276 = arith.constant 0 : index
      %get3A_1277 = tpu.vector_load %arg22[%get3A_1275, %get3A_1276] {strides = array<i32>} : memref<128x64xf32, #tpu.memory_space<vmem>>, vector<16xf32>,
      %add3A_1278 = arith.addf %get3A_1274, %get3A_1277 : vector<16xf32>
      %add3A_1279 = arith.addf %add3A_1271, %add3A_1278 : vector<16xf32>
      tpu.vector_store_idx %arg24[%add3A_39, %broadcast_in_dim3A_1264], %add3A_1279 : memref<64x133xf32, #tpu.memory_space<vmem>>[vector<16xi32>, vector<16xi32>], vector<16xf32>,
      %get3A_1280 = arith.index_cast %add3A_1263 : i32 to index
      %get3A_1281 = arith.constant 16 : index
      %get3A_1282 = tpu.vector_load %arg19[%get3A_1280, %get3A_1281] {strides = array<i32>} : memref<128x64xf32, #tpu.memory_space<vmem>>, vector<16xf32>,
      %get3A_1283 = arith.index_cast %add3A_1263 : i32 to index
      %get3A_1284 = arith.constant 16 : index
      %get3A_1285 = tpu.vector_load %arg20[%get3A_1283, %get3A_1284] {strides = array<i32>} : memref<128x64xf32, #tpu.memory_space<vmem>>, vector<16xf32>,
      %add3A_1286 = arith.addf %get3A_1282, %get3A_1285 : vector<16xf32>
      %get3A_1287 = arith.index_cast %add3A_1263 : i32 to index
      %get3A_1288 = arith.constant 16 : index
      %get3A_1289 = tpu.vector_load %arg21[%get3A_1287, %get3A_1288] {strides = array<i32>} : memref<128x64xf32, #tpu.memory_space<vmem>>, vector<16xf32>,
      %get3A_1290 = arith.index_cast %add3A_1263 : i32 to index
      %get3A_1291 = arith.constant 16 : index
      %get3A_1292 = tpu.vector_load %arg22[%get3A_1290, %get3A_1291] {strides = array<i32>} : memref<128x64xf32, #tpu.memory_space<vmem>>, vector<16xf32>,
      %add3A_1293 = arith.addf %get3A_1289, %get3A_1292 : vector<16xf32>
      %add3A_1294 = arith.addf %add3A_1286, %add3A_1293 : vector<16xf32>
      tpu.vector_store_idx %arg24[%add3A_43, %broadcast_in_dim3A_1264], %add3A_1294 : memref<64x133xf32, #tpu.memory_space<vmem>>[vector<16xi32>, vector<16xi32>], vector<16xf32>,
      %get3A_1295 = arith.index_cast %add3A_1263 : i32 to index
      %get3A_1296 = arith.constant 32 : index
      %get3A_1297 = tpu.vector_load %arg19[%get3A_1295, %get3A_1296] {strides = array<i32>} : memref<128x64xf32, #tpu.memory_space<vmem>>, vector<16xf32>,
      %get3A_1298 = arith.index_cast %add3A_1263 : i32 to index
      %get3A_1299 = arith.constant 32 : index
      %get3A_1300 = tpu.vector_load %arg20[%get3A_1298, %get3A_1299] {strides = array<i32>} : memref<128x64xf32, #tpu.memory_space<vmem>>, vector<16xf32>,
      %add3A_1301 = arith.addf %get3A_1297, %get3A_1300 : vector<16xf32>
      %get3A_1302 = arith.index_cast %add3A_1263 : i32 to index
      %get3A_1303 = arith.constant 32 : index
      %get3A_1304 = tpu.vector_load %arg21[%get3A_1302, %get3A_1303] {strides = array<i32>} : memref<128x64xf32, #tpu.memory_space<vmem>>, vector<16xf32>,
      %get3A_1305 = arith.index_cast %add3A_1263 : i32 to index
      %get3A_1306 = arith.constant 32 : index
      %get3A_1307 = tpu.vector_load %arg22[%get3A_1305, %get3A_1306] {strides = array<i32>} : memref<128x64xf32, #tpu.memory_space<vmem>>, vector<16xf32>,
      %add3A_1308 = arith.addf %get3A_1304, %get3A_1307 : vector<16xf32>
      %add3A_1309 = arith.addf %add3A_1301, %add3A_1308 : vector<16xf32>
      tpu.vector_store_idx %arg24[%add3A_47, %broadcast_in_dim3A_1264], %add3A_1309 : memref<64x133xf32, #tpu.memory_space<vmem>>[vector<16xi32>, vector<16xi32>], vector<16xf32>,
      %get3A_1310 = arith.index_cast %add3A_1263 : i32 to index
      %get3A_1311 = arith.constant 48 : index
      %get3A_1312 = tpu.vector_load %arg19[%get3A_1310, %get3A_1311] {strides = array<i32>} : memref<128x64xf32, #tpu.memory_space<vmem>>, vector<16xf32>,
      %get3A_1313 = arith.index_cast %add3A_1263 : i32 to index
      %get3A_1314 = arith.constant 48 : index
      %get3A_1315 = tpu.vector_load %arg20[%get3A_1313, %get3A_1314] {strides = array<i32>} : memref<128x64xf32, #tpu.memory_space<vmem>>, vector<16xf32>,
      %add3A_1316 = arith.addf %get3A_1312, %get3A_1315 : vector<16xf32>
      %get3A_1317 = arith.index_cast %add3A_1263 : i32 to index
      %get3A_1318 = arith.constant 48 : index
      %get3A_1319 = tpu.vector_load %arg21[%get3A_1317, %get3A_1318] {strides = array<i32>} : memref<128x64xf32, #tpu.memory_space<vmem>>, vector<16xf32>,
      %get3A_1320 = arith.index_cast %add3A_1263 : i32 to index
      %get3A_1321 = arith.constant 48 : index
      %get3A_1322 = tpu.vector_load %arg22[%get3A_1320, %get3A_1321] {strides = array<i32>} : memref<128x64xf32, #tpu.memory_space<vmem>>, vector<16xf32>,
      %add3A_1323 = arith.addf %get3A_1319, %get3A_1322 : vector<16xf32>
      %add3A_1324 = arith.addf %add3A_1316, %add3A_1323 : vector<16xf32>
      tpu.vector_store_idx %arg24[%add3A_51, %broadcast_in_dim3A_1264], %add3A_1324 : memref<64x133xf32, #tpu.memory_space<vmem>>[vector<16xi32>, vector<16xi32>], vector<16xf32>,
      %scan3A_1325 = arith.constant 0 : i32
      scf.yield %scan3A_1325 : i32
    }
    %scan3A_268 = arith.constant 64 : i32
    %mul3A_269 = arith.constant 4 : i32
    %mul3A_270 = arith.muli %add3A, %mul3A_269 : i32
    %add3A_271 = arith.constant 1 : i32
    %add3A_272 = arith.addi %mul3A_270, %add3A_271 : i32
    %dma_start3A_273 = arith.constant 0 : i32
    %dma_start3A_274 = arith.constant 0 : i32
    %dma_start3A_275 = arith.constant 0 : i32
    %dma_start3A_276 = tpu.memref_slice %arg24[%dma_start3A_274, %dma_start3A_275] : memref<64x133xf32, #tpu.memory_space<vmem>> -> memref<8x128xf32, #tpu.memory_space<vmem>>
    %dma_start3A_277 = arith.constant 0 : i32
    %dma_start3A_278 = arith.constant 0 : i32
    %dma_start3A_279 = tpu.memref_slice %arg10[%dma_start3A_273, %add3A_272, %dma_start3A_277, %dma_start3A_278] : memref<8x128x8x128xf32, #tpu.memory_space<hbm>> -> memref<1x1x8x128xf32, #tpu.memory_space<hbm>>
    %dma_start3A_280 = tpu.memref_squeeze %dma_start3A_279 : memref<1x1x8x128xf32, #tpu.memory_space<hbm>> -> memref<8x128xf32, #tpu.memory_space<hbm>>
    %dma_start3A_281 = arith.constant 0 : i32
    %dma_start3A_282 = arith.constant 0 : i32
    %dma_start3A_283 = tpu.memref_slice %arg10[%dma_start3A_273, %add3A_272, %dma_start3A_281, %dma_start3A_282] : memref<8x128x8x128xf32, #tpu.memory_space<hbm>> -> memref<1x1x8x128xf32, #tpu.memory_space<hbm>>
    %dma_start3A_284 = tpu.memref_squeeze %dma_start3A_283 : memref<1x1x8x128xf32, #tpu.memory_space<hbm>> -> memref<8x128xf32, #tpu.memory_space<hbm>>
    %dma_start3A_285 = arith.constant 0 : i32
    %dma_start3A_286 = arith.constant 0 : i32
    %dma_start3A_287 = tpu.memref_slice %arg24[%dma_start3A_285, %dma_start3A_286] : memref<64x133xf32, #tpu.memory_space<vmem>> -> memref<8x128xf32, #tpu.memory_space<vmem>>
    tpu.enqueue_dma source(%dma_start3A_287 : memref<8x128xf32, #tpu.memory_space<vmem>>) target(%dma_start3A_284 : memref<8x128xf32, #tpu.memory_space<hbm>>) target_semaphore(%arg26 : memref<!tpu.dma_semaphore, #tpu.memory_space<semaphore_mem>>)
    %dma_start3A_288 = arith.constant 1 : i32
    %dma_start3A_289 = arith.constant 8 : i32
    %dma_start3A_290 = arith.constant 0 : i32
    %dma_start3A_291 = tpu.memref_slice %arg24[%dma_start3A_289, %dma_start3A_290] : memref<64x133xf32, #tpu.memory_space<vmem>> -> memref<8x128xf32, #tpu.memory_space<vmem>>
    %dma_start3A_292 = arith.constant 0 : i32
    %dma_start3A_293 = arith.constant 0 : i32
    %dma_start3A_294 = tpu.memref_slice %arg10[%dma_start3A_288, %add3A_272, %dma_start3A_292, %dma_start3A_293] : memref<8x128x8x128xf32, #tpu.memory_space<hbm>> -> memref<1x1x8x128xf32, #tpu.memory_space<hbm>>
    %dma_start3A_295 = tpu.memref_squeeze %dma_start3A_294 : memref<1x1x8x128xf32, #tpu.memory_space<hbm>> -> memref<8x128xf32, #tpu.memory_space<hbm>>
    %dma_start3A_296 = arith.constant 0 : i32
    %dma_start3A_297 = arith.constant 0 : i32
    %dma_start3A_298 = tpu.memref_slice %arg10[%dma_start3A_288, %add3A_272, %dma_start3A_296, %dma_start3A_297] : memref<8x128x8x128xf32, #tpu.memory_space<hbm>> -> memref<1x1x8x128xf32, #tpu.memory_space<hbm>>
    %dma_start3A_299 = tpu.memref_squeeze %dma_start3A_298 : memref<1x1x8x128xf32, #tpu.memory_space<hbm>> -> memref<8x128xf32, #tpu.memory_space<hbm>>
    %dma_start3A_300 = arith.constant 8 : i32
    %dma_start3A_301 = arith.constant 0 : i32
    %dma_start3A_302 = tpu.memref_slice %arg24[%dma_start3A_300, %dma_start3A_301] : memref<64x133xf32, #tpu.memory_space<vmem>> -> memref<8x128xf32, #tpu.memory_space<vmem>>
    tpu.enqueue_dma source(%dma_start3A_302 : memref<8x128xf32, #tpu.memory_space<vmem>>) target(%dma_start3A_299 : memref<8x128xf32, #tpu.memory_space<hbm>>) target_semaphore(%arg26 : memref<!tpu.dma_semaphore, #tpu.memory_space<semaphore_mem>>)
    %dma_start3A_303 = arith.constant 2 : i32
    %dma_start3A_304 = arith.constant 16 : i32
    %dma_start3A_305 = arith.constant 0 : i32
    %dma_start3A_306 = tpu.memref_slice %arg24[%dma_start3A_304, %dma_start3A_305] : memref<64x133xf32, #tpu.memory_space<vmem>> -> memref<8x128xf32, #tpu.memory_space<vmem>>
    %dma_start3A_307 = arith.constant 0 : i32
    %dma_start3A_308 = arith.constant 0 : i32
    %dma_start3A_309 = tpu.memref_slice %arg10[%dma_start3A_303, %add3A_272, %dma_start3A_307, %dma_start3A_308] : memref<8x128x8x128xf32, #tpu.memory_space<hbm>> -> memref<1x1x8x128xf32, #tpu.memory_space<hbm>>
    %dma_start3A_310 = tpu.memref_squeeze %dma_start3A_309 : memref<1x1x8x128xf32, #tpu.memory_space<hbm>> -> memref<8x128xf32, #tpu.memory_space<hbm>>
    %dma_start3A_311 = arith.constant 0 : i32
    %dma_start3A_312 = arith.constant 0 : i32
    %dma_start3A_313 = tpu.memref_slice %arg10[%dma_start3A_303, %add3A_272, %dma_start3A_311, %dma_start3A_312] : memref<8x128x8x128xf32, #tpu.memory_space<hbm>> -> memref<1x1x8x128xf32, #tpu.memory_space<hbm>>
    %dma_start3A_314 = tpu.memref_squeeze %dma_start3A_313 : memref<1x1x8x128xf32, #tpu.memory_space<hbm>> -> memref<8x128xf32, #tpu.memory_space<hbm>>
    %dma_start3A_315 = arith.constant 16 : i32
    %dma_start3A_316 = arith.constant 0 : i32
    %dma_start3A_317 = tpu.memref_slice %arg24[%dma_start3A_315, %dma_start3A_316] : memref<64x133xf32, #tpu.memory_space<vmem>> -> memref<8x128xf32, #tpu.memory_space<vmem>>
    tpu.enqueue_dma source(%dma_start3A_317 : memref<8x128xf32, #tpu.memory_space<vmem>>) target(%dma_start3A_314 : memref<8x128xf32, #tpu.memory_space<hbm>>) target_semaphore(%arg26 : memref<!tpu.dma_semaphore, #tpu.memory_space<semaphore_mem>>)
    %dma_start3A_318 = arith.constant 3 : i32
    %dma_start3A_319 = arith.constant 24 : i32
    %dma_start3A_320 = arith.constant 0 : i32
    %dma_start3A_321 = tpu.memref_slice %arg24[%dma_start3A_319, %dma_start3A_320] : memref<64x133xf32, #tpu.memory_space<vmem>> -> memref<8x128xf32, #tpu.memory_space<vmem>>
    %dma_start3A_322 = arith.constant 0 : i32
    %dma_start3A_323 = arith.constant 0 : i32
    %dma_start3A_324 = tpu.memref_slice %arg10[%dma_start3A_318, %add3A_272, %dma_start3A_322, %dma_start3A_323] : memref<8x128x8x128xf32, #tpu.memory_space<hbm>> -> memref<1x1x8x128xf32, #tpu.memory_space<hbm>>
    %dma_start3A_325 = tpu.memref_squeeze %dma_start3A_324 : memref<1x1x8x128xf32, #tpu.memory_space<hbm>> -> memref<8x128xf32, #tpu.memory_space<hbm>>
    %dma_start3A_326 = arith.constant 0 : i32
    %dma_start3A_327 = arith.constant 0 : i32
    %dma_start3A_328 = tpu.memref_slice %arg10[%dma_start3A_318, %add3A_272, %dma_start3A_326, %dma_start3A_327] : memref<8x128x8x128xf32, #tpu.memory_space<hbm>> -> memref<1x1x8x128xf32, #tpu.memory_space<hbm>>
    %dma_start3A_329 = tpu.memref_squeeze %dma_start3A_328 : memref<1x1x8x128xf32, #tpu.memory_space<hbm>> -> memref<8x128xf32, #tpu.memory_space<hbm>>
    %dma_start3A_330 = arith.constant 24 : i32
    %dma_start3A_331 = arith.constant 0 : i32
    %dma_start3A_332 = tpu.memref_slice %arg24[%dma_start3A_330, %dma_start3A_331] : memref<64x133xf32, #tpu.memory_space<vmem>> -> memref<8x128xf32, #tpu.memory_space<vmem>>
    tpu.enqueue_dma source(%dma_start3A_332 : memref<8x128xf32, #tpu.memory_space<vmem>>) target(%dma_start3A_329 : memref<8x128xf32, #tpu.memory_space<hbm>>) target_semaphore(%arg26 : memref<!tpu.dma_semaphore, #tpu.memory_space<semaphore_mem>>)
    %dma_start3A_333 = arith.constant 4 : i32
    %dma_start3A_334 = arith.constant 32 : i32
    %dma_start3A_335 = arith.constant 0 : i32
    %dma_start3A_336 = tpu.memref_slice %arg24[%dma_start3A_334, %dma_start3A_335] : memref<64x133xf32, #tpu.memory_space<vmem>> -> memref<8x128xf32, #tpu.memory_space<vmem>>
    %dma_start3A_337 = arith.constant 0 : i32
    %dma_start3A_338 = arith.constant 0 : i32
    %dma_start3A_339 = tpu.memref_slice %arg10[%dma_start3A_333, %add3A_272, %dma_start3A_337, %dma_start3A_338] : memref<8x128x8x128xf32, #tpu.memory_space<hbm>> -> memref<1x1x8x128xf32, #tpu.memory_space<hbm>>
    %dma_start3A_340 = tpu.memref_squeeze %dma_start3A_339 : memref<1x1x8x128xf32, #tpu.memory_space<hbm>> -> memref<8x128xf32, #tpu.memory_space<hbm>>
    %dma_start3A_341 = arith.constant 0 : i32
    %dma_start3A_342 = arith.constant 0 : i32
    %dma_start3A_343 = tpu.memref_slice %arg10[%dma_start3A_333, %add3A_272, %dma_start3A_341, %dma_start3A_342] : memref<8x128x8x128xf32, #tpu.memory_space<hbm>> -> memref<1x1x8x128xf32, #tpu.memory_space<hbm>>
    %dma_start3A_344 = tpu.memref_squeeze %dma_start3A_343 : memref<1x1x8x128xf32, #tpu.memory_space<hbm>> -> memref<8x128xf32, #tpu.memory_space<hbm>>
    %dma_start3A_345 = arith.constant 32 : i32
    %dma_start3A_346 = arith.constant 0 : i32
    %dma_start3A_347 = tpu.memref_slice %arg24[%dma_start3A_345, %dma_start3A_346] : memref<64x133xf32, #tpu.memory_space<vmem>> -> memref<8x128xf32, #tpu.memory_space<vmem>>
    tpu.enqueue_dma source(%dma_start3A_347 : memref<8x128xf32, #tpu.memory_space<vmem>>) target(%dma_start3A_344 : memref<8x128xf32, #tpu.memory_space<hbm>>) target_semaphore(%arg26 : memref<!tpu.dma_semaphore, #tpu.memory_space<semaphore_mem>>)
    %dma_start3A_348 = arith.constant 5 : i32
    %dma_start3A_349 = arith.constant 40 : i32
    %dma_start3A_350 = arith.constant 0 : i32
    %dma_start3A_351 = tpu.memref_slice %arg24[%dma_start3A_349, %dma_start3A_350] : memref<64x133xf32, #tpu.memory_space<vmem>> -> memref<8x128xf32, #tpu.memory_space<vmem>>
    %dma_start3A_352 = arith.constant 0 : i32
    %dma_start3A_353 = arith.constant 0 : i32
    %dma_start3A_354 = tpu.memref_slice %arg10[%dma_start3A_348, %add3A_272, %dma_start3A_352, %dma_start3A_353] : memref<8x128x8x128xf32, #tpu.memory_space<hbm>> -> memref<1x1x8x128xf32, #tpu.memory_space<hbm>>
    %dma_start3A_355 = tpu.memref_squeeze %dma_start3A_354 : memref<1x1x8x128xf32, #tpu.memory_space<hbm>> -> memref<8x128xf32, #tpu.memory_space<hbm>>
    %dma_start3A_356 = arith.constant 0 : i32
    %dma_start3A_357 = arith.constant 0 : i32
    %dma_start3A_358 = tpu.memref_slice %arg10[%dma_start3A_348, %add3A_272, %dma_start3A_356, %dma_start3A_357] : memref<8x128x8x128xf32, #tpu.memory_space<hbm>> -> memref<1x1x8x128xf32, #tpu.memory_space<hbm>>
    %dma_start3A_359 = tpu.memref_squeeze %dma_start3A_358 : memref<1x1x8x128xf32, #tpu.memory_space<hbm>> -> memref<8x128xf32, #tpu.memory_space<hbm>>
    %dma_start3A_360 = arith.constant 40 : i32
    %dma_start3A_361 = arith.constant 0 : i32
    %dma_start3A_362 = tpu.memref_slice %arg24[%dma_start3A_360, %dma_start3A_361] : memref<64x133xf32, #tpu.memory_space<vmem>> -> memref<8x128xf32, #tpu.memory_space<vmem>>
    tpu.enqueue_dma source(%dma_start3A_362 : memref<8x128xf32, #tpu.memory_space<vmem>>) target(%dma_start3A_359 : memref<8x128xf32, #tpu.memory_space<hbm>>) target_semaphore(%arg26 : memref<!tpu.dma_semaphore, #tpu.memory_space<semaphore_mem>>)
    %dma_start3A_363 = arith.constant 6 : i32
    %dma_start3A_364 = arith.constant 48 : i32
    %dma_start3A_365 = arith.constant 0 : i32
    %dma_start3A_366 = tpu.memref_slice %arg24[%dma_start3A_364, %dma_start3A_365] : memref<64x133xf32, #tpu.memory_space<vmem>> -> memref<8x128xf32, #tpu.memory_space<vmem>>
    %dma_start3A_367 = arith.constant 0 : i32
    %dma_start3A_368 = arith.constant 0 : i32
    %dma_start3A_369 = tpu.memref_slice %arg10[%dma_start3A_363, %add3A_272, %dma_start3A_367, %dma_start3A_368] : memref<8x128x8x128xf32, #tpu.memory_space<hbm>> -> memref<1x1x8x128xf32, #tpu.memory_space<hbm>>
    %dma_start3A_370 = tpu.memref_squeeze %dma_start3A_369 : memref<1x1x8x128xf32, #tpu.memory_space<hbm>> -> memref<8x128xf32, #tpu.memory_space<hbm>>
    %dma_start3A_371 = arith.constant 0 : i32
    %dma_start3A_372 = arith.constant 0 : i32
    %dma_start3A_373 = tpu.memref_slice %arg10[%dma_start3A_363, %add3A_272, %dma_start3A_371, %dma_start3A_372] : memref<8x128x8x128xf32, #tpu.memory_space<hbm>> -> memref<1x1x8x128xf32, #tpu.memory_space<hbm>>
    %dma_start3A_374 = tpu.memref_squeeze %dma_start3A_373 : memref<1x1x8x128xf32, #tpu.memory_space<hbm>> -> memref<8x128xf32, #tpu.memory_space<hbm>>
    %dma_start3A_375 = arith.constant 48 : i32
    %dma_start3A_376 = arith.constant 0 : i32
    %dma_start3A_377 = tpu.memref_slice %arg24[%dma_start3A_375, %dma_start3A_376] : memref<64x133xf32, #tpu.memory_space<vmem>> -> memref<8x128xf32, #tpu.memory_space<vmem>>
    tpu.enqueue_dma source(%dma_start3A_377 : memref<8x128xf32, #tpu.memory_space<vmem>>) target(%dma_start3A_374 : memref<8x128xf32, #tpu.memory_space<hbm>>) target_semaphore(%arg26 : memref<!tpu.dma_semaphore, #tpu.memory_space<semaphore_mem>>)
    %dma_start3A_378 = arith.constant 7 : i32
    %dma_start3A_379 = arith.constant 56 : i32
    %dma_start3A_380 = arith.constant 0 : i32
    %dma_start3A_381 = tpu.memref_slice %arg24[%dma_start3A_379, %dma_start3A_380] : memref<64x133xf32, #tpu.memory_space<vmem>> -> memref<8x128xf32, #tpu.memory_space<vmem>>
    %dma_start3A_382 = arith.constant 0 : i32
    %dma_start3A_383 = arith.constant 0 : i32
    %dma_start3A_384 = tpu.memref_slice %arg10[%dma_start3A_378, %add3A_272, %dma_start3A_382, %dma_start3A_383] : memref<8x128x8x128xf32, #tpu.memory_space<hbm>> -> memref<1x1x8x128xf32, #tpu.memory_space<hbm>>
    %dma_start3A_385 = tpu.memref_squeeze %dma_start3A_384 : memref<1x1x8x128xf32, #tpu.memory_space<hbm>> -> memref<8x128xf32, #tpu.memory_space<hbm>>
    %dma_start3A_386 = arith.constant 0 : i32
    %dma_start3A_387 = arith.constant 0 : i32
    %dma_start3A_388 = tpu.memref_slice %arg10[%dma_start3A_378, %add3A_272, %dma_start3A_386, %dma_start3A_387] : memref<8x128x8x128xf32, #tpu.memory_space<hbm>> -> memref<1x1x8x128xf32, #tpu.memory_space<hbm>>
    %dma_start3A_389 = tpu.memref_squeeze %dma_start3A_388 : memref<1x1x8x128xf32, #tpu.memory_space<hbm>> -> memref<8x128xf32, #tpu.memory_space<hbm>>
    %dma_start3A_390 = arith.constant 56 : i32
    %dma_start3A_391 = arith.constant 0 : i32
    %dma_start3A_392 = tpu.memref_slice %arg24[%dma_start3A_390, %dma_start3A_391] : memref<64x133xf32, #tpu.memory_space<vmem>> -> memref<8x128xf32, #tpu.memory_space<vmem>>
    tpu.enqueue_dma source(%dma_start3A_392 : memref<8x128xf32, #tpu.memory_space<vmem>>) target(%dma_start3A_389 : memref<8x128xf32, #tpu.memory_space<hbm>>) target_semaphore(%arg26 : memref<!tpu.dma_semaphore, #tpu.memory_space<semaphore_mem>>)
    %dma_wait3A_393 = arith.constant 256 : i32
    %dma_wait3A_394 = tpu.memref_slice %arg11[%dma_wait3A_393] : memref<512xi32, #tpu.memory_space<vmem>> -> memref<128xi32, #tpu.memory_space<vmem>>
    %dma_wait3A_395 = arith.constant 0 : i32
    %dma_wait3A_396 = arith.constant 0 : i32
    %dma_wait3A_397 = tpu.memref_slice %arg2[%dma_wait3A_395, %dma_wait3A_396] : memref<1000x64xf32, #tpu.memory_space<hbm>> -> memref<1000x64xf32, #tpu.memory_space<hbm>>
    tpu.wait_indirect_dma semaphore(%arg25 : memref<!tpu.dma_semaphore, #tpu.memory_space<semaphore_mem>>) src(%dma_wait3A_397 : memref<1000x64xf32, #tpu.memory_space<hbm>>) dst(%arg15 : memref<128x64xf32, #tpu.memory_space<vmem>>)
    %dma_wait3A_398 = arith.constant 256 : i32
    %dma_wait3A_399 = tpu.memref_slice %arg12[%dma_wait3A_398] : memref<512xi32, #tpu.memory_space<vmem>> -> memref<128xi32, #tpu.memory_space<vmem>>
    %dma_wait3A_400 = arith.constant 0 : i32
    %dma_wait3A_401 = arith.constant 0 : i32
    %dma_wait3A_402 = tpu.memref_slice %arg3[%dma_wait3A_400, %dma_wait3A_401] : memref<100000x64xf32, #tpu.memory_space<hbm>> -> memref<100000x64xf32, #tpu.memory_space<hbm>>
    tpu.wait_indirect_dma semaphore(%arg25 : memref<!tpu.dma_semaphore, #tpu.memory_space<semaphore_mem>>) src(%dma_wait3A_402 : memref<100000x64xf32, #tpu.memory_space<hbm>>) dst(%arg16 : memref<128x64xf32, #tpu.memory_space<vmem>>)
    %dma_wait3A_403 = arith.constant 256 : i32
    %dma_wait3A_404 = tpu.memref_slice %arg13[%dma_wait3A_403] : memref<512xi32, #tpu.memory_space<vmem>> -> memref<128xi32, #tpu.memory_space<vmem>>
    %dma_wait3A_405 = arith.constant 0 : i32
    %dma_wait3A_406 = arith.constant 0 : i32
    %dma_wait3A_407 = tpu.memref_slice %arg4[%dma_wait3A_405, %dma_wait3A_406] : memref<1000x64xf32, #tpu.memory_space<hbm>> -> memref<1000x64xf32, #tpu.memory_space<hbm>>
    tpu.wait_indirect_dma semaphore(%arg25 : memref<!tpu.dma_semaphore, #tpu.memory_space<semaphore_mem>>) src(%dma_wait3A_407 : memref<1000x64xf32, #tpu.memory_space<hbm>>) dst(%arg17 : memref<128x64xf32, #tpu.memory_space<vmem>>)
    %dma_wait3A_408 = arith.constant 256 : i32
    %dma_wait3A_409 = tpu.memref_slice %arg14[%dma_wait3A_408] : memref<512xi32, #tpu.memory_space<vmem>> -> memref<128xi32, #tpu.memory_space<vmem>>
    %dma_wait3A_410 = arith.constant 0 : i32
    %dma_wait3A_411 = arith.constant 0 : i32
    %dma_wait3A_412 = tpu.memref_slice %arg5[%dma_wait3A_410, %dma_wait3A_411] : memref<1000x64xf32, #tpu.memory_space<hbm>> -> memref<1000x64xf32, #tpu.memory_space<hbm>>
    tpu.wait_indirect_dma semaphore(%arg25 : memref<!tpu.dma_semaphore, #tpu.memory_space<semaphore_mem>>) src(%dma_wait3A_412 : memref<1000x64xf32, #tpu.memory_space<hbm>>) dst(%arg18 : memref<128x64xf32, #tpu.memory_space<vmem>>)
    %dma_start3A_413 = arith.constant 384 : i32
    %dma_start3A_414 = tpu.memref_slice %arg11[%dma_start3A_413] : memref<512xi32, #tpu.memory_space<vmem>> -> memref<128xi32, #tpu.memory_space<vmem>>
    %dma_start3A_415 = arith.constant 0 : i32
    %dma_start3A_416 = arith.constant 0 : i32
    %dma_start3A_417 = tpu.memref_slice %arg2[%dma_start3A_415, %dma_start3A_416] : memref<1000x64xf32, #tpu.memory_space<hbm>> -> memref<1000x64xf32, #tpu.memory_space<hbm>>
    tpu.enqueue_indirect_dma source(%dma_start3A_417 : memref<1000x64xf32, #tpu.memory_space<hbm>>) target(%arg19 : memref<128x64xf32, #tpu.memory_space<vmem>>) offsets(%dma_start3A_414 : memref<128xi32, #tpu.memory_space<vmem>>) semaphore(%arg25 : memref<!tpu.dma_semaphore, #tpu.memory_space<semaphore_mem>>)
    %dma_start3A_418 = arith.constant 384 : i32
    %dma_start3A_419 = tpu.memref_slice %arg12[%dma_start3A_418] : memref<512xi32, #tpu.memory_space<vmem>> -> memref<128xi32, #tpu.memory_space<vmem>>
    %dma_start3A_420 = arith.constant 0 : i32
    %dma_start3A_421 = arith.constant 0 : i32
    %dma_start3A_422 = tpu.memref_slice %arg3[%dma_start3A_420, %dma_start3A_421] : memref<100000x64xf32, #tpu.memory_space<hbm>> -> memref<100000x64xf32, #tpu.memory_space<hbm>>
    tpu.enqueue_indirect_dma source(%dma_start3A_422 : memref<100000x64xf32, #tpu.memory_space<hbm>>) target(%arg20 : memref<128x64xf32, #tpu.memory_space<vmem>>) offsets(%dma_start3A_419 : memref<128xi32, #tpu.memory_space<vmem>>) semaphore(%arg25 : memref<!tpu.dma_semaphore, #tpu.memory_space<semaphore_mem>>)
    %dma_start3A_423 = arith.constant 384 : i32
    %dma_start3A_424 = tpu.memref_slice %arg13[%dma_start3A_423] : memref<512xi32, #tpu.memory_space<vmem>> -> memref<128xi32, #tpu.memory_space<vmem>>
    %dma_start3A_425 = arith.constant 0 : i32
    %dma_start3A_426 = arith.constant 0 : i32
    %dma_start3A_427 = tpu.memref_slice %arg4[%dma_start3A_425, %dma_start3A_426] : memref<1000x64xf32, #tpu.memory_space<hbm>> -> memref<1000x64xf32, #tpu.memory_space<hbm>>
    tpu.enqueue_indirect_dma source(%dma_start3A_427 : memref<1000x64xf32, #tpu.memory_space<hbm>>) target(%arg21 : memref<128x64xf32, #tpu.memory_space<vmem>>) offsets(%dma_start3A_424 : memref<128xi32, #tpu.memory_space<vmem>>) semaphore(%arg25 : memref<!tpu.dma_semaphore, #tpu.memory_space<semaphore_mem>>)
    %dma_start3A_428 = arith.constant 384 : i32
    %dma_start3A_429 = tpu.memref_slice %arg14[%dma_start3A_428] : memref<512xi32, #tpu.memory_space<vmem>> -> memref<128xi32, #tpu.memory_space<vmem>>
    %dma_start3A_430 = arith.constant 0 : i32
    %dma_start3A_431 = arith.constant 0 : i32
    %dma_start3A_432 = tpu.memref_slice %arg5[%dma_start3A_430, %dma_start3A_431] : memref<1000x64xf32, #tpu.memory_space<hbm>> -> memref<1000x64xf32, #tpu.memory_space<hbm>>
    tpu.enqueue_indirect_dma source(%dma_start3A_432 : memref<1000x64xf32, #tpu.memory_space<hbm>>) target(%arg22 : memref<128x64xf32, #tpu.memory_space<vmem>>) offsets(%dma_start3A_429 : memref<128xi32, #tpu.memory_space<vmem>>) semaphore(%arg25 : memref<!tpu.dma_semaphore, #tpu.memory_space<semaphore_mem>>)
    %dma_wait3A_433 = arith.constant 0 : i32
    %dma_wait3A_434 = arith.constant 0 : i32
    %dma_wait3A_435 = arith.constant 0 : i32
    %dma_wait3A_436 = tpu.memref_slice %arg23[%dma_wait3A_434, %dma_wait3A_435] : memref<64x133xf32, #tpu.memory_space<vmem>> -> memref<8x128xf32, #tpu.memory_space<vmem>>
    %dma_wait3A_437 = arith.constant 0 : i32
    %dma_wait3A_438 = arith.constant 0 : i32
    %dma_wait3A_439 = tpu.memref_slice %arg10[%dma_wait3A_433, %add3A_101, %dma_wait3A_437, %dma_wait3A_438] : memref<8x128x8x128xf32, #tpu.memory_space<hbm>> -> memref<1x1x8x128xf32, #tpu.memory_space<hbm>>
    %dma_wait3A_440 = tpu.memref_squeeze %dma_wait3A_439 : memref<1x1x8x128xf32, #tpu.memory_space<hbm>> -> memref<8x128xf32, #tpu.memory_space<hbm>>
    %dma_wait3A_441 = arith.constant 0 : i32
    %dma_wait3A_442 = arith.constant 0 : i32
    %dma_wait3A_443 = tpu.memref_slice %arg10[%dma_wait3A_433, %add3A_101, %dma_wait3A_441, %dma_wait3A_442] : memref<8x128x8x128xf32, #tpu.memory_space<hbm>> -> memref<1x1x8x128xf32, #tpu.memory_space<hbm>>
    %dma_wait3A_444 = tpu.memref_squeeze %dma_wait3A_443 : memref<1x1x8x128xf32, #tpu.memory_space<hbm>> -> memref<8x128xf32, #tpu.memory_space<hbm>>
    %dma_wait3A_445 = arith.constant 0 : i32
    %dma_wait3A_446 = arith.constant 0 : i32
    %dma_wait3A_447 = tpu.memref_slice %arg23[%dma_wait3A_445, %dma_wait3A_446] : memref<64x133xf32, #tpu.memory_space<vmem>> -> memref<8x128xf32, #tpu.memory_space<vmem>>
    tpu.wait_dma2 semaphore(%arg26 : memref<!tpu.dma_semaphore, #tpu.memory_space<semaphore_mem>>) src(%dma_wait3A_447 : memref<8x128xf32, #tpu.memory_space<vmem>>) dst(%dma_wait3A_444 : memref<8x128xf32, #tpu.memory_space<hbm>>)
    %dma_wait3A_448 = arith.constant 1 : i32
    %dma_wait3A_449 = arith.constant 8 : i32
    %dma_wait3A_450 = arith.constant 0 : i32
    %dma_wait3A_451 = tpu.memref_slice %arg23[%dma_wait3A_449, %dma_wait3A_450] : memref<64x133xf32, #tpu.memory_space<vmem>> -> memref<8x128xf32, #tpu.memory_space<vmem>>
    %dma_wait3A_452 = arith.constant 0 : i32
    %dma_wait3A_453 = arith.constant 0 : i32
    %dma_wait3A_454 = tpu.memref_slice %arg10[%dma_wait3A_448, %add3A_101, %dma_wait3A_452, %dma_wait3A_453] : memref<8x128x8x128xf32, #tpu.memory_space<hbm>> -> memref<1x1x8x128xf32, #tpu.memory_space<hbm>>
    %dma_wait3A_455 = tpu.memref_squeeze %dma_wait3A_454 : memref<1x1x8x128xf32, #tpu.memory_space<hbm>> -> memref<8x128xf32, #tpu.memory_space<hbm>>
    %dma_wait3A_456 = arith.constant 0 : i32
    %dma_wait3A_457 = arith.constant 0 : i32
    %dma_wait3A_458 = tpu.memref_slice %arg10[%dma_wait3A_448, %add3A_101, %dma_wait3A_456, %dma_wait3A_457] : memref<8x128x8x128xf32, #tpu.memory_space<hbm>> -> memref<1x1x8x128xf32, #tpu.memory_space<hbm>>
    %dma_wait3A_459 = tpu.memref_squeeze %dma_wait3A_458 : memref<1x1x8x128xf32, #tpu.memory_space<hbm>> -> memref<8x128xf32, #tpu.memory_space<hbm>>
    %dma_wait3A_460 = arith.constant 8 : i32
    %dma_wait3A_461 = arith.constant 0 : i32
    %dma_wait3A_462 = tpu.memref_slice %arg23[%dma_wait3A_460, %dma_wait3A_461] : memref<64x133xf32, #tpu.memory_space<vmem>> -> memref<8x128xf32, #tpu.memory_space<vmem>>
    tpu.wait_dma2 semaphore(%arg26 : memref<!tpu.dma_semaphore, #tpu.memory_space<semaphore_mem>>) src(%dma_wait3A_462 : memref<8x128xf32, #tpu.memory_space<vmem>>) dst(%dma_wait3A_459 : memref<8x128xf32, #tpu.memory_space<hbm>>)
    %dma_wait3A_463 = arith.constant 2 : i32
    %dma_wait3A_464 = arith.constant 16 : i32
    %dma_wait3A_465 = arith.constant 0 : i32
    %dma_wait3A_466 = tpu.memref_slice %arg23[%dma_wait3A_464, %dma_wait3A_465] : memref<64x133xf32, #tpu.memory_space<vmem>> -> memref<8x128xf32, #tpu.memory_space<vmem>>
    %dma_wait3A_467 = arith.constant 0 : i32
    %dma_wait3A_468 = arith.constant 0 : i32
    %dma_wait3A_469 = tpu.memref_slice %arg10[%dma_wait3A_463, %add3A_101, %dma_wait3A_467, %dma_wait3A_468] : memref<8x128x8x128xf32, #tpu.memory_space<hbm>> -> memref<1x1x8x128xf32, #tpu.memory_space<hbm>>
    %dma_wait3A_470 = tpu.memref_squeeze %dma_wait3A_469 : memref<1x1x8x128xf32, #tpu.memory_space<hbm>> -> memref<8x128xf32, #tpu.memory_space<hbm>>
    %dma_wait3A_471 = arith.constant 0 : i32
    %dma_wait3A_472 = arith.constant 0 : i32
    %dma_wait3A_473 = tpu.memref_slice %arg10[%dma_wait3A_463, %add3A_101, %dma_wait3A_471, %dma_wait3A_472] : memref<8x128x8x128xf32, #tpu.memory_space<hbm>> -> memref<1x1x8x128xf32, #tpu.memory_space<hbm>>
    %dma_wait3A_474 = tpu.memref_squeeze %dma_wait3A_473 : memref<1x1x8x128xf32, #tpu.memory_space<hbm>> -> memref<8x128xf32, #tpu.memory_space<hbm>>
    %dma_wait3A_475 = arith.constant 16 : i32
    %dma_wait3A_476 = arith.constant 0 : i32
    %dma_wait3A_477 = tpu.memref_slice %arg23[%dma_wait3A_475, %dma_wait3A_476] : memref<64x133xf32, #tpu.memory_space<vmem>> -> memref<8x128xf32, #tpu.memory_space<vmem>>
    tpu.wait_dma2 semaphore(%arg26 : memref<!tpu.dma_semaphore, #tpu.memory_space<semaphore_mem>>) src(%dma_wait3A_477 : memref<8x128xf32, #tpu.memory_space<vmem>>) dst(%dma_wait3A_474 : memref<8x128xf32, #tpu.memory_space<hbm>>)
    %dma_wait3A_478 = arith.constant 3 : i32
    %dma_wait3A_479 = arith.constant 24 : i32
    %dma_wait3A_480 = arith.constant 0 : i32
    %dma_wait3A_481 = tpu.memref_slice %arg23[%dma_wait3A_479, %dma_wait3A_480] : memref<64x133xf32, #tpu.memory_space<vmem>> -> memref<8x128xf32, #tpu.memory_space<vmem>>
    %dma_wait3A_482 = arith.constant 0 : i32
    %dma_wait3A_483 = arith.constant 0 : i32
    %dma_wait3A_484 = tpu.memref_slice %arg10[%dma_wait3A_478, %add3A_101, %dma_wait3A_482, %dma_wait3A_483] : memref<8x128x8x128xf32, #tpu.memory_space<hbm>> -> memref<1x1x8x128xf32, #tpu.memory_space<hbm>>
    %dma_wait3A_485 = tpu.memref_squeeze %dma_wait3A_484 : memref<1x1x8x128xf32, #tpu.memory_space<hbm>> -> memref<8x128xf32, #tpu.memory_space<hbm>>
    %dma_wait3A_486 = arith.constant 0 : i32
    %dma_wait3A_487 = arith.constant 0 : i32
    %dma_wait3A_488 = tpu.memref_slice %arg10[%dma_wait3A_478, %add3A_101, %dma_wait3A_486, %dma_wait3A_487] : memref<8x128x8x128xf32, #tpu.memory_space<hbm>> -> memref<1x1x8x128xf32, #tpu.memory_space<hbm>>
    %dma_wait3A_489 = tpu.memref_squeeze %dma_wait3A_488 : memref<1x1x8x128xf32, #tpu.memory_space<hbm>> -> memref<8x128xf32, #tpu.memory_space<hbm>>
    %dma_wait3A_490 = arith.constant 24 : i32
    %dma_wait3A_491 = arith.constant 0 : i32
    %dma_wait3A_492 = tpu.memref_slice %arg23[%dma_wait3A_490, %dma_wait3A_491] : memref<64x133xf32, #tpu.memory_space<vmem>> -> memref<8x128xf32, #tpu.memory_space<vmem>>
    tpu.wait_dma2 semaphore(%arg26 : memref<!tpu.dma_semaphore, #tpu.memory_space<semaphore_mem>>) src(%dma_wait3A_492 : memref<8x128xf32, #tpu.memory_space<vmem>>) dst(%dma_wait3A_489 : memref<8x128xf32, #tpu.memory_space<hbm>>)
    %dma_wait3A_493 = arith.constant 4 : i32
    %dma_wait3A_494 = arith.constant 32 : i32
    %dma_wait3A_495 = arith.constant 0 : i32
    %dma_wait3A_496 = tpu.memref_slice %arg23[%dma_wait3A_494, %dma_wait3A_495] : memref<64x133xf32, #tpu.memory_space<vmem>> -> memref<8x128xf32, #tpu.memory_space<vmem>>
    %dma_wait3A_497 = arith.constant 0 : i32
    %dma_wait3A_498 = arith.constant 0 : i32
    %dma_wait3A_499 = tpu.memref_slice %arg10[%dma_wait3A_493, %add3A_101, %dma_wait3A_497, %dma_wait3A_498] : memref<8x128x8x128xf32, #tpu.memory_space<hbm>> -> memref<1x1x8x128xf32, #tpu.memory_space<hbm>>
    %dma_wait3A_500 = tpu.memref_squeeze %dma_wait3A_499 : memref<1x1x8x128xf32, #tpu.memory_space<hbm>> -> memref<8x128xf32, #tpu.memory_space<hbm>>
    %dma_wait3A_501 = arith.constant 0 : i32
    %dma_wait3A_502 = arith.constant 0 : i32
    %dma_wait3A_503 = tpu.memref_slice %arg10[%dma_wait3A_493, %add3A_101, %dma_wait3A_501, %dma_wait3A_502] : memref<8x128x8x128xf32, #tpu.memory_space<hbm>> -> memref<1x1x8x128xf32, #tpu.memory_space<hbm>>
    %dma_wait3A_504 = tpu.memref_squeeze %dma_wait3A_503 : memref<1x1x8x128xf32, #tpu.memory_space<hbm>> -> memref<8x128xf32, #tpu.memory_space<hbm>>
    %dma_wait3A_505 = arith.constant 32 : i32
    %dma_wait3A_506 = arith.constant 0 : i32
    %dma_wait3A_507 = tpu.memref_slice %arg23[%dma_wait3A_505, %dma_wait3A_506] : memref<64x133xf32, #tpu.memory_space<vmem>> -> memref<8x128xf32, #tpu.memory_space<vmem>>
    tpu.wait_dma2 semaphore(%arg26 : memref<!tpu.dma_semaphore, #tpu.memory_space<semaphore_mem>>) src(%dma_wait3A_507 : memref<8x128xf32, #tpu.memory_space<vmem>>) dst(%dma_wait3A_504 : memref<8x128xf32, #tpu.memory_space<hbm>>)
    %dma_wait3A_508 = arith.constant 5 : i32
    %dma_wait3A_509 = arith.constant 40 : i32
    %dma_wait3A_510 = arith.constant 0 : i32
    %dma_wait3A_511 = tpu.memref_slice %arg23[%dma_wait3A_509, %dma_wait3A_510] : memref<64x133xf32, #tpu.memory_space<vmem>> -> memref<8x128xf32, #tpu.memory_space<vmem>>
    %dma_wait3A_512 = arith.constant 0 : i32
    %dma_wait3A_513 = arith.constant 0 : i32
    %dma_wait3A_514 = tpu.memref_slice %arg10[%dma_wait3A_508, %add3A_101, %dma_wait3A_512, %dma_wait3A_513] : memref<8x128x8x128xf32, #tpu.memory_space<hbm>> -> memref<1x1x8x128xf32, #tpu.memory_space<hbm>>
    %dma_wait3A_515 = tpu.memref_squeeze %dma_wait3A_514 : memref<1x1x8x128xf32, #tpu.memory_space<hbm>> -> memref<8x128xf32, #tpu.memory_space<hbm>>
    %dma_wait3A_516 = arith.constant 0 : i32
    %dma_wait3A_517 = arith.constant 0 : i32
    %dma_wait3A_518 = tpu.memref_slice %arg10[%dma_wait3A_508, %add3A_101, %dma_wait3A_516, %dma_wait3A_517] : memref<8x128x8x128xf32, #tpu.memory_space<hbm>> -> memref<1x1x8x128xf32, #tpu.memory_space<hbm>>
    %dma_wait3A_519 = tpu.memref_squeeze %dma_wait3A_518 : memref<1x1x8x128xf32, #tpu.memory_space<hbm>> -> memref<8x128xf32, #tpu.memory_space<hbm>>
    %dma_wait3A_520 = arith.constant 40 : i32
    %dma_wait3A_521 = arith.constant 0 : i32
    %dma_wait3A_522 = tpu.memref_slice %arg23[%dma_wait3A_520, %dma_wait3A_521] : memref<64x133xf32, #tpu.memory_space<vmem>> -> memref<8x128xf32, #tpu.memory_space<vmem>>
    tpu.wait_dma2 semaphore(%arg26 : memref<!tpu.dma_semaphore, #tpu.memory_space<semaphore_mem>>) src(%dma_wait3A_522 : memref<8x128xf32, #tpu.memory_space<vmem>>) dst(%dma_wait3A_519 : memref<8x128xf32, #tpu.memory_space<hbm>>)
    %dma_wait3A_523 = arith.constant 6 : i32
    %dma_wait3A_524 = arith.constant 48 : i32
    %dma_wait3A_525 = arith.constant 0 : i32
    %dma_wait3A_526 = tpu.memref_slice %arg23[%dma_wait3A_524, %dma_wait3A_525] : memref<64x133xf32, #tpu.memory_space<vmem>> -> memref<8x128xf32, #tpu.memory_space<vmem>>
    %dma_wait3A_527 = arith.constant 0 : i32
    %dma_wait3A_528 = arith.constant 0 : i32
    %dma_wait3A_529 = tpu.memref_slice %arg10[%dma_wait3A_523, %add3A_101, %dma_wait3A_527, %dma_wait3A_528] : memref<8x128x8x128xf32, #tpu.memory_space<hbm>> -> memref<1x1x8x128xf32, #tpu.memory_space<hbm>>
    %dma_wait3A_530 = tpu.memref_squeeze %dma_wait3A_529 : memref<1x1x8x128xf32, #tpu.memory_space<hbm>> -> memref<8x128xf32, #tpu.memory_space<hbm>>
    %dma_wait3A_531 = arith.constant 0 : i32
    %dma_wait3A_532 = arith.constant 0 : i32
    %dma_wait3A_533 = tpu.memref_slice %arg10[%dma_wait3A_523, %add3A_101, %dma_wait3A_531, %dma_wait3A_532] : memref<8x128x8x128xf32, #tpu.memory_space<hbm>> -> memref<1x1x8x128xf32, #tpu.memory_space<hbm>>
    %dma_wait3A_534 = tpu.memref_squeeze %dma_wait3A_533 : memref<1x1x8x128xf32, #tpu.memory_space<hbm>> -> memref<8x128xf32, #tpu.memory_space<hbm>>
    %dma_wait3A_535 = arith.constant 48 : i32
    %dma_wait3A_536 = arith.constant 0 : i32
    %dma_wait3A_537 = tpu.memref_slice %arg23[%dma_wait3A_535, %dma_wait3A_536] : memref<64x133xf32, #tpu.memory_space<vmem>> -> memref<8x128xf32, #tpu.memory_space<vmem>>
    tpu.wait_dma2 semaphore(%arg26 : memref<!tpu.dma_semaphore, #tpu.memory_space<semaphore_mem>>) src(%dma_wait3A_537 : memref<8x128xf32, #tpu.memory_space<vmem>>) dst(%dma_wait3A_534 : memref<8x128xf32, #tpu.memory_space<hbm>>)
    %dma_wait3A_538 = arith.constant 7 : i32
    %dma_wait3A_539 = arith.constant 56 : i32
    %dma_wait3A_540 = arith.constant 0 : i32
    %dma_wait3A_541 = tpu.memref_slice %arg23[%dma_wait3A_539, %dma_wait3A_540] : memref<64x133xf32, #tpu.memory_space<vmem>> -> memref<8x128xf32, #tpu.memory_space<vmem>>
    %dma_wait3A_542 = arith.constant 0 : i32
    %dma_wait3A_543 = arith.constant 0 : i32
    %dma_wait3A_544 = tpu.memref_slice %arg10[%dma_wait3A_538, %add3A_101, %dma_wait3A_542, %dma_wait3A_543] : memref<8x128x8x128xf32, #tpu.memory_space<hbm>> -> memref<1x1x8x128xf32, #tpu.memory_space<hbm>>
    %dma_wait3A_545 = tpu.memref_squeeze %dma_wait3A_544 : memref<1x1x8x128xf32, #tpu.memory_space<hbm>> -> memref<8x128xf32, #tpu.memory_space<hbm>>
    %dma_wait3A_546 = arith.constant 0 : i32
    %dma_wait3A_547 = arith.constant 0 : i32
    %dma_wait3A_548 = tpu.memref_slice %arg10[%dma_wait3A_538, %add3A_101, %dma_wait3A_546, %dma_wait3A_547] : memref<8x128x8x128xf32, #tpu.memory_space<hbm>> -> memref<1x1x8x128xf32, #tpu.memory_space<hbm>>
    %dma_wait3A_549 = tpu.memref_squeeze %dma_wait3A_548 : memref<1x1x8x128xf32, #tpu.memory_space<hbm>> -> memref<8x128xf32, #tpu.memory_space<hbm>>
    %dma_wait3A_550 = arith.constant 56 : i32
    %dma_wait3A_551 = arith.constant 0 : i32
    %dma_wait3A_552 = tpu.memref_slice %arg23[%dma_wait3A_550, %dma_wait3A_551] : memref<64x133xf32, #tpu.memory_space<vmem>> -> memref<8x128xf32, #tpu.memory_space<vmem>>
    tpu.wait_dma2 semaphore(%arg26 : memref<!tpu.dma_semaphore, #tpu.memory_space<semaphore_mem>>) src(%dma_wait3A_552 : memref<8x128xf32, #tpu.memory_space<vmem>>) dst(%dma_wait3A_549 : memref<8x128xf32, #tpu.memory_space<hbm>>)
    %scan3A_553 = arith.constant 0 : i32
    %scan3A_554 = arith.constant 0 : i32
    %scan3A_555 = arith.constant 64 : i32
    %scan3A_556 = arith.addi %scan3A_554, %scan3A_555 : i32
    %scan3A_557 = arith.constant 1 : i32
    %scan3A_558 = scf.for %scan3A_1195 = %scan3A_554 to %scan3A_556 step %scan3A_557 iter_args(%scan3A_1196 = %scan3A_553) -> (i32)  : i32 {
      %mul3A_1197 = arith.constant 2 : i32
      %mul3A_1198 = arith.muli %scan3A_1195, %mul3A_1197 : i32
      %add3A_1199 = arith.constant 0 : i32
      %add3A_1200 = arith.addi %mul3A_1198, %add3A_1199 : i32
      %broadcast_in_dim3A = vector.broadcast %add3A_1200 : i32 to vector<16xi32>
      %get3A = arith.index_cast %add3A_1200 : i32 to index
      %get3A_1201 = arith.constant 0 : index
      %get3A_1202 = tpu.vector_load %arg15[%get3A, %get3A_1201] {strides = array<i32>} : memref<128x64xf32, #tpu.memory_space<vmem>>, vector<16xf32>,
      %get3A_1203 = arith.index_cast %add3A_1200 : i32 to index
      %get3A_1204 = arith.constant 0 : index
      %get3A_1205 = tpu.vector_load %arg16[%get3A_1203, %get3A_1204] {strides = array<i32>} : memref<128x64xf32, #tpu.memory_space<vmem>>, vector<16xf32>,
      %add3A_1206 = arith.addf %get3A_1202, %get3A_1205 : vector<16xf32>
      %get3A_1207 = arith.index_cast %add3A_1200 : i32 to index
      %get3A_1208 = arith.constant 0 : index
      %get3A_1209 = tpu.vector_load %arg17[%get3A_1207, %get3A_1208] {strides = array<i32>} : memref<128x64xf32, #tpu.memory_space<vmem>>, vector<16xf32>,
      %get3A_1210 = arith.index_cast %add3A_1200 : i32 to index
      %get3A_1211 = arith.constant 0 : index
      %get3A_1212 = tpu.vector_load %arg18[%get3A_1210, %get3A_1211] {strides = array<i32>} : memref<128x64xf32, #tpu.memory_space<vmem>>, vector<16xf32>,
      %add3A_1213 = arith.addf %get3A_1209, %get3A_1212 : vector<16xf32>
      %add3A_1214 = arith.addf %add3A_1206, %add3A_1213 : vector<16xf32>
      tpu.vector_store_idx %arg23[%add3A_39, %broadcast_in_dim3A], %add3A_1214 : memref<64x133xf32, #tpu.memory_space<vmem>>[vector<16xi32>, vector<16xi32>], vector<16xf32>,
      %get3A_1215 = arith.index_cast %add3A_1200 : i32 to index
      %get3A_1216 = arith.constant 16 : index
      %get3A_1217 = tpu.vector_load %arg15[%get3A_1215, %get3A_1216] {strides = array<i32>} : memref<128x64xf32, #tpu.memory_space<vmem>>, vector<16xf32>,
      %get3A_1218 = arith.index_cast %add3A_1200 : i32 to index
      %get3A_1219 = arith.constant 16 : index
      %get3A_1220 = tpu.vector_load %arg16[%get3A_1218, %get3A_1219] {strides = array<i32>} : memref<128x64xf32, #tpu.memory_space<vmem>>, vector<16xf32>,
      %add3A_1221 = arith.addf %get3A_1217, %get3A_1220 : vector<16xf32>
      %get3A_1222 = arith.index_cast %add3A_1200 : i32 to index
      %get3A_1223 = arith.constant 16 : index
      %get3A_1224 = tpu.vector_load %arg17[%get3A_1222, %get3A_1223] {strides = array<i32>} : memref<128x64xf32, #tpu.memory_space<vmem>>, vector<16xf32>,
      %get3A_1225 = arith.index_cast %add3A_1200 : i32 to index
      %get3A_1226 = arith.constant 16 : index
      %get3A_1227 = tpu.vector_load %arg18[%get3A_1225, %get3A_1226] {strides = array<i32>} : memref<128x64xf32, #tpu.memory_space<vmem>>, vector<16xf32>,
      %add3A_1228 = arith.addf %get3A_1224, %get3A_1227 : vector<16xf32>
      %add3A_1229 = arith.addf %add3A_1221, %add3A_1228 : vector<16xf32>
      tpu.vector_store_idx %arg23[%add3A_43, %broadcast_in_dim3A], %add3A_1229 : memref<64x133xf32, #tpu.memory_space<vmem>>[vector<16xi32>, vector<16xi32>], vector<16xf32>,
      %get3A_1230 = arith.index_cast %add3A_1200 : i32 to index
      %get3A_1231 = arith.constant 32 : index
      %get3A_1232 = tpu.vector_load %arg15[%get3A_1230, %get3A_1231] {strides = array<i32>} : memref<128x64xf32, #tpu.memory_space<vmem>>, vector<16xf32>,
      %get3A_1233 = arith.index_cast %add3A_1200 : i32 to index
      %get3A_1234 = arith.constant 32 : index
      %get3A_1235 = tpu.vector_load %arg16[%get3A_1233, %get3A_1234] {strides = array<i32>} : memref<128x64xf32, #tpu.memory_space<vmem>>, vector<16xf32>,
      %add3A_1236 = arith.addf %get3A_1232, %get3A_1235 : vector<16xf32>
      %get3A_1237 = arith.index_cast %add3A_1200 : i32 to index
      %get3A_1238 = arith.constant 32 : index
      %get3A_1239 = tpu.vector_load %arg17[%get3A_1237, %get3A_1238] {strides = array<i32>} : memref<128x64xf32, #tpu.memory_space<vmem>>, vector<16xf32>,
      %get3A_1240 = arith.index_cast %add3A_1200 : i32 to index
      %get3A_1241 = arith.constant 32 : index
      %get3A_1242 = tpu.vector_load %arg18[%get3A_1240, %get3A_1241] {strides = array<i32>} : memref<128x64xf32, #tpu.memory_space<vmem>>, vector<16xf32>,
      %add3A_1243 = arith.addf %get3A_1239, %get3A_1242 : vector<16xf32>
      %add3A_1244 = arith.addf %add3A_1236, %add3A_1243 : vector<16xf32>
      tpu.vector_store_idx %arg23[%add3A_47, %broadcast_in_dim3A], %add3A_1244 : memref<64x133xf32, #tpu.memory_space<vmem>>[vector<16xi32>, vector<16xi32>], vector<16xf32>,
      %get3A_1245 = arith.index_cast %add3A_1200 : i32 to index
      %get3A_1246 = arith.constant 48 : index
      %get3A_1247 = tpu.vector_load %arg15[%get3A_1245, %get3A_1246] {strides = array<i32>} : memref<128x64xf32, #tpu.memory_space<vmem>>, vector<16xf32>,
      %get3A_1248 = arith.index_cast %add3A_1200 : i32 to index
      %get3A_1249 = arith.constant 48 : index
      %get3A_1250 = tpu.vector_load %arg16[%get3A_1248, %get3A_1249] {strides = array<i32>} : memref<128x64xf32, #tpu.memory_space<vmem>>, vector<16xf32>,
      %add3A_1251 = arith.addf %get3A_1247, %get3A_1250 : vector<16xf32>
      %get3A_1252 = arith.index_cast %add3A_1200 : i32 to index
      %get3A_1253 = arith.constant 48 : index
      %get3A_1254 = tpu.vector_load %arg17[%get3A_1252, %get3A_1253] {strides = array<i32>} : memref<128x64xf32, #tpu.memory_space<vmem>>, vector<16xf32>,
      %get3A_1255 = arith.index_cast %add3A_1200 : i32 to index
      %get3A_1256 = arith.constant 48 : index
      %get3A_1257 = tpu.vector_load %arg18[%get3A_1255, %get3A_1256] {strides = array<i32>} : memref<128x64xf32, #tpu.memory_space<vmem>>, vector<16xf32>,
      %add3A_1258 = arith.addf %get3A_1254, %get3A_1257 : vector<16xf32>
      %add3A_1259 = arith.addf %add3A_1251, %add3A_1258 : vector<16xf32>
      tpu.vector_store_idx %arg23[%add3A_51, %broadcast_in_dim3A], %add3A_1259 : memref<64x133xf32, #tpu.memory_space<vmem>>[vector<16xi32>, vector<16xi32>], vector<16xf32>,
      %mul3A_1260 = arith.constant 2 : i32
      %mul3A_1261 = arith.muli %scan3A_1195, %mul3A_1260 : i32
      %add3A_1262 = arith.constant 1 : i32
      %add3A_1263 = arith.addi %mul3A_1261, %add3A_1262 : i32
      %broadcast_in_dim3A_1264 = vector.broadcast %add3A_1263 : i32 to vector<16xi32>
      %get3A_1265 = arith.index_cast %add3A_1263 : i32 to index
      %get3A_1266 = arith.constant 0 : index
      %get3A_1267 = tpu.vector_load %arg15[%get3A_1265, %get3A_1266] {strides = array<i32>} : memref<128x64xf32, #tpu.memory_space<vmem>>, vector<16xf32>,
      %get3A_1268 = arith.index_cast %add3A_1263 : i32 to index
      %get3A_1269 = arith.constant 0 : index
      %get3A_1270 = tpu.vector_load %arg16[%get3A_1268, %get3A_1269] {strides = array<i32>} : memref<128x64xf32, #tpu.memory_space<vmem>>, vector<16xf32>,
      %add3A_1271 = arith.addf %get3A_1267, %get3A_1270 : vector<16xf32>
      %get3A_1272 = arith.index_cast %add3A_1263 : i32 to index
      %get3A_1273 = arith.constant 0 : index
      %get3A_1274 = tpu.vector_load %arg17[%get3A_1272, %get3A_1273] {strides = array<i32>} : memref<128x64xf32, #tpu.memory_space<vmem>>, vector<16xf32>,
      %get3A_1275 = arith.index_cast %add3A_1263 : i32 to index
      %get3A_1276 = arith.constant 0 : index
      %get3A_1277 = tpu.vector_load %arg18[%get3A_1275, %get3A_1276] {strides = array<i32>} : memref<128x64xf32, #tpu.memory_space<vmem>>, vector<16xf32>,
      %add3A_1278 = arith.addf %get3A_1274, %get3A_1277 : vector<16xf32>
      %add3A_1279 = arith.addf %add3A_1271, %add3A_1278 : vector<16xf32>
      tpu.vector_store_idx %arg23[%add3A_39, %broadcast_in_dim3A_1264], %add3A_1279 : memref<64x133xf32, #tpu.memory_space<vmem>>[vector<16xi32>, vector<16xi32>], vector<16xf32>,
      %get3A_1280 = arith.index_cast %add3A_1263 : i32 to index
      %get3A_1281 = arith.constant 16 : index
      %get3A_1282 = tpu.vector_load %arg15[%get3A_1280, %get3A_1281] {strides = array<i32>} : memref<128x64xf32, #tpu.memory_space<vmem>>, vector<16xf32>,
      %get3A_1283 = arith.index_cast %add3A_1263 : i32 to index
      %get3A_1284 = arith.constant 16 : index
      %get3A_1285 = tpu.vector_load %arg16[%get3A_1283, %get3A_1284] {strides = array<i32>} : memref<128x64xf32, #tpu.memory_space<vmem>>, vector<16xf32>,
      %add3A_1286 = arith.addf %get3A_1282, %get3A_1285 : vector<16xf32>
      %get3A_1287 = arith.index_cast %add3A_1263 : i32 to index
      %get3A_1288 = arith.constant 16 : index
      %get3A_1289 = tpu.vector_load %arg17[%get3A_1287, %get3A_1288] {strides = array<i32>} : memref<128x64xf32, #tpu.memory_space<vmem>>, vector<16xf32>,
      %get3A_1290 = arith.index_cast %add3A_1263 : i32 to index
      %get3A_1291 = arith.constant 16 : index
      %get3A_1292 = tpu.vector_load %arg18[%get3A_1290, %get3A_1291] {strides = array<i32>} : memref<128x64xf32, #tpu.memory_space<vmem>>, vector<16xf32>,
      %add3A_1293 = arith.addf %get3A_1289, %get3A_1292 : vector<16xf32>
      %add3A_1294 = arith.addf %add3A_1286, %add3A_1293 : vector<16xf32>
      tpu.vector_store_idx %arg23[%add3A_43, %broadcast_in_dim3A_1264], %add3A_1294 : memref<64x133xf32, #tpu.memory_space<vmem>>[vector<16xi32>, vector<16xi32>], vector<16xf32>,
      %get3A_1295 = arith.index_cast %add3A_1263 : i32 to index
      %get3A_1296 = arith.constant 32 : index
      %get3A_1297 = tpu.vector_load %arg15[%get3A_1295, %get3A_1296] {strides = array<i32>} : memref<128x64xf32, #tpu.memory_space<vmem>>, vector<16xf32>,
      %get3A_1298 = arith.index_cast %add3A_1263 : i32 to index
      %get3A_1299 = arith.constant 32 : index
      %get3A_1300 = tpu.vector_load %arg16[%get3A_1298, %get3A_1299] {strides = array<i32>} : memref<128x64xf32, #tpu.memory_space<vmem>>, vector<16xf32>,
      %add3A_1301 = arith.addf %get3A_1297, %get3A_1300 : vector<16xf32>
      %get3A_1302 = arith.index_cast %add3A_1263 : i32 to index
      %get3A_1303 = arith.constant 32 : index
      %get3A_1304 = tpu.vector_load %arg17[%get3A_1302, %get3A_1303] {strides = array<i32>} : memref<128x64xf32, #tpu.memory_space<vmem>>, vector<16xf32>,
      %get3A_1305 = arith.index_cast %add3A_1263 : i32 to index
      %get3A_1306 = arith.constant 32 : index
      %get3A_1307 = tpu.vector_load %arg18[%get3A_1305, %get3A_1306] {strides = array<i32>} : memref<128x64xf32, #tpu.memory_space<vmem>>, vector<16xf32>,
      %add3A_1308 = arith.addf %get3A_1304, %get3A_1307 : vector<16xf32>
      %add3A_1309 = arith.addf %add3A_1301, %add3A_1308 : vector<16xf32>
      tpu.vector_store_idx %arg23[%add3A_47, %broadcast_in_dim3A_1264], %add3A_1309 : memref<64x133xf32, #tpu.memory_space<vmem>>[vector<16xi32>, vector<16xi32>], vector<16xf32>,
      %get3A_1310 = arith.index_cast %add3A_1263 : i32 to index
      %get3A_1311 = arith.constant 48 : index
      %get3A_1312 = tpu.vector_load %arg15[%get3A_1310, %get3A_1311] {strides = array<i32>} : memref<128x64xf32, #tpu.memory_space<vmem>>, vector<16xf32>,
      %get3A_1313 = arith.index_cast %add3A_1263 : i32 to index
      %get3A_1314 = arith.constant 48 : index
      %get3A_1315 = tpu.vector_load %arg16[%get3A_1313, %get3A_1314] {strides = array<i32>} : memref<128x64xf32, #tpu.memory_space<vmem>>, vector<16xf32>,
      %add3A_1316 = arith.addf %get3A_1312, %get3A_1315 : vector<16xf32>
      %get3A_1317 = arith.index_cast %add3A_1263 : i32 to index
      %get3A_1318 = arith.constant 48 : index
      %get3A_1319 = tpu.vector_load %arg17[%get3A_1317, %get3A_1318] {strides = array<i32>} : memref<128x64xf32, #tpu.memory_space<vmem>>, vector<16xf32>,
      %get3A_1320 = arith.index_cast %add3A_1263 : i32 to index
      %get3A_1321 = arith.constant 48 : index
      %get3A_1322 = tpu.vector_load %arg18[%get3A_1320, %get3A_1321] {strides = array<i32>} : memref<128x64xf32, #tpu.memory_space<vmem>>, vector<16xf32>,
      %add3A_1323 = arith.addf %get3A_1319, %get3A_1322 : vector<16xf32>
      %add3A_1324 = arith.addf %add3A_1316, %add3A_1323 : vector<16xf32>
      tpu.vector_store_idx %arg23[%add3A_51, %broadcast_in_dim3A_1264], %add3A_1324 : memref<64x133xf32, #tpu.memory_space<vmem>>[vector<16xi32>, vector<16xi32>], vector<16xf32>,
      %scan3A_1325 = arith.constant 0 : i32
      scf.yield %scan3A_1325 : i32
    }
    %scan3A_559 = arith.constant 64 : i32
    %mul3A_560 = arith.constant 4 : i32
    %mul3A_561 = arith.muli %add3A, %mul3A_560 : i32
    %add3A_562 = arith.constant 2 : i32
    %add3A_563 = arith.addi %mul3A_561, %add3A_562 : i32
    %dma_start3A_564 = arith.constant 0 : i32
    %dma_start3A_565 = arith.constant 0 : i32
    %dma_start3A_566 = arith.constant 0 : i32
    %dma_start3A_567 = tpu.memref_slice %arg23[%dma_start3A_565, %dma_start3A_566] : memref<64x133xf32, #tpu.memory_space<vmem>> -> memref<8x128xf32, #tpu.memory_space<vmem>>
    %dma_start3A_568 = arith.constant 0 : i32
    %dma_start3A_569 = arith.constant 0 : i32
    %dma_start3A_570 = tpu.memref_slice %arg10[%dma_start3A_564, %add3A_563, %dma_start3A_568, %dma_start3A_569] : memref<8x128x8x128xf32, #tpu.memory_space<hbm>> -> memref<1x1x8x128xf32, #tpu.memory_space<hbm>>
    %dma_start3A_571 = tpu.memref_squeeze %dma_start3A_570 : memref<1x1x8x128xf32, #tpu.memory_space<hbm>> -> memref<8x128xf32, #tpu.memory_space<hbm>>
    %dma_start3A_572 = arith.constant 0 : i32
    %dma_start3A_573 = arith.constant 0 : i32
    %dma_start3A_574 = tpu.memref_slice %arg10[%dma_start3A_564, %add3A_563, %dma_start3A_572, %dma_start3A_573] : memref<8x128x8x128xf32, #tpu.memory_space<hbm>> -> memref<1x1x8x128xf32, #tpu.memory_space<hbm>>
    %dma_start3A_575 = tpu.memref_squeeze %dma_start3A_574 : memref<1x1x8x128xf32, #tpu.memory_space<hbm>> -> memref<8x128xf32, #tpu.memory_space<hbm>>
    %dma_start3A_576 = arith.constant 0 : i32
    %dma_start3A_577 = arith.constant 0 : i32
    %dma_start3A_578 = tpu.memref_slice %arg23[%dma_start3A_576, %dma_start3A_577] : memref<64x133xf32, #tpu.memory_space<vmem>> -> memref<8x128xf32, #tpu.memory_space<vmem>>
    tpu.enqueue_dma source(%dma_start3A_578 : memref<8x128xf32, #tpu.memory_space<vmem>>) target(%dma_start3A_575 : memref<8x128xf32, #tpu.memory_space<hbm>>) target_semaphore(%arg26 : memref<!tpu.dma_semaphore, #tpu.memory_space<semaphore_mem>>)
    %dma_start3A_579 = arith.constant 1 : i32
    %dma_start3A_580 = arith.constant 8 : i32
    %dma_start3A_581 = arith.constant 0 : i32
    %dma_start3A_582 = tpu.memref_slice %arg23[%dma_start3A_580, %dma_start3A_581] : memref<64x133xf32, #tpu.memory_space<vmem>> -> memref<8x128xf32, #tpu.memory_space<vmem>>
    %dma_start3A_583 = arith.constant 0 : i32
    %dma_start3A_584 = arith.constant 0 : i32
    %dma_start3A_585 = tpu.memref_slice %arg10[%dma_start3A_579, %add3A_563, %dma_start3A_583, %dma_start3A_584] : memref<8x128x8x128xf32, #tpu.memory_space<hbm>> -> memref<1x1x8x128xf32, #tpu.memory_space<hbm>>
    %dma_start3A_586 = tpu.memref_squeeze %dma_start3A_585 : memref<1x1x8x128xf32, #tpu.memory_space<hbm>> -> memref<8x128xf32, #tpu.memory_space<hbm>>
    %dma_start3A_587 = arith.constant 0 : i32
    %dma_start3A_588 = arith.constant 0 : i32
    %dma_start3A_589 = tpu.memref_slice %arg10[%dma_start3A_579, %add3A_563, %dma_start3A_587, %dma_start3A_588] : memref<8x128x8x128xf32, #tpu.memory_space<hbm>> -> memref<1x1x8x128xf32, #tpu.memory_space<hbm>>
    %dma_start3A_590 = tpu.memref_squeeze %dma_start3A_589 : memref<1x1x8x128xf32, #tpu.memory_space<hbm>> -> memref<8x128xf32, #tpu.memory_space<hbm>>
    %dma_start3A_591 = arith.constant 8 : i32
    %dma_start3A_592 = arith.constant 0 : i32
    %dma_start3A_593 = tpu.memref_slice %arg23[%dma_start3A_591, %dma_start3A_592] : memref<64x133xf32, #tpu.memory_space<vmem>> -> memref<8x128xf32, #tpu.memory_space<vmem>>
    tpu.enqueue_dma source(%dma_start3A_593 : memref<8x128xf32, #tpu.memory_space<vmem>>) target(%dma_start3A_590 : memref<8x128xf32, #tpu.memory_space<hbm>>) target_semaphore(%arg26 : memref<!tpu.dma_semaphore, #tpu.memory_space<semaphore_mem>>)
    %dma_start3A_594 = arith.constant 2 : i32
    %dma_start3A_595 = arith.constant 16 : i32
    %dma_start3A_596 = arith.constant 0 : i32
    %dma_start3A_597 = tpu.memref_slice %arg23[%dma_start3A_595, %dma_start3A_596] : memref<64x133xf32, #tpu.memory_space<vmem>> -> memref<8x128xf32, #tpu.memory_space<vmem>>
    %dma_start3A_598 = arith.constant 0 : i32
    %dma_start3A_599 = arith.constant 0 : i32
    %dma_start3A_600 = tpu.memref_slice %arg10[%dma_start3A_594, %add3A_563, %dma_start3A_598, %dma_start3A_599] : memref<8x128x8x128xf32, #tpu.memory_space<hbm>> -> memref<1x1x8x128xf32, #tpu.memory_space<hbm>>
    %dma_start3A_601 = tpu.memref_squeeze %dma_start3A_600 : memref<1x1x8x128xf32, #tpu.memory_space<hbm>> -> memref<8x128xf32, #tpu.memory_space<hbm>>
    %dma_start3A_602 = arith.constant 0 : i32
    %dma_start3A_603 = arith.constant 0 : i32
    %dma_start3A_604 = tpu.memref_slice %arg10[%dma_start3A_594, %add3A_563, %dma_start3A_602, %dma_start3A_603] : memref<8x128x8x128xf32, #tpu.memory_space<hbm>> -> memref<1x1x8x128xf32, #tpu.memory_space<hbm>>
    %dma_start3A_605 = tpu.memref_squeeze %dma_start3A_604 : memref<1x1x8x128xf32, #tpu.memory_space<hbm>> -> memref<8x128xf32, #tpu.memory_space<hbm>>
    %dma_start3A_606 = arith.constant 16 : i32
    %dma_start3A_607 = arith.constant 0 : i32
    %dma_start3A_608 = tpu.memref_slice %arg23[%dma_start3A_606, %dma_start3A_607] : memref<64x133xf32, #tpu.memory_space<vmem>> -> memref<8x128xf32, #tpu.memory_space<vmem>>
    tpu.enqueue_dma source(%dma_start3A_608 : memref<8x128xf32, #tpu.memory_space<vmem>>) target(%dma_start3A_605 : memref<8x128xf32, #tpu.memory_space<hbm>>) target_semaphore(%arg26 : memref<!tpu.dma_semaphore, #tpu.memory_space<semaphore_mem>>)
    %dma_start3A_609 = arith.constant 3 : i32
    %dma_start3A_610 = arith.constant 24 : i32
    %dma_start3A_611 = arith.constant 0 : i32
    %dma_start3A_612 = tpu.memref_slice %arg23[%dma_start3A_610, %dma_start3A_611] : memref<64x133xf32, #tpu.memory_space<vmem>> -> memref<8x128xf32, #tpu.memory_space<vmem>>
    %dma_start3A_613 = arith.constant 0 : i32
    %dma_start3A_614 = arith.constant 0 : i32
    %dma_start3A_615 = tpu.memref_slice %arg10[%dma_start3A_609, %add3A_563, %dma_start3A_613, %dma_start3A_614] : memref<8x128x8x128xf32, #tpu.memory_space<hbm>> -> memref<1x1x8x128xf32, #tpu.memory_space<hbm>>
    %dma_start3A_616 = tpu.memref_squeeze %dma_start3A_615 : memref<1x1x8x128xf32, #tpu.memory_space<hbm>> -> memref<8x128xf32, #tpu.memory_space<hbm>>
    %dma_start3A_617 = arith.constant 0 : i32
    %dma_start3A_618 = arith.constant 0 : i32
    %dma_start3A_619 = tpu.memref_slice %arg10[%dma_start3A_609, %add3A_563, %dma_start3A_617, %dma_start3A_618] : memref<8x128x8x128xf32, #tpu.memory_space<hbm>> -> memref<1x1x8x128xf32, #tpu.memory_space<hbm>>
    %dma_start3A_620 = tpu.memref_squeeze %dma_start3A_619 : memref<1x1x8x128xf32, #tpu.memory_space<hbm>> -> memref<8x128xf32, #tpu.memory_space<hbm>>
    %dma_start3A_621 = arith.constant 24 : i32
    %dma_start3A_622 = arith.constant 0 : i32
    %dma_start3A_623 = tpu.memref_slice %arg23[%dma_start3A_621, %dma_start3A_622] : memref<64x133xf32, #tpu.memory_space<vmem>> -> memref<8x128xf32, #tpu.memory_space<vmem>>
    tpu.enqueue_dma source(%dma_start3A_623 : memref<8x128xf32, #tpu.memory_space<vmem>>) target(%dma_start3A_620 : memref<8x128xf32, #tpu.memory_space<hbm>>) target_semaphore(%arg26 : memref<!tpu.dma_semaphore, #tpu.memory_space<semaphore_mem>>)
    %dma_start3A_624 = arith.constant 4 : i32
    %dma_start3A_625 = arith.constant 32 : i32
    %dma_start3A_626 = arith.constant 0 : i32
    %dma_start3A_627 = tpu.memref_slice %arg23[%dma_start3A_625, %dma_start3A_626] : memref<64x133xf32, #tpu.memory_space<vmem>> -> memref<8x128xf32, #tpu.memory_space<vmem>>
    %dma_start3A_628 = arith.constant 0 : i32
    %dma_start3A_629 = arith.constant 0 : i32
    %dma_start3A_630 = tpu.memref_slice %arg10[%dma_start3A_624, %add3A_563, %dma_start3A_628, %dma_start3A_629] : memref<8x128x8x128xf32, #tpu.memory_space<hbm>> -> memref<1x1x8x128xf32, #tpu.memory_space<hbm>>
    %dma_start3A_631 = tpu.memref_squeeze %dma_start3A_630 : memref<1x1x8x128xf32, #tpu.memory_space<hbm>> -> memref<8x128xf32, #tpu.memory_space<hbm>>
    %dma_start3A_632 = arith.constant 0 : i32
    %dma_start3A_633 = arith.constant 0 : i32
    %dma_start3A_634 = tpu.memref_slice %arg10[%dma_start3A_624, %add3A_563, %dma_start3A_632, %dma_start3A_633] : memref<8x128x8x128xf32, #tpu.memory_space<hbm>> -> memref<1x1x8x128xf32, #tpu.memory_space<hbm>>
    %dma_start3A_635 = tpu.memref_squeeze %dma_start3A_634 : memref<1x1x8x128xf32, #tpu.memory_space<hbm>> -> memref<8x128xf32, #tpu.memory_space<hbm>>
    %dma_start3A_636 = arith.constant 32 : i32
    %dma_start3A_637 = arith.constant 0 : i32
    %dma_start3A_638 = tpu.memref_slice %arg23[%dma_start3A_636, %dma_start3A_637] : memref<64x133xf32, #tpu.memory_space<vmem>> -> memref<8x128xf32, #tpu.memory_space<vmem>>
    tpu.enqueue_dma source(%dma_start3A_638 : memref<8x128xf32, #tpu.memory_space<vmem>>) target(%dma_start3A_635 : memref<8x128xf32, #tpu.memory_space<hbm>>) target_semaphore(%arg26 : memref<!tpu.dma_semaphore, #tpu.memory_space<semaphore_mem>>)
    %dma_start3A_639 = arith.constant 5 : i32
    %dma_start3A_640 = arith.constant 40 : i32
    %dma_start3A_641 = arith.constant 0 : i32
    %dma_start3A_642 = tpu.memref_slice %arg23[%dma_start3A_640, %dma_start3A_641] : memref<64x133xf32, #tpu.memory_space<vmem>> -> memref<8x128xf32, #tpu.memory_space<vmem>>
    %dma_start3A_643 = arith.constant 0 : i32
    %dma_start3A_644 = arith.constant 0 : i32
    %dma_start3A_645 = tpu.memref_slice %arg10[%dma_start3A_639, %add3A_563, %dma_start3A_643, %dma_start3A_644] : memref<8x128x8x128xf32, #tpu.memory_space<hbm>> -> memref<1x1x8x128xf32, #tpu.memory_space<hbm>>
    %dma_start3A_646 = tpu.memref_squeeze %dma_start3A_645 : memref<1x1x8x128xf32, #tpu.memory_space<hbm>> -> memref<8x128xf32, #tpu.memory_space<hbm>>
    %dma_start3A_647 = arith.constant 0 : i32
    %dma_start3A_648 = arith.constant 0 : i32
    %dma_start3A_649 = tpu.memref_slice %arg10[%dma_start3A_639, %add3A_563, %dma_start3A_647, %dma_start3A_648] : memref<8x128x8x128xf32, #tpu.memory_space<hbm>> -> memref<1x1x8x128xf32, #tpu.memory_space<hbm>>
    %dma_start3A_650 = tpu.memref_squeeze %dma_start3A_649 : memref<1x1x8x128xf32, #tpu.memory_space<hbm>> -> memref<8x128xf32, #tpu.memory_space<hbm>>
    %dma_start3A_651 = arith.constant 40 : i32
    %dma_start3A_652 = arith.constant 0 : i32
    %dma_start3A_653 = tpu.memref_slice %arg23[%dma_start3A_651, %dma_start3A_652] : memref<64x133xf32, #tpu.memory_space<vmem>> -> memref<8x128xf32, #tpu.memory_space<vmem>>
    tpu.enqueue_dma source(%dma_start3A_653 : memref<8x128xf32, #tpu.memory_space<vmem>>) target(%dma_start3A_650 : memref<8x128xf32, #tpu.memory_space<hbm>>) target_semaphore(%arg26 : memref<!tpu.dma_semaphore, #tpu.memory_space<semaphore_mem>>)
    %dma_start3A_654 = arith.constant 6 : i32
    %dma_start3A_655 = arith.constant 48 : i32
    %dma_start3A_656 = arith.constant 0 : i32
    %dma_start3A_657 = tpu.memref_slice %arg23[%dma_start3A_655, %dma_start3A_656] : memref<64x133xf32, #tpu.memory_space<vmem>> -> memref<8x128xf32, #tpu.memory_space<vmem>>
    %dma_start3A_658 = arith.constant 0 : i32
    %dma_start3A_659 = arith.constant 0 : i32
    %dma_start3A_660 = tpu.memref_slice %arg10[%dma_start3A_654, %add3A_563, %dma_start3A_658, %dma_start3A_659] : memref<8x128x8x128xf32, #tpu.memory_space<hbm>> -> memref<1x1x8x128xf32, #tpu.memory_space<hbm>>
    %dma_start3A_661 = tpu.memref_squeeze %dma_start3A_660 : memref<1x1x8x128xf32, #tpu.memory_space<hbm>> -> memref<8x128xf32, #tpu.memory_space<hbm>>
    %dma_start3A_662 = arith.constant 0 : i32
    %dma_start3A_663 = arith.constant 0 : i32
    %dma_start3A_664 = tpu.memref_slice %arg10[%dma_start3A_654, %add3A_563, %dma_start3A_662, %dma_start3A_663] : memref<8x128x8x128xf32, #tpu.memory_space<hbm>> -> memref<1x1x8x128xf32, #tpu.memory_space<hbm>>
    %dma_start3A_665 = tpu.memref_squeeze %dma_start3A_664 : memref<1x1x8x128xf32, #tpu.memory_space<hbm>> -> memref<8x128xf32, #tpu.memory_space<hbm>>
    %dma_start3A_666 = arith.constant 48 : i32
    %dma_start3A_667 = arith.constant 0 : i32
    %dma_start3A_668 = tpu.memref_slice %arg23[%dma_start3A_666, %dma_start3A_667] : memref<64x133xf32, #tpu.memory_space<vmem>> -> memref<8x128xf32, #tpu.memory_space<vmem>>
    tpu.enqueue_dma source(%dma_start3A_668 : memref<8x128xf32, #tpu.memory_space<vmem>>) target(%dma_start3A_665 : memref<8x128xf32, #tpu.memory_space<hbm>>) target_semaphore(%arg26 : memref<!tpu.dma_semaphore, #tpu.memory_space<semaphore_mem>>)
    %dma_start3A_669 = arith.constant 7 : i32
    %dma_start3A_670 = arith.constant 56 : i32
    %dma_start3A_671 = arith.constant 0 : i32
    %dma_start3A_672 = tpu.memref_slice %arg23[%dma_start3A_670, %dma_start3A_671] : memref<64x133xf32, #tpu.memory_space<vmem>> -> memref<8x128xf32, #tpu.memory_space<vmem>>
    %dma_start3A_673 = arith.constant 0 : i32
    %dma_start3A_674 = arith.constant 0 : i32
    %dma_start3A_675 = tpu.memref_slice %arg10[%dma_start3A_669, %add3A_563, %dma_start3A_673, %dma_start3A_674] : memref<8x128x8x128xf32, #tpu.memory_space<hbm>> -> memref<1x1x8x128xf32, #tpu.memory_space<hbm>>
    %dma_start3A_676 = tpu.memref_squeeze %dma_start3A_675 : memref<1x1x8x128xf32, #tpu.memory_space<hbm>> -> memref<8x128xf32, #tpu.memory_space<hbm>>
    %dma_start3A_677 = arith.constant 0 : i32
    %dma_start3A_678 = arith.constant 0 : i32
    %dma_start3A_679 = tpu.memref_slice %arg10[%dma_start3A_669, %add3A_563, %dma_start3A_677, %dma_start3A_678] : memref<8x128x8x128xf32, #tpu.memory_space<hbm>> -> memref<1x1x8x128xf32, #tpu.memory_space<hbm>>
    %dma_start3A_680 = tpu.memref_squeeze %dma_start3A_679 : memref<1x1x8x128xf32, #tpu.memory_space<hbm>> -> memref<8x128xf32, #tpu.memory_space<hbm>>
    %dma_start3A_681 = arith.constant 56 : i32
    %dma_start3A_682 = arith.constant 0 : i32
    %dma_start3A_683 = tpu.memref_slice %arg23[%dma_start3A_681, %dma_start3A_682] : memref<64x133xf32, #tpu.memory_space<vmem>> -> memref<8x128xf32, #tpu.memory_space<vmem>>
    tpu.enqueue_dma source(%dma_start3A_683 : memref<8x128xf32, #tpu.memory_space<vmem>>) target(%dma_start3A_680 : memref<8x128xf32, #tpu.memory_space<hbm>>) target_semaphore(%arg26 : memref<!tpu.dma_semaphore, #tpu.memory_space<semaphore_mem>>)
    %dma_wait3A_684 = arith.constant 384 : i32
    %dma_wait3A_685 = tpu.memref_slice %arg11[%dma_wait3A_684] : memref<512xi32, #tpu.memory_space<vmem>> -> memref<128xi32, #tpu.memory_space<vmem>>
    %dma_wait3A_686 = arith.constant 0 : i32
    %dma_wait3A_687 = arith.constant 0 : i32
    %dma_wait3A_688 = tpu.memref_slice %arg2[%dma_wait3A_686, %dma_wait3A_687] : memref<1000x64xf32, #tpu.memory_space<hbm>> -> memref<1000x64xf32, #tpu.memory_space<hbm>>
    tpu.wait_indirect_dma semaphore(%arg25 : memref<!tpu.dma_semaphore, #tpu.memory_space<semaphore_mem>>) src(%dma_wait3A_688 : memref<1000x64xf32, #tpu.memory_space<hbm>>) dst(%arg19 : memref<128x64xf32, #tpu.memory_space<vmem>>)
    %dma_wait3A_689 = arith.constant 384 : i32
    %dma_wait3A_690 = tpu.memref_slice %arg12[%dma_wait3A_689] : memref<512xi32, #tpu.memory_space<vmem>> -> memref<128xi32, #tpu.memory_space<vmem>>
    %dma_wait3A_691 = arith.constant 0 : i32
    %dma_wait3A_692 = arith.constant 0 : i32
    %dma_wait3A_693 = tpu.memref_slice %arg3[%dma_wait3A_691, %dma_wait3A_692] : memref<100000x64xf32, #tpu.memory_space<hbm>> -> memref<100000x64xf32, #tpu.memory_space<hbm>>
    tpu.wait_indirect_dma semaphore(%arg25 : memref<!tpu.dma_semaphore, #tpu.memory_space<semaphore_mem>>) src(%dma_wait3A_693 : memref<100000x64xf32, #tpu.memory_space<hbm>>) dst(%arg20 : memref<128x64xf32, #tpu.memory_space<vmem>>)
    %dma_wait3A_694 = arith.constant 384 : i32
    %dma_wait3A_695 = tpu.memref_slice %arg13[%dma_wait3A_694] : memref<512xi32, #tpu.memory_space<vmem>> -> memref<128xi32, #tpu.memory_space<vmem>>
    %dma_wait3A_696 = arith.constant 0 : i32
    %dma_wait3A_697 = arith.constant 0 : i32
    %dma_wait3A_698 = tpu.memref_slice %arg4[%dma_wait3A_696, %dma_wait3A_697] : memref<1000x64xf32, #tpu.memory_space<hbm>> -> memref<1000x64xf32, #tpu.memory_space<hbm>>
    tpu.wait_indirect_dma semaphore(%arg25 : memref<!tpu.dma_semaphore, #tpu.memory_space<semaphore_mem>>) src(%dma_wait3A_698 : memref<1000x64xf32, #tpu.memory_space<hbm>>) dst(%arg21 : memref<128x64xf32, #tpu.memory_space<vmem>>)
    %dma_wait3A_699 = arith.constant 384 : i32
    %dma_wait3A_700 = tpu.memref_slice %arg14[%dma_wait3A_699] : memref<512xi32, #tpu.memory_space<vmem>> -> memref<128xi32, #tpu.memory_space<vmem>>
    %dma_wait3A_701 = arith.constant 0 : i32
    %dma_wait3A_702 = arith.constant 0 : i32
    %dma_wait3A_703 = tpu.memref_slice %arg5[%dma_wait3A_701, %dma_wait3A_702] : memref<1000x64xf32, #tpu.memory_space<hbm>> -> memref<1000x64xf32, #tpu.memory_space<hbm>>
    tpu.wait_indirect_dma semaphore(%arg25 : memref<!tpu.dma_semaphore, #tpu.memory_space<semaphore_mem>>) src(%dma_wait3A_703 : memref<1000x64xf32, #tpu.memory_space<hbm>>) dst(%arg22 : memref<128x64xf32, #tpu.memory_space<vmem>>)
    %dma_wait3A_704 = arith.constant 0 : i32
    %dma_wait3A_705 = arith.constant 0 : i32
    %dma_wait3A_706 = arith.constant 0 : i32
    %dma_wait3A_707 = tpu.memref_slice %arg24[%dma_wait3A_705, %dma_wait3A_706] : memref<64x133xf32, #tpu.memory_space<vmem>> -> memref<8x128xf32, #tpu.memory_space<vmem>>
    %dma_wait3A_708 = arith.constant 0 : i32
    %dma_wait3A_709 = arith.constant 0 : i32
    %dma_wait3A_710 = tpu.memref_slice %arg10[%dma_wait3A_704, %add3A_272, %dma_wait3A_708, %dma_wait3A_709] : memref<8x128x8x128xf32, #tpu.memory_space<hbm>> -> memref<1x1x8x128xf32, #tpu.memory_space<hbm>>
    %dma_wait3A_711 = tpu.memref_squeeze %dma_wait3A_710 : memref<1x1x8x128xf32, #tpu.memory_space<hbm>> -> memref<8x128xf32, #tpu.memory_space<hbm>>
    %dma_wait3A_712 = arith.constant 0 : i32
    %dma_wait3A_713 = arith.constant 0 : i32
    %dma_wait3A_714 = tpu.memref_slice %arg10[%dma_wait3A_704, %add3A_272, %dma_wait3A_712, %dma_wait3A_713] : memref<8x128x8x128xf32, #tpu.memory_space<hbm>> -> memref<1x1x8x128xf32, #tpu.memory_space<hbm>>
    %dma_wait3A_715 = tpu.memref_squeeze %dma_wait3A_714 : memref<1x1x8x128xf32, #tpu.memory_space<hbm>> -> memref<8x128xf32, #tpu.memory_space<hbm>>
    %dma_wait3A_716 = arith.constant 0 : i32
    %dma_wait3A_717 = arith.constant 0 : i32
    %dma_wait3A_718 = tpu.memref_slice %arg24[%dma_wait3A_716, %dma_wait3A_717] : memref<64x133xf32, #tpu.memory_space<vmem>> -> memref<8x128xf32, #tpu.memory_space<vmem>>
    tpu.wait_dma2 semaphore(%arg26 : memref<!tpu.dma_semaphore, #tpu.memory_space<semaphore_mem>>) src(%dma_wait3A_718 : memref<8x128xf32, #tpu.memory_space<vmem>>) dst(%dma_wait3A_715 : memref<8x128xf32, #tpu.memory_space<hbm>>)
    %dma_wait3A_719 = arith.constant 1 : i32
    %dma_wait3A_720 = arith.constant 8 : i32
    %dma_wait3A_721 = arith.constant 0 : i32
    %dma_wait3A_722 = tpu.memref_slice %arg24[%dma_wait3A_720, %dma_wait3A_721] : memref<64x133xf32, #tpu.memory_space<vmem>> -> memref<8x128xf32, #tpu.memory_space<vmem>>
    %dma_wait3A_723 = arith.constant 0 : i32
    %dma_wait3A_724 = arith.constant 0 : i32
    %dma_wait3A_725 = tpu.memref_slice %arg10[%dma_wait3A_719, %add3A_272, %dma_wait3A_723, %dma_wait3A_724] : memref<8x128x8x128xf32, #tpu.memory_space<hbm>> -> memref<1x1x8x128xf32, #tpu.memory_space<hbm>>
    %dma_wait3A_726 = tpu.memref_squeeze %dma_wait3A_725 : memref<1x1x8x128xf32, #tpu.memory_space<hbm>> -> memref<8x128xf32, #tpu.memory_space<hbm>>
    %dma_wait3A_727 = arith.constant 0 : i32
    %dma_wait3A_728 = arith.constant 0 : i32
    %dma_wait3A_729 = tpu.memref_slice %arg10[%dma_wait3A_719, %add3A_272, %dma_wait3A_727, %dma_wait3A_728] : memref<8x128x8x128xf32, #tpu.memory_space<hbm>> -> memref<1x1x8x128xf32, #tpu.memory_space<hbm>>
    %dma_wait3A_730 = tpu.memref_squeeze %dma_wait3A_729 : memref<1x1x8x128xf32, #tpu.memory_space<hbm>> -> memref<8x128xf32, #tpu.memory_space<hbm>>
    %dma_wait3A_731 = arith.constant 8 : i32
    %dma_wait3A_732 = arith.constant 0 : i32
    %dma_wait3A_733 = tpu.memref_slice %arg24[%dma_wait3A_731, %dma_wait3A_732] : memref<64x133xf32, #tpu.memory_space<vmem>> -> memref<8x128xf32, #tpu.memory_space<vmem>>
    tpu.wait_dma2 semaphore(%arg26 : memref<!tpu.dma_semaphore, #tpu.memory_space<semaphore_mem>>) src(%dma_wait3A_733 : memref<8x128xf32, #tpu.memory_space<vmem>>) dst(%dma_wait3A_730 : memref<8x128xf32, #tpu.memory_space<hbm>>)
    %dma_wait3A_734 = arith.constant 2 : i32
    %dma_wait3A_735 = arith.constant 16 : i32
    %dma_wait3A_736 = arith.constant 0 : i32
    %dma_wait3A_737 = tpu.memref_slice %arg24[%dma_wait3A_735, %dma_wait3A_736] : memref<64x133xf32, #tpu.memory_space<vmem>> -> memref<8x128xf32, #tpu.memory_space<vmem>>
    %dma_wait3A_738 = arith.constant 0 : i32
    %dma_wait3A_739 = arith.constant 0 : i32
    %dma_wait3A_740 = tpu.memref_slice %arg10[%dma_wait3A_734, %add3A_272, %dma_wait3A_738, %dma_wait3A_739] : memref<8x128x8x128xf32, #tpu.memory_space<hbm>> -> memref<1x1x8x128xf32, #tpu.memory_space<hbm>>
    %dma_wait3A_741 = tpu.memref_squeeze %dma_wait3A_740 : memref<1x1x8x128xf32, #tpu.memory_space<hbm>> -> memref<8x128xf32, #tpu.memory_space<hbm>>
    %dma_wait3A_742 = arith.constant 0 : i32
    %dma_wait3A_743 = arith.constant 0 : i32
    %dma_wait3A_744 = tpu.memref_slice %arg10[%dma_wait3A_734, %add3A_272, %dma_wait3A_742, %dma_wait3A_743] : memref<8x128x8x128xf32, #tpu.memory_space<hbm>> -> memref<1x1x8x128xf32, #tpu.memory_space<hbm>>
    %dma_wait3A_745 = tpu.memref_squeeze %dma_wait3A_744 : memref<1x1x8x128xf32, #tpu.memory_space<hbm>> -> memref<8x128xf32, #tpu.memory_space<hbm>>
    %dma_wait3A_746 = arith.constant 16 : i32
    %dma_wait3A_747 = arith.constant 0 : i32
    %dma_wait3A_748 = tpu.memref_slice %arg24[%dma_wait3A_746, %dma_wait3A_747] : memref<64x133xf32, #tpu.memory_space<vmem>> -> memref<8x128xf32, #tpu.memory_space<vmem>>
    tpu.wait_dma2 semaphore(%arg26 : memref<!tpu.dma_semaphore, #tpu.memory_space<semaphore_mem>>) src(%dma_wait3A_748 : memref<8x128xf32, #tpu.memory_space<vmem>>) dst(%dma_wait3A_745 : memref<8x128xf32, #tpu.memory_space<hbm>>)
    %dma_wait3A_749 = arith.constant 3 : i32
    %dma_wait3A_750 = arith.constant 24 : i32
    %dma_wait3A_751 = arith.constant 0 : i32
    %dma_wait3A_752 = tpu.memref_slice %arg24[%dma_wait3A_750, %dma_wait3A_751] : memref<64x133xf32, #tpu.memory_space<vmem>> -> memref<8x128xf32, #tpu.memory_space<vmem>>
    %dma_wait3A_753 = arith.constant 0 : i32
    %dma_wait3A_754 = arith.constant 0 : i32
    %dma_wait3A_755 = tpu.memref_slice %arg10[%dma_wait3A_749, %add3A_272, %dma_wait3A_753, %dma_wait3A_754] : memref<8x128x8x128xf32, #tpu.memory_space<hbm>> -> memref<1x1x8x128xf32, #tpu.memory_space<hbm>>
    %dma_wait3A_756 = tpu.memref_squeeze %dma_wait3A_755 : memref<1x1x8x128xf32, #tpu.memory_space<hbm>> -> memref<8x128xf32, #tpu.memory_space<hbm>>
    %dma_wait3A_757 = arith.constant 0 : i32
    %dma_wait3A_758 = arith.constant 0 : i32
    %dma_wait3A_759 = tpu.memref_slice %arg10[%dma_wait3A_749, %add3A_272, %dma_wait3A_757, %dma_wait3A_758] : memref<8x128x8x128xf32, #tpu.memory_space<hbm>> -> memref<1x1x8x128xf32, #tpu.memory_space<hbm>>
    %dma_wait3A_760 = tpu.memref_squeeze %dma_wait3A_759 : memref<1x1x8x128xf32, #tpu.memory_space<hbm>> -> memref<8x128xf32, #tpu.memory_space<hbm>>
    %dma_wait3A_761 = arith.constant 24 : i32
    %dma_wait3A_762 = arith.constant 0 : i32
    %dma_wait3A_763 = tpu.memref_slice %arg24[%dma_wait3A_761, %dma_wait3A_762] : memref<64x133xf32, #tpu.memory_space<vmem>> -> memref<8x128xf32, #tpu.memory_space<vmem>>
    tpu.wait_dma2 semaphore(%arg26 : memref<!tpu.dma_semaphore, #tpu.memory_space<semaphore_mem>>) src(%dma_wait3A_763 : memref<8x128xf32, #tpu.memory_space<vmem>>) dst(%dma_wait3A_760 : memref<8x128xf32, #tpu.memory_space<hbm>>)
    %dma_wait3A_764 = arith.constant 4 : i32
    %dma_wait3A_765 = arith.constant 32 : i32
    %dma_wait3A_766 = arith.constant 0 : i32
    %dma_wait3A_767 = tpu.memref_slice %arg24[%dma_wait3A_765, %dma_wait3A_766] : memref<64x133xf32, #tpu.memory_space<vmem>> -> memref<8x128xf32, #tpu.memory_space<vmem>>
    %dma_wait3A_768 = arith.constant 0 : i32
    %dma_wait3A_769 = arith.constant 0 : i32
    %dma_wait3A_770 = tpu.memref_slice %arg10[%dma_wait3A_764, %add3A_272, %dma_wait3A_768, %dma_wait3A_769] : memref<8x128x8x128xf32, #tpu.memory_space<hbm>> -> memref<1x1x8x128xf32, #tpu.memory_space<hbm>>
    %dma_wait3A_771 = tpu.memref_squeeze %dma_wait3A_770 : memref<1x1x8x128xf32, #tpu.memory_space<hbm>> -> memref<8x128xf32, #tpu.memory_space<hbm>>
    %dma_wait3A_772 = arith.constant 0 : i32
    %dma_wait3A_773 = arith.constant 0 : i32
    %dma_wait3A_774 = tpu.memref_slice %arg10[%dma_wait3A_764, %add3A_272, %dma_wait3A_772, %dma_wait3A_773] : memref<8x128x8x128xf32, #tpu.memory_space<hbm>> -> memref<1x1x8x128xf32, #tpu.memory_space<hbm>>
    %dma_wait3A_775 = tpu.memref_squeeze %dma_wait3A_774 : memref<1x1x8x128xf32, #tpu.memory_space<hbm>> -> memref<8x128xf32, #tpu.memory_space<hbm>>
    %dma_wait3A_776 = arith.constant 32 : i32
    %dma_wait3A_777 = arith.constant 0 : i32
    %dma_wait3A_778 = tpu.memref_slice %arg24[%dma_wait3A_776, %dma_wait3A_777] : memref<64x133xf32, #tpu.memory_space<vmem>> -> memref<8x128xf32, #tpu.memory_space<vmem>>
    tpu.wait_dma2 semaphore(%arg26 : memref<!tpu.dma_semaphore, #tpu.memory_space<semaphore_mem>>) src(%dma_wait3A_778 : memref<8x128xf32, #tpu.memory_space<vmem>>) dst(%dma_wait3A_775 : memref<8x128xf32, #tpu.memory_space<hbm>>)
    %dma_wait3A_779 = arith.constant 5 : i32
    %dma_wait3A_780 = arith.constant 40 : i32
    %dma_wait3A_781 = arith.constant 0 : i32
    %dma_wait3A_782 = tpu.memref_slice %arg24[%dma_wait3A_780, %dma_wait3A_781] : memref<64x133xf32, #tpu.memory_space<vmem>> -> memref<8x128xf32, #tpu.memory_space<vmem>>
    %dma_wait3A_783 = arith.constant 0 : i32
    %dma_wait3A_784 = arith.constant 0 : i32
    %dma_wait3A_785 = tpu.memref_slice %arg10[%dma_wait3A_779, %add3A_272, %dma_wait3A_783, %dma_wait3A_784] : memref<8x128x8x128xf32, #tpu.memory_space<hbm>> -> memref<1x1x8x128xf32, #tpu.memory_space<hbm>>
    %dma_wait3A_786 = tpu.memref_squeeze %dma_wait3A_785 : memref<1x1x8x128xf32, #tpu.memory_space<hbm>> -> memref<8x128xf32, #tpu.memory_space<hbm>>
    %dma_wait3A_787 = arith.constant 0 : i32
    %dma_wait3A_788 = arith.constant 0 : i32
    %dma_wait3A_789 = tpu.memref_slice %arg10[%dma_wait3A_779, %add3A_272, %dma_wait3A_787, %dma_wait3A_788] : memref<8x128x8x128xf32, #tpu.memory_space<hbm>> -> memref<1x1x8x128xf32, #tpu.memory_space<hbm>>
    %dma_wait3A_790 = tpu.memref_squeeze %dma_wait3A_789 : memref<1x1x8x128xf32, #tpu.memory_space<hbm>> -> memref<8x128xf32, #tpu.memory_space<hbm>>
    %dma_wait3A_791 = arith.constant 40 : i32
    %dma_wait3A_792 = arith.constant 0 : i32
    %dma_wait3A_793 = tpu.memref_slice %arg24[%dma_wait3A_791, %dma_wait3A_792] : memref<64x133xf32, #tpu.memory_space<vmem>> -> memref<8x128xf32, #tpu.memory_space<vmem>>
    tpu.wait_dma2 semaphore(%arg26 : memref<!tpu.dma_semaphore, #tpu.memory_space<semaphore_mem>>) src(%dma_wait3A_793 : memref<8x128xf32, #tpu.memory_space<vmem>>) dst(%dma_wait3A_790 : memref<8x128xf32, #tpu.memory_space<hbm>>)
    %dma_wait3A_794 = arith.constant 6 : i32
    %dma_wait3A_795 = arith.constant 48 : i32
    %dma_wait3A_796 = arith.constant 0 : i32
    %dma_wait3A_797 = tpu.memref_slice %arg24[%dma_wait3A_795, %dma_wait3A_796] : memref<64x133xf32, #tpu.memory_space<vmem>> -> memref<8x128xf32, #tpu.memory_space<vmem>>
    %dma_wait3A_798 = arith.constant 0 : i32
    %dma_wait3A_799 = arith.constant 0 : i32
    %dma_wait3A_800 = tpu.memref_slice %arg10[%dma_wait3A_794, %add3A_272, %dma_wait3A_798, %dma_wait3A_799] : memref<8x128x8x128xf32, #tpu.memory_space<hbm>> -> memref<1x1x8x128xf32, #tpu.memory_space<hbm>>
    %dma_wait3A_801 = tpu.memref_squeeze %dma_wait3A_800 : memref<1x1x8x128xf32, #tpu.memory_space<hbm>> -> memref<8x128xf32, #tpu.memory_space<hbm>>
    %dma_wait3A_802 = arith.constant 0 : i32
    %dma_wait3A_803 = arith.constant 0 : i32
    %dma_wait3A_804 = tpu.memref_slice %arg10[%dma_wait3A_794, %add3A_272, %dma_wait3A_802, %dma_wait3A_803] : memref<8x128x8x128xf32, #tpu.memory_space<hbm>> -> memref<1x1x8x128xf32, #tpu.memory_space<hbm>>
    %dma_wait3A_805 = tpu.memref_squeeze %dma_wait3A_804 : memref<1x1x8x128xf32, #tpu.memory_space<hbm>> -> memref<8x128xf32, #tpu.memory_space<hbm>>
    %dma_wait3A_806 = arith.constant 48 : i32
    %dma_wait3A_807 = arith.constant 0 : i32
    %dma_wait3A_808 = tpu.memref_slice %arg24[%dma_wait3A_806, %dma_wait3A_807] : memref<64x133xf32, #tpu.memory_space<vmem>> -> memref<8x128xf32, #tpu.memory_space<vmem>>
    tpu.wait_dma2 semaphore(%arg26 : memref<!tpu.dma_semaphore, #tpu.memory_space<semaphore_mem>>) src(%dma_wait3A_808 : memref<8x128xf32, #tpu.memory_space<vmem>>) dst(%dma_wait3A_805 : memref<8x128xf32, #tpu.memory_space<hbm>>)
    %dma_wait3A_809 = arith.constant 7 : i32
    %dma_wait3A_810 = arith.constant 56 : i32
    %dma_wait3A_811 = arith.constant 0 : i32
    %dma_wait3A_812 = tpu.memref_slice %arg24[%dma_wait3A_810, %dma_wait3A_811] : memref<64x133xf32, #tpu.memory_space<vmem>> -> memref<8x128xf32, #tpu.memory_space<vmem>>
    %dma_wait3A_813 = arith.constant 0 : i32
    %dma_wait3A_814 = arith.constant 0 : i32
    %dma_wait3A_815 = tpu.memref_slice %arg10[%dma_wait3A_809, %add3A_272, %dma_wait3A_813, %dma_wait3A_814] : memref<8x128x8x128xf32, #tpu.memory_space<hbm>> -> memref<1x1x8x128xf32, #tpu.memory_space<hbm>>
    %dma_wait3A_816 = tpu.memref_squeeze %dma_wait3A_815 : memref<1x1x8x128xf32, #tpu.memory_space<hbm>> -> memref<8x128xf32, #tpu.memory_space<hbm>>
    %dma_wait3A_817 = arith.constant 0 : i32
    %dma_wait3A_818 = arith.constant 0 : i32
    %dma_wait3A_819 = tpu.memref_slice %arg10[%dma_wait3A_809, %add3A_272, %dma_wait3A_817, %dma_wait3A_818] : memref<8x128x8x128xf32, #tpu.memory_space<hbm>> -> memref<1x1x8x128xf32, #tpu.memory_space<hbm>>
    %dma_wait3A_820 = tpu.memref_squeeze %dma_wait3A_819 : memref<1x1x8x128xf32, #tpu.memory_space<hbm>> -> memref<8x128xf32, #tpu.memory_space<hbm>>
    %dma_wait3A_821 = arith.constant 56 : i32
    %dma_wait3A_822 = arith.constant 0 : i32
    %dma_wait3A_823 = tpu.memref_slice %arg24[%dma_wait3A_821, %dma_wait3A_822] : memref<64x133xf32, #tpu.memory_space<vmem>> -> memref<8x128xf32, #tpu.memory_space<vmem>>
    tpu.wait_dma2 semaphore(%arg26 : memref<!tpu.dma_semaphore, #tpu.memory_space<semaphore_mem>>) src(%dma_wait3A_823 : memref<8x128xf32, #tpu.memory_space<vmem>>) dst(%dma_wait3A_820 : memref<8x128xf32, #tpu.memory_space<hbm>>)
    %scan3A_824 = arith.constant 0 : i32
    %scan3A_825 = arith.constant 0 : i32
    %scan3A_826 = arith.constant 64 : i32
    %scan3A_827 = arith.addi %scan3A_825, %scan3A_826 : i32
    %scan3A_828 = arith.constant 1 : i32
    %scan3A_829 = scf.for %scan3A_1195 = %scan3A_825 to %scan3A_827 step %scan3A_828 iter_args(%scan3A_1196 = %scan3A_824) -> (i32)  : i32 {
      %mul3A_1197 = arith.constant 2 : i32
      %mul3A_1198 = arith.muli %scan3A_1195, %mul3A_1197 : i32
      %add3A_1199 = arith.constant 0 : i32
      %add3A_1200 = arith.addi %mul3A_1198, %add3A_1199 : i32
      %broadcast_in_dim3A = vector.broadcast %add3A_1200 : i32 to vector<16xi32>
      %get3A = arith.index_cast %add3A_1200 : i32 to index
      %get3A_1201 = arith.constant 0 : index
      %get3A_1202 = tpu.vector_load %arg19[%get3A, %get3A_1201] {strides = array<i32>} : memref<128x64xf32, #tpu.memory_space<vmem>>, vector<16xf32>,
      %get3A_1203 = arith.index_cast %add3A_1200 : i32 to index
      %get3A_1204 = arith.constant 0 : index
      %get3A_1205 = tpu.vector_load %arg20[%get3A_1203, %get3A_1204] {strides = array<i32>} : memref<128x64xf32, #tpu.memory_space<vmem>>, vector<16xf32>,
      %add3A_1206 = arith.addf %get3A_1202, %get3A_1205 : vector<16xf32>
      %get3A_1207 = arith.index_cast %add3A_1200 : i32 to index
      %get3A_1208 = arith.constant 0 : index
      %get3A_1209 = tpu.vector_load %arg21[%get3A_1207, %get3A_1208] {strides = array<i32>} : memref<128x64xf32, #tpu.memory_space<vmem>>, vector<16xf32>,
      %get3A_1210 = arith.index_cast %add3A_1200 : i32 to index
      %get3A_1211 = arith.constant 0 : index
      %get3A_1212 = tpu.vector_load %arg22[%get3A_1210, %get3A_1211] {strides = array<i32>} : memref<128x64xf32, #tpu.memory_space<vmem>>, vector<16xf32>,
      %add3A_1213 = arith.addf %get3A_1209, %get3A_1212 : vector<16xf32>
      %add3A_1214 = arith.addf %add3A_1206, %add3A_1213 : vector<16xf32>
      tpu.vector_store_idx %arg24[%add3A_39, %broadcast_in_dim3A], %add3A_1214 : memref<64x133xf32, #tpu.memory_space<vmem>>[vector<16xi32>, vector<16xi32>], vector<16xf32>,
      %get3A_1215 = arith.index_cast %add3A_1200 : i32 to index
      %get3A_1216 = arith.constant 16 : index
      %get3A_1217 = tpu.vector_load %arg19[%get3A_1215, %get3A_1216] {strides = array<i32>} : memref<128x64xf32, #tpu.memory_space<vmem>>, vector<16xf32>,
      %get3A_1218 = arith.index_cast %add3A_1200 : i32 to index
      %get3A_1219 = arith.constant 16 : index
      %get3A_1220 = tpu.vector_load %arg20[%get3A_1218, %get3A_1219] {strides = array<i32>} : memref<128x64xf32, #tpu.memory_space<vmem>>, vector<16xf32>,
      %add3A_1221 = arith.addf %get3A_1217, %get3A_1220 : vector<16xf32>
      %get3A_1222 = arith.index_cast %add3A_1200 : i32 to index
      %get3A_1223 = arith.constant 16 : index
      %get3A_1224 = tpu.vector_load %arg21[%get3A_1222, %get3A_1223] {strides = array<i32>} : memref<128x64xf32, #tpu.memory_space<vmem>>, vector<16xf32>,
      %get3A_1225 = arith.index_cast %add3A_1200 : i32 to index
      %get3A_1226 = arith.constant 16 : index
      %get3A_1227 = tpu.vector_load %arg22[%get3A_1225, %get3A_1226] {strides = array<i32>} : memref<128x64xf32, #tpu.memory_space<vmem>>, vector<16xf32>,
      %add3A_1228 = arith.addf %get3A_1224, %get3A_1227 : vector<16xf32>
      %add3A_1229 = arith.addf %add3A_1221, %add3A_1228 : vector<16xf32>
      tpu.vector_store_idx %arg24[%add3A_43, %broadcast_in_dim3A], %add3A_1229 : memref<64x133xf32, #tpu.memory_space<vmem>>[vector<16xi32>, vector<16xi32>], vector<16xf32>,
      %get3A_1230 = arith.index_cast %add3A_1200 : i32 to index
      %get3A_1231 = arith.constant 32 : index
      %get3A_1232 = tpu.vector_load %arg19[%get3A_1230, %get3A_1231] {strides = array<i32>} : memref<128x64xf32, #tpu.memory_space<vmem>>, vector<16xf32>,
      %get3A_1233 = arith.index_cast %add3A_1200 : i32 to index
      %get3A_1234 = arith.constant 32 : index
      %get3A_1235 = tpu.vector_load %arg20[%get3A_1233, %get3A_1234] {strides = array<i32>} : memref<128x64xf32, #tpu.memory_space<vmem>>, vector<16xf32>,
      %add3A_1236 = arith.addf %get3A_1232, %get3A_1235 : vector<16xf32>
      %get3A_1237 = arith.index_cast %add3A_1200 : i32 to index
      %get3A_1238 = arith.constant 32 : index
      %get3A_1239 = tpu.vector_load %arg21[%get3A_1237, %get3A_1238] {strides = array<i32>} : memref<128x64xf32, #tpu.memory_space<vmem>>, vector<16xf32>,
      %get3A_1240 = arith.index_cast %add3A_1200 : i32 to index
      %get3A_1241 = arith.constant 32 : index
      %get3A_1242 = tpu.vector_load %arg22[%get3A_1240, %get3A_1241] {strides = array<i32>} : memref<128x64xf32, #tpu.memory_space<vmem>>, vector<16xf32>,
      %add3A_1243 = arith.addf %get3A_1239, %get3A_1242 : vector<16xf32>
      %add3A_1244 = arith.addf %add3A_1236, %add3A_1243 : vector<16xf32>
      tpu.vector_store_idx %arg24[%add3A_47, %broadcast_in_dim3A], %add3A_1244 : memref<64x133xf32, #tpu.memory_space<vmem>>[vector<16xi32>, vector<16xi32>], vector<16xf32>,
      %get3A_1245 = arith.index_cast %add3A_1200 : i32 to index
      %get3A_1246 = arith.constant 48 : index
      %get3A_1247 = tpu.vector_load %arg19[%get3A_1245, %get3A_1246] {strides = array<i32>} : memref<128x64xf32, #tpu.memory_space<vmem>>, vector<16xf32>,
      %get3A_1248 = arith.index_cast %add3A_1200 : i32 to index
      %get3A_1249 = arith.constant 48 : index
      %get3A_1250 = tpu.vector_load %arg20[%get3A_1248, %get3A_1249] {strides = array<i32>} : memref<128x64xf32, #tpu.memory_space<vmem>>, vector<16xf32>,
      %add3A_1251 = arith.addf %get3A_1247, %get3A_1250 : vector<16xf32>
      %get3A_1252 = arith.index_cast %add3A_1200 : i32 to index
      %get3A_1253 = arith.constant 48 : index
      %get3A_1254 = tpu.vector_load %arg21[%get3A_1252, %get3A_1253] {strides = array<i32>} : memref<128x64xf32, #tpu.memory_space<vmem>>, vector<16xf32>,
      %get3A_1255 = arith.index_cast %add3A_1200 : i32 to index
      %get3A_1256 = arith.constant 48 : index
      %get3A_1257 = tpu.vector_load %arg22[%get3A_1255, %get3A_1256] {strides = array<i32>} : memref<128x64xf32, #tpu.memory_space<vmem>>, vector<16xf32>,
      %add3A_1258 = arith.addf %get3A_1254, %get3A_1257 : vector<16xf32>
      %add3A_1259 = arith.addf %add3A_1251, %add3A_1258 : vector<16xf32>
      tpu.vector_store_idx %arg24[%add3A_51, %broadcast_in_dim3A], %add3A_1259 : memref<64x133xf32, #tpu.memory_space<vmem>>[vector<16xi32>, vector<16xi32>], vector<16xf32>,
      %mul3A_1260 = arith.constant 2 : i32
      %mul3A_1261 = arith.muli %scan3A_1195, %mul3A_1260 : i32
      %add3A_1262 = arith.constant 1 : i32
      %add3A_1263 = arith.addi %mul3A_1261, %add3A_1262 : i32
      %broadcast_in_dim3A_1264 = vector.broadcast %add3A_1263 : i32 to vector<16xi32>
      %get3A_1265 = arith.index_cast %add3A_1263 : i32 to index
      %get3A_1266 = arith.constant 0 : index
      %get3A_1267 = tpu.vector_load %arg19[%get3A_1265, %get3A_1266] {strides = array<i32>} : memref<128x64xf32, #tpu.memory_space<vmem>>, vector<16xf32>,
      %get3A_1268 = arith.index_cast %add3A_1263 : i32 to index
      %get3A_1269 = arith.constant 0 : index
      %get3A_1270 = tpu.vector_load %arg20[%get3A_1268, %get3A_1269] {strides = array<i32>} : memref<128x64xf32, #tpu.memory_space<vmem>>, vector<16xf32>,
      %add3A_1271 = arith.addf %get3A_1267, %get3A_1270 : vector<16xf32>
      %get3A_1272 = arith.index_cast %add3A_1263 : i32 to index
      %get3A_1273 = arith.constant 0 : index
      %get3A_1274 = tpu.vector_load %arg21[%get3A_1272, %get3A_1273] {strides = array<i32>} : memref<128x64xf32, #tpu.memory_space<vmem>>, vector<16xf32>,
      %get3A_1275 = arith.index_cast %add3A_1263 : i32 to index
      %get3A_1276 = arith.constant 0 : index
      %get3A_1277 = tpu.vector_load %arg22[%get3A_1275, %get3A_1276] {strides = array<i32>} : memref<128x64xf32, #tpu.memory_space<vmem>>, vector<16xf32>,
      %add3A_1278 = arith.addf %get3A_1274, %get3A_1277 : vector<16xf32>
      %add3A_1279 = arith.addf %add3A_1271, %add3A_1278 : vector<16xf32>
      tpu.vector_store_idx %arg24[%add3A_39, %broadcast_in_dim3A_1264], %add3A_1279 : memref<64x133xf32, #tpu.memory_space<vmem>>[vector<16xi32>, vector<16xi32>], vector<16xf32>,
      %get3A_1280 = arith.index_cast %add3A_1263 : i32 to index
      %get3A_1281 = arith.constant 16 : index
      %get3A_1282 = tpu.vector_load %arg19[%get3A_1280, %get3A_1281] {strides = array<i32>} : memref<128x64xf32, #tpu.memory_space<vmem>>, vector<16xf32>,
      %get3A_1283 = arith.index_cast %add3A_1263 : i32 to index
      %get3A_1284 = arith.constant 16 : index
      %get3A_1285 = tpu.vector_load %arg20[%get3A_1283, %get3A_1284] {strides = array<i32>} : memref<128x64xf32, #tpu.memory_space<vmem>>, vector<16xf32>,
      %add3A_1286 = arith.addf %get3A_1282, %get3A_1285 : vector<16xf32>
      %get3A_1287 = arith.index_cast %add3A_1263 : i32 to index
      %get3A_1288 = arith.constant 16 : index
      %get3A_1289 = tpu.vector_load %arg21[%get3A_1287, %get3A_1288] {strides = array<i32>} : memref<128x64xf32, #tpu.memory_space<vmem>>, vector<16xf32>,
      %get3A_1290 = arith.index_cast %add3A_1263 : i32 to index
      %get3A_1291 = arith.constant 16 : index
      %get3A_1292 = tpu.vector_load %arg22[%get3A_1290, %get3A_1291] {strides = array<i32>} : memref<128x64xf32, #tpu.memory_space<vmem>>, vector<16xf32>,
      %add3A_1293 = arith.addf %get3A_1289, %get3A_1292 : vector<16xf32>
      %add3A_1294 = arith.addf %add3A_1286, %add3A_1293 : vector<16xf32>
      tpu.vector_store_idx %arg24[%add3A_43, %broadcast_in_dim3A_1264], %add3A_1294 : memref<64x133xf32, #tpu.memory_space<vmem>>[vector<16xi32>, vector<16xi32>], vector<16xf32>,
      %get3A_1295 = arith.index_cast %add3A_1263 : i32 to index
      %get3A_1296 = arith.constant 32 : index
      %get3A_1297 = tpu.vector_load %arg19[%get3A_1295, %get3A_1296] {strides = array<i32>} : memref<128x64xf32, #tpu.memory_space<vmem>>, vector<16xf32>,
      %get3A_1298 = arith.index_cast %add3A_1263 : i32 to index
      %get3A_1299 = arith.constant 32 : index
      %get3A_1300 = tpu.vector_load %arg20[%get3A_1298, %get3A_1299] {strides = array<i32>} : memref<128x64xf32, #tpu.memory_space<vmem>>, vector<16xf32>,
      %add3A_1301 = arith.addf %get3A_1297, %get3A_1300 : vector<16xf32>
      %get3A_1302 = arith.index_cast %add3A_1263 : i32 to index
      %get3A_1303 = arith.constant 32 : index
      %get3A_1304 = tpu.vector_load %arg21[%get3A_1302, %get3A_1303] {strides = array<i32>} : memref<128x64xf32, #tpu.memory_space<vmem>>, vector<16xf32>,
      %get3A_1305 = arith.index_cast %add3A_1263 : i32 to index
      %get3A_1306 = arith.constant 32 : index
      %get3A_1307 = tpu.vector_load %arg22[%get3A_1305, %get3A_1306] {strides = array<i32>} : memref<128x64xf32, #tpu.memory_space<vmem>>, vector<16xf32>,
      %add3A_1308 = arith.addf %get3A_1304, %get3A_1307 : vector<16xf32>
      %add3A_1309 = arith.addf %add3A_1301, %add3A_1308 : vector<16xf32>
      tpu.vector_store_idx %arg24[%add3A_47, %broadcast_in_dim3A_1264], %add3A_1309 : memref<64x133xf32, #tpu.memory_space<vmem>>[vector<16xi32>, vector<16xi32>], vector<16xf32>,
      %get3A_1310 = arith.index_cast %add3A_1263 : i32 to index
      %get3A_1311 = arith.constant 48 : index
      %get3A_1312 = tpu.vector_load %arg19[%get3A_1310, %get3A_1311] {strides = array<i32>} : memref<128x64xf32, #tpu.memory_space<vmem>>, vector<16xf32>,
      %get3A_1313 = arith.index_cast %add3A_1263 : i32 to index
      %get3A_1314 = arith.constant 48 : index
      %get3A_1315 = tpu.vector_load %arg20[%get3A_1313, %get3A_1314] {strides = array<i32>} : memref<128x64xf32, #tpu.memory_space<vmem>>, vector<16xf32>,
      %add3A_1316 = arith.addf %get3A_1312, %get3A_1315 : vector<16xf32>
      %get3A_1317 = arith.index_cast %add3A_1263 : i32 to index
      %get3A_1318 = arith.constant 48 : index
      %get3A_1319 = tpu.vector_load %arg21[%get3A_1317, %get3A_1318] {strides = array<i32>} : memref<128x64xf32, #tpu.memory_space<vmem>>, vector<16xf32>,
      %get3A_1320 = arith.index_cast %add3A_1263 : i32 to index
      %get3A_1321 = arith.constant 48 : index
      %get3A_1322 = tpu.vector_load %arg22[%get3A_1320, %get3A_1321] {strides = array<i32>} : memref<128x64xf32, #tpu.memory_space<vmem>>, vector<16xf32>,
      %add3A_1323 = arith.addf %get3A_1319, %get3A_1322 : vector<16xf32>
      %add3A_1324 = arith.addf %add3A_1316, %add3A_1323 : vector<16xf32>
      tpu.vector_store_idx %arg24[%add3A_51, %broadcast_in_dim3A_1264], %add3A_1324 : memref<64x133xf32, #tpu.memory_space<vmem>>[vector<16xi32>, vector<16xi32>], vector<16xf32>,
      %scan3A_1325 = arith.constant 0 : i32
      scf.yield %scan3A_1325 : i32
    }
    %scan3A_830 = arith.constant 64 : i32
    %mul3A_831 = arith.constant 4 : i32
    %mul3A_832 = arith.muli %add3A, %mul3A_831 : i32
    %add3A_833 = arith.constant 3 : i32
    %add3A_834 = arith.addi %mul3A_832, %add3A_833 : i32
    %dma_start3A_835 = arith.constant 0 : i32
    %dma_start3A_836 = arith.constant 0 : i32
    %dma_start3A_837 = arith.constant 0 : i32
    %dma_start3A_838 = tpu.memref_slice %arg24[%dma_start3A_836, %dma_start3A_837] : memref<64x133xf32, #tpu.memory_space<vmem>> -> memref<8x128xf32, #tpu.memory_space<vmem>>
    %dma_start3A_839 = arith.constant 0 : i32
    %dma_start3A_840 = arith.constant 0 : i32
    %dma_start3A_841 = tpu.memref_slice %arg10[%dma_start3A_835, %add3A_834, %dma_start3A_839, %dma_start3A_840] : memref<8x128x8x128xf32, #tpu.memory_space<hbm>> -> memref<1x1x8x128xf32, #tpu.memory_space<hbm>>
    %dma_start3A_842 = tpu.memref_squeeze %dma_start3A_841 : memref<1x1x8x128xf32, #tpu.memory_space<hbm>> -> memref<8x128xf32, #tpu.memory_space<hbm>>
    %dma_start3A_843 = arith.constant 0 : i32
    %dma_start3A_844 = arith.constant 0 : i32
    %dma_start3A_845 = tpu.memref_slice %arg10[%dma_start3A_835, %add3A_834, %dma_start3A_843, %dma_start3A_844] : memref<8x128x8x128xf32, #tpu.memory_space<hbm>> -> memref<1x1x8x128xf32, #tpu.memory_space<hbm>>
    %dma_start3A_846 = tpu.memref_squeeze %dma_start3A_845 : memref<1x1x8x128xf32, #tpu.memory_space<hbm>> -> memref<8x128xf32, #tpu.memory_space<hbm>>
    %dma_start3A_847 = arith.constant 0 : i32
    %dma_start3A_848 = arith.constant 0 : i32
    %dma_start3A_849 = tpu.memref_slice %arg24[%dma_start3A_847, %dma_start3A_848] : memref<64x133xf32, #tpu.memory_space<vmem>> -> memref<8x128xf32, #tpu.memory_space<vmem>>
    tpu.enqueue_dma source(%dma_start3A_849 : memref<8x128xf32, #tpu.memory_space<vmem>>) target(%dma_start3A_846 : memref<8x128xf32, #tpu.memory_space<hbm>>) target_semaphore(%arg26 : memref<!tpu.dma_semaphore, #tpu.memory_space<semaphore_mem>>)
    %dma_start3A_850 = arith.constant 1 : i32
    %dma_start3A_851 = arith.constant 8 : i32
    %dma_start3A_852 = arith.constant 0 : i32
    %dma_start3A_853 = tpu.memref_slice %arg24[%dma_start3A_851, %dma_start3A_852] : memref<64x133xf32, #tpu.memory_space<vmem>> -> memref<8x128xf32, #tpu.memory_space<vmem>>
    %dma_start3A_854 = arith.constant 0 : i32
    %dma_start3A_855 = arith.constant 0 : i32
    %dma_start3A_856 = tpu.memref_slice %arg10[%dma_start3A_850, %add3A_834, %dma_start3A_854, %dma_start3A_855] : memref<8x128x8x128xf32, #tpu.memory_space<hbm>> -> memref<1x1x8x128xf32, #tpu.memory_space<hbm>>
    %dma_start3A_857 = tpu.memref_squeeze %dma_start3A_856 : memref<1x1x8x128xf32, #tpu.memory_space<hbm>> -> memref<8x128xf32, #tpu.memory_space<hbm>>
    %dma_start3A_858 = arith.constant 0 : i32
    %dma_start3A_859 = arith.constant 0 : i32
    %dma_start3A_860 = tpu.memref_slice %arg10[%dma_start3A_850, %add3A_834, %dma_start3A_858, %dma_start3A_859] : memref<8x128x8x128xf32, #tpu.memory_space<hbm>> -> memref<1x1x8x128xf32, #tpu.memory_space<hbm>>
    %dma_start3A_861 = tpu.memref_squeeze %dma_start3A_860 : memref<1x1x8x128xf32, #tpu.memory_space<hbm>> -> memref<8x128xf32, #tpu.memory_space<hbm>>
    %dma_start3A_862 = arith.constant 8 : i32
    %dma_start3A_863 = arith.constant 0 : i32
    %dma_start3A_864 = tpu.memref_slice %arg24[%dma_start3A_862, %dma_start3A_863] : memref<64x133xf32, #tpu.memory_space<vmem>> -> memref<8x128xf32, #tpu.memory_space<vmem>>
    tpu.enqueue_dma source(%dma_start3A_864 : memref<8x128xf32, #tpu.memory_space<vmem>>) target(%dma_start3A_861 : memref<8x128xf32, #tpu.memory_space<hbm>>) target_semaphore(%arg26 : memref<!tpu.dma_semaphore, #tpu.memory_space<semaphore_mem>>)
    %dma_start3A_865 = arith.constant 2 : i32
    %dma_start3A_866 = arith.constant 16 : i32
    %dma_start3A_867 = arith.constant 0 : i32
    %dma_start3A_868 = tpu.memref_slice %arg24[%dma_start3A_866, %dma_start3A_867] : memref<64x133xf32, #tpu.memory_space<vmem>> -> memref<8x128xf32, #tpu.memory_space<vmem>>
    %dma_start3A_869 = arith.constant 0 : i32
    %dma_start3A_870 = arith.constant 0 : i32
    %dma_start3A_871 = tpu.memref_slice %arg10[%dma_start3A_865, %add3A_834, %dma_start3A_869, %dma_start3A_870] : memref<8x128x8x128xf32, #tpu.memory_space<hbm>> -> memref<1x1x8x128xf32, #tpu.memory_space<hbm>>
    %dma_start3A_872 = tpu.memref_squeeze %dma_start3A_871 : memref<1x1x8x128xf32, #tpu.memory_space<hbm>> -> memref<8x128xf32, #tpu.memory_space<hbm>>
    %dma_start3A_873 = arith.constant 0 : i32
    %dma_start3A_874 = arith.constant 0 : i32
    %dma_start3A_875 = tpu.memref_slice %arg10[%dma_start3A_865, %add3A_834, %dma_start3A_873, %dma_start3A_874] : memref<8x128x8x128xf32, #tpu.memory_space<hbm>> -> memref<1x1x8x128xf32, #tpu.memory_space<hbm>>
    %dma_start3A_876 = tpu.memref_squeeze %dma_start3A_875 : memref<1x1x8x128xf32, #tpu.memory_space<hbm>> -> memref<8x128xf32, #tpu.memory_space<hbm>>
    %dma_start3A_877 = arith.constant 16 : i32
    %dma_start3A_878 = arith.constant 0 : i32
    %dma_start3A_879 = tpu.memref_slice %arg24[%dma_start3A_877, %dma_start3A_878] : memref<64x133xf32, #tpu.memory_space<vmem>> -> memref<8x128xf32, #tpu.memory_space<vmem>>
    tpu.enqueue_dma source(%dma_start3A_879 : memref<8x128xf32, #tpu.memory_space<vmem>>) target(%dma_start3A_876 : memref<8x128xf32, #tpu.memory_space<hbm>>) target_semaphore(%arg26 : memref<!tpu.dma_semaphore, #tpu.memory_space<semaphore_mem>>)
    %dma_start3A_880 = arith.constant 3 : i32
    %dma_start3A_881 = arith.constant 24 : i32
    %dma_start3A_882 = arith.constant 0 : i32
    %dma_start3A_883 = tpu.memref_slice %arg24[%dma_start3A_881, %dma_start3A_882] : memref<64x133xf32, #tpu.memory_space<vmem>> -> memref<8x128xf32, #tpu.memory_space<vmem>>
    %dma_start3A_884 = arith.constant 0 : i32
    %dma_start3A_885 = arith.constant 0 : i32
    %dma_start3A_886 = tpu.memref_slice %arg10[%dma_start3A_880, %add3A_834, %dma_start3A_884, %dma_start3A_885] : memref<8x128x8x128xf32, #tpu.memory_space<hbm>> -> memref<1x1x8x128xf32, #tpu.memory_space<hbm>>
    %dma_start3A_887 = tpu.memref_squeeze %dma_start3A_886 : memref<1x1x8x128xf32, #tpu.memory_space<hbm>> -> memref<8x128xf32, #tpu.memory_space<hbm>>
    %dma_start3A_888 = arith.constant 0 : i32
    %dma_start3A_889 = arith.constant 0 : i32
    %dma_start3A_890 = tpu.memref_slice %arg10[%dma_start3A_880, %add3A_834, %dma_start3A_888, %dma_start3A_889] : memref<8x128x8x128xf32, #tpu.memory_space<hbm>> -> memref<1x1x8x128xf32, #tpu.memory_space<hbm>>
    %dma_start3A_891 = tpu.memref_squeeze %dma_start3A_890 : memref<1x1x8x128xf32, #tpu.memory_space<hbm>> -> memref<8x128xf32, #tpu.memory_space<hbm>>
    %dma_start3A_892 = arith.constant 24 : i32
    %dma_start3A_893 = arith.constant 0 : i32
    %dma_start3A_894 = tpu.memref_slice %arg24[%dma_start3A_892, %dma_start3A_893] : memref<64x133xf32, #tpu.memory_space<vmem>> -> memref<8x128xf32, #tpu.memory_space<vmem>>
    tpu.enqueue_dma source(%dma_start3A_894 : memref<8x128xf32, #tpu.memory_space<vmem>>) target(%dma_start3A_891 : memref<8x128xf32, #tpu.memory_space<hbm>>) target_semaphore(%arg26 : memref<!tpu.dma_semaphore, #tpu.memory_space<semaphore_mem>>)
    %dma_start3A_895 = arith.constant 4 : i32
    %dma_start3A_896 = arith.constant 32 : i32
    %dma_start3A_897 = arith.constant 0 : i32
    %dma_start3A_898 = tpu.memref_slice %arg24[%dma_start3A_896, %dma_start3A_897] : memref<64x133xf32, #tpu.memory_space<vmem>> -> memref<8x128xf32, #tpu.memory_space<vmem>>
    %dma_start3A_899 = arith.constant 0 : i32
    %dma_start3A_900 = arith.constant 0 : i32
    %dma_start3A_901 = tpu.memref_slice %arg10[%dma_start3A_895, %add3A_834, %dma_start3A_899, %dma_start3A_900] : memref<8x128x8x128xf32, #tpu.memory_space<hbm>> -> memref<1x1x8x128xf32, #tpu.memory_space<hbm>>
    %dma_start3A_902 = tpu.memref_squeeze %dma_start3A_901 : memref<1x1x8x128xf32, #tpu.memory_space<hbm>> -> memref<8x128xf32, #tpu.memory_space<hbm>>
    %dma_start3A_903 = arith.constant 0 : i32
    %dma_start3A_904 = arith.constant 0 : i32
    %dma_start3A_905 = tpu.memref_slice %arg10[%dma_start3A_895, %add3A_834, %dma_start3A_903, %dma_start3A_904] : memref<8x128x8x128xf32, #tpu.memory_space<hbm>> -> memref<1x1x8x128xf32, #tpu.memory_space<hbm>>
    %dma_start3A_906 = tpu.memref_squeeze %dma_start3A_905 : memref<1x1x8x128xf32, #tpu.memory_space<hbm>> -> memref<8x128xf32, #tpu.memory_space<hbm>>
    %dma_start3A_907 = arith.constant 32 : i32
    %dma_start3A_908 = arith.constant 0 : i32
    %dma_start3A_909 = tpu.memref_slice %arg24[%dma_start3A_907, %dma_start3A_908] : memref<64x133xf32, #tpu.memory_space<vmem>> -> memref<8x128xf32, #tpu.memory_space<vmem>>
    tpu.enqueue_dma source(%dma_start3A_909 : memref<8x128xf32, #tpu.memory_space<vmem>>) target(%dma_start3A_906 : memref<8x128xf32, #tpu.memory_space<hbm>>) target_semaphore(%arg26 : memref<!tpu.dma_semaphore, #tpu.memory_space<semaphore_mem>>)
    %dma_start3A_910 = arith.constant 5 : i32
    %dma_start3A_911 = arith.constant 40 : i32
    %dma_start3A_912 = arith.constant 0 : i32
    %dma_start3A_913 = tpu.memref_slice %arg24[%dma_start3A_911, %dma_start3A_912] : memref<64x133xf32, #tpu.memory_space<vmem>> -> memref<8x128xf32, #tpu.memory_space<vmem>>
    %dma_start3A_914 = arith.constant 0 : i32
    %dma_start3A_915 = arith.constant 0 : i32
    %dma_start3A_916 = tpu.memref_slice %arg10[%dma_start3A_910, %add3A_834, %dma_start3A_914, %dma_start3A_915] : memref<8x128x8x128xf32, #tpu.memory_space<hbm>> -> memref<1x1x8x128xf32, #tpu.memory_space<hbm>>
    %dma_start3A_917 = tpu.memref_squeeze %dma_start3A_916 : memref<1x1x8x128xf32, #tpu.memory_space<hbm>> -> memref<8x128xf32, #tpu.memory_space<hbm>>
    %dma_start3A_918 = arith.constant 0 : i32
    %dma_start3A_919 = arith.constant 0 : i32
    %dma_start3A_920 = tpu.memref_slice %arg10[%dma_start3A_910, %add3A_834, %dma_start3A_918, %dma_start3A_919] : memref<8x128x8x128xf32, #tpu.memory_space<hbm>> -> memref<1x1x8x128xf32, #tpu.memory_space<hbm>>
    %dma_start3A_921 = tpu.memref_squeeze %dma_start3A_920 : memref<1x1x8x128xf32, #tpu.memory_space<hbm>> -> memref<8x128xf32, #tpu.memory_space<hbm>>
    %dma_start3A_922 = arith.constant 40 : i32
    %dma_start3A_923 = arith.constant 0 : i32
    %dma_start3A_924 = tpu.memref_slice %arg24[%dma_start3A_922, %dma_start3A_923] : memref<64x133xf32, #tpu.memory_space<vmem>> -> memref<8x128xf32, #tpu.memory_space<vmem>>
    tpu.enqueue_dma source(%dma_start3A_924 : memref<8x128xf32, #tpu.memory_space<vmem>>) target(%dma_start3A_921 : memref<8x128xf32, #tpu.memory_space<hbm>>) target_semaphore(%arg26 : memref<!tpu.dma_semaphore, #tpu.memory_space<semaphore_mem>>)
    %dma_start3A_925 = arith.constant 6 : i32
    %dma_start3A_926 = arith.constant 48 : i32
    %dma_start3A_927 = arith.constant 0 : i32
    %dma_start3A_928 = tpu.memref_slice %arg24[%dma_start3A_926, %dma_start3A_927] : memref<64x133xf32, #tpu.memory_space<vmem>> -> memref<8x128xf32, #tpu.memory_space<vmem>>
    %dma_start3A_929 = arith.constant 0 : i32
    %dma_start3A_930 = arith.constant 0 : i32
    %dma_start3A_931 = tpu.memref_slice %arg10[%dma_start3A_925, %add3A_834, %dma_start3A_929, %dma_start3A_930] : memref<8x128x8x128xf32, #tpu.memory_space<hbm>> -> memref<1x1x8x128xf32, #tpu.memory_space<hbm>>
    %dma_start3A_932 = tpu.memref_squeeze %dma_start3A_931 : memref<1x1x8x128xf32, #tpu.memory_space<hbm>> -> memref<8x128xf32, #tpu.memory_space<hbm>>
    %dma_start3A_933 = arith.constant 0 : i32
    %dma_start3A_934 = arith.constant 0 : i32
    %dma_start3A_935 = tpu.memref_slice %arg10[%dma_start3A_925, %add3A_834, %dma_start3A_933, %dma_start3A_934] : memref<8x128x8x128xf32, #tpu.memory_space<hbm>> -> memref<1x1x8x128xf32, #tpu.memory_space<hbm>>
    %dma_start3A_936 = tpu.memref_squeeze %dma_start3A_935 : memref<1x1x8x128xf32, #tpu.memory_space<hbm>> -> memref<8x128xf32, #tpu.memory_space<hbm>>
    %dma_start3A_937 = arith.constant 48 : i32
    %dma_start3A_938 = arith.constant 0 : i32
    %dma_start3A_939 = tpu.memref_slice %arg24[%dma_start3A_937, %dma_start3A_938] : memref<64x133xf32, #tpu.memory_space<vmem>> -> memref<8x128xf32, #tpu.memory_space<vmem>>
    tpu.enqueue_dma source(%dma_start3A_939 : memref<8x128xf32, #tpu.memory_space<vmem>>) target(%dma_start3A_936 : memref<8x128xf32, #tpu.memory_space<hbm>>) target_semaphore(%arg26 : memref<!tpu.dma_semaphore, #tpu.memory_space<semaphore_mem>>)
    %dma_start3A_940 = arith.constant 7 : i32
    %dma_start3A_941 = arith.constant 56 : i32
    %dma_start3A_942 = arith.constant 0 : i32
    %dma_start3A_943 = tpu.memref_slice %arg24[%dma_start3A_941, %dma_start3A_942] : memref<64x133xf32, #tpu.memory_space<vmem>> -> memref<8x128xf32, #tpu.memory_space<vmem>>
    %dma_start3A_944 = arith.constant 0 : i32
    %dma_start3A_945 = arith.constant 0 : i32
    %dma_start3A_946 = tpu.memref_slice %arg10[%dma_start3A_940, %add3A_834, %dma_start3A_944, %dma_start3A_945] : memref<8x128x8x128xf32, #tpu.memory_space<hbm>> -> memref<1x1x8x128xf32, #tpu.memory_space<hbm>>
    %dma_start3A_947 = tpu.memref_squeeze %dma_start3A_946 : memref<1x1x8x128xf32, #tpu.memory_space<hbm>> -> memref<8x128xf32, #tpu.memory_space<hbm>>
    %dma_start3A_948 = arith.constant 0 : i32
    %dma_start3A_949 = arith.constant 0 : i32
    %dma_start3A_950 = tpu.memref_slice %arg10[%dma_start3A_940, %add3A_834, %dma_start3A_948, %dma_start3A_949] : memref<8x128x8x128xf32, #tpu.memory_space<hbm>> -> memref<1x1x8x128xf32, #tpu.memory_space<hbm>>
    %dma_start3A_951 = tpu.memref_squeeze %dma_start3A_950 : memref<1x1x8x128xf32, #tpu.memory_space<hbm>> -> memref<8x128xf32, #tpu.memory_space<hbm>>
    %dma_start3A_952 = arith.constant 56 : i32
    %dma_start3A_953 = arith.constant 0 : i32
    %dma_start3A_954 = tpu.memref_slice %arg24[%dma_start3A_952, %dma_start3A_953] : memref<64x133xf32, #tpu.memory_space<vmem>> -> memref<8x128xf32, #tpu.memory_space<vmem>>
    tpu.enqueue_dma source(%dma_start3A_954 : memref<8x128xf32, #tpu.memory_space<vmem>>) target(%dma_start3A_951 : memref<8x128xf32, #tpu.memory_space<hbm>>) target_semaphore(%arg26 : memref<!tpu.dma_semaphore, #tpu.memory_space<semaphore_mem>>)
    %dma_wait3A_955 = arith.constant 0 : i32
    %dma_wait3A_956 = arith.constant 0 : i32
    %dma_wait3A_957 = arith.constant 0 : i32
    %dma_wait3A_958 = tpu.memref_slice %arg23[%dma_wait3A_956, %dma_wait3A_957] : memref<64x133xf32, #tpu.memory_space<vmem>> -> memref<8x128xf32, #tpu.memory_space<vmem>>
    %dma_wait3A_959 = arith.constant 0 : i32
    %dma_wait3A_960 = arith.constant 0 : i32
    %dma_wait3A_961 = tpu.memref_slice %arg10[%dma_wait3A_955, %add3A_563, %dma_wait3A_959, %dma_wait3A_960] : memref<8x128x8x128xf32, #tpu.memory_space<hbm>> -> memref<1x1x8x128xf32, #tpu.memory_space<hbm>>
    %dma_wait3A_962 = tpu.memref_squeeze %dma_wait3A_961 : memref<1x1x8x128xf32, #tpu.memory_space<hbm>> -> memref<8x128xf32, #tpu.memory_space<hbm>>
    %dma_wait3A_963 = arith.constant 0 : i32
    %dma_wait3A_964 = arith.constant 0 : i32
    %dma_wait3A_965 = tpu.memref_slice %arg10[%dma_wait3A_955, %add3A_563, %dma_wait3A_963, %dma_wait3A_964] : memref<8x128x8x128xf32, #tpu.memory_space<hbm>> -> memref<1x1x8x128xf32, #tpu.memory_space<hbm>>
    %dma_wait3A_966 = tpu.memref_squeeze %dma_wait3A_965 : memref<1x1x8x128xf32, #tpu.memory_space<hbm>> -> memref<8x128xf32, #tpu.memory_space<hbm>>
    %dma_wait3A_967 = arith.constant 0 : i32
    %dma_wait3A_968 = arith.constant 0 : i32
    %dma_wait3A_969 = tpu.memref_slice %arg23[%dma_wait3A_967, %dma_wait3A_968] : memref<64x133xf32, #tpu.memory_space<vmem>> -> memref<8x128xf32, #tpu.memory_space<vmem>>
    tpu.wait_dma2 semaphore(%arg26 : memref<!tpu.dma_semaphore, #tpu.memory_space<semaphore_mem>>) src(%dma_wait3A_969 : memref<8x128xf32, #tpu.memory_space<vmem>>) dst(%dma_wait3A_966 : memref<8x128xf32, #tpu.memory_space<hbm>>)
    %dma_wait3A_970 = arith.constant 1 : i32
    %dma_wait3A_971 = arith.constant 8 : i32
    %dma_wait3A_972 = arith.constant 0 : i32
    %dma_wait3A_973 = tpu.memref_slice %arg23[%dma_wait3A_971, %dma_wait3A_972] : memref<64x133xf32, #tpu.memory_space<vmem>> -> memref<8x128xf32, #tpu.memory_space<vmem>>
    %dma_wait3A_974 = arith.constant 0 : i32
    %dma_wait3A_975 = arith.constant 0 : i32
    %dma_wait3A_976 = tpu.memref_slice %arg10[%dma_wait3A_970, %add3A_563, %dma_wait3A_974, %dma_wait3A_975] : memref<8x128x8x128xf32, #tpu.memory_space<hbm>> -> memref<1x1x8x128xf32, #tpu.memory_space<hbm>>
    %dma_wait3A_977 = tpu.memref_squeeze %dma_wait3A_976 : memref<1x1x8x128xf32, #tpu.memory_space<hbm>> -> memref<8x128xf32, #tpu.memory_space<hbm>>
    %dma_wait3A_978 = arith.constant 0 : i32
    %dma_wait3A_979 = arith.constant 0 : i32
    %dma_wait3A_980 = tpu.memref_slice %arg10[%dma_wait3A_970, %add3A_563, %dma_wait3A_978, %dma_wait3A_979] : memref<8x128x8x128xf32, #tpu.memory_space<hbm>> -> memref<1x1x8x128xf32, #tpu.memory_space<hbm>>
    %dma_wait3A_981 = tpu.memref_squeeze %dma_wait3A_980 : memref<1x1x8x128xf32, #tpu.memory_space<hbm>> -> memref<8x128xf32, #tpu.memory_space<hbm>>
    %dma_wait3A_982 = arith.constant 8 : i32
    %dma_wait3A_983 = arith.constant 0 : i32
    %dma_wait3A_984 = tpu.memref_slice %arg23[%dma_wait3A_982, %dma_wait3A_983] : memref<64x133xf32, #tpu.memory_space<vmem>> -> memref<8x128xf32, #tpu.memory_space<vmem>>
    tpu.wait_dma2 semaphore(%arg26 : memref<!tpu.dma_semaphore, #tpu.memory_space<semaphore_mem>>) src(%dma_wait3A_984 : memref<8x128xf32, #tpu.memory_space<vmem>>) dst(%dma_wait3A_981 : memref<8x128xf32, #tpu.memory_space<hbm>>)
    %dma_wait3A_985 = arith.constant 2 : i32
    %dma_wait3A_986 = arith.constant 16 : i32
    %dma_wait3A_987 = arith.constant 0 : i32
    %dma_wait3A_988 = tpu.memref_slice %arg23[%dma_wait3A_986, %dma_wait3A_987] : memref<64x133xf32, #tpu.memory_space<vmem>> -> memref<8x128xf32, #tpu.memory_space<vmem>>
    %dma_wait3A_989 = arith.constant 0 : i32
    %dma_wait3A_990 = arith.constant 0 : i32
    %dma_wait3A_991 = tpu.memref_slice %arg10[%dma_wait3A_985, %add3A_563, %dma_wait3A_989, %dma_wait3A_990] : memref<8x128x8x128xf32, #tpu.memory_space<hbm>> -> memref<1x1x8x128xf32, #tpu.memory_space<hbm>>
    %dma_wait3A_992 = tpu.memref_squeeze %dma_wait3A_991 : memref<1x1x8x128xf32, #tpu.memory_space<hbm>> -> memref<8x128xf32, #tpu.memory_space<hbm>>
    %dma_wait3A_993 = arith.constant 0 : i32
    %dma_wait3A_994 = arith.constant 0 : i32
    %dma_wait3A_995 = tpu.memref_slice %arg10[%dma_wait3A_985, %add3A_563, %dma_wait3A_993, %dma_wait3A_994] : memref<8x128x8x128xf32, #tpu.memory_space<hbm>> -> memref<1x1x8x128xf32, #tpu.memory_space<hbm>>
    %dma_wait3A_996 = tpu.memref_squeeze %dma_wait3A_995 : memref<1x1x8x128xf32, #tpu.memory_space<hbm>> -> memref<8x128xf32, #tpu.memory_space<hbm>>
    %dma_wait3A_997 = arith.constant 16 : i32
    %dma_wait3A_998 = arith.constant 0 : i32
    %dma_wait3A_999 = tpu.memref_slice %arg23[%dma_wait3A_997, %dma_wait3A_998] : memref<64x133xf32, #tpu.memory_space<vmem>> -> memref<8x128xf32, #tpu.memory_space<vmem>>
    tpu.wait_dma2 semaphore(%arg26 : memref<!tpu.dma_semaphore, #tpu.memory_space<semaphore_mem>>) src(%dma_wait3A_999 : memref<8x128xf32, #tpu.memory_space<vmem>>) dst(%dma_wait3A_996 : memref<8x128xf32, #tpu.memory_space<hbm>>)
    %dma_wait3A_1000 = arith.constant 3 : i32
    %dma_wait3A_1001 = arith.constant 24 : i32
    %dma_wait3A_1002 = arith.constant 0 : i32
    %dma_wait3A_1003 = tpu.memref_slice %arg23[%dma_wait3A_1001, %dma_wait3A_1002] : memref<64x133xf32, #tpu.memory_space<vmem>> -> memref<8x128xf32, #tpu.memory_space<vmem>>
    %dma_wait3A_1004 = arith.constant 0 : i32
    %dma_wait3A_1005 = arith.constant 0 : i32
    %dma_wait3A_1006 = tpu.memref_slice %arg10[%dma_wait3A_1000, %add3A_563, %dma_wait3A_1004, %dma_wait3A_1005] : memref<8x128x8x128xf32, #tpu.memory_space<hbm>> -> memref<1x1x8x128xf32, #tpu.memory_space<hbm>>
    %dma_wait3A_1007 = tpu.memref_squeeze %dma_wait3A_1006 : memref<1x1x8x128xf32, #tpu.memory_space<hbm>> -> memref<8x128xf32, #tpu.memory_space<hbm>>
    %dma_wait3A_1008 = arith.constant 0 : i32
    %dma_wait3A_1009 = arith.constant 0 : i32
    %dma_wait3A_1010 = tpu.memref_slice %arg10[%dma_wait3A_1000, %add3A_563, %dma_wait3A_1008, %dma_wait3A_1009] : memref<8x128x8x128xf32, #tpu.memory_space<hbm>> -> memref<1x1x8x128xf32, #tpu.memory_space<hbm>>
    %dma_wait3A_1011 = tpu.memref_squeeze %dma_wait3A_1010 : memref<1x1x8x128xf32, #tpu.memory_space<hbm>> -> memref<8x128xf32, #tpu.memory_space<hbm>>
    %dma_wait3A_1012 = arith.constant 24 : i32
    %dma_wait3A_1013 = arith.constant 0 : i32
    %dma_wait3A_1014 = tpu.memref_slice %arg23[%dma_wait3A_1012, %dma_wait3A_1013] : memref<64x133xf32, #tpu.memory_space<vmem>> -> memref<8x128xf32, #tpu.memory_space<vmem>>
    tpu.wait_dma2 semaphore(%arg26 : memref<!tpu.dma_semaphore, #tpu.memory_space<semaphore_mem>>) src(%dma_wait3A_1014 : memref<8x128xf32, #tpu.memory_space<vmem>>) dst(%dma_wait3A_1011 : memref<8x128xf32, #tpu.memory_space<hbm>>)
    %dma_wait3A_1015 = arith.constant 4 : i32
    %dma_wait3A_1016 = arith.constant 32 : i32
    %dma_wait3A_1017 = arith.constant 0 : i32
    %dma_wait3A_1018 = tpu.memref_slice %arg23[%dma_wait3A_1016, %dma_wait3A_1017] : memref<64x133xf32, #tpu.memory_space<vmem>> -> memref<8x128xf32, #tpu.memory_space<vmem>>
    %dma_wait3A_1019 = arith.constant 0 : i32
    %dma_wait3A_1020 = arith.constant 0 : i32
    %dma_wait3A_1021 = tpu.memref_slice %arg10[%dma_wait3A_1015, %add3A_563, %dma_wait3A_1019, %dma_wait3A_1020] : memref<8x128x8x128xf32, #tpu.memory_space<hbm>> -> memref<1x1x8x128xf32, #tpu.memory_space<hbm>>
    %dma_wait3A_1022 = tpu.memref_squeeze %dma_wait3A_1021 : memref<1x1x8x128xf32, #tpu.memory_space<hbm>> -> memref<8x128xf32, #tpu.memory_space<hbm>>
    %dma_wait3A_1023 = arith.constant 0 : i32
    %dma_wait3A_1024 = arith.constant 0 : i32
    %dma_wait3A_1025 = tpu.memref_slice %arg10[%dma_wait3A_1015, %add3A_563, %dma_wait3A_1023, %dma_wait3A_1024] : memref<8x128x8x128xf32, #tpu.memory_space<hbm>> -> memref<1x1x8x128xf32, #tpu.memory_space<hbm>>
    %dma_wait3A_1026 = tpu.memref_squeeze %dma_wait3A_1025 : memref<1x1x8x128xf32, #tpu.memory_space<hbm>> -> memref<8x128xf32, #tpu.memory_space<hbm>>
    %dma_wait3A_1027 = arith.constant 32 : i32
    %dma_wait3A_1028 = arith.constant 0 : i32
    %dma_wait3A_1029 = tpu.memref_slice %arg23[%dma_wait3A_1027, %dma_wait3A_1028] : memref<64x133xf32, #tpu.memory_space<vmem>> -> memref<8x128xf32, #tpu.memory_space<vmem>>
    tpu.wait_dma2 semaphore(%arg26 : memref<!tpu.dma_semaphore, #tpu.memory_space<semaphore_mem>>) src(%dma_wait3A_1029 : memref<8x128xf32, #tpu.memory_space<vmem>>) dst(%dma_wait3A_1026 : memref<8x128xf32, #tpu.memory_space<hbm>>)
    %dma_wait3A_1030 = arith.constant 5 : i32
    %dma_wait3A_1031 = arith.constant 40 : i32
    %dma_wait3A_1032 = arith.constant 0 : i32
    %dma_wait3A_1033 = tpu.memref_slice %arg23[%dma_wait3A_1031, %dma_wait3A_1032] : memref<64x133xf32, #tpu.memory_space<vmem>> -> memref<8x128xf32, #tpu.memory_space<vmem>>
    %dma_wait3A_1034 = arith.constant 0 : i32
    %dma_wait3A_1035 = arith.constant 0 : i32
    %dma_wait3A_1036 = tpu.memref_slice %arg10[%dma_wait3A_1030, %add3A_563, %dma_wait3A_1034, %dma_wait3A_1035] : memref<8x128x8x128xf32, #tpu.memory_space<hbm>> -> memref<1x1x8x128xf32, #tpu.memory_space<hbm>>
    %dma_wait3A_1037 = tpu.memref_squeeze %dma_wait3A_1036 : memref<1x1x8x128xf32, #tpu.memory_space<hbm>> -> memref<8x128xf32, #tpu.memory_space<hbm>>
    %dma_wait3A_1038 = arith.constant 0 : i32
    %dma_wait3A_1039 = arith.constant 0 : i32
    %dma_wait3A_1040 = tpu.memref_slice %arg10[%dma_wait3A_1030, %add3A_563, %dma_wait3A_1038, %dma_wait3A_1039] : memref<8x128x8x128xf32, #tpu.memory_space<hbm>> -> memref<1x1x8x128xf32, #tpu.memory_space<hbm>>
    %dma_wait3A_1041 = tpu.memref_squeeze %dma_wait3A_1040 : memref<1x1x8x128xf32, #tpu.memory_space<hbm>> -> memref<8x128xf32, #tpu.memory_space<hbm>>
    %dma_wait3A_1042 = arith.constant 40 : i32
    %dma_wait3A_1043 = arith.constant 0 : i32
    %dma_wait3A_1044 = tpu.memref_slice %arg23[%dma_wait3A_1042, %dma_wait3A_1043] : memref<64x133xf32, #tpu.memory_space<vmem>> -> memref<8x128xf32, #tpu.memory_space<vmem>>
    tpu.wait_dma2 semaphore(%arg26 : memref<!tpu.dma_semaphore, #tpu.memory_space<semaphore_mem>>) src(%dma_wait3A_1044 : memref<8x128xf32, #tpu.memory_space<vmem>>) dst(%dma_wait3A_1041 : memref<8x128xf32, #tpu.memory_space<hbm>>)
    %dma_wait3A_1045 = arith.constant 6 : i32
    %dma_wait3A_1046 = arith.constant 48 : i32
    %dma_wait3A_1047 = arith.constant 0 : i32
    %dma_wait3A_1048 = tpu.memref_slice %arg23[%dma_wait3A_1046, %dma_wait3A_1047] : memref<64x133xf32, #tpu.memory_space<vmem>> -> memref<8x128xf32, #tpu.memory_space<vmem>>
    %dma_wait3A_1049 = arith.constant 0 : i32
    %dma_wait3A_1050 = arith.constant 0 : i32
    %dma_wait3A_1051 = tpu.memref_slice %arg10[%dma_wait3A_1045, %add3A_563, %dma_wait3A_1049, %dma_wait3A_1050] : memref<8x128x8x128xf32, #tpu.memory_space<hbm>> -> memref<1x1x8x128xf32, #tpu.memory_space<hbm>>
    %dma_wait3A_1052 = tpu.memref_squeeze %dma_wait3A_1051 : memref<1x1x8x128xf32, #tpu.memory_space<hbm>> -> memref<8x128xf32, #tpu.memory_space<hbm>>
    %dma_wait3A_1053 = arith.constant 0 : i32
    %dma_wait3A_1054 = arith.constant 0 : i32
    %dma_wait3A_1055 = tpu.memref_slice %arg10[%dma_wait3A_1045, %add3A_563, %dma_wait3A_1053, %dma_wait3A_1054] : memref<8x128x8x128xf32, #tpu.memory_space<hbm>> -> memref<1x1x8x128xf32, #tpu.memory_space<hbm>>
    %dma_wait3A_1056 = tpu.memref_squeeze %dma_wait3A_1055 : memref<1x1x8x128xf32, #tpu.memory_space<hbm>> -> memref<8x128xf32, #tpu.memory_space<hbm>>
    %dma_wait3A_1057 = arith.constant 48 : i32
    %dma_wait3A_1058 = arith.constant 0 : i32
    %dma_wait3A_1059 = tpu.memref_slice %arg23[%dma_wait3A_1057, %dma_wait3A_1058] : memref<64x133xf32, #tpu.memory_space<vmem>> -> memref<8x128xf32, #tpu.memory_space<vmem>>
    tpu.wait_dma2 semaphore(%arg26 : memref<!tpu.dma_semaphore, #tpu.memory_space<semaphore_mem>>) src(%dma_wait3A_1059 : memref<8x128xf32, #tpu.memory_space<vmem>>) dst(%dma_wait3A_1056 : memref<8x128xf32, #tpu.memory_space<hbm>>)
    %dma_wait3A_1060 = arith.constant 7 : i32
    %dma_wait3A_1061 = arith.constant 56 : i32
    %dma_wait3A_1062 = arith.constant 0 : i32
    %dma_wait3A_1063 = tpu.memref_slice %arg23[%dma_wait3A_1061, %dma_wait3A_1062] : memref<64x133xf32, #tpu.memory_space<vmem>> -> memref<8x128xf32, #tpu.memory_space<vmem>>
    %dma_wait3A_1064 = arith.constant 0 : i32
    %dma_wait3A_1065 = arith.constant 0 : i32
    %dma_wait3A_1066 = tpu.memref_slice %arg10[%dma_wait3A_1060, %add3A_563, %dma_wait3A_1064, %dma_wait3A_1065] : memref<8x128x8x128xf32, #tpu.memory_space<hbm>> -> memref<1x1x8x128xf32, #tpu.memory_space<hbm>>
    %dma_wait3A_1067 = tpu.memref_squeeze %dma_wait3A_1066 : memref<1x1x8x128xf32, #tpu.memory_space<hbm>> -> memref<8x128xf32, #tpu.memory_space<hbm>>
    %dma_wait3A_1068 = arith.constant 0 : i32
    %dma_wait3A_1069 = arith.constant 0 : i32
    %dma_wait3A_1070 = tpu.memref_slice %arg10[%dma_wait3A_1060, %add3A_563, %dma_wait3A_1068, %dma_wait3A_1069] : memref<8x128x8x128xf32, #tpu.memory_space<hbm>> -> memref<1x1x8x128xf32, #tpu.memory_space<hbm>>
    %dma_wait3A_1071 = tpu.memref_squeeze %dma_wait3A_1070 : memref<1x1x8x128xf32, #tpu.memory_space<hbm>> -> memref<8x128xf32, #tpu.memory_space<hbm>>
    %dma_wait3A_1072 = arith.constant 56 : i32
    %dma_wait3A_1073 = arith.constant 0 : i32
    %dma_wait3A_1074 = tpu.memref_slice %arg23[%dma_wait3A_1072, %dma_wait3A_1073] : memref<64x133xf32, #tpu.memory_space<vmem>> -> memref<8x128xf32, #tpu.memory_space<vmem>>
    tpu.wait_dma2 semaphore(%arg26 : memref<!tpu.dma_semaphore, #tpu.memory_space<semaphore_mem>>) src(%dma_wait3A_1074 : memref<8x128xf32, #tpu.memory_space<vmem>>) dst(%dma_wait3A_1071 : memref<8x128xf32, #tpu.memory_space<hbm>>)
    %dma_wait3A_1075 = arith.constant 0 : i32
    %dma_wait3A_1076 = arith.constant 0 : i32
    %dma_wait3A_1077 = arith.constant 0 : i32
    %dma_wait3A_1078 = tpu.memref_slice %arg24[%dma_wait3A_1076, %dma_wait3A_1077] : memref<64x133xf32, #tpu.memory_space<vmem>> -> memref<8x128xf32, #tpu.memory_space<vmem>>
    %dma_wait3A_1079 = arith.constant 0 : i32
    %dma_wait3A_1080 = arith.constant 0 : i32
    %dma_wait3A_1081 = tpu.memref_slice %arg10[%dma_wait3A_1075, %add3A_834, %dma_wait3A_1079, %dma_wait3A_1080] : memref<8x128x8x128xf32, #tpu.memory_space<hbm>> -> memref<1x1x8x128xf32, #tpu.memory_space<hbm>>
    %dma_wait3A_1082 = tpu.memref_squeeze %dma_wait3A_1081 : memref<1x1x8x128xf32, #tpu.memory_space<hbm>> -> memref<8x128xf32, #tpu.memory_space<hbm>>
    %dma_wait3A_1083 = arith.constant 0 : i32
    %dma_wait3A_1084 = arith.constant 0 : i32
    %dma_wait3A_1085 = tpu.memref_slice %arg10[%dma_wait3A_1075, %add3A_834, %dma_wait3A_1083, %dma_wait3A_1084] : memref<8x128x8x128xf32, #tpu.memory_space<hbm>> -> memref<1x1x8x128xf32, #tpu.memory_space<hbm>>
    %dma_wait3A_1086 = tpu.memref_squeeze %dma_wait3A_1085 : memref<1x1x8x128xf32, #tpu.memory_space<hbm>> -> memref<8x128xf32, #tpu.memory_space<hbm>>
    %dma_wait3A_1087 = arith.constant 0 : i32
    %dma_wait3A_1088 = arith.constant 0 : i32
    %dma_wait3A_1089 = tpu.memref_slice %arg24[%dma_wait3A_1087, %dma_wait3A_1088] : memref<64x133xf32, #tpu.memory_space<vmem>> -> memref<8x128xf32, #tpu.memory_space<vmem>>
    tpu.wait_dma2 semaphore(%arg26 : memref<!tpu.dma_semaphore, #tpu.memory_space<semaphore_mem>>) src(%dma_wait3A_1089 : memref<8x128xf32, #tpu.memory_space<vmem>>) dst(%dma_wait3A_1086 : memref<8x128xf32, #tpu.memory_space<hbm>>)
    %dma_wait3A_1090 = arith.constant 1 : i32
    %dma_wait3A_1091 = arith.constant 8 : i32
    %dma_wait3A_1092 = arith.constant 0 : i32
    %dma_wait3A_1093 = tpu.memref_slice %arg24[%dma_wait3A_1091, %dma_wait3A_1092] : memref<64x133xf32, #tpu.memory_space<vmem>> -> memref<8x128xf32, #tpu.memory_space<vmem>>
    %dma_wait3A_1094 = arith.constant 0 : i32
    %dma_wait3A_1095 = arith.constant 0 : i32
    %dma_wait3A_1096 = tpu.memref_slice %arg10[%dma_wait3A_1090, %add3A_834, %dma_wait3A_1094, %dma_wait3A_1095] : memref<8x128x8x128xf32, #tpu.memory_space<hbm>> -> memref<1x1x8x128xf32, #tpu.memory_space<hbm>>
    %dma_wait3A_1097 = tpu.memref_squeeze %dma_wait3A_1096 : memref<1x1x8x128xf32, #tpu.memory_space<hbm>> -> memref<8x128xf32, #tpu.memory_space<hbm>>
    %dma_wait3A_1098 = arith.constant 0 : i32
    %dma_wait3A_1099 = arith.constant 0 : i32
    %dma_wait3A_1100 = tpu.memref_slice %arg10[%dma_wait3A_1090, %add3A_834, %dma_wait3A_1098, %dma_wait3A_1099] : memref<8x128x8x128xf32, #tpu.memory_space<hbm>> -> memref<1x1x8x128xf32, #tpu.memory_space<hbm>>
    %dma_wait3A_1101 = tpu.memref_squeeze %dma_wait3A_1100 : memref<1x1x8x128xf32, #tpu.memory_space<hbm>> -> memref<8x128xf32, #tpu.memory_space<hbm>>
    %dma_wait3A_1102 = arith.constant 8 : i32
    %dma_wait3A_1103 = arith.constant 0 : i32
    %dma_wait3A_1104 = tpu.memref_slice %arg24[%dma_wait3A_1102, %dma_wait3A_1103] : memref<64x133xf32, #tpu.memory_space<vmem>> -> memref<8x128xf32, #tpu.memory_space<vmem>>
    tpu.wait_dma2 semaphore(%arg26 : memref<!tpu.dma_semaphore, #tpu.memory_space<semaphore_mem>>) src(%dma_wait3A_1104 : memref<8x128xf32, #tpu.memory_space<vmem>>) dst(%dma_wait3A_1101 : memref<8x128xf32, #tpu.memory_space<hbm>>)
    %dma_wait3A_1105 = arith.constant 2 : i32
    %dma_wait3A_1106 = arith.constant 16 : i32
    %dma_wait3A_1107 = arith.constant 0 : i32
    %dma_wait3A_1108 = tpu.memref_slice %arg24[%dma_wait3A_1106, %dma_wait3A_1107] : memref<64x133xf32, #tpu.memory_space<vmem>> -> memref<8x128xf32, #tpu.memory_space<vmem>>
    %dma_wait3A_1109 = arith.constant 0 : i32
    %dma_wait3A_1110 = arith.constant 0 : i32
    %dma_wait3A_1111 = tpu.memref_slice %arg10[%dma_wait3A_1105, %add3A_834, %dma_wait3A_1109, %dma_wait3A_1110] : memref<8x128x8x128xf32, #tpu.memory_space<hbm>> -> memref<1x1x8x128xf32, #tpu.memory_space<hbm>>
    %dma_wait3A_1112 = tpu.memref_squeeze %dma_wait3A_1111 : memref<1x1x8x128xf32, #tpu.memory_space<hbm>> -> memref<8x128xf32, #tpu.memory_space<hbm>>
    %dma_wait3A_1113 = arith.constant 0 : i32
    %dma_wait3A_1114 = arith.constant 0 : i32
    %dma_wait3A_1115 = tpu.memref_slice %arg10[%dma_wait3A_1105, %add3A_834, %dma_wait3A_1113, %dma_wait3A_1114] : memref<8x128x8x128xf32, #tpu.memory_space<hbm>> -> memref<1x1x8x128xf32, #tpu.memory_space<hbm>>
    %dma_wait3A_1116 = tpu.memref_squeeze %dma_wait3A_1115 : memref<1x1x8x128xf32, #tpu.memory_space<hbm>> -> memref<8x128xf32, #tpu.memory_space<hbm>>
    %dma_wait3A_1117 = arith.constant 16 : i32
    %dma_wait3A_1118 = arith.constant 0 : i32
    %dma_wait3A_1119 = tpu.memref_slice %arg24[%dma_wait3A_1117, %dma_wait3A_1118] : memref<64x133xf32, #tpu.memory_space<vmem>> -> memref<8x128xf32, #tpu.memory_space<vmem>>
    tpu.wait_dma2 semaphore(%arg26 : memref<!tpu.dma_semaphore, #tpu.memory_space<semaphore_mem>>) src(%dma_wait3A_1119 : memref<8x128xf32, #tpu.memory_space<vmem>>) dst(%dma_wait3A_1116 : memref<8x128xf32, #tpu.memory_space<hbm>>)
    %dma_wait3A_1120 = arith.constant 3 : i32
    %dma_wait3A_1121 = arith.constant 24 : i32
    %dma_wait3A_1122 = arith.constant 0 : i32
    %dma_wait3A_1123 = tpu.memref_slice %arg24[%dma_wait3A_1121, %dma_wait3A_1122] : memref<64x133xf32, #tpu.memory_space<vmem>> -> memref<8x128xf32, #tpu.memory_space<vmem>>
    %dma_wait3A_1124 = arith.constant 0 : i32
    %dma_wait3A_1125 = arith.constant 0 : i32
    %dma_wait3A_1126 = tpu.memref_slice %arg10[%dma_wait3A_1120, %add3A_834, %dma_wait3A_1124, %dma_wait3A_1125] : memref<8x128x8x128xf32, #tpu.memory_space<hbm>> -> memref<1x1x8x128xf32, #tpu.memory_space<hbm>>
    %dma_wait3A_1127 = tpu.memref_squeeze %dma_wait3A_1126 : memref<1x1x8x128xf32, #tpu.memory_space<hbm>> -> memref<8x128xf32, #tpu.memory_space<hbm>>
    %dma_wait3A_1128 = arith.constant 0 : i32
    %dma_wait3A_1129 = arith.constant 0 : i32
    %dma_wait3A_1130 = tpu.memref_slice %arg10[%dma_wait3A_1120, %add3A_834, %dma_wait3A_1128, %dma_wait3A_1129] : memref<8x128x8x128xf32, #tpu.memory_space<hbm>> -> memref<1x1x8x128xf32, #tpu.memory_space<hbm>>
    %dma_wait3A_1131 = tpu.memref_squeeze %dma_wait3A_1130 : memref<1x1x8x128xf32, #tpu.memory_space<hbm>> -> memref<8x128xf32, #tpu.memory_space<hbm>>
    %dma_wait3A_1132 = arith.constant 24 : i32
    %dma_wait3A_1133 = arith.constant 0 : i32
    %dma_wait3A_1134 = tpu.memref_slice %arg24[%dma_wait3A_1132, %dma_wait3A_1133] : memref<64x133xf32, #tpu.memory_space<vmem>> -> memref<8x128xf32, #tpu.memory_space<vmem>>
    tpu.wait_dma2 semaphore(%arg26 : memref<!tpu.dma_semaphore, #tpu.memory_space<semaphore_mem>>) src(%dma_wait3A_1134 : memref<8x128xf32, #tpu.memory_space<vmem>>) dst(%dma_wait3A_1131 : memref<8x128xf32, #tpu.memory_space<hbm>>)
    %dma_wait3A_1135 = arith.constant 4 : i32
    %dma_wait3A_1136 = arith.constant 32 : i32
    %dma_wait3A_1137 = arith.constant 0 : i32
    %dma_wait3A_1138 = tpu.memref_slice %arg24[%dma_wait3A_1136, %dma_wait3A_1137] : memref<64x133xf32, #tpu.memory_space<vmem>> -> memref<8x128xf32, #tpu.memory_space<vmem>>
    %dma_wait3A_1139 = arith.constant 0 : i32
    %dma_wait3A_1140 = arith.constant 0 : i32
    %dma_wait3A_1141 = tpu.memref_slice %arg10[%dma_wait3A_1135, %add3A_834, %dma_wait3A_1139, %dma_wait3A_1140] : memref<8x128x8x128xf32, #tpu.memory_space<hbm>> -> memref<1x1x8x128xf32, #tpu.memory_space<hbm>>
    %dma_wait3A_1142 = tpu.memref_squeeze %dma_wait3A_1141 : memref<1x1x8x128xf32, #tpu.memory_space<hbm>> -> memref<8x128xf32, #tpu.memory_space<hbm>>
    %dma_wait3A_1143 = arith.constant 0 : i32
    %dma_wait3A_1144 = arith.constant 0 : i32
    %dma_wait3A_1145 = tpu.memref_slice %arg10[%dma_wait3A_1135, %add3A_834, %dma_wait3A_1143, %dma_wait3A_1144] : memref<8x128x8x128xf32, #tpu.memory_space<hbm>> -> memref<1x1x8x128xf32, #tpu.memory_space<hbm>>
    %dma_wait3A_1146 = tpu.memref_squeeze %dma_wait3A_1145 : memref<1x1x8x128xf32, #tpu.memory_space<hbm>> -> memref<8x128xf32, #tpu.memory_space<hbm>>
    %dma_wait3A_1147 = arith.constant 32 : i32
    %dma_wait3A_1148 = arith.constant 0 : i32
    %dma_wait3A_1149 = tpu.memref_slice %arg24[%dma_wait3A_1147, %dma_wait3A_1148] : memref<64x133xf32, #tpu.memory_space<vmem>> -> memref<8x128xf32, #tpu.memory_space<vmem>>
    tpu.wait_dma2 semaphore(%arg26 : memref<!tpu.dma_semaphore, #tpu.memory_space<semaphore_mem>>) src(%dma_wait3A_1149 : memref<8x128xf32, #tpu.memory_space<vmem>>) dst(%dma_wait3A_1146 : memref<8x128xf32, #tpu.memory_space<hbm>>)
    %dma_wait3A_1150 = arith.constant 5 : i32
    %dma_wait3A_1151 = arith.constant 40 : i32
    %dma_wait3A_1152 = arith.constant 0 : i32
    %dma_wait3A_1153 = tpu.memref_slice %arg24[%dma_wait3A_1151, %dma_wait3A_1152] : memref<64x133xf32, #tpu.memory_space<vmem>> -> memref<8x128xf32, #tpu.memory_space<vmem>>
    %dma_wait3A_1154 = arith.constant 0 : i32
    %dma_wait3A_1155 = arith.constant 0 : i32
    %dma_wait3A_1156 = tpu.memref_slice %arg10[%dma_wait3A_1150, %add3A_834, %dma_wait3A_1154, %dma_wait3A_1155] : memref<8x128x8x128xf32, #tpu.memory_space<hbm>> -> memref<1x1x8x128xf32, #tpu.memory_space<hbm>>
    %dma_wait3A_1157 = tpu.memref_squeeze %dma_wait3A_1156 : memref<1x1x8x128xf32, #tpu.memory_space<hbm>> -> memref<8x128xf32, #tpu.memory_space<hbm>>
    %dma_wait3A_1158 = arith.constant 0 : i32
    %dma_wait3A_1159 = arith.constant 0 : i32
    %dma_wait3A_1160 = tpu.memref_slice %arg10[%dma_wait3A_1150, %add3A_834, %dma_wait3A_1158, %dma_wait3A_1159] : memref<8x128x8x128xf32, #tpu.memory_space<hbm>> -> memref<1x1x8x128xf32, #tpu.memory_space<hbm>>
    %dma_wait3A_1161 = tpu.memref_squeeze %dma_wait3A_1160 : memref<1x1x8x128xf32, #tpu.memory_space<hbm>> -> memref<8x128xf32, #tpu.memory_space<hbm>>
    %dma_wait3A_1162 = arith.constant 40 : i32
    %dma_wait3A_1163 = arith.constant 0 : i32
    %dma_wait3A_1164 = tpu.memref_slice %arg24[%dma_wait3A_1162, %dma_wait3A_1163] : memref<64x133xf32, #tpu.memory_space<vmem>> -> memref<8x128xf32, #tpu.memory_space<vmem>>
    tpu.wait_dma2 semaphore(%arg26 : memref<!tpu.dma_semaphore, #tpu.memory_space<semaphore_mem>>) src(%dma_wait3A_1164 : memref<8x128xf32, #tpu.memory_space<vmem>>) dst(%dma_wait3A_1161 : memref<8x128xf32, #tpu.memory_space<hbm>>)
    %dma_wait3A_1165 = arith.constant 6 : i32
    %dma_wait3A_1166 = arith.constant 48 : i32
    %dma_wait3A_1167 = arith.constant 0 : i32
    %dma_wait3A_1168 = tpu.memref_slice %arg24[%dma_wait3A_1166, %dma_wait3A_1167] : memref<64x133xf32, #tpu.memory_space<vmem>> -> memref<8x128xf32, #tpu.memory_space<vmem>>
    %dma_wait3A_1169 = arith.constant 0 : i32
    %dma_wait3A_1170 = arith.constant 0 : i32
    %dma_wait3A_1171 = tpu.memref_slice %arg10[%dma_wait3A_1165, %add3A_834, %dma_wait3A_1169, %dma_wait3A_1170] : memref<8x128x8x128xf32, #tpu.memory_space<hbm>> -> memref<1x1x8x128xf32, #tpu.memory_space<hbm>>
    %dma_wait3A_1172 = tpu.memref_squeeze %dma_wait3A_1171 : memref<1x1x8x128xf32, #tpu.memory_space<hbm>> -> memref<8x128xf32, #tpu.memory_space<hbm>>
    %dma_wait3A_1173 = arith.constant 0 : i32
    %dma_wait3A_1174 = arith.constant 0 : i32
    %dma_wait3A_1175 = tpu.memref_slice %arg10[%dma_wait3A_1165, %add3A_834, %dma_wait3A_1173, %dma_wait3A_1174] : memref<8x128x8x128xf32, #tpu.memory_space<hbm>> -> memref<1x1x8x128xf32, #tpu.memory_space<hbm>>
    %dma_wait3A_1176 = tpu.memref_squeeze %dma_wait3A_1175 : memref<1x1x8x128xf32, #tpu.memory_space<hbm>> -> memref<8x128xf32, #tpu.memory_space<hbm>>
    %dma_wait3A_1177 = arith.constant 48 : i32
    %dma_wait3A_1178 = arith.constant 0 : i32
    %dma_wait3A_1179 = tpu.memref_slice %arg24[%dma_wait3A_1177, %dma_wait3A_1178] : memref<64x133xf32, #tpu.memory_space<vmem>> -> memref<8x128xf32, #tpu.memory_space<vmem>>
    tpu.wait_dma2 semaphore(%arg26 : memref<!tpu.dma_semaphore, #tpu.memory_space<semaphore_mem>>) src(%dma_wait3A_1179 : memref<8x128xf32, #tpu.memory_space<vmem>>) dst(%dma_wait3A_1176 : memref<8x128xf32, #tpu.memory_space<hbm>>)
    %dma_wait3A_1180 = arith.constant 7 : i32
    %dma_wait3A_1181 = arith.constant 56 : i32
    %dma_wait3A_1182 = arith.constant 0 : i32
    %dma_wait3A_1183 = tpu.memref_slice %arg24[%dma_wait3A_1181, %dma_wait3A_1182] : memref<64x133xf32, #tpu.memory_space<vmem>> -> memref<8x128xf32, #tpu.memory_space<vmem>>
    %dma_wait3A_1184 = arith.constant 0 : i32
    %dma_wait3A_1185 = arith.constant 0 : i32
    %dma_wait3A_1186 = tpu.memref_slice %arg10[%dma_wait3A_1180, %add3A_834, %dma_wait3A_1184, %dma_wait3A_1185] : memref<8x128x8x128xf32, #tpu.memory_space<hbm>> -> memref<1x1x8x128xf32, #tpu.memory_space<hbm>>
    %dma_wait3A_1187 = tpu.memref_squeeze %dma_wait3A_1186 : memref<1x1x8x128xf32, #tpu.memory_space<hbm>> -> memref<8x128xf32, #tpu.memory_space<hbm>>
    %dma_wait3A_1188 = arith.constant 0 : i32
    %dma_wait3A_1189 = arith.constant 0 : i32
    %dma_wait3A_1190 = tpu.memref_slice %arg10[%dma_wait3A_1180, %add3A_834, %dma_wait3A_1188, %dma_wait3A_1189] : memref<8x128x8x128xf32, #tpu.memory_space<hbm>> -> memref<1x1x8x128xf32, #tpu.memory_space<hbm>>
    %dma_wait3A_1191 = tpu.memref_squeeze %dma_wait3A_1190 : memref<1x1x8x128xf32, #tpu.memory_space<hbm>> -> memref<8x128xf32, #tpu.memory_space<hbm>>
    %dma_wait3A_1192 = arith.constant 56 : i32
    %dma_wait3A_1193 = arith.constant 0 : i32
    %dma_wait3A_1194 = tpu.memref_slice %arg24[%dma_wait3A_1192, %dma_wait3A_1193] : memref<64x133xf32, #tpu.memory_space<vmem>> -> memref<8x128xf32, #tpu.memory_space<vmem>>
    tpu.wait_dma2 semaphore(%arg26 : memref<!tpu.dma_semaphore, #tpu.memory_space<semaphore_mem>>) src(%dma_wait3A_1194 : memref<8x128xf32, #tpu.memory_space<vmem>>) dst(%dma_wait3A_1191 : memref<8x128xf32, #tpu.memory_space<hbm>>)
    return
  }
}

</mosaic_0001>

<sc_bundles>
// kernel: _meta_embed.3.cloned.1.call-start
scs
__scs_entry_jumppad:
0x0: {  	(pc) =	sbr.rel $0x88, $3  }
0x1: {  	(tag) =	ssettag $0x0;
	lr =	simm.s32 $0x1  }
0x2: {  	[smem:$0x3F99] =	sst lr;
	_ =	strace $0xD0000000  }
0x3: {  	_ = 	snop  }
0x4: {  	_ = 	snop  }
0x5: {  	_ = 	snop  }
0x6: {  	_ = 	snop  }
0x7: {  	_ = 	snop  }
__scs_overlays_trampoline_lowered:
0x8: {  	[smem:$0x3FA8] =	sst s0  }
0x9: {  	[smem:$0x3FA9] =	sst s1  }
0xa: {  	[smem:$0x3FAA] =	sst s2  }
0xb: {  	[smem:$0x3FAB] =	sst s3  }
0xc: {  	[smem:$0x3FAC] =	sst s4  }
0xd: {  	[smem:$0x3FAD] =	sst s5  }
0xe: {  	[smem:$0x3FAE] =	sst s6  }
0xf: {  	[smem:$0x3FAF] =	sst s7  }
0x10: {  	[smem:$0x3FB0] =	sst s8  }
0x11: {  	[smem:$0x3FB1] =	sst s9;
	s0 =	simm.s32 @!p0 $0x0  }
0x12: {  	s1 =	sld [smem:$0x3F97];
	s0 =	simm.s32 @p0 $0x1  }
0x13: {  	[smem:$0x3FB2] =	sst s0;
	s0 =	simm.s32 @!p1 $0x0  }
0x14: {  	s2 =	sld [smem:$0x3F96];
	s0 =	simm.s32 @p1 $0x1  }
0x15: {  	[smem:$0x3FB3] =	sst s0;
	s0 =	simm.s32 @!p2 $0x0  }
0x16: {  	s3 =	sld [smem:$0x3FDB];
	s0 =	simm.s32 @p2 $0x1  }
0x17: {  	s4 =	simm.s32 $0x1BF5;
	[smem:$0x3FB5] =	sst s0  }
0x18: {  	s0 =	sld [smem:$0x3F98];
	_ =	swait.ge [sflag:s4], $0x0  }
0x19: {  	s7 =	sld [smem:$0x3F99]  }
0x1a: {  	s8 =	sadd.s32 $0xFFFFE003, lr  }
0x1b: {  	s9 =	sadd.s32 $0xFFFFFEF7, lr;
	s5 =	simm.s32 $0xFFFFFFFF;
	p2 =	slt.u32 s8, $0xFFFFF086  }
0x1c: {  	p1 =	slt.u32 s9, $0xF7A;
	s5 =	simm.s32 @!p2 $0x0  }
0x1d: {  	s5 =	simm.s32 @p1 $0x1;
	p0 =	seq.s32 s7, s2  }
0x1e: {  	s7 =	smul.u32 @!p0 $0xF7A, s2;
	p2 =	seq.s32 @!p0 s5, $0x0  }
0x1f: {  	s9 =	smul.u32 $0xF7A, s1;
	s8 =	simm.s32 @!p0 $0x1BF5;
	p2 =	por !p2, p0  }
0x20: {  	[sflag:s8] =	ssyncset.s32 @!p0 $0xFFFFF086;
	s6 =	sadd.s32 @!p0 s3, s7;
	s7 =	simm.s32 @!p0 $0x108  }
0x21: {  	s3 =	sadd.s32 s3, s9;
	s6 =	sadd.s32 @!p0 $0x88, s6;
	s7 =	simm.s32 @p2 $0x1082  }
0x22: {  	[simem:s7], [sflag:s8] =	dma.local @!p0 [hbm:s6], $0xF7A  }
0x23: {  	s9 =	sor.u32 $0xD0000000, s2;
	s6 =	simm.s32 $0x108;
	_ =	swait.ge @!p0 [sflag:s8], $0x0  }
0x24: {  	s3 =	sadd.s32 $0x88, s3;
	s6 =	simm.s32 @!p1 $0x1082;
	[sflag:s4] =	ssyncset.s32 $0xFFFFF086  }
0x25: {  	[simem:s6], [sflag:s4] =	dma.local [hbm:s3], $0xF7A  }
0x26: {  	[smem:$0x3F99] =	sst s1;
	(tag) =	ssettag s2;
	_ =	strace s9  }
0x27: {  	s1 =	sld [smem:$0x3FA9]  }
0x28: {  	s2 =	sld [smem:$0x3FAA]  }
0x29: {  	s4 =	sld [smem:$0x3FAC]  }
0x2a: {  	p0 =	seq.s32 s5, $0x0;
	s5 =	sld [smem:$0x3FAD]  }
0x2b: {  	s6 =	sld [smem:$0x3FAE]  }
0x2c: {  	s7 =	sld [smem:$0x3FAF]  }
0x2d: {  	s3 =	simm.s32 $0x108;
	s8 =	sld [smem:$0x3FB0]  }
0x2e: {  	s3 =	simm.s32 @!p0 $0x1082;
	s9 =	sld [smem:$0x3FB1]  }
0x2f: {  	lr =	sadd.s32 s0, s3;
	s0 =	sld [smem:$0x3FA8]  }
0x30: {  	s3 =	sld [smem:$0x3FAB]  }
0x31: {  	[smem:$0x3FB4] =	sst s10  }
0x32: {  	s10 =	sld [smem:$0x3FB2];
	_ =	sdelay $0x3  }
0x33: {  	p0 =	seq.s32 s10, $0x1;
	s10 =	sld [smem:$0x3FB4];
	_ =	sdelay $0x3  }
0x34: {  	[smem:$0x3FB4] =	sst s10  }
0x35: {  	s10 =	sld [smem:$0x3FB3];
	_ =	sdelay $0x3  }
0x36: {  	p1 =	seq.s32 s10, $0x1;
	s10 =	sld [smem:$0x3FB4];
	_ =	sdelay $0x3  }
0x37: {  	[smem:$0x3FB4] =	sst s10  }
0x38: {  	s10 =	sld [smem:$0x3FB5]  }
0x39: {  	_ = 	snop;
	(pc) =	sbr.ind lr, $3  }
0x3a: {  	_ = 	snop  }
0x3b: {  	_ = 	snop  }
0x3c: {  	p2 =	seq.s32 s10, $0x1;
	s10 =	sld [smem:$0x3FB4]  }
0x3d: {  	_ =	shalt  }
0x3e: {  	_ =	shalt  }
0x3f: {  	_ =	shalt  }
0x40: {  	_ =	shalt  }
0x41: {  	_ =	shalt  }
0x42: {  	_ =	shalt  }
0x43: {  	_ =	shalt  }
0x44: {  	_ =	shalt  }
0x45: {  	_ =	shalt  }
0x46: {  	_ =	shalt  }
0x47: {  	_ =	shalt  }
0x48: {  	_ =	shalt  }
0x49: {  	_ =	shalt  }
0x4a: {  	_ =	shalt  }
0x4b: {  	_ =	shalt  }
0x4c: {  	_ =	shalt  }
0x4d: {  	_ =	shalt  }
0x4e: {  	_ =	shalt  }
0x4f: {  	_ =	shalt  }
0x50: {  	_ =	shalt  }
0x51: {  	_ =	shalt  }
0x52: {  	_ =	shalt  }
0x53: {  	_ =	shalt  }
0x54: {  	_ =	shalt  }
0x55: {  	_ =	shalt  }
0x56: {  	_ =	shalt  }
0x57: {  	_ =	shalt  }
0x58: {  	_ =	shalt  }
0x59: {  	_ =	shalt  }
0x5a: {  	_ =	shalt  }
0x5b: {  	_ =	shalt  }
0x5c: {  	_ =	shalt  }
0x5d: {  	_ =	shalt  }
0x5e: {  	_ =	shalt  }
0x5f: {  	_ =	shalt  }
0x60: {  	_ =	shalt  }
0x61: {  	_ =	shalt  }
0x62: {  	_ =	shalt  }
0x63: {  	_ =	shalt  }
0x64: {  	_ =	shalt  }
0x65: {  	_ =	shalt  }
0x66: {  	_ =	shalt  }
0x67: {  	_ =	shalt  }
0x68: {  	_ =	shalt  }
0x69: {  	_ =	shalt  }
0x6a: {  	_ =	shalt  }
0x6b: {  	_ =	shalt  }
0x6c: {  	_ =	shalt  }
0x6d: {  	_ =	shalt  }
0x6e: {  	_ =	shalt  }
0x6f: {  	_ =	shalt  }
0x70: {  	_ =	shalt  }
0x71: {  	_ =	shalt  }
0x72: {  	_ =	shalt  }
0x73: {  	_ =	shalt  }
0x74: {  	_ =	shalt  }
0x75: {  	_ =	shalt  }
0x76: {  	_ =	shalt  }
0x77: {  	_ =	shalt  }
0x78: {  	_ =	shalt  }
0x79: {  	_ =	shalt  }
0x7a: {  	_ =	shalt  }
0x7b: {  	_ =	shalt  }
0x7c: {  	_ =	shalt  }
0x7d: {  	_ =	shalt  }
0x7e: {  	_ =	shalt  }
0x7f: {  	_ =	shalt  }
0x80: {  	_ =	shalt  }
0x81: {  	_ =	shalt  }
0x82: {  	_ =	shalt  }
0x83: {  	_ =	shalt  }
0x84: {  	_ =	shalt  }
0x85: {  	_ =	shalt  }
0x86: {  	_ =	shalt  }
0x87: {  	_ =	shalt  }
.Lfunc_end0:
.L_simem_size_0:
called_computation_lowered:
.L_overlay_start_0:
0x88: {  	s2 =	sld [smem:$0x3FD9]  }
0x89: {  	s3 =	sld [smem:$0x3FFE];
	_ =	sdelay $0x1  }
0x8a: {  	s1 =	srdreg.scid  }
0x8b: {  	s0 =	sand.u32 $0x1, s1  }
0x8c: {  	s17 =	sshll.u32 s0, $0xA;
	s2 =	sadd.s32 s3, s2  }
0x8d: {  	s2 =	sadd.s32 s2, s17  }
0x8e: {  	[smem:$0x3FC0] =	sst s2  }
0x8f: {  	_ = 	snop  }
0x90: {  	s2 =	sld [smem:$0x3FC9]  }
0x91: {  	s18 =	sld [smem:$0x3FC8]  }
0x92: {  	s4 =	sld [smem:$0x3FC7]  }
0x93: {  	s5 =	sld [smem:$0x3FC6]  }
0x94: {  	s6 =	sld [smem:$0x3FD0];
	(tm) =	ssettm $0x1  }
0x95: {  	s7 =	sld [smem:$0x3FFB];
	_ =	sdelay $0x3  }
0x96: {  	_ =	strace s7  }
0x97: {  	s7 =	sld [smem:$0x3FFC];
	_ =	sdelay $0x3  }
0x98: {  	_ =	strace s7  }
0x99: {  	s7 =	sld [smem:$0x3FFD];
	_ =	sdelay $0x3  }
0x9a: {  	_ =	strace s7  }
0x9b: {  	_ =	strace $0x8FFFFFFF  }
0x9c: {  	s19 =	sld [smem:$0x3FDB];
	_ =	sdelay $0x1  }
0x9d: {  	s8 =	simm.s32 $_scs_section_size  }
0x9e: {  	s9 =	simm.s32 $_size__tile_overlayer_lowered;
	s10 =	simm.s32 $_tile_overlayer_lowered  }
0x9f: {  	s22 =	simm.s32 $0x1BFF;
	s21 =	sshll.u32 s10, $0x1;
	s7 =	sadd.s32 s8, s19  }
0xa0: {  	s11 =	simm.s32 $0x0;
	s20 =	sshll.u32 s9, $0x1;
	s9 =	sadd.s32 s21, s7  }
0xa1: {  	[timem:s11], [sflag:s22] =	dma.local [hbm:s9], s20  }
0xa2: {  	_ =	swait.ge [sflag:s22], s20  }
0xa3: {  	s8 =	ssub.s32 $0x0, s20;
	[sflag:s22] =	ssyncset.done $0x0  }
0xa4: {  	[sflag:s22] =	ssyncadd.s32 s8;
	_ =	sdelay $0x1  }
0xa5: {  	s23 =	simm.s32 $0x1B8B  }
0xa6: {  	_ =	swait.ge [sflag:s23], $0x1  }
0xa7: {  	[sflag:s23] =	ssyncset.done $0x0  }
0xa8: {  	s25 =	simm.s32 $0x1B8E;
	s24 =	sld [smem:$0x3FFE];
	[sflag:s23] =	ssyncadd.s32 $0xFFFFFFFF  }
0xa9: {  	s26 =	simm.s32 $execute0_lowered;
	[smem:$0x3FD2] =	sst s25  }
0xaa: {  	s9 =	sshll.u32 s26, $0x1;
	_ =	strace $0x80000046;
	[dreg:$0x1] =	wrdreg $0xFFFFFFFF  }
0xab: {  	s28 =	simm.s32 $_size_execute0_lowered;
	s7 =	sadd.s32 s7, s9;
	[dreg:$0x0] =	wrdreg $0x0  }
0xac: {  	s9 =	sshll.u32 s28, $0x1;
	[dreg:$0x2] =	wrdreg s7  }
0xad: {  	[dreg:$0x3] =	wrdreg s9  }
0xae: {  	[dreg:$0x4] =	wrdreg $0xC0  }
0xaf: {  	_ =	task [dreg:s11], $0x5FFFF  }
0xb0: {  	[dreg:$0x1] =	wrdreg $0xFFFFFFFF  }
0xb1: {  	[dreg:$0x0] =	wrdreg $0x60  }
0xb2: {  	[dreg:$0x2] =	wrdreg s24  }
0xb3: {  	[dreg:$0x3] =	wrdreg s2  }
0xb4: {  	[dreg:$0x4] =	wrdreg s18  }
0xb5: {  	[dreg:$0x5] =	wrdreg s4  }
0xb6: {  	[dreg:$0x6] =	wrdreg s5  }
0xb7: {  	[dreg:$0x7] =	wrdreg s6  }
0xb8: {  	[dreg:$0x8] =	wrdreg $0x9  }
0xb9: {  	_ =	task.clear_ibuf [dreg:s11], $0x9FFFF;
	_ =	strace $0x90000046  }
0xba: {  	s29 =	simm.s32 $0x9;
	_ =	strace $0x80000048  }
0xbb: {  	_ =	swait.ge [sflag:s29], $0x1  }
0xbc: {  	[sflag:s29] =	ssyncadd.s32 $0xFFFFFFFF  }
0xbd: {  	_ =	strace $0x90000048  }
0xbe: {  	_ =	sfence  }
0xbf: {  	s30 =	sld [smem:$0x0];
	_ =	sdelay $0x2  }
0xc0: {  	s31 =	sshll.u32 s1, $0xD;
	s1 =	sshrl.u32 s1, $0x2  }
0xc1: {  	s3 =	sand.u32 $0x4000, s31;
	s1 =	sadd.s32 s1, s30  }
0xc2: {  	s0 =	sor.u32 s3, s0;
	s1 =	sshll.u32 s1, $0x11  }
0xc3: {  	s0 =	sor.u32 s1, s0  }
0xc4: {  	s0 =	sadd.s32 $0x8F2B, s0  }
0xc5: {  	[sflag:s0] =	ssyncadd.remote.s32 $0x1  }
0xc6: {  	_ =	sfence.sel $0xFFFF  }
0xc7: {  	[dreg:$0x0] =	wrdreg $0xFFFFFFFF;
	(pc) =	sbr.abs _section_cstart, $3  }
0xc8: {  	[dreg:$0x1] =	wrdreg $0xFFFFFFFF  }
0xc9: {  	_ =	task.clear_ibuf [dreg:s11], $0x2FFFF;
	_ =	strace $0x9FFFFFFF  }
0xca: {  	(tm) =	ssettm $0x7FFFFFFF  }
0xcb: {  	_ =	shalt  }
tec
execute0_lowered:
.L_overlay_start_1:
0x0: {  	(tag) =	ssettag $0x1  }
0x1: {  	s0 =	rddreg [dreg:$0x0]  }
0x2: {  	s2 =	rddreg [dreg:$0x1]  }
0x3: {  	s3 =	rddreg [dreg:$0x2]  }
0x4: {  	s4 =	rddreg [dreg:$0x3]  }
0x5: {  	s5 =	rddreg [dreg:$0x4]  }
0x6: {  	s6 =	rddreg [dreg:$0x5];
	s1 =	simm.s32 $0x0;
	s7 =	srdreg.scid  }
0x7: {  	s9 =	stileid.u32;
	[smem:$0x7FF] =	sst s1;
	s8 =	sadd.s32 $0x4A00, s0  }
0x8: {  	s7 =	sand.u32 $0x1, s7;
	s26 =	sadd.s32 $0x187400, s0;
	s9 =	sshll.u32 s9, $0x1  }
0x9: {  	s10 =	sadd.s32 $0x2A00, s0;
	_ =	strace $0x80000047;
	[dreg:$0x7] =	wrdreg s8  }
0xa: {  	[dreg:$0x8] =	wrdreg s26;
	s28 =	ssub.s32 $0x2, s7;
	s7 =	sor.u32 s7, s9  }
0xb: {  	s0 =	sadd.s32 $0xA00, s0;
	[dreg:$0x9] =	wrdreg s10;
	s9 =	sshll.u32 s7, $0x6  }
0xc: {  	[dreg:$0xa] =	wrdreg s0;
	s2 =	sadd.s32 s2, s9  }
0xd: {  	s10 =	sadd.s32 s3, s9;
	[dreg:$0xb] =	wrdreg s2  }
0xe: {  	s11 =	sshll.u32 s7, $0x9;
	s12 =	sadd.s32 s4, s9;
	[dreg:$0xc] =	wrdreg s10  }
0xf: {  	s13 =	sadd.s32 s5, s9;
	s11 =	sadd.s32 s6, s11;
	[dreg:$0xd] =	wrdreg s12  }
0x10: {  	[dreg:$0xe] =	wrdreg s13;
	s2 =	sadd.s32 $0x4000, s11  }
0x11: {  	s14 =	sadd.s32 $0x8000, s11;
	[dreg:$0xf] =	wrdreg s2  }
0x12: {  	s15 =	sadd.s32 $0xC000, s11;
	[dreg:$0x10] =	wrdreg s14  }
0x13: {  	s16 =	sadd.s32 $0x10000, s11;
	[dreg:$0x11] =	wrdreg s15  }
0x14: {  	s17 =	sadd.s32 $0x14000, s11;
	[dreg:$0x12] =	wrdreg s16  }
0x15: {  	s18 =	sadd.s32 $0x18000, s11;
	[dreg:$0x13] =	wrdreg s17  }
0x16: {  	s19 =	sadd.s32 $0x1C000, s11;
	[dreg:$0x14] =	wrdreg s18  }
0x17: {  	s29 =	sshrl.u32 s28, $0x1;
	s20 =	sadd.s32 $0x80, s11;
	[dreg:$0x15] =	wrdreg s19  }
0x18: {  	s30 =	ssub.s32 s28, s29;
	s21 =	sadd.s32 $0x4080, s11;
	[dreg:$0x16] =	wrdreg s20  }
0x19: {  	s22 =	sadd.s32 $0x8080, s11;
	s23 =	sadd.s32 $0xC080, s11;
	[dreg:$0x17] =	wrdreg s21  }
0x1a: {  	s24 =	sadd.s32 $0x10080, s11;
	s25 =	sadd.s32 $0x14080, s11;
	[dreg:$0x18] =	wrdreg s22  }
0x1b: {  	s0 =	smax.u32 s30, $0x1;
	s26 =	sadd.s32 $0x18080, s11;
	[dreg:$0x19] =	wrdreg s23  }
0x1c: {  	s28 =	sadd.s32 $0x1C080, s11;
	s29 =	sadd.s32 $0x100, s11;
	[dreg:$0x1a] =	wrdreg s24  }
0x1d: {  	s30 =	sadd.s32 $0x4100, s11;
	s31 =	sadd.s32 $0x8100, s11;
	[dreg:$0x1b] =	wrdreg s25  }
0x1e: {  	s7 =	sadd.s32 $0x14100, s11;
	s8 =	sadd.s32 $0x18100, s11;
	[dreg:$0x1c] =	wrdreg s0  }
0x1f: {  	s9 =	sadd.s32 $0x1C100, s11;
	s10 =	sadd.s32 $0x180, s11;
	[dreg:$0x1d] =	wrdreg s26  }
0x20: {  	s3 =	sadd.s32 $0x8180, s11;
	s4 =	sadd.s32 $0xC180, s11;
	[dreg:$0x1e] =	wrdreg s28  }
0x21: {  	s5 =	sadd.s32 $0x10180, s11;
	s6 =	sadd.s32 $0x14180, s11;
	[dreg:$0x1f] =	wrdreg s29  }
0x22: {  	v0 =	vlaneseq.u32;
	s12 =	sadd.s32 $0x18180, s11;
	s13 =	sadd.s32 $0x1C180, s11;
	[smem:$0x7FD] =	sst s30  }
0x23: {  	v0 =	vmul.u32 $0x88, v0;
	s0 =	sadd.s32 $0xC100, s11;
	s2 =	sadd.s32 $0x10100, s11;
	s25 =	sadd.s32 $0x4180, s11  }
0x24: {  	s14 =	simm.s32 $0x1;
	s15 =	simm.s32 $0x80;
	s16 =	simm.s32 $0x10800  }
0x25: {  	v1 =	vadd.s32 $0x880, v0;
	v2 =	vadd.s32 $0x1100, v0;
	v3 =	vadd.s32 $0x1980, v0;
	s17 =	simm.s32 $0x12A00;
	s18 =	simm.s32 $0x2;
	s20 =	simm.s32 $0x0  }
.LBB2_1:
0x26: {  	[smem:$0x7FC] =	sst s20  }
0x27: {  	s19 =	rddreg [dreg:$0xb]  }
0x28: {  	[tilespmem:s1], [sflag:$0x1] =	stream.linear.gather [hbm4b:s19+s1], $0x200, $0x38;
	[tilespmem:$0x14C00] =	vst v63  }
0x29: {  	s26 =	rddreg [dreg:$0xc];
	s21 =	simm.s32 $0x200  }
0x2a: {  	[tilespmem:s21], [sflag:$0x1] =	stream.linear.gather [hbm4b:s26+s1], $0x200, $0x38;
	[tilespmem:$0x14C00] =	vst v63  }
0x2b: {  	s30 =	rddreg [dreg:$0xd];
	s22 =	simm.s32 $0x400  }
0x2c: {  	[tilespmem:s22], [sflag:$0x1] =	stream.linear.gather [hbm4b:s30+s1], $0x200, $0x38;
	[tilespmem:$0x14C00] =	vst v63  }
0x2d: {  	s20 =	rddreg [dreg:$0xe];
	s23 =	simm.s32 $0x600  }
0x2e: {  	[tilespmem:s23], [sflag:$0x1] =	stream.linear.gather [hbm4b:s20+s1], $0x200, $0x38;
	[tilespmem:$0x14C00] =	vst v63  }
0x2f: {  	_ =	swait.ge [sflag:s14], $0x200  }
0x30: {  	[sflag:s14] =	ssyncset.done $0x0  }
0x31: {  	s24 =	simm.s32 $0x800;
	s19 =	rddreg [dreg:$0x7];
	[sflag:s14] =	ssyncadd.s32 $0xFFFFFE00  }
0x32: {  	[tilespmem:s24], [sflag:$0x1] =	stream.indirect.gather [hbm4b:s19+s15], $0x40, s1, s15, $0xb8;
	[tilespmem:$0x14C00] =	vst v63  }
0x33: {  	_ =	swait.ge [sflag:s14], $0x200  }
0x34: {  	[sflag:s14] =	ssyncset.done $0x0  }
0x35: {  	s24 =	simm.s32 $0x2800;
	s20 =	rddreg [dreg:$0x8];
	[sflag:s14] =	ssyncadd.s32 $0xFFFFFE00  }
0x36: {  	[tilespmem:s24], [sflag:$0x1] =	stream.indirect.gather [hbm4b:s20+s15], $0x40, s21, s15, $0xb8;
	[tilespmem:$0x14C00] =	vst v63  }
0x37: {  	_ =	swait.ge [sflag:s14], $0x200  }
0x38: {  	[sflag:s14] =	ssyncset.done $0x0  }
0x39: {  	s26 =	simm.s32 $0x4800;
	s21 =	rddreg [dreg:$0x9];
	[sflag:s14] =	ssyncadd.s32 $0xFFFFFE00  }
0x3a: {  	[tilespmem:s26], [sflag:$0x1] =	stream.indirect.gather [hbm4b:s21+s15], $0x40, s22, s15, $0xb8;
	[tilespmem:$0x14C00] =	vst v63  }
0x3b: {  	_ =	swait.ge [sflag:s14], $0x200  }
0x3c: {  	[sflag:s14] =	ssyncset.done $0x0  }
0x3d: {  	s30 =	simm.s32 $0x6800;
	s22 =	rddreg [dreg:$0xa];
	[sflag:s14] =	ssyncadd.s32 $0xFFFFFE00  }
0x3e: {  	[tilespmem:s30], [sflag:$0x1] =	stream.indirect.gather [hbm4b:s22+s15], $0x40, s23, s15, $0xb8;
	[tilespmem:$0x14C00] =	vst v63  }
0x3f: {  	_ =	swait.ge [sflag:s14], $0x2000  }
0x40: {  	[sflag:s14] =	ssyncset.done $0x0  }
0x41: {  	[sflag:s14] =	ssyncadd.s32 $0xFFFFE000  }
0x42: {  	_ =	swait.ge [sflag:s14], $0x2000  }
0x43: {  	[sflag:s14] =	ssyncset.done $0x0  }
0x44: {  	[sflag:s14] =	ssyncadd.s32 $0xFFFFE000  }
0x45: {  	_ =	swait.ge [sflag:s14], $0x2000  }
0x46: {  	[sflag:s14] =	ssyncset.done $0x0  }
0x47: {  	[sflag:s14] =	ssyncadd.s32 $0xFFFFE000  }
0x48: {  	_ =	swait.ge [sflag:s14], $0x2000  }
0x49: {  	[sflag:s14] =	ssyncset.done $0x0  }
0x4a: {  	s24 =	simm.s32 $0x8800;
	[sflag:s14] =	ssyncadd.s32 $0xFFFFE000  }
0x4b: {  	[tilespmem:s24], [sflag:$0x1] =	stream.indirect.gather [hbm4b:s19+s15], $0x40, s15, s15, $0xb8;
	[tilespmem:$0x14C00] =	vst v63  }
0x4c: {  	s26 =	simm.s32 $0x280;
	s30 =	simm.s32 $0xA800  }
0x4d: {  	[tilespmem:s30], [sflag:$0x1] =	stream.indirect.gather [hbm4b:s20+s15], $0x40, s26, s15, $0xb8;
	[tilespmem:$0x14C00] =	vst v63  }
0x4e: {  	s23 =	simm.s32 $0xC800;
	s20 =	simm.s32 $0x480  }
0x4f: {  	[tilespmem:s23], [sflag:$0x1] =	stream.indirect.gather [hbm4b:s21+s15], $0x40, s20, s15, $0xb8;
	[tilespmem:$0x14C00] =	vst v63  }
0x50: {  	s24 =	simm.s32 $0x680;
	s19 =	simm.s32 $0x6840;
	s26 =	simm.s32 $0xE800  }
0x51: {  	[tilespmem:s26], [sflag:$0x1] =	stream.indirect.gather [hbm4b:s22+s15], $0x40, s24, s15, $0xb8;
	[tilespmem:$0x14C00] =	vst v63  }
0x52: {  	s20 =	simm.s32 $0x4840;
	v4 =	vld [tilespmem:s19+$0xFFFFFFC0]  }
0x53: {  	s21 =	simm.s32 $0x2840;
	v5 =	vld [tilespmem:s20+$0xFFFFFFC0]  }
0x54: {  	s22 =	simm.s32 $0x840;
	v6 =	vld [tilespmem:s21+$0xFFFFFFC0]  }
0x55: {  	v7 =	vld [tilespmem:s22+$0xFFFFFFC0];
	_ =	sdelay $0x1  }
0x56: {  	v8 =	vmov s1  }
0x57: {  	v8 =	vand.u32 $0x7E, v8  }
0x58: {  	v9 =	vadd.s32 v0, v8  }
0x59: {  	v4 =	vadd.f32 v4, v5;
	v5 =	vadd.f32 v6, v7;
	_ =	sdelay $0x1  }
0x5a: {  	v4 =	vadd.f32 v4, v5;
	_ =	sdelay $0x1  }
0x5b: {  	[tilespmem:v9+s16+$0x0] =	vst.idx.msk $0xffff, v4  }
0x5c: {  	v4 =	vld [tilespmem:s19+$0xFFFFFFD0]  }
0x5d: {  	v5 =	vld [tilespmem:s21+$0xFFFFFFD0]  }
0x5e: {  	v6 =	vld [tilespmem:s20+$0xFFFFFFD0]  }
0x5f: {  	v7 =	vld [tilespmem:s22+$0xFFFFFFD0];
	_ =	sdelay $0x3  }
0x60: {  	v9 =	vadd.s32 v1, v8  }
0x61: {  	v4 =	vadd.f32 v4, v6;
	v5 =	vadd.f32 v5, v7;
	_ =	sdelay $0x1  }
0x62: {  	v4 =	vadd.f32 v4, v5;
	_ =	sdelay $0x1  }
0x63: {  	[tilespmem:v9+s16+$0x0] =	vst.idx.msk $0xffff, v4  }
0x64: {  	v4 =	vld [tilespmem:s22+$0xFFFFFFE0]  }
0x65: {  	v5 =	vld [tilespmem:s21+$0xFFFFFFE0]  }
0x66: {  	v6 =	vld [tilespmem:s19+$0xFFFFFFE0]  }
0x67: {  	v7 =	vld [tilespmem:s20+$0xFFFFFFE0];
	_ =	sdelay $0x3  }
0x68: {  	v9 =	vadd.s32 v2, v8  }
0x69: {  	v4 =	vadd.f32 v5, v4;
	v5 =	vadd.f32 v6, v7;
	_ =	sdelay $0x1  }
0x6a: {  	v4 =	vadd.f32 v5, v4;
	_ =	sdelay $0x1  }
0x6b: {  	[tilespmem:v9+s16+$0x0] =	vst.idx.msk $0xffff, v4  }
0x6c: {  	v4 =	vld [tilespmem:s21+$0xFFFFFFF0]  }
0x6d: {  	v5 =	vld [tilespmem:s19+$0xFFFFFFF0]  }
0x6e: {  	v6 =	vld [tilespmem:s22+$0xFFFFFFF0]  }
0x6f: {  	v7 =	vld [tilespmem:s20+$0xFFFFFFF0];
	_ =	sdelay $0x3  }
0x70: {  	v8 =	vadd.s32 v3, v8  }
0x71: {  	v4 =	vadd.f32 v4, v6;
	v5 =	vadd.f32 v5, v7;
	_ =	sdelay $0x1  }
0x72: {  	v4 =	vadd.f32 v5, v4;
	_ =	sdelay $0x1  }
0x73: {  	[tilespmem:v8+s16+$0x0] =	vst.idx.msk $0xffff, v4  }
0x74: {  	v5 =	vld [tilespmem:s22+$0x0]  }
0x75: {  	v6 =	vld [tilespmem:s21+$0x0]  }
0x76: {  	v7 =	vld [tilespmem:s19+$0x0]  }
0x77: {  	v8 =	vld [tilespmem:s20+$0x0]  }
0x78: {  	s30 =	simm.s32 $0x1  }
0x79: {  	v4 =	vmov s30  }
0x7a: {  	v4 =	vand.u32 $0x7F, v4  }
0x7b: {  	v9 =	vadd.s32 v0, v4  }
0x7c: {  	v5 =	vadd.f32 v6, v5;
	v6 =	vadd.f32 v7, v8;
	_ =	sdelay $0x1  }
0x7d: {  	v5 =	vadd.f32 v6, v5;
	_ =	sdelay $0x1  }
0x7e: {  	[tilespmem:v9+s16+$0x0] =	vst.idx.msk $0xffff, v5  }
0x7f: {  	v5 =	vld [tilespmem:s21+$0x10]  }
0x80: {  	v6 =	vld [tilespmem:s22+$0x10]  }
0x81: {  	v7 =	vld [tilespmem:s19+$0x10]  }
0x82: {  	v8 =	vld [tilespmem:s20+$0x10];
	_ =	sdelay $0x3  }
0x83: {  	v9 =	vadd.s32 v1, v4  }
0x84: {  	v5 =	vadd.f32 v5, v6;
	v6 =	vadd.f32 v7, v8;
	_ =	sdelay $0x1  }
0x85: {  	v5 =	vadd.f32 v6, v5;
	_ =	sdelay $0x1  }
0x86: {  	[tilespmem:v9+s16+$0x0] =	vst.idx.msk $0xffff, v5  }
0x87: {  	v6 =	vld [tilespmem:s21+$0x20]  }
0x88: {  	v5 =	vld [tilespmem:s19+$0x20]  }
0x89: {  	s28 =	simm.s32 $0x2;
	s29 =	simm.s32 $0x68C0;
	v7 =	vld [tilespmem:s22+$0x20]  }
0x8a: {  	s23 =	simm.s32 $0x2840;
	s24 =	simm.s32 $0x840;
	s26 =	simm.s32 $0x4840;
	v8 =	vld [tilespmem:s20+$0x20]  }
.LBB2_2:
0x8b: {  	s22 =	sadd.s32 $0x80, s22;
	s21 =	sadd.s32 $0x80, s21;
	s20 =	sadd.s32 $0x80, s20  }
0x8c: {  	p0 =	sne.s32 s28, $0x7E;
	s30 =	smov.u32 s28;
	s28 =	sadd.s32 $0x2, s28  }
0x8d: {  	_ = 	snop  }
0x8e: {  	v6 =	vadd.f32 v6, v7;
	v7 =	vadd.s32 v2, v4  }
0x8f: {  	v5 =	vadd.f32 v5, v8;
	_ =	sdelay $0x1  }
0x90: {  	v5 =	vadd.f32 v5, v6;
	_ =	sdelay $0x1  }
0x91: {  	[tilespmem:v7+s16+$0x0] =	vst.idx.msk $0xffff, v5  }
0x92: {  	v5 =	vld [tilespmem:s19+$0x30];
	s19 =	smov.u32 s29  }
0x93: {  	v6 =	vld [tilespmem:s23+$0x30];
	s23 =	smov.u32 s21  }
0x94: {  	v7 =	vld [tilespmem:s24+$0x30];
	s24 =	smov.u32 s22  }
0x95: {  	v8 =	vld [tilespmem:s26+$0x30];
	s26 =	smov.u32 s20;
	_ =	sdelay $0x2  }
0x96: {  	v4 =	vadd.s32 v3, v4  }
0x97: {  	v6 =	vadd.f32 v6, v7  }
0x98: {  	v5 =	vadd.f32 v5, v8;
	_ =	sdelay $0x1  }
0x99: {  	v5 =	vadd.f32 v5, v6;
	_ =	sdelay $0x1  }
0x9a: {  	[tilespmem:v4+s16+$0x0] =	vst.idx.msk $0xffff, v5  }
0x9b: {  	v4 =	vld [tilespmem:s29+$0xFFFFFFC0]  }
0x9c: {  	v5 =	vld [tilespmem:s20+$0xFFFFFFC0]  }
0x9d: {  	v6 =	vld [tilespmem:s21+$0xFFFFFFC0]  }
0x9e: {  	v7 =	vld [tilespmem:s22+$0xFFFFFFC0];
	_ =	sdelay $0x1  }
0x9f: {  	v8 =	vmov s30  }
0xa0: {  	v4 =	vadd.f32 v4, v5;
	v5 =	vand.u32 $0x7E, v8  }
0xa1: {  	v8 =	vadd.s32 v0, v5  }
0xa2: {  	v6 =	vadd.f32 v6, v7;
	_ =	sdelay $0x1  }
0xa3: {  	v4 =	vadd.f32 v4, v6;
	_ =	sdelay $0x1  }
0xa4: {  	[tilespmem:v8+s16+$0x0] =	vst.idx.msk $0xffff, v4  }
0xa5: {  	v4 =	vld [tilespmem:s29+$0xFFFFFFD0]  }
0xa6: {  	v6 =	vld [tilespmem:s21+$0xFFFFFFD0]  }
0xa7: {  	v7 =	vld [tilespmem:s20+$0xFFFFFFD0]  }
0xa8: {  	v8 =	vld [tilespmem:s22+$0xFFFFFFD0];
	_ =	sdelay $0x3  }
0xa9: {  	v4 =	vadd.f32 v4, v7;
	v7 =	vadd.s32 v1, v5  }
0xaa: {  	v6 =	vadd.f32 v6, v8;
	_ =	sdelay $0x1  }
0xab: {  	v4 =	vadd.f32 v4, v6;
	_ =	sdelay $0x1  }
0xac: {  	[tilespmem:v7+s16+$0x0] =	vst.idx.msk $0xffff, v4  }
0xad: {  	v4 =	vld [tilespmem:s22+$0xFFFFFFE0]  }
0xae: {  	v6 =	vld [tilespmem:s21+$0xFFFFFFE0]  }
0xaf: {  	v7 =	vld [tilespmem:s29+$0xFFFFFFE0]  }
0xb0: {  	v8 =	vld [tilespmem:s20+$0xFFFFFFE0];
	_ =	sdelay $0x2  }
0xb1: {  	v4 =	vadd.f32 v6, v4  }
0xb2: {  	v6 =	vadd.s32 v2, v5  }
0xb3: {  	v7 =	vadd.f32 v7, v8;
	_ =	sdelay $0x1  }
0xb4: {  	v4 =	vadd.f32 v7, v4;
	_ =	sdelay $0x1  }
0xb5: {  	[tilespmem:v6+s16+$0x0] =	vst.idx.msk $0xffff, v4  }
0xb6: {  	v4 =	vld [tilespmem:s21+$0xFFFFFFF0]  }
0xb7: {  	v6 =	vld [tilespmem:s29+$0xFFFFFFF0]  }
0xb8: {  	v7 =	vld [tilespmem:s22+$0xFFFFFFF0]  }
0xb9: {  	v8 =	vld [tilespmem:s20+$0xFFFFFFF0];
	_ =	sdelay $0x3  }
0xba: {  	v5 =	vadd.s32 v3, v5;
	v4 =	vadd.f32 v4, v7  }
0xbb: {  	v6 =	vadd.f32 v6, v8;
	_ =	sdelay $0x1  }
0xbc: {  	v4 =	vadd.f32 v6, v4;
	_ =	sdelay $0x1  }
0xbd: {  	[tilespmem:v5+s16+$0x0] =	vst.idx.msk $0xffff, v4  }
0xbe: {  	v4 =	vld [tilespmem:s22+$0x0]  }
0xbf: {  	v5 =	vld [tilespmem:s21+$0x0]  }
0xc0: {  	v6 =	vld [tilespmem:s29+$0x0]  }
0xc1: {  	v7 =	vld [tilespmem:s20+$0x0]  }
0xc2: {  	s30 =	sadd.s32 $0x1, s30  }
0xc3: {  	v8 =	vmov s30  }
0xc4: {  	v5 =	vadd.f32 v5, v4;
	v4 =	vand.u32 $0x7F, v8  }
0xc5: {  	v8 =	vadd.s32 v0, v4  }
0xc6: {  	v6 =	vadd.f32 v6, v7;
	_ =	sdelay $0x1  }
0xc7: {  	v5 =	vadd.f32 v6, v5;
	_ =	sdelay $0x1  }
0xc8: {  	[tilespmem:v8+s16+$0x0] =	vst.idx.msk $0xffff, v5  }
0xc9: {  	v5 =	vld [tilespmem:s21+$0x10]  }
0xca: {  	v6 =	vld [tilespmem:s22+$0x10]  }
0xcb: {  	v7 =	vld [tilespmem:s29+$0x10]  }
0xcc: {  	v8 =	vld [tilespmem:s20+$0x10];
	_ =	sdelay $0x2  }
0xcd: {  	v5 =	vadd.f32 v5, v6  }
0xce: {  	v6 =	vadd.s32 v1, v4  }
0xcf: {  	v7 =	vadd.f32 v7, v8;
	_ =	sdelay $0x1  }
0xd0: {  	v5 =	vadd.f32 v7, v5;
	_ =	sdelay $0x1  }
.Ltmp0:
0xd1: {  	[tilespmem:v6+s16+$0x0] =	vst.idx.msk $0xffff, v5;
	(pc) =	sbr.rel @p0 .LBB2_2-.Ltmp0, $4  }
0xd2: {  	v6 =	vld [tilespmem:s21+$0x20]  }
0xd3: {  	v5 =	vld [tilespmem:s29+$0x20]  }
0xd4: {  	v7 =	vld [tilespmem:s22+$0x20]  }
0xd5: {  	s29 =	sadd.s32 $0x80, s29;
	v8 =	vld [tilespmem:s20+$0x20]  }
0xd6: {  	_ =	sdelay $0x2  }
0xd7: {  	v9 =	vadd.s32 v2, v4  }
0xd8: {  	v6 =	vadd.f32 v6, v7;
	v5 =	vadd.f32 v5, v8;
	_ =	sdelay $0x1  }
0xd9: {  	v5 =	vadd.f32 v5, v6;
	_ =	sdelay $0x1  }
0xda: {  	[tilespmem:v9+s16+$0x0] =	vst.idx.msk $0xffff, v5  }
0xdb: {  	v5 =	vld [tilespmem:s19+$0x30]  }
0xdc: {  	v6 =	vld [tilespmem:s23+$0x30]  }
0xdd: {  	v7 =	vld [tilespmem:s24+$0x30]  }
0xde: {  	v8 =	vld [tilespmem:s26+$0x30];
	_ =	sdelay $0x3  }
0xdf: {  	v4 =	vadd.s32 v3, v4  }
0xe0: {  	v6 =	vadd.f32 v6, v7;
	v5 =	vadd.f32 v5, v8;
	_ =	sdelay $0x1  }
0xe1: {  	v5 =	vadd.f32 v5, v6;
	_ =	sdelay $0x1  }
0xe2: {  	s23 =	simm.s32 $0x0;
	[tilespmem:v4+s16+$0x0] =	vst.idx.msk $0xffff, v5  }
0xe3: {  	[hbm4b:s11+s23] =	stream.linear.scatter [tilespmem:s16], [sflag:$0x2], $0x80, $0x38;
	[tilespmem:$0x14C00] =	vst v63  }
0xe4: {  	s21 =	sadd.s32 $0x10, s11;
	s20 =	simm.s32 $0x10888  }
0xe5: {  	[hbm4b:s21+s23] =	stream.linear.scatter [tilespmem:s20], [sflag:$0x2], $0x80, $0x38;
	[tilespmem:$0x14C00] =	vst v63  }
0xe6: {  	s22 =	sadd.s32 $0x20, s11;
	s24 =	simm.s32 $0x10910  }
0xe7: {  	[hbm4b:s22+s23] =	stream.linear.scatter [tilespmem:s24], [sflag:$0x2], $0x80, $0x38;
	[tilespmem:$0x14C00] =	vst v63  }
0xe8: {  	s30 =	simm.s32 $0x10998;
	s26 =	sadd.s32 $0x30, s11  }
0xe9: {  	[hbm4b:s26+s23] =	stream.linear.scatter [tilespmem:s30], [sflag:$0x2], $0x80, $0x38;
	[tilespmem:$0x14C00] =	vst v63  }
0xea: {  	s20 =	sadd.s32 $0x40, s11;
	s21 =	simm.s32 $0x10A20  }
0xeb: {  	[hbm4b:s20+s23] =	stream.linear.scatter [tilespmem:s21], [sflag:$0x2], $0x80, $0x38;
	[tilespmem:$0x14C00] =	vst v63  }
0xec: {  	s22 =	sadd.s32 $0x50, s11;
	s24 =	simm.s32 $0x10AA8  }
0xed: {  	[hbm4b:s22+s23] =	stream.linear.scatter [tilespmem:s24], [sflag:$0x2], $0x80, $0x38;
	[tilespmem:$0x14C00] =	vst v63  }
0xee: {  	s26 =	sadd.s32 $0x60, s11;
	s30 =	simm.s32 $0x10B30  }
0xef: {  	[hbm4b:s26+s23] =	stream.linear.scatter [tilespmem:s30], [sflag:$0x2], $0x80, $0x38;
	[tilespmem:$0x14C00] =	vst v63  }
0xf0: {  	s20 =	sadd.s32 $0x70, s11;
	s21 =	simm.s32 $0x10BB8  }
0xf1: {  	[hbm4b:s20+s23] =	stream.linear.scatter [tilespmem:s21], [sflag:$0x2], $0x80, $0x38;
	[tilespmem:$0x14C00] =	vst v63  }
0xf2: {  	s22 =	simm.s32 $0x10C40;
	s20 =	rddreg [dreg:$0xf]  }
0xf3: {  	[hbm4b:s20+s23] =	stream.linear.scatter [tilespmem:s22], [sflag:$0x2], $0x80, $0x38;
	[tilespmem:$0x14C00] =	vst v63  }
0xf4: {  	s21 =	simm.s32 $0x10CC8;
	s24 =	sadd.s32 $0x10, s20  }
0xf5: {  	[hbm4b:s24+s23] =	stream.linear.scatter [tilespmem:s21], [sflag:$0x2], $0x80, $0x38;
	[tilespmem:$0x14C00] =	vst v63  }
0xf6: {  	s30 =	simm.s32 $0x10D50;
	s26 =	sadd.s32 $0x20, s20  }
0xf7: {  	[hbm4b:s26+s23] =	stream.linear.scatter [tilespmem:s30], [sflag:$0x2], $0x80, $0x38;
	[tilespmem:$0x14C00] =	vst v63  }
0xf8: {  	s22 =	sadd.s32 $0x30, s20;
	s24 =	simm.s32 $0x10DD8  }
0xf9: {  	[hbm4b:s22+s23] =	stream.linear.scatter [tilespmem:s24], [sflag:$0x2], $0x80, $0x38;
	[tilespmem:$0x14C00] =	vst v63  }
0xfa: {  	s26 =	sadd.s32 $0x40, s20;
	s30 =	simm.s32 $0x10E60  }
0xfb: {  	[hbm4b:s26+s23] =	stream.linear.scatter [tilespmem:s30], [sflag:$0x2], $0x80, $0x38;
	[tilespmem:$0x14C00] =	vst v63  }
0xfc: {  	s22 =	sadd.s32 $0x50, s20;
	s24 =	simm.s32 $0x10EE8  }
0xfd: {  	[hbm4b:s22+s23] =	stream.linear.scatter [tilespmem:s24], [sflag:$0x2], $0x80, $0x38;
	[tilespmem:$0x14C00] =	vst v63  }
0xfe: {  	s26 =	sadd.s32 $0x60, s20;
	s30 =	simm.s32 $0x10F70  }
0xff: {  	[hbm4b:s26+s23] =	stream.linear.scatter [tilespmem:s30], [sflag:$0x2], $0x80, $0x38;
	[tilespmem:$0x14C00] =	vst v63  }
0x100: {  	s21 =	sadd.s32 $0x70, s20;
	s22 =	simm.s32 $0x10FF8  }
0x101: {  	[hbm4b:s21+s23] =	stream.linear.scatter [tilespmem:s22], [sflag:$0x2], $0x80, $0x38;
	[tilespmem:$0x14C00] =	vst v63  }
0x102: {  	s20 =	rddreg [dreg:$0x10];
	s24 =	simm.s32 $0x11080  }
0x103: {  	[hbm4b:s20+s23] =	stream.linear.scatter [tilespmem:s24], [sflag:$0x2], $0x80, $0x38;
	[tilespmem:$0x14C00] =	vst v63  }
0x104: {  	s26 =	sadd.s32 $0x10, s20;
	s30 =	simm.s32 $0x11108  }
0x105: {  	[hbm4b:s26+s23] =	stream.linear.scatter [tilespmem:s30], [sflag:$0x2], $0x80, $0x38;
	[tilespmem:$0x14C00] =	vst v63  }
0x106: {  	s22 =	sadd.s32 $0x20, s20;
	s24 =	simm.s32 $0x11190  }
0x107: {  	[hbm4b:s22+s23] =	stream.linear.scatter [tilespmem:s24], [sflag:$0x2], $0x80, $0x38;
	[tilespmem:$0x14C00] =	vst v63  }
0x108: {  	s26 =	sadd.s32 $0x30, s20;
	s30 =	simm.s32 $0x11218  }
0x109: {  	[hbm4b:s26+s23] =	stream.linear.scatter [tilespmem:s30], [sflag:$0x2], $0x80, $0x38;
	[tilespmem:$0x14C00] =	vst v63  }
0x10a: {  	s22 =	sadd.s32 $0x40, s20;
	s24 =	simm.s32 $0x112A0  }
0x10b: {  	[hbm4b:s22+s23] =	stream.linear.scatter [tilespmem:s24], [sflag:$0x2], $0x80, $0x38;
	[tilespmem:$0x14C00] =	vst v63  }
0x10c: {  	s26 =	sadd.s32 $0x50, s20;
	s30 =	simm.s32 $0x11328  }
0x10d: {  	[hbm4b:s26+s23] =	stream.linear.scatter [tilespmem:s30], [sflag:$0x2], $0x80, $0x38;
	[tilespmem:$0x14C00] =	vst v63  }
0x10e: {  	s22 =	sadd.s32 $0x60, s20;
	s24 =	simm.s32 $0x113B0  }
0x10f: {  	[hbm4b:s22+s23] =	stream.linear.scatter [tilespmem:s24], [sflag:$0x2], $0x80, $0x38;
	[tilespmem:$0x14C00] =	vst v63  }
0x110: {  	s26 =	sadd.s32 $0x70, s20;
	s30 =	simm.s32 $0x11438  }
0x111: {  	[hbm4b:s26+s23] =	stream.linear.scatter [tilespmem:s30], [sflag:$0x2], $0x80, $0x38;
	[tilespmem:$0x14C00] =	vst v63  }
0x112: {  	s21 =	simm.s32 $0x114C0;
	s20 =	rddreg [dreg:$0x11]  }
0x113: {  	[hbm4b:s20+s23] =	stream.linear.scatter [tilespmem:s21], [sflag:$0x2], $0x80, $0x38;
	[tilespmem:$0x14C00] =	vst v63  }
0x114: {  	s22 =	sadd.s32 $0x10, s20;
	s24 =	simm.s32 $0x11548  }
0x115: {  	[hbm4b:s22+s23] =	stream.linear.scatter [tilespmem:s24], [sflag:$0x2], $0x80, $0x38;
	[tilespmem:$0x14C00] =	vst v63  }
0x116: {  	s26 =	sadd.s32 $0x20, s20;
	s30 =	simm.s32 $0x115D0  }
0x117: {  	[hbm4b:s26+s23] =	stream.linear.scatter [tilespmem:s30], [sflag:$0x2], $0x80, $0x38;
	[tilespmem:$0x14C00] =	vst v63  }
0x118: {  	s22 =	sadd.s32 $0x30, s20;
	s24 =	simm.s32 $0x11658  }
0x119: {  	[hbm4b:s22+s23] =	stream.linear.scatter [tilespmem:s24], [sflag:$0x2], $0x80, $0x38;
	[tilespmem:$0x14C00] =	vst v63  }
0x11a: {  	s26 =	sadd.s32 $0x40, s20;
	s30 =	simm.s32 $0x116E0  }
0x11b: {  	[hbm4b:s26+s23] =	stream.linear.scatter [tilespmem:s30], [sflag:$0x2], $0x80, $0x38;
	[tilespmem:$0x14C00] =	vst v63  }
0x11c: {  	s22 =	sadd.s32 $0x50, s20;
	s24 =	simm.s32 $0x11768  }
0x11d: {  	[hbm4b:s22+s23] =	stream.linear.scatter [tilespmem:s24], [sflag:$0x2], $0x80, $0x38;
	[tilespmem:$0x14C00] =	vst v63  }
0x11e: {  	s26 =	sadd.s32 $0x60, s20;
	s30 =	simm.s32 $0x117F0  }
0x11f: {  	[hbm4b:s26+s23] =	stream.linear.scatter [tilespmem:s30], [sflag:$0x2], $0x80, $0x38;
	[tilespmem:$0x14C00] =	vst v63  }
0x120: {  	s21 =	sadd.s32 $0x70, s20;
	s22 =	simm.s32 $0x11878  }
0x121: {  	[hbm4b:s21+s23] =	stream.linear.scatter [tilespmem:s22], [sflag:$0x2], $0x80, $0x38;
	[tilespmem:$0x14C00] =	vst v63  }
0x122: {  	s20 =	rddreg [dreg:$0x12];
	s24 =	simm.s32 $0x11900  }
0x123: {  	[hbm4b:s20+s23] =	stream.linear.scatter [tilespmem:s24], [sflag:$0x2], $0x80, $0x38;
	[tilespmem:$0x14C00] =	vst v63  }
0x124: {  	s26 =	sadd.s32 $0x10, s20;
	s30 =	simm.s32 $0x11988  }
0x125: {  	[hbm4b:s26+s23] =	stream.linear.scatter [tilespmem:s30], [sflag:$0x2], $0x80, $0x38;
	[tilespmem:$0x14C00] =	vst v63  }
0x126: {  	s22 =	sadd.s32 $0x20, s20;
	s24 =	simm.s32 $0x11A10  }
0x127: {  	[hbm4b:s22+s23] =	stream.linear.scatter [tilespmem:s24], [sflag:$0x2], $0x80, $0x38;
	[tilespmem:$0x14C00] =	vst v63  }
0x128: {  	s26 =	sadd.s32 $0x30, s20;
	s30 =	simm.s32 $0x11A98  }
0x129: {  	[hbm4b:s26+s23] =	stream.linear.scatter [tilespmem:s30], [sflag:$0x2], $0x80, $0x38;
	[tilespmem:$0x14C00] =	vst v63  }
0x12a: {  	s22 =	sadd.s32 $0x40, s20;
	s24 =	simm.s32 $0x11B20  }
0x12b: {  	[hbm4b:s22+s23] =	stream.linear.scatter [tilespmem:s24], [sflag:$0x2], $0x80, $0x38;
	[tilespmem:$0x14C00] =	vst v63  }
0x12c: {  	s26 =	sadd.s32 $0x50, s20;
	s30 =	simm.s32 $0x11BA8  }
0x12d: {  	[hbm4b:s26+s23] =	stream.linear.scatter [tilespmem:s30], [sflag:$0x2], $0x80, $0x38;
	[tilespmem:$0x14C00] =	vst v63  }
0x12e: {  	s22 =	sadd.s32 $0x60, s20;
	s24 =	simm.s32 $0x11C30  }
0x12f: {  	[hbm4b:s22+s23] =	stream.linear.scatter [tilespmem:s24], [sflag:$0x2], $0x80, $0x38;
	[tilespmem:$0x14C00] =	vst v63  }
0x130: {  	s26 =	sadd.s32 $0x70, s20;
	s30 =	simm.s32 $0x11CB8  }
0x131: {  	[hbm4b:s26+s23] =	stream.linear.scatter [tilespmem:s30], [sflag:$0x2], $0x80, $0x38;
	[tilespmem:$0x14C00] =	vst v63  }
0x132: {  	s21 =	simm.s32 $0x11D40;
	s20 =	rddreg [dreg:$0x13]  }
0x133: {  	[hbm4b:s20+s23] =	stream.linear.scatter [tilespmem:s21], [sflag:$0x2], $0x80, $0x38;
	[tilespmem:$0x14C00] =	vst v63  }
0x134: {  	s22 =	sadd.s32 $0x10, s20;
	s24 =	simm.s32 $0x11DC8  }
0x135: {  	[hbm4b:s22+s23] =	stream.linear.scatter [tilespmem:s24], [sflag:$0x2], $0x80, $0x38;
	[tilespmem:$0x14C00] =	vst v63  }
0x136: {  	s26 =	sadd.s32 $0x20, s20;
	s30 =	simm.s32 $0x11E50  }
0x137: {  	[hbm4b:s26+s23] =	stream.linear.scatter [tilespmem:s30], [sflag:$0x2], $0x80, $0x38;
	[tilespmem:$0x14C00] =	vst v63  }
0x138: {  	s22 =	sadd.s32 $0x30, s20;
	s24 =	simm.s32 $0x11ED8  }
0x139: {  	[hbm4b:s22+s23] =	stream.linear.scatter [tilespmem:s24], [sflag:$0x2], $0x80, $0x38;
	[tilespmem:$0x14C00] =	vst v63  }
0x13a: {  	s26 =	sadd.s32 $0x40, s20;
	s30 =	simm.s32 $0x11F60  }
0x13b: {  	[hbm4b:s26+s23] =	stream.linear.scatter [tilespmem:s30], [sflag:$0x2], $0x80, $0x38;
	[tilespmem:$0x14C00] =	vst v63  }
0x13c: {  	s22 =	sadd.s32 $0x50, s20;
	s24 =	simm.s32 $0x11FE8  }
0x13d: {  	[hbm4b:s22+s23] =	stream.linear.scatter [tilespmem:s24], [sflag:$0x2], $0x80, $0x38;
	[tilespmem:$0x14C00] =	vst v63  }
0x13e: {  	s26 =	sadd.s32 $0x60, s20;
	s30 =	simm.s32 $0x12070  }
0x13f: {  	[hbm4b:s26+s23] =	stream.linear.scatter [tilespmem:s30], [sflag:$0x2], $0x80, $0x38;
	[tilespmem:$0x14C00] =	vst v63  }
0x140: {  	s21 =	sadd.s32 $0x70, s20;
	s22 =	simm.s32 $0x120F8  }
0x141: {  	[hbm4b:s21+s23] =	stream.linear.scatter [tilespmem:s22], [sflag:$0x2], $0x80, $0x38;
	[tilespmem:$0x14C00] =	vst v63  }
0x142: {  	s20 =	rddreg [dreg:$0x14];
	s24 =	simm.s32 $0x12180  }
0x143: {  	[hbm4b:s20+s23] =	stream.linear.scatter [tilespmem:s24], [sflag:$0x2], $0x80, $0x38;
	[tilespmem:$0x14C00] =	vst v63  }
0x144: {  	s26 =	sadd.s32 $0x10, s20;
	s30 =	simm.s32 $0x12208  }
0x145: {  	[hbm4b:s26+s23] =	stream.linear.scatter [tilespmem:s30], [sflag:$0x2], $0x80, $0x38;
	[tilespmem:$0x14C00] =	vst v63  }
0x146: {  	s22 =	sadd.s32 $0x20, s20;
	s24 =	simm.s32 $0x12290  }
0x147: {  	[hbm4b:s22+s23] =	stream.linear.scatter [tilespmem:s24], [sflag:$0x2], $0x80, $0x38;
	[tilespmem:$0x14C00] =	vst v63  }
0x148: {  	s26 =	sadd.s32 $0x30, s20;
	s30 =	simm.s32 $0x12318  }
0x149: {  	[hbm4b:s26+s23] =	stream.linear.scatter [tilespmem:s30], [sflag:$0x2], $0x80, $0x38;
	[tilespmem:$0x14C00] =	vst v63  }
0x14a: {  	s22 =	sadd.s32 $0x40, s20;
	s24 =	simm.s32 $0x123A0  }
0x14b: {  	[hbm4b:s22+s23] =	stream.linear.scatter [tilespmem:s24], [sflag:$0x2], $0x80, $0x38;
	[tilespmem:$0x14C00] =	vst v63  }
0x14c: {  	s26 =	sadd.s32 $0x50, s20;
	s30 =	simm.s32 $0x12428  }
0x14d: {  	[hbm4b:s26+s23] =	stream.linear.scatter [tilespmem:s30], [sflag:$0x2], $0x80, $0x38;
	[tilespmem:$0x14C00] =	vst v63  }
0x14e: {  	s22 =	sadd.s32 $0x60, s20;
	s24 =	simm.s32 $0x124B0  }
0x14f: {  	[hbm4b:s22+s23] =	stream.linear.scatter [tilespmem:s24], [sflag:$0x2], $0x80, $0x38;
	[tilespmem:$0x14C00] =	vst v63  }
0x150: {  	s26 =	sadd.s32 $0x70, s20;
	s30 =	simm.s32 $0x12538  }
0x151: {  	[hbm4b:s26+s23] =	stream.linear.scatter [tilespmem:s30], [sflag:$0x2], $0x80, $0x38;
	[tilespmem:$0x14C00] =	vst v63  }
0x152: {  	s21 =	simm.s32 $0x125C0;
	s20 =	rddreg [dreg:$0x15]  }
0x153: {  	[hbm4b:s20+s23] =	stream.linear.scatter [tilespmem:s21], [sflag:$0x2], $0x80, $0x38;
	[tilespmem:$0x14C00] =	vst v63  }
0x154: {  	s22 =	sadd.s32 $0x10, s20;
	s24 =	simm.s32 $0x12648  }
0x155: {  	[hbm4b:s22+s23] =	stream.linear.scatter [tilespmem:s24], [sflag:$0x2], $0x80, $0x38;
	[tilespmem:$0x14C00] =	vst v63  }
0x156: {  	s26 =	sadd.s32 $0x20, s20;
	s30 =	simm.s32 $0x126D0  }
0x157: {  	[hbm4b:s26+s23] =	stream.linear.scatter [tilespmem:s30], [sflag:$0x2], $0x80, $0x38;
	[tilespmem:$0x14C00] =	vst v63  }
0x158: {  	s22 =	sadd.s32 $0x30, s20;
	s24 =	simm.s32 $0x12758  }
0x159: {  	[hbm4b:s22+s23] =	stream.linear.scatter [tilespmem:s24], [sflag:$0x2], $0x80, $0x38;
	[tilespmem:$0x14C00] =	vst v63  }
0x15a: {  	s26 =	sadd.s32 $0x40, s20;
	s30 =	simm.s32 $0x127E0  }
0x15b: {  	[hbm4b:s26+s23] =	stream.linear.scatter [tilespmem:s30], [sflag:$0x2], $0x80, $0x38;
	[tilespmem:$0x14C00] =	vst v63  }
0x15c: {  	s22 =	sadd.s32 $0x50, s20;
	s24 =	simm.s32 $0x12868  }
0x15d: {  	[hbm4b:s22+s23] =	stream.linear.scatter [tilespmem:s24], [sflag:$0x2], $0x80, $0x38;
	[tilespmem:$0x14C00] =	vst v63  }
0x15e: {  	s26 =	sadd.s32 $0x60, s20;
	s30 =	simm.s32 $0x128F0  }
0x15f: {  	[hbm4b:s26+s23] =	stream.linear.scatter [tilespmem:s30], [sflag:$0x2], $0x80, $0x38;
	[tilespmem:$0x14C00] =	vst v63  }
0x160: {  	s21 =	sadd.s32 $0x70, s20;
	s22 =	simm.s32 $0x12978  }
0x161: {  	[hbm4b:s21+s23] =	stream.linear.scatter [tilespmem:s22], [sflag:$0x2], $0x80, $0x38;
	[tilespmem:$0x14C00] =	vst v63  }
0x162: {  	_ =	swait.ge [sflag:s14], $0x2000  }
0x163: {  	[sflag:s14] =	ssyncset.done $0x0  }
0x164: {  	[sflag:s14] =	ssyncadd.s32 $0xFFFFE000  }
0x165: {  	_ =	swait.ge [sflag:s14], $0x2000  }
0x166: {  	[sflag:s14] =	ssyncset.done $0x0  }
0x167: {  	[sflag:s14] =	ssyncadd.s32 $0xFFFFE000  }
0x168: {  	_ =	swait.ge [sflag:s14], $0x2000  }
0x169: {  	[sflag:s14] =	ssyncset.done $0x0  }
0x16a: {  	[sflag:s14] =	ssyncadd.s32 $0xFFFFE000  }
0x16b: {  	_ =	swait.ge [sflag:s14], $0x2000  }
0x16c: {  	s19 =	simm.s32 $0xE840;
	s26 =	simm.s32 $0x800;
	[sflag:s14] =	ssyncset.done $0x0  }
0x16d: {  	s30 =	simm.s32 $0x100;
	s24 =	rddreg [dreg:$0x7];
	[sflag:s14] =	ssyncadd.s32 $0xFFFFE000  }
0x16e: {  	[tilespmem:s26], [sflag:$0x1] =	stream.indirect.gather [hbm4b:s24+s15], $0x40, s30, s15, $0xb8;
	[tilespmem:$0x14C00] =	vst v63  }
0x16f: {  	s21 =	simm.s32 $0x2800;
	s22 =	simm.s32 $0x300;
	s20 =	rddreg [dreg:$0x8]  }
0x170: {  	[tilespmem:s21], [sflag:$0x1] =	stream.indirect.gather [hbm4b:s20+s15], $0x40, s22, s15, $0xb8;
	[tilespmem:$0x14C00] =	vst v63  }
0x171: {  	s24 =	rddreg [dreg:$0x9];
	s26 =	simm.s32 $0x4800;
	s30 =	simm.s32 $0x500  }
0x172: {  	[tilespmem:s26], [sflag:$0x1] =	stream.indirect.gather [hbm4b:s24+s15], $0x40, s30, s15, $0xb8;
	[tilespmem:$0x14C00] =	vst v63  }
0x173: {  	s22 =	rddreg [dreg:$0xa];
	s24 =	simm.s32 $0x6800;
	s26 =	simm.s32 $0x700  }
0x174: {  	[tilespmem:s24], [sflag:$0x1] =	stream.indirect.gather [hbm4b:s22+s15], $0x40, s26, s15, $0xb8;
	[tilespmem:$0x14C00] =	vst v63  }
0x175: {  	s20 =	simm.s32 $0xC840;
	v4 =	vld [tilespmem:s19+$0xFFFFFFC0]  }
0x176: {  	s21 =	simm.s32 $0xA840;
	v5 =	vld [tilespmem:s20+$0xFFFFFFC0]  }
0x177: {  	s22 =	simm.s32 $0x8840;
	v6 =	vld [tilespmem:s21+$0xFFFFFFC0]  }
0x178: {  	v7 =	vld [tilespmem:s22+$0xFFFFFFC0];
	_ =	sdelay $0x1  }
0x179: {  	v8 =	vmov s23  }
0x17a: {  	v8 =	vand.u32 $0x7E, v8  }
0x17b: {  	v9 =	vadd.s32 v0, v8  }
0x17c: {  	v4 =	vadd.f32 v4, v5;
	v5 =	vadd.f32 v6, v7;
	_ =	sdelay $0x1  }
0x17d: {  	v4 =	vadd.f32 v4, v5;
	_ =	sdelay $0x1  }
0x17e: {  	[tilespmem:v9+s17+$0x0] =	vst.idx.msk $0xffff, v4  }
0x17f: {  	v4 =	vld [tilespmem:s19+$0xFFFFFFD0]  }
0x180: {  	v5 =	vld [tilespmem:s21+$0xFFFFFFD0]  }
0x181: {  	v6 =	vld [tilespmem:s20+$0xFFFFFFD0]  }
0x182: {  	v7 =	vld [tilespmem:s22+$0xFFFFFFD0];
	_ =	sdelay $0x3  }
0x183: {  	v9 =	vadd.s32 v1, v8  }
0x184: {  	v4 =	vadd.f32 v4, v6;
	v5 =	vadd.f32 v5, v7;
	_ =	sdelay $0x1  }
0x185: {  	v4 =	vadd.f32 v4, v5;
	_ =	sdelay $0x1  }
0x186: {  	[tilespmem:v9+s17+$0x0] =	vst.idx.msk $0xffff, v4  }
0x187: {  	v4 =	vld [tilespmem:s22+$0xFFFFFFE0]  }
0x188: {  	v5 =	vld [tilespmem:s21+$0xFFFFFFE0]  }
0x189: {  	v6 =	vld [tilespmem:s19+$0xFFFFFFE0]  }
0x18a: {  	v7 =	vld [tilespmem:s20+$0xFFFFFFE0];
	_ =	sdelay $0x3  }
0x18b: {  	v9 =	vadd.s32 v2, v8  }
0x18c: {  	v4 =	vadd.f32 v5, v4;
	v5 =	vadd.f32 v6, v7;
	_ =	sdelay $0x1  }
0x18d: {  	v4 =	vadd.f32 v5, v4;
	_ =	sdelay $0x1  }
0x18e: {  	[tilespmem:v9+s17+$0x0] =	vst.idx.msk $0xffff, v4  }
0x18f: {  	v4 =	vld [tilespmem:s21+$0xFFFFFFF0]  }
0x190: {  	v5 =	vld [tilespmem:s19+$0xFFFFFFF0]  }
0x191: {  	v6 =	vld [tilespmem:s22+$0xFFFFFFF0]  }
0x192: {  	v7 =	vld [tilespmem:s20+$0xFFFFFFF0];
	_ =	sdelay $0x3  }
0x193: {  	v8 =	vadd.s32 v3, v8  }
0x194: {  	v4 =	vadd.f32 v4, v6;
	v5 =	vadd.f32 v5, v7;
	_ =	sdelay $0x1  }
0x195: {  	v4 =	vadd.f32 v5, v4;
	_ =	sdelay $0x1  }
0x196: {  	[tilespmem:v8+s17+$0x0] =	vst.idx.msk $0xffff, v4  }
0x197: {  	v5 =	vld [tilespmem:s22+$0x0]  }
0x198: {  	v6 =	vld [tilespmem:s21+$0x0]  }
0x199: {  	v7 =	vld [tilespmem:s19+$0x0]  }
0x19a: {  	v8 =	vld [tilespmem:s20+$0x0]  }
0x19b: {  	s30 =	simm.s32 $0x1  }
0x19c: {  	v4 =	vmov s30  }
0x19d: {  	v4 =	vand.u32 $0x7F, v4  }
0x19e: {  	v9 =	vadd.s32 v0, v4  }
0x19f: {  	v5 =	vadd.f32 v6, v5;
	v6 =	vadd.f32 v7, v8;
	_ =	sdelay $0x1  }
0x1a0: {  	v5 =	vadd.f32 v6, v5;
	_ =	sdelay $0x1  }
0x1a1: {  	[tilespmem:v9+s17+$0x0] =	vst.idx.msk $0xffff, v5  }
0x1a2: {  	v5 =	vld [tilespmem:s21+$0x10]  }
0x1a3: {  	v6 =	vld [tilespmem:s22+$0x10]  }
0x1a4: {  	v7 =	vld [tilespmem:s19+$0x10]  }
0x1a5: {  	v8 =	vld [tilespmem:s20+$0x10];
	_ =	sdelay $0x3  }
0x1a6: {  	v9 =	vadd.s32 v1, v4  }
0x1a7: {  	v5 =	vadd.f32 v5, v6;
	v6 =	vadd.f32 v7, v8;
	_ =	sdelay $0x1  }
0x1a8: {  	v5 =	vadd.f32 v6, v5;
	_ =	sdelay $0x1  }
0x1a9: {  	[tilespmem:v9+s17+$0x0] =	vst.idx.msk $0xffff, v5  }
0x1aa: {  	v6 =	vld [tilespmem:s21+$0x20]  }
0x1ab: {  	v5 =	vld [tilespmem:s19+$0x20]  }
0x1ac: {  	s28 =	simm.s32 $0x2;
	s29 =	simm.s32 $0xE8C0;
	v7 =	vld [tilespmem:s22+$0x20]  }
0x1ad: {  	s23 =	simm.s32 $0xA840;
	s24 =	simm.s32 $0x8840;
	s26 =	simm.s32 $0xC840;
	v8 =	vld [tilespmem:s20+$0x20]  }
.LBB2_4:
0x1ae: {  	s22 =	sadd.s32 $0x80, s22;
	s21 =	sadd.s32 $0x80, s21;
	s20 =	sadd.s32 $0x80, s20  }
0x1af: {  	p0 =	sne.s32 s28, $0x7E;
	s30 =	smov.u32 s28;
	s28 =	sadd.s32 $0x2, s28  }
0x1b0: {  	_ = 	snop  }
0x1b1: {  	v6 =	vadd.f32 v6, v7;
	v7 =	vadd.s32 v2, v4  }
0x1b2: {  	v5 =	vadd.f32 v5, v8;
	_ =	sdelay $0x1  }
0x1b3: {  	v5 =	vadd.f32 v5, v6;
	_ =	sdelay $0x1  }
0x1b4: {  	[tilespmem:v7+s17+$0x0] =	vst.idx.msk $0xffff, v5  }
0x1b5: {  	v5 =	vld [tilespmem:s19+$0x30];
	s19 =	smov.u32 s29  }
0x1b6: {  	v6 =	vld [tilespmem:s23+$0x30];
	s23 =	smov.u32 s21  }
0x1b7: {  	v7 =	vld [tilespmem:s24+$0x30];
	s24 =	smov.u32 s22  }
0x1b8: {  	v8 =	vld [tilespmem:s26+$0x30];
	s26 =	smov.u32 s20;
	_ =	sdelay $0x2  }
0x1b9: {  	v4 =	vadd.s32 v3, v4  }
0x1ba: {  	v6 =	vadd.f32 v6, v7  }
0x1bb: {  	v5 =	vadd.f32 v5, v8;
	_ =	sdelay $0x1  }
0x1bc: {  	v5 =	vadd.f32 v5, v6;
	_ =	sdelay $0x1  }
0x1bd: {  	[tilespmem:v4+s17+$0x0] =	vst.idx.msk $0xffff, v5  }
0x1be: {  	v4 =	vld [tilespmem:s29+$0xFFFFFFC0]  }
0x1bf: {  	v5 =	vld [tilespmem:s20+$0xFFFFFFC0]  }
0x1c0: {  	v6 =	vld [tilespmem:s21+$0xFFFFFFC0]  }
0x1c1: {  	v7 =	vld [tilespmem:s22+$0xFFFFFFC0];
	_ =	sdelay $0x1  }
0x1c2: {  	v8 =	vmov s30  }
0x1c3: {  	v4 =	vadd.f32 v4, v5;
	v5 =	vand.u32 $0x7E, v8  }
0x1c4: {  	v8 =	vadd.s32 v0, v5  }
0x1c5: {  	v6 =	vadd.f32 v6, v7;
	_ =	sdelay $0x1  }
0x1c6: {  	v4 =	vadd.f32 v4, v6;
	_ =	sdelay $0x1  }
0x1c7: {  	[tilespmem:v8+s17+$0x0] =	vst.idx.msk $0xffff, v4  }
0x1c8: {  	v4 =	vld [tilespmem:s29+$0xFFFFFFD0]  }
0x1c9: {  	v6 =	vld [tilespmem:s21+$0xFFFFFFD0]  }
0x1ca: {  	v7 =	vld [tilespmem:s20+$0xFFFFFFD0]  }
0x1cb: {  	v8 =	vld [tilespmem:s22+$0xFFFFFFD0];
	_ =	sdelay $0x3  }
0x1cc: {  	v4 =	vadd.f32 v4, v7;
	v7 =	vadd.s32 v1, v5  }
0x1cd: {  	v6 =	vadd.f32 v6, v8;
	_ =	sdelay $0x1  }
0x1ce: {  	v4 =	vadd.f32 v4, v6;
	_ =	sdelay $0x1  }
0x1cf: {  	[tilespmem:v7+s17+$0x0] =	vst.idx.msk $0xffff, v4  }
0x1d0: {  	v4 =	vld [tilespmem:s22+$0xFFFFFFE0]  }
0x1d1: {  	v6 =	vld [tilespmem:s21+$0xFFFFFFE0]  }
0x1d2: {  	v7 =	vld [tilespmem:s29+$0xFFFFFFE0]  }
0x1d3: {  	v8 =	vld [tilespmem:s20+$0xFFFFFFE0];
	_ =	sdelay $0x2  }
0x1d4: {  	v4 =	vadd.f32 v6, v4  }
0x1d5: {  	v6 =	vadd.s32 v2, v5  }
0x1d6: {  	v7 =	vadd.f32 v7, v8;
	_ =	sdelay $0x1  }
0x1d7: {  	v4 =	vadd.f32 v7, v4;
	_ =	sdelay $0x1  }
0x1d8: {  	[tilespmem:v6+s17+$0x0] =	vst.idx.msk $0xffff, v4  }
0x1d9: {  	v4 =	vld [tilespmem:s21+$0xFFFFFFF0]  }
0x1da: {  	v6 =	vld [tilespmem:s29+$0xFFFFFFF0]  }
0x1db: {  	v7 =	vld [tilespmem:s22+$0xFFFFFFF0]  }
0x1dc: {  	v8 =	vld [tilespmem:s20+$0xFFFFFFF0];
	_ =	sdelay $0x3  }
0x1dd: {  	v5 =	vadd.s32 v3, v5;
	v4 =	vadd.f32 v4, v7  }
0x1de: {  	v6 =	vadd.f32 v6, v8;
	_ =	sdelay $0x1  }
0x1df: {  	v4 =	vadd.f32 v6, v4;
	_ =	sdelay $0x1  }
0x1e0: {  	[tilespmem:v5+s17+$0x0] =	vst.idx.msk $0xffff, v4  }
0x1e1: {  	v4 =	vld [tilespmem:s22+$0x0]  }
0x1e2: {  	v5 =	vld [tilespmem:s21+$0x0]  }
0x1e3: {  	v6 =	vld [tilespmem:s29+$0x0]  }
0x1e4: {  	v7 =	vld [tilespmem:s20+$0x0]  }
0x1e5: {  	s30 =	sadd.s32 $0x1, s30  }
0x1e6: {  	v8 =	vmov s30  }
0x1e7: {  	v5 =	vadd.f32 v5, v4;
	v4 =	vand.u32 $0x7F, v8  }
0x1e8: {  	v8 =	vadd.s32 v0, v4  }
0x1e9: {  	v6 =	vadd.f32 v6, v7;
	_ =	sdelay $0x1  }
0x1ea: {  	v5 =	vadd.f32 v6, v5;
	_ =	sdelay $0x1  }
0x1eb: {  	[tilespmem:v8+s17+$0x0] =	vst.idx.msk $0xffff, v5  }
0x1ec: {  	v5 =	vld [tilespmem:s21+$0x10]  }
0x1ed: {  	v6 =	vld [tilespmem:s22+$0x10]  }
0x1ee: {  	v7 =	vld [tilespmem:s29+$0x10]  }
0x1ef: {  	v8 =	vld [tilespmem:s20+$0x10];
	_ =	sdelay $0x2  }
0x1f0: {  	v5 =	vadd.f32 v5, v6  }
0x1f1: {  	v6 =	vadd.s32 v1, v4  }
0x1f2: {  	v7 =	vadd.f32 v7, v8;
	_ =	sdelay $0x1  }
0x1f3: {  	v5 =	vadd.f32 v7, v5;
	_ =	sdelay $0x1  }
.Ltmp1:
0x1f4: {  	[tilespmem:v6+s17+$0x0] =	vst.idx.msk $0xffff, v5;
	(pc) =	sbr.rel @p0 .LBB2_4-.Ltmp1, $4  }
0x1f5: {  	v6 =	vld [tilespmem:s21+$0x20]  }
0x1f6: {  	v5 =	vld [tilespmem:s29+$0x20]  }
0x1f7: {  	v7 =	vld [tilespmem:s22+$0x20]  }
0x1f8: {  	s29 =	sadd.s32 $0x80, s29;
	v8 =	vld [tilespmem:s20+$0x20]  }
0x1f9: {  	_ =	sdelay $0x2  }
0x1fa: {  	v9 =	vadd.s32 v2, v4  }
0x1fb: {  	v6 =	vadd.f32 v6, v7;
	v5 =	vadd.f32 v5, v8;
	_ =	sdelay $0x1  }
0x1fc: {  	v5 =	vadd.f32 v5, v6;
	_ =	sdelay $0x1  }
0x1fd: {  	[tilespmem:v9+s17+$0x0] =	vst.idx.msk $0xffff, v5  }
0x1fe: {  	v5 =	vld [tilespmem:s19+$0x30]  }
0x1ff: {  	v6 =	vld [tilespmem:s23+$0x30]  }
0x200: {  	v7 =	vld [tilespmem:s24+$0x30]  }
0x201: {  	v8 =	vld [tilespmem:s26+$0x30];
	_ =	sdelay $0x3  }
0x202: {  	v4 =	vadd.s32 v3, v4  }
0x203: {  	v6 =	vadd.f32 v6, v7;
	v5 =	vadd.f32 v5, v8;
	_ =	sdelay $0x1  }
0x204: {  	v5 =	vadd.f32 v5, v6;
	_ =	sdelay $0x1  }
0x205: {  	s20 =	rddreg [dreg:$0x16];
	s23 =	simm.s32 $0x0;
	[tilespmem:v4+s17+$0x0] =	vst.idx.msk $0xffff, v5  }
0x206: {  	[hbm4b:s20+s23] =	stream.linear.scatter [tilespmem:s17], [sflag:$0x2], $0x80, $0x38;
	[tilespmem:$0x14C00] =	vst v63  }
0x207: {  	s21 =	simm.s32 $0x12A88;
	s30 =	sadd.s32 $0x10, s20  }
0x208: {  	[hbm4b:s30+s23] =	stream.linear.scatter [tilespmem:s21], [sflag:$0x2], $0x80, $0x38;
	[tilespmem:$0x14C00] =	vst v63  }
0x209: {  	s22 =	sadd.s32 $0x20, s20;
	s24 =	simm.s32 $0x12B10  }
0x20a: {  	[hbm4b:s22+s23] =	stream.linear.scatter [tilespmem:s24], [sflag:$0x2], $0x80, $0x38;
	[tilespmem:$0x14C00] =	vst v63  }
0x20b: {  	s26 =	sadd.s32 $0x30, s20;
	s30 =	simm.s32 $0x12B98  }
0x20c: {  	[hbm4b:s26+s23] =	stream.linear.scatter [tilespmem:s30], [sflag:$0x2], $0x80, $0x38;
	[tilespmem:$0x14C00] =	vst v63  }
0x20d: {  	s22 =	sadd.s32 $0x40, s20;
	s24 =	simm.s32 $0x12C20  }
0x20e: {  	[hbm4b:s22+s23] =	stream.linear.scatter [tilespmem:s24], [sflag:$0x2], $0x80, $0x38;
	[tilespmem:$0x14C00] =	vst v63  }
0x20f: {  	s26 =	sadd.s32 $0x50, s20;
	s30 =	simm.s32 $0x12CA8  }
0x210: {  	[hbm4b:s26+s23] =	stream.linear.scatter [tilespmem:s30], [sflag:$0x2], $0x80, $0x38;
	[tilespmem:$0x14C00] =	vst v63  }
0x211: {  	s22 =	sadd.s32 $0x60, s20;
	s24 =	simm.s32 $0x12D30  }
0x212: {  	[hbm4b:s22+s23] =	stream.linear.scatter [tilespmem:s24], [sflag:$0x2], $0x80, $0x38;
	[tilespmem:$0x14C00] =	vst v63  }
0x213: {  	s26 =	sadd.s32 $0x70, s20;
	s30 =	simm.s32 $0x12DB8  }
0x214: {  	[hbm4b:s26+s23] =	stream.linear.scatter [tilespmem:s30], [sflag:$0x2], $0x80, $0x38;
	[tilespmem:$0x14C00] =	vst v63  }
0x215: {  	s21 =	simm.s32 $0x12E40;
	s20 =	rddreg [dreg:$0x17]  }
0x216: {  	[hbm4b:s20+s23] =	stream.linear.scatter [tilespmem:s21], [sflag:$0x2], $0x80, $0x38;
	[tilespmem:$0x14C00] =	vst v63  }
0x217: {  	s22 =	sadd.s32 $0x10, s20;
	s24 =	simm.s32 $0x12EC8  }
0x218: {  	[hbm4b:s22+s23] =	stream.linear.scatter [tilespmem:s24], [sflag:$0x2], $0x80, $0x38;
	[tilespmem:$0x14C00] =	vst v63  }
0x219: {  	s26 =	sadd.s32 $0x20, s20;
	s30 =	simm.s32 $0x12F50  }
0x21a: {  	[hbm4b:s26+s23] =	stream.linear.scatter [tilespmem:s30], [sflag:$0x2], $0x80, $0x38;
	[tilespmem:$0x14C00] =	vst v63  }
0x21b: {  	s22 =	sadd.s32 $0x30, s20;
	s24 =	simm.s32 $0x12FD8  }
0x21c: {  	[hbm4b:s22+s23] =	stream.linear.scatter [tilespmem:s24], [sflag:$0x2], $0x80, $0x38;
	[tilespmem:$0x14C00] =	vst v63  }
0x21d: {  	s26 =	sadd.s32 $0x40, s20;
	s30 =	simm.s32 $0x13060  }
0x21e: {  	[hbm4b:s26+s23] =	stream.linear.scatter [tilespmem:s30], [sflag:$0x2], $0x80, $0x38;
	[tilespmem:$0x14C00] =	vst v63  }
0x21f: {  	s22 =	sadd.s32 $0x50, s20;
	s24 =	simm.s32 $0x130E8  }
0x220: {  	[hbm4b:s22+s23] =	stream.linear.scatter [tilespmem:s24], [sflag:$0x2], $0x80, $0x38;
	[tilespmem:$0x14C00] =	vst v63  }
0x221: {  	s26 =	sadd.s32 $0x60, s20;
	s30 =	simm.s32 $0x13170  }
0x222: {  	[hbm4b:s26+s23] =	stream.linear.scatter [tilespmem:s30], [sflag:$0x2], $0x80, $0x38;
	[tilespmem:$0x14C00] =	vst v63  }
0x223: {  	s21 =	sadd.s32 $0x70, s20;
	s22 =	simm.s32 $0x131F8  }
0x224: {  	[hbm4b:s21+s23] =	stream.linear.scatter [tilespmem:s22], [sflag:$0x2], $0x80, $0x38;
	[tilespmem:$0x14C00] =	vst v63  }
0x225: {  	s20 =	rddreg [dreg:$0x18];
	s24 =	simm.s32 $0x13280  }
0x226: {  	[hbm4b:s20+s23] =	stream.linear.scatter [tilespmem:s24], [sflag:$0x2], $0x80, $0x38;
	[tilespmem:$0x14C00] =	vst v63  }
0x227: {  	s26 =	sadd.s32 $0x10, s20;
	s30 =	simm.s32 $0x13308  }
0x228: {  	[hbm4b:s26+s23] =	stream.linear.scatter [tilespmem:s30], [sflag:$0x2], $0x80, $0x38;
	[tilespmem:$0x14C00] =	vst v63  }
0x229: {  	s22 =	sadd.s32 $0x20, s20;
	s24 =	simm.s32 $0x13390  }
0x22a: {  	[hbm4b:s22+s23] =	stream.linear.scatter [tilespmem:s24], [sflag:$0x2], $0x80, $0x38;
	[tilespmem:$0x14C00] =	vst v63  }
0x22b: {  	s26 =	sadd.s32 $0x30, s20;
	s30 =	simm.s32 $0x13418  }
0x22c: {  	[hbm4b:s26+s23] =	stream.linear.scatter [tilespmem:s30], [sflag:$0x2], $0x80, $0x38;
	[tilespmem:$0x14C00] =	vst v63  }
0x22d: {  	s22 =	sadd.s32 $0x40, s20;
	s24 =	simm.s32 $0x134A0  }
0x22e: {  	[hbm4b:s22+s23] =	stream.linear.scatter [tilespmem:s24], [sflag:$0x2], $0x80, $0x38;
	[tilespmem:$0x14C00] =	vst v63  }
0x22f: {  	s26 =	sadd.s32 $0x50, s20;
	s30 =	simm.s32 $0x13528  }
0x230: {  	[hbm4b:s26+s23] =	stream.linear.scatter [tilespmem:s30], [sflag:$0x2], $0x80, $0x38;
	[tilespmem:$0x14C00] =	vst v63  }
0x231: {  	s22 =	sadd.s32 $0x60, s20;
	s24 =	simm.s32 $0x135B0  }
0x232: {  	[hbm4b:s22+s23] =	stream.linear.scatter [tilespmem:s24], [sflag:$0x2], $0x80, $0x38;
	[tilespmem:$0x14C00] =	vst v63  }
0x233: {  	s26 =	sadd.s32 $0x70, s20;
	s30 =	simm.s32 $0x13638  }
0x234: {  	[hbm4b:s26+s23] =	stream.linear.scatter [tilespmem:s30], [sflag:$0x2], $0x80, $0x38;
	[tilespmem:$0x14C00] =	vst v63  }
0x235: {  	s21 =	simm.s32 $0x136C0;
	s20 =	rddreg [dreg:$0x19]  }
0x236: {  	[hbm4b:s20+s23] =	stream.linear.scatter [tilespmem:s21], [sflag:$0x2], $0x80, $0x38;
	[tilespmem:$0x14C00] =	vst v63  }
0x237: {  	s22 =	sadd.s32 $0x10, s20;
	s24 =	simm.s32 $0x13748  }
0x238: {  	[hbm4b:s22+s23] =	stream.linear.scatter [tilespmem:s24], [sflag:$0x2], $0x80, $0x38;
	[tilespmem:$0x14C00] =	vst v63  }
0x239: {  	s26 =	sadd.s32 $0x20, s20;
	s30 =	simm.s32 $0x137D0  }
0x23a: {  	[hbm4b:s26+s23] =	stream.linear.scatter [tilespmem:s30], [sflag:$0x2], $0x80, $0x38;
	[tilespmem:$0x14C00] =	vst v63  }
0x23b: {  	s22 =	sadd.s32 $0x30, s20;
	s24 =	simm.s32 $0x13858  }
0x23c: {  	[hbm4b:s22+s23] =	stream.linear.scatter [tilespmem:s24], [sflag:$0x2], $0x80, $0x38;
	[tilespmem:$0x14C00] =	vst v63  }
0x23d: {  	s26 =	sadd.s32 $0x40, s20;
	s30 =	simm.s32 $0x138E0  }
0x23e: {  	[hbm4b:s26+s23] =	stream.linear.scatter [tilespmem:s30], [sflag:$0x2], $0x80, $0x38;
	[tilespmem:$0x14C00] =	vst v63  }
0x23f: {  	s22 =	sadd.s32 $0x50, s20;
	s24 =	simm.s32 $0x13968  }
0x240: {  	[hbm4b:s22+s23] =	stream.linear.scatter [tilespmem:s24], [sflag:$0x2], $0x80, $0x38;
	[tilespmem:$0x14C00] =	vst v63  }
0x241: {  	s26 =	sadd.s32 $0x60, s20;
	s30 =	simm.s32 $0x139F0  }
0x242: {  	[hbm4b:s26+s23] =	stream.linear.scatter [tilespmem:s30], [sflag:$0x2], $0x80, $0x38;
	[tilespmem:$0x14C00] =	vst v63  }
0x243: {  	s21 =	sadd.s32 $0x70, s20;
	s22 =	simm.s32 $0x13A78  }
0x244: {  	[hbm4b:s21+s23] =	stream.linear.scatter [tilespmem:s22], [sflag:$0x2], $0x80, $0x38;
	[tilespmem:$0x14C00] =	vst v63  }
0x245: {  	s20 =	rddreg [dreg:$0x1a];
	s24 =	simm.s32 $0x13B00  }
0x246: {  	[hbm4b:s20+s23] =	stream.linear.scatter [tilespmem:s24], [sflag:$0x2], $0x80, $0x38;
	[tilespmem:$0x14C00] =	vst v63  }
0x247: {  	s26 =	sadd.s32 $0x10, s20;
	s30 =	simm.s32 $0x13B88  }
0x248: {  	[hbm4b:s26+s23] =	stream.linear.scatter [tilespmem:s30], [sflag:$0x2], $0x80, $0x38;
	[tilespmem:$0x14C00] =	vst v63  }
0x249: {  	s22 =	sadd.s32 $0x20, s20;
	s24 =	simm.s32 $0x13C10  }
0x24a: {  	[hbm4b:s22+s23] =	stream.linear.scatter [tilespmem:s24], [sflag:$0x2], $0x80, $0x38;
	[tilespmem:$0x14C00] =	vst v63  }
0x24b: {  	s26 =	sadd.s32 $0x30, s20;
	s30 =	simm.s32 $0x13C98  }
0x24c: {  	[hbm4b:s26+s23] =	stream.linear.scatter [tilespmem:s30], [sflag:$0x2], $0x80, $0x38;
	[tilespmem:$0x14C00] =	vst v63  }
0x24d: {  	s22 =	sadd.s32 $0x40, s20;
	s24 =	simm.s32 $0x13D20  }
0x24e: {  	[hbm4b:s22+s23] =	stream.linear.scatter [tilespmem:s24], [sflag:$0x2], $0x80, $0x38;
	[tilespmem:$0x14C00] =	vst v63  }
0x24f: {  	s26 =	sadd.s32 $0x50, s20;
	s30 =	simm.s32 $0x13DA8  }
0x250: {  	[hbm4b:s26+s23] =	stream.linear.scatter [tilespmem:s30], [sflag:$0x2], $0x80, $0x38;
	[tilespmem:$0x14C00] =	vst v63  }
0x251: {  	s22 =	sadd.s32 $0x60, s20;
	s24 =	simm.s32 $0x13E30  }
0x252: {  	[hbm4b:s22+s23] =	stream.linear.scatter [tilespmem:s24], [sflag:$0x2], $0x80, $0x38;
	[tilespmem:$0x14C00] =	vst v63  }
0x253: {  	s26 =	sadd.s32 $0x70, s20;
	s30 =	simm.s32 $0x13EB8  }
0x254: {  	[hbm4b:s26+s23] =	stream.linear.scatter [tilespmem:s30], [sflag:$0x2], $0x80, $0x38;
	[tilespmem:$0x14C00] =	vst v63  }
0x255: {  	s21 =	simm.s32 $0x13F40;
	s20 =	rddreg [dreg:$0x1b]  }
0x256: {  	[hbm4b:s20+s23] =	stream.linear.scatter [tilespmem:s21], [sflag:$0x2], $0x80, $0x38;
	[tilespmem:$0x14C00] =	vst v63  }
0x257: {  	s22 =	sadd.s32 $0x10, s20;
	s24 =	simm.s32 $0x13FC8  }
0x258: {  	[hbm4b:s22+s23] =	stream.linear.scatter [tilespmem:s24], [sflag:$0x2], $0x80, $0x38;
	[tilespmem:$0x14C00] =	vst v63  }
0x259: {  	s26 =	sadd.s32 $0x20, s20;
	s30 =	simm.s32 $0x14050  }
0x25a: {  	[hbm4b:s26+s23] =	stream.linear.scatter [tilespmem:s30], [sflag:$0x2], $0x80, $0x38;
	[tilespmem:$0x14C00] =	vst v63  }
0x25b: {  	s22 =	sadd.s32 $0x30, s20;
	s24 =	simm.s32 $0x140D8  }
0x25c: {  	[hbm4b:s22+s23] =	stream.linear.scatter [tilespmem:s24], [sflag:$0x2], $0x80, $0x38;
	[tilespmem:$0x14C00] =	vst v63  }
0x25d: {  	s26 =	sadd.s32 $0x40, s20;
	s30 =	simm.s32 $0x14160  }
0x25e: {  	[hbm4b:s26+s23] =	stream.linear.scatter [tilespmem:s30], [sflag:$0x2], $0x80, $0x38;
	[tilespmem:$0x14C00] =	vst v63  }
0x25f: {  	s22 =	sadd.s32 $0x50, s20;
	s24 =	simm.s32 $0x141E8  }
0x260: {  	[hbm4b:s22+s23] =	stream.linear.scatter [tilespmem:s24], [sflag:$0x2], $0x80, $0x38;
	[tilespmem:$0x14C00] =	vst v63  }
0x261: {  	s26 =	sadd.s32 $0x60, s20;
	s30 =	simm.s32 $0x14270  }
0x262: {  	[hbm4b:s26+s23] =	stream.linear.scatter [tilespmem:s30], [sflag:$0x2], $0x80, $0x38;
	[tilespmem:$0x14C00] =	vst v63  }
0x263: {  	s21 =	sadd.s32 $0x70, s20;
	s22 =	simm.s32 $0x142F8  }
0x264: {  	[hbm4b:s21+s23] =	stream.linear.scatter [tilespmem:s22], [sflag:$0x2], $0x80, $0x38;
	[tilespmem:$0x14C00] =	vst v63  }
0x265: {  	s20 =	rddreg [dreg:$0x1d];
	s24 =	simm.s32 $0x14380  }
0x266: {  	[hbm4b:s20+s23] =	stream.linear.scatter [tilespmem:s24], [sflag:$0x2], $0x80, $0x38;
	[tilespmem:$0x14C00] =	vst v63  }
0x267: {  	s26 =	sadd.s32 $0x10, s20;
	s30 =	simm.s32 $0x14408  }
0x268: {  	[hbm4b:s26+s23] =	stream.linear.scatter [tilespmem:s30], [sflag:$0x2], $0x80, $0x38;
	[tilespmem:$0x14C00] =	vst v63  }
0x269: {  	s22 =	sadd.s32 $0x20, s20;
	s24 =	simm.s32 $0x14490  }
0x26a: {  	[hbm4b:s22+s23] =	stream.linear.scatter [tilespmem:s24], [sflag:$0x2], $0x80, $0x38;
	[tilespmem:$0x14C00] =	vst v63  }
0x26b: {  	s26 =	sadd.s32 $0x30, s20;
	s30 =	simm.s32 $0x14518  }
0x26c: {  	[hbm4b:s26+s23] =	stream.linear.scatter [tilespmem:s30], [sflag:$0x2], $0x80, $0x38;
	[tilespmem:$0x14C00] =	vst v63  }
0x26d: {  	s22 =	sadd.s32 $0x40, s20;
	s24 =	simm.s32 $0x145A0  }
0x26e: {  	[hbm4b:s22+s23] =	stream.linear.scatter [tilespmem:s24], [sflag:$0x2], $0x80, $0x38;
	[tilespmem:$0x14C00] =	vst v63  }
0x26f: {  	s26 =	sadd.s32 $0x50, s20;
	s30 =	simm.s32 $0x14628  }
0x270: {  	[hbm4b:s26+s23] =	stream.linear.scatter [tilespmem:s30], [sflag:$0x2], $0x80, $0x38;
	[tilespmem:$0x14C00] =	vst v63  }
0x271: {  	s22 =	sadd.s32 $0x60, s20;
	s24 =	simm.s32 $0x146B0  }
0x272: {  	[hbm4b:s22+s23] =	stream.linear.scatter [tilespmem:s24], [sflag:$0x2], $0x80, $0x38;
	[tilespmem:$0x14C00] =	vst v63  }
0x273: {  	s26 =	sadd.s32 $0x70, s20;
	s30 =	simm.s32 $0x14738  }
0x274: {  	[hbm4b:s26+s23] =	stream.linear.scatter [tilespmem:s30], [sflag:$0x2], $0x80, $0x38;
	[tilespmem:$0x14C00] =	vst v63  }
0x275: {  	s21 =	simm.s32 $0x147C0;
	s20 =	rddreg [dreg:$0x1e]  }
0x276: {  	[hbm4b:s20+s23] =	stream.linear.scatter [tilespmem:s21], [sflag:$0x2], $0x80, $0x38;
	[tilespmem:$0x14C00] =	vst v63  }
0x277: {  	s22 =	sadd.s32 $0x10, s20;
	s24 =	simm.s32 $0x14848  }
0x278: {  	[hbm4b:s22+s23] =	stream.linear.scatter [tilespmem:s24], [sflag:$0x2], $0x80, $0x38;
	[tilespmem:$0x14C00] =	vst v63  }
0x279: {  	s26 =	sadd.s32 $0x20, s20;
	s30 =	simm.s32 $0x148D0  }
0x27a: {  	[hbm4b:s26+s23] =	stream.linear.scatter [tilespmem:s30], [sflag:$0x2], $0x80, $0x38;
	[tilespmem:$0x14C00] =	vst v63  }
0x27b: {  	s22 =	sadd.s32 $0x30, s20;
	s24 =	simm.s32 $0x14958  }
0x27c: {  	[hbm4b:s22+s23] =	stream.linear.scatter [tilespmem:s24], [sflag:$0x2], $0x80, $0x38;
	[tilespmem:$0x14C00] =	vst v63  }
0x27d: {  	s26 =	sadd.s32 $0x40, s20;
	s30 =	simm.s32 $0x149E0  }
0x27e: {  	[hbm4b:s26+s23] =	stream.linear.scatter [tilespmem:s30], [sflag:$0x2], $0x80, $0x38;
	[tilespmem:$0x14C00] =	vst v63  }
0x27f: {  	s22 =	sadd.s32 $0x50, s20;
	s24 =	simm.s32 $0x14A68  }
0x280: {  	[hbm4b:s22+s23] =	stream.linear.scatter [tilespmem:s24], [sflag:$0x2], $0x80, $0x38;
	[tilespmem:$0x14C00] =	vst v63  }
0x281: {  	s26 =	sadd.s32 $0x60, s20;
	s30 =	simm.s32 $0x14AF0  }
0x282: {  	[hbm4b:s26+s23] =	stream.linear.scatter [tilespmem:s30], [sflag:$0x2], $0x80, $0x38;
	[tilespmem:$0x14C00] =	vst v63  }
0x283: {  	s21 =	sadd.s32 $0x70, s20;
	s22 =	simm.s32 $0x14B78  }
0x284: {  	[hbm4b:s21+s23] =	stream.linear.scatter [tilespmem:s22], [sflag:$0x2], $0x80, $0x38;
	[tilespmem:$0x14C00] =	vst v63  }
0x285: {  	_ =	swait.ge [sflag:s14], $0x2000  }
0x286: {  	[sflag:s14] =	ssyncset.done $0x0  }
0x287: {  	[sflag:s14] =	ssyncadd.s32 $0xFFFFE000  }
0x288: {  	_ =	swait.ge [sflag:s14], $0x2000  }
0x289: {  	[sflag:s14] =	ssyncset.done $0x0  }
0x28a: {  	[sflag:s14] =	ssyncadd.s32 $0xFFFFE000  }
0x28b: {  	_ =	swait.ge [sflag:s14], $0x2000  }
0x28c: {  	[sflag:s14] =	ssyncset.done $0x0  }
0x28d: {  	[sflag:s14] =	ssyncadd.s32 $0xFFFFE000  }
0x28e: {  	_ =	swait.ge [sflag:s14], $0x2000  }
0x28f: {  	s26 =	simm.s32 $0x8800;
	[sflag:s14] =	ssyncset.done $0x0  }
0x290: {  	s30 =	simm.s32 $0x180;
	s24 =	rddreg [dreg:$0x7];
	[sflag:s14] =	ssyncadd.s32 $0xFFFFE000  }
0x291: {  	[tilespmem:s26], [sflag:$0x1] =	stream.indirect.gather [hbm4b:s24+s15], $0x40, s30, s15, $0xb8;
	[tilespmem:$0x14C00] =	vst v63  }
0x292: {  	s21 =	simm.s32 $0xA800;
	s22 =	simm.s32 $0x380;
	s20 =	rddreg [dreg:$0x8]  }
0x293: {  	[tilespmem:s21], [sflag:$0x1] =	stream.indirect.gather [hbm4b:s20+s15], $0x40, s22, s15, $0xb8;
	[tilespmem:$0x14C00] =	vst v63  }
0x294: {  	s24 =	rddreg [dreg:$0x9];
	s26 =	simm.s32 $0xC800;
	s30 =	simm.s32 $0x580  }
0x295: {  	[tilespmem:s26], [sflag:$0x1] =	stream.indirect.gather [hbm4b:s24+s15], $0x40, s30, s15, $0xb8;
	[tilespmem:$0x14C00] =	vst v63  }
0x296: {  	s22 =	rddreg [dreg:$0xa];
	s24 =	simm.s32 $0xE800;
	s26 =	simm.s32 $0x780  }
0x297: {  	[tilespmem:s24], [sflag:$0x1] =	stream.indirect.gather [hbm4b:s22+s15], $0x40, s26, s15, $0xb8;
	[tilespmem:$0x14C00] =	vst v63  }
0x298: {  	_ =	swait.ge [sflag:s18], $0x400  }
0x299: {  	[sflag:s18] =	ssyncset.done $0x0  }
0x29a: {  	[sflag:s18] =	ssyncadd.s32 $0xFFFFFC00  }
0x29b: {  	_ =	swait.ge [sflag:s18], $0x400  }
0x29c: {  	[sflag:s18] =	ssyncset.done $0x0  }
0x29d: {  	[sflag:s18] =	ssyncadd.s32 $0xFFFFFC00  }
0x29e: {  	_ =	swait.ge [sflag:s18], $0x400  }
0x29f: {  	[sflag:s18] =	ssyncset.done $0x0  }
0x2a0: {  	[sflag:s18] =	ssyncadd.s32 $0xFFFFFC00  }
0x2a1: {  	_ =	swait.ge [sflag:s18], $0x400  }
0x2a2: {  	[sflag:s18] =	ssyncset.done $0x0  }
0x2a3: {  	[sflag:s18] =	ssyncadd.s32 $0xFFFFFC00  }
0x2a4: {  	_ =	swait.ge [sflag:s18], $0x400  }
0x2a5: {  	[sflag:s18] =	ssyncset.done $0x0  }
0x2a6: {  	[sflag:s18] =	ssyncadd.s32 $0xFFFFFC00  }
0x2a7: {  	_ =	swait.ge [sflag:s18], $0x400  }
0x2a8: {  	[sflag:s18] =	ssyncset.done $0x0  }
0x2a9: {  	[sflag:s18] =	ssyncadd.s32 $0xFFFFFC00  }
0x2aa: {  	_ =	swait.ge [sflag:s18], $0x400  }
0x2ab: {  	[sflag:s18] =	ssyncset.done $0x0  }
0x2ac: {  	[sflag:s18] =	ssyncadd.s32 $0xFFFFFC00  }
0x2ad: {  	_ =	swait.ge [sflag:s18], $0x400  }
0x2ae: {  	[sflag:s18] =	ssyncset.done $0x0  }
0x2af: {  	s19 =	simm.s32 $0x6840;
	[sflag:s18] =	ssyncadd.s32 $0xFFFFFC00  }
0x2b0: {  	s20 =	simm.s32 $0x4840;
	v4 =	vld [tilespmem:s19+$0xFFFFFFC0]  }
0x2b1: {  	s21 =	simm.s32 $0x2840;
	v5 =	vld [tilespmem:s20+$0xFFFFFFC0]  }
0x2b2: {  	s22 =	simm.s32 $0x840;
	v6 =	vld [tilespmem:s21+$0xFFFFFFC0]  }
0x2b3: {  	v7 =	vld [tilespmem:s22+$0xFFFFFFC0];
	_ =	sdelay $0x1  }
0x2b4: {  	v8 =	vmov s23  }
0x2b5: {  	v8 =	vand.u32 $0x7E, v8  }
0x2b6: {  	v9 =	vadd.s32 v0, v8  }
0x2b7: {  	v4 =	vadd.f32 v4, v5;
	v5 =	vadd.f32 v6, v7;
	_ =	sdelay $0x1  }
0x2b8: {  	v4 =	vadd.f32 v4, v5;
	_ =	sdelay $0x1  }
0x2b9: {  	[tilespmem:v9+s16+$0x0] =	vst.idx.msk $0xffff, v4  }
0x2ba: {  	v4 =	vld [tilespmem:s19+$0xFFFFFFD0]  }
0x2bb: {  	v5 =	vld [tilespmem:s21+$0xFFFFFFD0]  }
0x2bc: {  	v6 =	vld [tilespmem:s20+$0xFFFFFFD0]  }
0x2bd: {  	v7 =	vld [tilespmem:s22+$0xFFFFFFD0];
	_ =	sdelay $0x3  }
0x2be: {  	v9 =	vadd.s32 v1, v8  }
0x2bf: {  	v4 =	vadd.f32 v4, v6;
	v5 =	vadd.f32 v5, v7;
	_ =	sdelay $0x1  }
0x2c0: {  	v4 =	vadd.f32 v4, v5;
	_ =	sdelay $0x1  }
0x2c1: {  	[tilespmem:v9+s16+$0x0] =	vst.idx.msk $0xffff, v4  }
0x2c2: {  	v4 =	vld [tilespmem:s22+$0xFFFFFFE0]  }
0x2c3: {  	v5 =	vld [tilespmem:s21+$0xFFFFFFE0]  }
0x2c4: {  	v6 =	vld [tilespmem:s19+$0xFFFFFFE0]  }
0x2c5: {  	v7 =	vld [tilespmem:s20+$0xFFFFFFE0];
	_ =	sdelay $0x3  }
0x2c6: {  	v9 =	vadd.s32 v2, v8  }
0x2c7: {  	v4 =	vadd.f32 v5, v4;
	v5 =	vadd.f32 v6, v7;
	_ =	sdelay $0x1  }
0x2c8: {  	v4 =	vadd.f32 v5, v4;
	_ =	sdelay $0x1  }
0x2c9: {  	[tilespmem:v9+s16+$0x0] =	vst.idx.msk $0xffff, v4  }
0x2ca: {  	v4 =	vld [tilespmem:s21+$0xFFFFFFF0]  }
0x2cb: {  	v5 =	vld [tilespmem:s19+$0xFFFFFFF0]  }
0x2cc: {  	v6 =	vld [tilespmem:s22+$0xFFFFFFF0]  }
0x2cd: {  	v7 =	vld [tilespmem:s20+$0xFFFFFFF0];
	_ =	sdelay $0x3  }
0x2ce: {  	v8 =	vadd.s32 v3, v8  }
0x2cf: {  	v4 =	vadd.f32 v4, v6;
	v5 =	vadd.f32 v5, v7;
	_ =	sdelay $0x1  }
0x2d0: {  	v4 =	vadd.f32 v5, v4;
	_ =	sdelay $0x1  }
0x2d1: {  	[tilespmem:v8+s16+$0x0] =	vst.idx.msk $0xffff, v4  }
0x2d2: {  	v5 =	vld [tilespmem:s22+$0x0]  }
0x2d3: {  	v6 =	vld [tilespmem:s21+$0x0]  }
0x2d4: {  	v7 =	vld [tilespmem:s19+$0x0]  }
0x2d5: {  	v8 =	vld [tilespmem:s20+$0x0]  }
0x2d6: {  	s30 =	simm.s32 $0x1  }
0x2d7: {  	v4 =	vmov s30  }
0x2d8: {  	v4 =	vand.u32 $0x7F, v4  }
0x2d9: {  	v9 =	vadd.s32 v0, v4  }
0x2da: {  	v5 =	vadd.f32 v6, v5;
	v6 =	vadd.f32 v7, v8;
	_ =	sdelay $0x1  }
0x2db: {  	v5 =	vadd.f32 v6, v5;
	_ =	sdelay $0x1  }
0x2dc: {  	[tilespmem:v9+s16+$0x0] =	vst.idx.msk $0xffff, v5  }
0x2dd: {  	v5 =	vld [tilespmem:s21+$0x10]  }
0x2de: {  	v6 =	vld [tilespmem:s22+$0x10]  }
0x2df: {  	v7 =	vld [tilespmem:s19+$0x10]  }
0x2e0: {  	v8 =	vld [tilespmem:s20+$0x10];
	_ =	sdelay $0x3  }
0x2e1: {  	v9 =	vadd.s32 v1, v4  }
0x2e2: {  	v5 =	vadd.f32 v5, v6;
	v6 =	vadd.f32 v7, v8;
	_ =	sdelay $0x1  }
0x2e3: {  	v5 =	vadd.f32 v6, v5;
	_ =	sdelay $0x1  }
0x2e4: {  	[tilespmem:v9+s16+$0x0] =	vst.idx.msk $0xffff, v5  }
0x2e5: {  	v6 =	vld [tilespmem:s21+$0x20]  }
0x2e6: {  	v5 =	vld [tilespmem:s19+$0x20]  }
0x2e7: {  	s28 =	simm.s32 $0x2;
	s29 =	simm.s32 $0x68C0;
	v7 =	vld [tilespmem:s22+$0x20]  }
0x2e8: {  	s23 =	simm.s32 $0x2840;
	s24 =	simm.s32 $0x840;
	s26 =	simm.s32 $0x4840;
	v8 =	vld [tilespmem:s20+$0x20]  }
.LBB2_6:
0x2e9: {  	s22 =	sadd.s32 $0x80, s22;
	s21 =	sadd.s32 $0x80, s21;
	s20 =	sadd.s32 $0x80, s20  }
0x2ea: {  	p0 =	sne.s32 s28, $0x7E;
	s30 =	smov.u32 s28;
	s28 =	sadd.s32 $0x2, s28  }
0x2eb: {  	_ = 	snop  }
0x2ec: {  	v6 =	vadd.f32 v6, v7;
	v7 =	vadd.s32 v2, v4  }
0x2ed: {  	v5 =	vadd.f32 v5, v8;
	_ =	sdelay $0x1  }
0x2ee: {  	v5 =	vadd.f32 v5, v6;
	_ =	sdelay $0x1  }
0x2ef: {  	[tilespmem:v7+s16+$0x0] =	vst.idx.msk $0xffff, v5  }
0x2f0: {  	v5 =	vld [tilespmem:s19+$0x30];
	s19 =	smov.u32 s29  }
0x2f1: {  	v6 =	vld [tilespmem:s23+$0x30];
	s23 =	smov.u32 s21  }
0x2f2: {  	v7 =	vld [tilespmem:s24+$0x30];
	s24 =	smov.u32 s22  }
0x2f3: {  	v8 =	vld [tilespmem:s26+$0x30];
	s26 =	smov.u32 s20;
	_ =	sdelay $0x2  }
0x2f4: {  	v4 =	vadd.s32 v3, v4  }
0x2f5: {  	v6 =	vadd.f32 v6, v7  }
0x2f6: {  	v5 =	vadd.f32 v5, v8;
	_ =	sdelay $0x1  }
0x2f7: {  	v5 =	vadd.f32 v5, v6;
	_ =	sdelay $0x1  }
0x2f8: {  	[tilespmem:v4+s16+$0x0] =	vst.idx.msk $0xffff, v5  }
0x2f9: {  	v4 =	vld [tilespmem:s29+$0xFFFFFFC0]  }
0x2fa: {  	v5 =	vld [tilespmem:s20+$0xFFFFFFC0]  }
0x2fb: {  	v6 =	vld [tilespmem:s21+$0xFFFFFFC0]  }
0x2fc: {  	v7 =	vld [tilespmem:s22+$0xFFFFFFC0];
	_ =	sdelay $0x1  }
0x2fd: {  	v8 =	vmov s30  }
0x2fe: {  	v4 =	vadd.f32 v4, v5;
	v5 =	vand.u32 $0x7E, v8  }
0x2ff: {  	v8 =	vadd.s32 v0, v5  }
0x300: {  	v6 =	vadd.f32 v6, v7;
	_ =	sdelay $0x1  }
0x301: {  	v4 =	vadd.f32 v4, v6;
	_ =	sdelay $0x1  }
0x302: {  	[tilespmem:v8+s16+$0x0] =	vst.idx.msk $0xffff, v4  }
0x303: {  	v4 =	vld [tilespmem:s29+$0xFFFFFFD0]  }
0x304: {  	v6 =	vld [tilespmem:s21+$0xFFFFFFD0]  }
0x305: {  	v7 =	vld [tilespmem:s20+$0xFFFFFFD0]  }
0x306: {  	v8 =	vld [tilespmem:s22+$0xFFFFFFD0];
	_ =	sdelay $0x3  }
0x307: {  	v4 =	vadd.f32 v4, v7;
	v7 =	vadd.s32 v1, v5  }
0x308: {  	v6 =	vadd.f32 v6, v8;
	_ =	sdelay $0x1  }
0x309: {  	v4 =	vadd.f32 v4, v6;
	_ =	sdelay $0x1  }
0x30a: {  	[tilespmem:v7+s16+$0x0] =	vst.idx.msk $0xffff, v4  }
0x30b: {  	v4 =	vld [tilespmem:s22+$0xFFFFFFE0]  }
0x30c: {  	v6 =	vld [tilespmem:s21+$0xFFFFFFE0]  }
0x30d: {  	v7 =	vld [tilespmem:s29+$0xFFFFFFE0]  }
0x30e: {  	v8 =	vld [tilespmem:s20+$0xFFFFFFE0];
	_ =	sdelay $0x2  }
0x30f: {  	v4 =	vadd.f32 v6, v4  }
0x310: {  	v6 =	vadd.s32 v2, v5  }
0x311: {  	v7 =	vadd.f32 v7, v8;
	_ =	sdelay $0x1  }
0x312: {  	v4 =	vadd.f32 v7, v4;
	_ =	sdelay $0x1  }
0x313: {  	[tilespmem:v6+s16+$0x0] =	vst.idx.msk $0xffff, v4  }
0x314: {  	v4 =	vld [tilespmem:s21+$0xFFFFFFF0]  }
0x315: {  	v6 =	vld [tilespmem:s29+$0xFFFFFFF0]  }
0x316: {  	v7 =	vld [tilespmem:s22+$0xFFFFFFF0]  }
0x317: {  	v8 =	vld [tilespmem:s20+$0xFFFFFFF0];
	_ =	sdelay $0x3  }
0x318: {  	v5 =	vadd.s32 v3, v5;
	v4 =	vadd.f32 v4, v7  }
0x319: {  	v6 =	vadd.f32 v6, v8;
	_ =	sdelay $0x1  }
0x31a: {  	v4 =	vadd.f32 v6, v4;
	_ =	sdelay $0x1  }
0x31b: {  	[tilespmem:v5+s16+$0x0] =	vst.idx.msk $0xffff, v4  }
0x31c: {  	v4 =	vld [tilespmem:s22+$0x0]  }
0x31d: {  	v5 =	vld [tilespmem:s21+$0x0]  }
0x31e: {  	v6 =	vld [tilespmem:s29+$0x0]  }
0x31f: {  	v7 =	vld [tilespmem:s20+$0x0]  }
0x320: {  	s30 =	sadd.s32 $0x1, s30  }
0x321: {  	v8 =	vmov s30  }
0x322: {  	v5 =	vadd.f32 v5, v4;
	v4 =	vand.u32 $0x7F, v8  }
0x323: {  	v8 =	vadd.s32 v0, v4  }
0x324: {  	v6 =	vadd.f32 v6, v7;
	_ =	sdelay $0x1  }
0x325: {  	v5 =	vadd.f32 v6, v5;
	_ =	sdelay $0x1  }
0x326: {  	[tilespmem:v8+s16+$0x0] =	vst.idx.msk $0xffff, v5  }
0x327: {  	v5 =	vld [tilespmem:s21+$0x10]  }
0x328: {  	v6 =	vld [tilespmem:s22+$0x10]  }
0x329: {  	v7 =	vld [tilespmem:s29+$0x10]  }
0x32a: {  	v8 =	vld [tilespmem:s20+$0x10];
	_ =	sdelay $0x2  }
0x32b: {  	v5 =	vadd.f32 v5, v6  }
0x32c: {  	v6 =	vadd.s32 v1, v4  }
0x32d: {  	v7 =	vadd.f32 v7, v8;
	_ =	sdelay $0x1  }
0x32e: {  	v5 =	vadd.f32 v7, v5;
	_ =	sdelay $0x1  }
.Ltmp2:
0x32f: {  	[tilespmem:v6+s16+$0x0] =	vst.idx.msk $0xffff, v5;
	(pc) =	sbr.rel @p0 .LBB2_6-.Ltmp2, $4  }
0x330: {  	v6 =	vld [tilespmem:s21+$0x20]  }
0x331: {  	v5 =	vld [tilespmem:s29+$0x20]  }
0x332: {  	v7 =	vld [tilespmem:s22+$0x20]  }
0x333: {  	s29 =	sadd.s32 $0x80, s29;
	v8 =	vld [tilespmem:s20+$0x20]  }
0x334: {  	_ =	sdelay $0x2  }
0x335: {  	v9 =	vadd.s32 v2, v4  }
0x336: {  	v6 =	vadd.f32 v6, v7;
	v5 =	vadd.f32 v5, v8;
	_ =	sdelay $0x1  }
0x337: {  	v5 =	vadd.f32 v5, v6;
	_ =	sdelay $0x1  }
0x338: {  	[tilespmem:v9+s16+$0x0] =	vst.idx.msk $0xffff, v5  }
0x339: {  	v5 =	vld [tilespmem:s19+$0x30]  }
0x33a: {  	v6 =	vld [tilespmem:s23+$0x30]  }
0x33b: {  	v7 =	vld [tilespmem:s24+$0x30]  }
0x33c: {  	v8 =	vld [tilespmem:s26+$0x30];
	_ =	sdelay $0x3  }
0x33d: {  	v4 =	vadd.s32 v3, v4  }
0x33e: {  	v6 =	vadd.f32 v6, v7;
	v5 =	vadd.f32 v5, v8;
	_ =	sdelay $0x1  }
0x33f: {  	v5 =	vadd.f32 v5, v6;
	_ =	sdelay $0x1  }
0x340: {  	s20 =	rddreg [dreg:$0x1f];
	s23 =	simm.s32 $0x0;
	[tilespmem:v4+s16+$0x0] =	vst.idx.msk $0xffff, v5  }
0x341: {  	[hbm4b:s20+s23] =	stream.linear.scatter [tilespmem:s16], [sflag:$0x2], $0x80, $0x38;
	[tilespmem:$0x14C00] =	vst v63  }
0x342: {  	s21 =	simm.s32 $0x10888;
	s24 =	sadd.s32 $0x10, s20  }
0x343: {  	[hbm4b:s24+s23] =	stream.linear.scatter [tilespmem:s21], [sflag:$0x2], $0x80, $0x38;
	[tilespmem:$0x14C00] =	vst v63  }
0x344: {  	s30 =	simm.s32 $0x10910;
	s26 =	sadd.s32 $0x20, s20  }
0x345: {  	[hbm4b:s26+s23] =	stream.linear.scatter [tilespmem:s30], [sflag:$0x2], $0x80, $0x38;
	[tilespmem:$0x14C00] =	vst v63  }
0x346: {  	s22 =	sadd.s32 $0x30, s20;
	s24 =	simm.s32 $0x10998  }
0x347: {  	[hbm4b:s22+s23] =	stream.linear.scatter [tilespmem:s24], [sflag:$0x2], $0x80, $0x38;
	[tilespmem:$0x14C00] =	vst v63  }
0x348: {  	s26 =	sadd.s32 $0x40, s20;
	s30 =	simm.s32 $0x10A20  }
0x349: {  	[hbm4b:s26+s23] =	stream.linear.scatter [tilespmem:s30], [sflag:$0x2], $0x80, $0x38;
	[tilespmem:$0x14C00] =	vst v63  }
0x34a: {  	s22 =	sadd.s32 $0x50, s20;
	s24 =	simm.s32 $0x10AA8  }
0x34b: {  	[hbm4b:s22+s23] =	stream.linear.scatter [tilespmem:s24], [sflag:$0x2], $0x80, $0x38;
	[tilespmem:$0x14C00] =	vst v63  }
0x34c: {  	s26 =	sadd.s32 $0x60, s20;
	s30 =	simm.s32 $0x10B30  }
0x34d: {  	[hbm4b:s26+s23] =	stream.linear.scatter [tilespmem:s30], [sflag:$0x2], $0x80, $0x38;
	[tilespmem:$0x14C00] =	vst v63  }
0x34e: {  	s21 =	sadd.s32 $0x70, s20;
	s20 =	sld [smem:$0x7FD];
	s22 =	simm.s32 $0x10BB8  }
0x34f: {  	[hbm4b:s21+s23] =	stream.linear.scatter [tilespmem:s22], [sflag:$0x2], $0x80, $0x38;
	[tilespmem:$0x14C00] =	vst v63  }
0x350: {  	s24 =	simm.s32 $0x10C40  }
0x351: {  	[hbm4b:s20+s23] =	stream.linear.scatter [tilespmem:s24], [sflag:$0x2], $0x80, $0x38;
	[tilespmem:$0x14C00] =	vst v63  }
0x352: {  	s26 =	sadd.s32 $0x10, s20;
	s30 =	simm.s32 $0x10CC8  }
0x353: {  	[hbm4b:s26+s23] =	stream.linear.scatter [tilespmem:s30], [sflag:$0x2], $0x80, $0x38;
	[tilespmem:$0x14C00] =	vst v63  }
0x354: {  	s22 =	sadd.s32 $0x20, s20;
	s24 =	simm.s32 $0x10D50  }
0x355: {  	[hbm4b:s22+s23] =	stream.linear.scatter [tilespmem:s24], [sflag:$0x2], $0x80, $0x38;
	[tilespmem:$0x14C00] =	vst v63  }
0x356: {  	s26 =	sadd.s32 $0x30, s20;
	s30 =	simm.s32 $0x10DD8  }
0x357: {  	[hbm4b:s26+s23] =	stream.linear.scatter [tilespmem:s30], [sflag:$0x2], $0x80, $0x38;
	[tilespmem:$0x14C00] =	vst v63  }
0x358: {  	s22 =	sadd.s32 $0x40, s20;
	s24 =	simm.s32 $0x10E60  }
0x359: {  	[hbm4b:s22+s23] =	stream.linear.scatter [tilespmem:s24], [sflag:$0x2], $0x80, $0x38;
	[tilespmem:$0x14C00] =	vst v63  }
0x35a: {  	s26 =	sadd.s32 $0x50, s20;
	s30 =	simm.s32 $0x10EE8  }
0x35b: {  	[hbm4b:s26+s23] =	stream.linear.scatter [tilespmem:s30], [sflag:$0x2], $0x80, $0x38;
	[tilespmem:$0x14C00] =	vst v63  }
0x35c: {  	s21 =	sadd.s32 $0x60, s20;
	s22 =	simm.s32 $0x10F70  }
0x35d: {  	[hbm4b:s21+s23] =	stream.linear.scatter [tilespmem:s22], [sflag:$0x2], $0x80, $0x38;
	[tilespmem:$0x14C00] =	vst v63  }
0x35e: {  	s24 =	sadd.s32 $0x70, s20;
	s26 =	simm.s32 $0x10FF8  }
0x35f: {  	[hbm4b:s24+s23] =	stream.linear.scatter [tilespmem:s26], [sflag:$0x2], $0x80, $0x38;
	[tilespmem:$0x14C00] =	vst v63  }
0x360: {  	s30 =	simm.s32 $0x11080  }
0x361: {  	[hbm4b:s31+s23] =	stream.linear.scatter [tilespmem:s30], [sflag:$0x2], $0x80, $0x38;
	[tilespmem:$0x14C00] =	vst v63  }
0x362: {  	s20 =	sadd.s32 $0x10, s31;
	s21 =	simm.s32 $0x11108  }
0x363: {  	[hbm4b:s20+s23] =	stream.linear.scatter [tilespmem:s21], [sflag:$0x2], $0x80, $0x38;
	[tilespmem:$0x14C00] =	vst v63  }
0x364: {  	s22 =	sadd.s32 $0x20, s31;
	s24 =	simm.s32 $0x11190  }
0x365: {  	[hbm4b:s22+s23] =	stream.linear.scatter [tilespmem:s24], [sflag:$0x2], $0x80, $0x38;
	[tilespmem:$0x14C00] =	vst v63  }
0x366: {  	s26 =	sadd.s32 $0x30, s31;
	s30 =	simm.s32 $0x11218  }
0x367: {  	[hbm4b:s26+s23] =	stream.linear.scatter [tilespmem:s30], [sflag:$0x2], $0x80, $0x38;
	[tilespmem:$0x14C00] =	vst v63  }
0x368: {  	s20 =	sadd.s32 $0x40, s31;
	s21 =	simm.s32 $0x112A0  }
0x369: {  	[hbm4b:s20+s23] =	stream.linear.scatter [tilespmem:s21], [sflag:$0x2], $0x80, $0x38;
	[tilespmem:$0x14C00] =	vst v63  }
0x36a: {  	s22 =	sadd.s32 $0x50, s31;
	s24 =	simm.s32 $0x11328  }
0x36b: {  	[hbm4b:s22+s23] =	stream.linear.scatter [tilespmem:s24], [sflag:$0x2], $0x80, $0x38;
	[tilespmem:$0x14C00] =	vst v63  }
0x36c: {  	s26 =	sadd.s32 $0x60, s31;
	s30 =	simm.s32 $0x113B0  }
0x36d: {  	[hbm4b:s26+s23] =	stream.linear.scatter [tilespmem:s30], [sflag:$0x2], $0x80, $0x38;
	[tilespmem:$0x14C00] =	vst v63  }
0x36e: {  	s21 =	sadd.s32 $0x70, s31;
	s22 =	simm.s32 $0x11438  }
0x36f: {  	[hbm4b:s21+s23] =	stream.linear.scatter [tilespmem:s22], [sflag:$0x2], $0x80, $0x38;
	[tilespmem:$0x14C00] =	vst v63  }
0x370: {  	s24 =	simm.s32 $0x114C0  }
0x371: {  	[hbm4b:s0+s23] =	stream.linear.scatter [tilespmem:s24], [sflag:$0x2], $0x80, $0x38;
	[tilespmem:$0x14C00] =	vst v63  }
0x372: {  	s26 =	sadd.s32 $0x10, s0;
	s30 =	simm.s32 $0x11548  }
0x373: {  	[hbm4b:s26+s23] =	stream.linear.scatter [tilespmem:s30], [sflag:$0x2], $0x80, $0x38;
	[tilespmem:$0x14C00] =	vst v63  }
0x374: {  	s20 =	sadd.s32 $0x20, s0;
	s21 =	simm.s32 $0x115D0  }
0x375: {  	[hbm4b:s20+s23] =	stream.linear.scatter [tilespmem:s21], [sflag:$0x2], $0x80, $0x38;
	[tilespmem:$0x14C00] =	vst v63  }
0x376: {  	s22 =	sadd.s32 $0x30, s0;
	s24 =	simm.s32 $0x11658  }
0x377: {  	[hbm4b:s22+s23] =	stream.linear.scatter [tilespmem:s24], [sflag:$0x2], $0x80, $0x38;
	[tilespmem:$0x14C00] =	vst v63  }
0x378: {  	s26 =	sadd.s32 $0x40, s0;
	s30 =	simm.s32 $0x116E0  }
0x379: {  	[hbm4b:s26+s23] =	stream.linear.scatter [tilespmem:s30], [sflag:$0x2], $0x80, $0x38;
	[tilespmem:$0x14C00] =	vst v63  }
0x37a: {  	s20 =	sadd.s32 $0x50, s0;
	s21 =	simm.s32 $0x11768  }
0x37b: {  	[hbm4b:s20+s23] =	stream.linear.scatter [tilespmem:s21], [sflag:$0x2], $0x80, $0x38;
	[tilespmem:$0x14C00] =	vst v63  }
0x37c: {  	s22 =	sadd.s32 $0x60, s0;
	s24 =	simm.s32 $0x117F0  }
0x37d: {  	[hbm4b:s22+s23] =	stream.linear.scatter [tilespmem:s24], [sflag:$0x2], $0x80, $0x38;
	[tilespmem:$0x14C00] =	vst v63  }
0x37e: {  	s26 =	sadd.s32 $0x70, s0;
	s30 =	simm.s32 $0x11878  }
0x37f: {  	[hbm4b:s26+s23] =	stream.linear.scatter [tilespmem:s30], [sflag:$0x2], $0x80, $0x38;
	[tilespmem:$0x14C00] =	vst v63  }
0x380: {  	s21 =	simm.s32 $0x11900  }
0x381: {  	[hbm4b:s2+s23] =	stream.linear.scatter [tilespmem:s21], [sflag:$0x2], $0x80, $0x38;
	[tilespmem:$0x14C00] =	vst v63  }
0x382: {  	s22 =	sadd.s32 $0x10, s2;
	s24 =	simm.s32 $0x11988  }
0x383: {  	[hbm4b:s22+s23] =	stream.linear.scatter [tilespmem:s24], [sflag:$0x2], $0x80, $0x38;
	[tilespmem:$0x14C00] =	vst v63  }
0x384: {  	s26 =	sadd.s32 $0x20, s2;
	s30 =	simm.s32 $0x11A10  }
0x385: {  	[hbm4b:s26+s23] =	stream.linear.scatter [tilespmem:s30], [sflag:$0x2], $0x80, $0x38;
	[tilespmem:$0x14C00] =	vst v63  }
0x386: {  	s20 =	sadd.s32 $0x30, s2;
	s21 =	simm.s32 $0x11A98  }
0x387: {  	[hbm4b:s20+s23] =	stream.linear.scatter [tilespmem:s21], [sflag:$0x2], $0x80, $0x38;
	[tilespmem:$0x14C00] =	vst v63  }
0x388: {  	s22 =	sadd.s32 $0x40, s2;
	s24 =	simm.s32 $0x11B20  }
0x389: {  	[hbm4b:s22+s23] =	stream.linear.scatter [tilespmem:s24], [sflag:$0x2], $0x80, $0x38;
	[tilespmem:$0x14C00] =	vst v63  }
0x38a: {  	s26 =	sadd.s32 $0x50, s2;
	s30 =	simm.s32 $0x11BA8  }
0x38b: {  	[hbm4b:s26+s23] =	stream.linear.scatter [tilespmem:s30], [sflag:$0x2], $0x80, $0x38;
	[tilespmem:$0x14C00] =	vst v63  }
0x38c: {  	s21 =	sadd.s32 $0x60, s2;
	s22 =	simm.s32 $0x11C30  }
0x38d: {  	[hbm4b:s21+s23] =	stream.linear.scatter [tilespmem:s22], [sflag:$0x2], $0x80, $0x38;
	[tilespmem:$0x14C00] =	vst v63  }
0x38e: {  	s24 =	sadd.s32 $0x70, s2;
	s26 =	simm.s32 $0x11CB8  }
0x38f: {  	[hbm4b:s24+s23] =	stream.linear.scatter [tilespmem:s26], [sflag:$0x2], $0x80, $0x38;
	[tilespmem:$0x14C00] =	vst v63  }
0x390: {  	s30 =	simm.s32 $0x11D40  }
0x391: {  	[hbm4b:s7+s23] =	stream.linear.scatter [tilespmem:s30], [sflag:$0x2], $0x80, $0x38;
	[tilespmem:$0x14C00] =	vst v63  }
0x392: {  	s20 =	sadd.s32 $0x10, s7;
	s21 =	simm.s32 $0x11DC8  }
0x393: {  	[hbm4b:s20+s23] =	stream.linear.scatter [tilespmem:s21], [sflag:$0x2], $0x80, $0x38;
	[tilespmem:$0x14C00] =	vst v63  }
0x394: {  	s22 =	sadd.s32 $0x20, s7;
	s24 =	simm.s32 $0x11E50  }
0x395: {  	[hbm4b:s22+s23] =	stream.linear.scatter [tilespmem:s24], [sflag:$0x2], $0x80, $0x38;
	[tilespmem:$0x14C00] =	vst v63  }
0x396: {  	s26 =	sadd.s32 $0x30, s7;
	s30 =	simm.s32 $0x11ED8  }
0x397: {  	[hbm4b:s26+s23] =	stream.linear.scatter [tilespmem:s30], [sflag:$0x2], $0x80, $0x38;
	[tilespmem:$0x14C00] =	vst v63  }
0x398: {  	s20 =	sadd.s32 $0x40, s7;
	s21 =	simm.s32 $0x11F60  }
0x399: {  	[hbm4b:s20+s23] =	stream.linear.scatter [tilespmem:s21], [sflag:$0x2], $0x80, $0x38;
	[tilespmem:$0x14C00] =	vst v63  }
0x39a: {  	s22 =	sadd.s32 $0x50, s7;
	s24 =	simm.s32 $0x11FE8  }
0x39b: {  	[hbm4b:s22+s23] =	stream.linear.scatter [tilespmem:s24], [sflag:$0x2], $0x80, $0x38;
	[tilespmem:$0x14C00] =	vst v63  }
0x39c: {  	s26 =	sadd.s32 $0x60, s7;
	s30 =	simm.s32 $0x12070  }
0x39d: {  	[hbm4b:s26+s23] =	stream.linear.scatter [tilespmem:s30], [sflag:$0x2], $0x80, $0x38;
	[tilespmem:$0x14C00] =	vst v63  }
0x39e: {  	s21 =	sadd.s32 $0x70, s7;
	s22 =	simm.s32 $0x120F8  }
0x39f: {  	[hbm4b:s21+s23] =	stream.linear.scatter [tilespmem:s22], [sflag:$0x2], $0x80, $0x38;
	[tilespmem:$0x14C00] =	vst v63  }
0x3a0: {  	s24 =	simm.s32 $0x12180  }
0x3a1: {  	[hbm4b:s8+s23] =	stream.linear.scatter [tilespmem:s24], [sflag:$0x2], $0x80, $0x38;
	[tilespmem:$0x14C00] =	vst v63  }
0x3a2: {  	s26 =	sadd.s32 $0x10, s8;
	s30 =	simm.s32 $0x12208  }
0x3a3: {  	[hbm4b:s26+s23] =	stream.linear.scatter [tilespmem:s30], [sflag:$0x2], $0x80, $0x38;
	[tilespmem:$0x14C00] =	vst v63  }
0x3a4: {  	s20 =	sadd.s32 $0x20, s8;
	s21 =	simm.s32 $0x12290  }
0x3a5: {  	[hbm4b:s20+s23] =	stream.linear.scatter [tilespmem:s21], [sflag:$0x2], $0x80, $0x38;
	[tilespmem:$0x14C00] =	vst v63  }
0x3a6: {  	s22 =	sadd.s32 $0x30, s8;
	s24 =	simm.s32 $0x12318  }
0x3a7: {  	[hbm4b:s22+s23] =	stream.linear.scatter [tilespmem:s24], [sflag:$0x2], $0x80, $0x38;
	[tilespmem:$0x14C00] =	vst v63  }
0x3a8: {  	s26 =	sadd.s32 $0x40, s8;
	s30 =	simm.s32 $0x123A0  }
0x3a9: {  	[hbm4b:s26+s23] =	stream.linear.scatter [tilespmem:s30], [sflag:$0x2], $0x80, $0x38;
	[tilespmem:$0x14C00] =	vst v63  }
0x3aa: {  	s20 =	sadd.s32 $0x50, s8;
	s21 =	simm.s32 $0x12428  }
0x3ab: {  	[hbm4b:s20+s23] =	stream.linear.scatter [tilespmem:s21], [sflag:$0x2], $0x80, $0x38;
	[tilespmem:$0x14C00] =	vst v63  }
0x3ac: {  	s22 =	sadd.s32 $0x60, s8;
	s24 =	simm.s32 $0x124B0  }
0x3ad: {  	[hbm4b:s22+s23] =	stream.linear.scatter [tilespmem:s24], [sflag:$0x2], $0x80, $0x38;
	[tilespmem:$0x14C00] =	vst v63  }
0x3ae: {  	s26 =	sadd.s32 $0x70, s8;
	s30 =	simm.s32 $0x12538  }
0x3af: {  	[hbm4b:s26+s23] =	stream.linear.scatter [tilespmem:s30], [sflag:$0x2], $0x80, $0x38;
	[tilespmem:$0x14C00] =	vst v63  }
0x3b0: {  	s21 =	simm.s32 $0x125C0  }
0x3b1: {  	[hbm4b:s9+s23] =	stream.linear.scatter [tilespmem:s21], [sflag:$0x2], $0x80, $0x38;
	[tilespmem:$0x14C00] =	vst v63  }
0x3b2: {  	s22 =	sadd.s32 $0x10, s9;
	s24 =	simm.s32 $0x12648  }
0x3b3: {  	[hbm4b:s22+s23] =	stream.linear.scatter [tilespmem:s24], [sflag:$0x2], $0x80, $0x38;
	[tilespmem:$0x14C00] =	vst v63  }
0x3b4: {  	s26 =	sadd.s32 $0x20, s9;
	s30 =	simm.s32 $0x126D0  }
0x3b5: {  	[hbm4b:s26+s23] =	stream.linear.scatter [tilespmem:s30], [sflag:$0x2], $0x80, $0x38;
	[tilespmem:$0x14C00] =	vst v63  }
0x3b6: {  	s20 =	sadd.s32 $0x30, s9;
	s21 =	simm.s32 $0x12758  }
0x3b7: {  	[hbm4b:s20+s23] =	stream.linear.scatter [tilespmem:s21], [sflag:$0x2], $0x80, $0x38;
	[tilespmem:$0x14C00] =	vst v63  }
0x3b8: {  	s22 =	sadd.s32 $0x40, s9;
	s24 =	simm.s32 $0x127E0  }
0x3b9: {  	[hbm4b:s22+s23] =	stream.linear.scatter [tilespmem:s24], [sflag:$0x2], $0x80, $0x38;
	[tilespmem:$0x14C00] =	vst v63  }
0x3ba: {  	s26 =	sadd.s32 $0x50, s9;
	s30 =	simm.s32 $0x12868  }
0x3bb: {  	[hbm4b:s26+s23] =	stream.linear.scatter [tilespmem:s30], [sflag:$0x2], $0x80, $0x38;
	[tilespmem:$0x14C00] =	vst v63  }
0x3bc: {  	s21 =	sadd.s32 $0x60, s9;
	s22 =	simm.s32 $0x128F0  }
0x3bd: {  	[hbm4b:s21+s23] =	stream.linear.scatter [tilespmem:s22], [sflag:$0x2], $0x80, $0x38;
	[tilespmem:$0x14C00] =	vst v63  }
0x3be: {  	s24 =	sadd.s32 $0x70, s9;
	s26 =	simm.s32 $0x12978  }
0x3bf: {  	[hbm4b:s24+s23] =	stream.linear.scatter [tilespmem:s26], [sflag:$0x2], $0x80, $0x38;
	[tilespmem:$0x14C00] =	vst v63  }
0x3c0: {  	_ =	swait.ge [sflag:s14], $0x2000  }
0x3c1: {  	[sflag:s14] =	ssyncset.done $0x0  }
0x3c2: {  	[sflag:s14] =	ssyncadd.s32 $0xFFFFE000  }
0x3c3: {  	_ =	swait.ge [sflag:s14], $0x2000  }
0x3c4: {  	[sflag:s14] =	ssyncset.done $0x0  }
0x3c5: {  	[sflag:s14] =	ssyncadd.s32 $0xFFFFE000  }
0x3c6: {  	_ =	swait.ge [sflag:s14], $0x2000  }
0x3c7: {  	[sflag:s14] =	ssyncset.done $0x0  }
0x3c8: {  	[sflag:s14] =	ssyncadd.s32 $0xFFFFE000  }
0x3c9: {  	_ =	swait.ge [sflag:s14], $0x2000  }
0x3ca: {  	[sflag:s14] =	ssyncset.done $0x0  }
0x3cb: {  	[sflag:s14] =	ssyncadd.s32 $0xFFFFE000  }
0x3cc: {  	_ =	swait.ge [sflag:s18], $0x400  }
0x3cd: {  	[sflag:s18] =	ssyncset.done $0x0  }
0x3ce: {  	[sflag:s18] =	ssyncadd.s32 $0xFFFFFC00  }
0x3cf: {  	_ =	swait.ge [sflag:s18], $0x400  }
0x3d0: {  	[sflag:s18] =	ssyncset.done $0x0  }
0x3d1: {  	[sflag:s18] =	ssyncadd.s32 $0xFFFFFC00  }
0x3d2: {  	_ =	swait.ge [sflag:s18], $0x400  }
0x3d3: {  	[sflag:s18] =	ssyncset.done $0x0  }
0x3d4: {  	[sflag:s18] =	ssyncadd.s32 $0xFFFFFC00  }
0x3d5: {  	_ =	swait.ge [sflag:s18], $0x400  }
0x3d6: {  	[sflag:s18] =	ssyncset.done $0x0  }
0x3d7: {  	[sflag:s18] =	ssyncadd.s32 $0xFFFFFC00  }
0x3d8: {  	_ =	swait.ge [sflag:s18], $0x400  }
0x3d9: {  	[sflag:s18] =	ssyncset.done $0x0  }
0x3da: {  	[sflag:s18] =	ssyncadd.s32 $0xFFFFFC00  }
0x3db: {  	_ =	swait.ge [sflag:s18], $0x400  }
0x3dc: {  	[sflag:s18] =	ssyncset.done $0x0  }
0x3dd: {  	[sflag:s18] =	ssyncadd.s32 $0xFFFFFC00  }
0x3de: {  	_ =	swait.ge [sflag:s18], $0x400  }
0x3df: {  	[sflag:s18] =	ssyncset.done $0x0  }
0x3e0: {  	[sflag:s18] =	ssyncadd.s32 $0xFFFFFC00  }
0x3e1: {  	_ =	swait.ge [sflag:s18], $0x400  }
0x3e2: {  	[sflag:s18] =	ssyncset.done $0x0  }
0x3e3: {  	s19 =	simm.s32 $0xE840;
	[sflag:s18] =	ssyncadd.s32 $0xFFFFFC00  }
0x3e4: {  	s20 =	simm.s32 $0xC840;
	v4 =	vld [tilespmem:s19+$0xFFFFFFC0]  }
0x3e5: {  	s21 =	simm.s32 $0xA840;
	v5 =	vld [tilespmem:s20+$0xFFFFFFC0]  }
0x3e6: {  	s22 =	simm.s32 $0x8840;
	v6 =	vld [tilespmem:s21+$0xFFFFFFC0]  }
0x3e7: {  	v7 =	vld [tilespmem:s22+$0xFFFFFFC0];
	_ =	sdelay $0x1  }
0x3e8: {  	v8 =	vmov s23  }
0x3e9: {  	v8 =	vand.u32 $0x7E, v8  }
0x3ea: {  	v9 =	vadd.s32 v0, v8  }
0x3eb: {  	v4 =	vadd.f32 v4, v5;
	v5 =	vadd.f32 v6, v7;
	_ =	sdelay $0x1  }
0x3ec: {  	v4 =	vadd.f32 v4, v5;
	_ =	sdelay $0x1  }
0x3ed: {  	[tilespmem:v9+s17+$0x0] =	vst.idx.msk $0xffff, v4  }
0x3ee: {  	v4 =	vld [tilespmem:s19+$0xFFFFFFD0]  }
0x3ef: {  	v5 =	vld [tilespmem:s21+$0xFFFFFFD0]  }
0x3f0: {  	v6 =	vld [tilespmem:s20+$0xFFFFFFD0]  }
0x3f1: {  	v7 =	vld [tilespmem:s22+$0xFFFFFFD0];
	_ =	sdelay $0x3  }
0x3f2: {  	v9 =	vadd.s32 v1, v8  }
0x3f3: {  	v4 =	vadd.f32 v4, v6;
	v5 =	vadd.f32 v5, v7;
	_ =	sdelay $0x1  }
0x3f4: {  	v4 =	vadd.f32 v4, v5;
	_ =	sdelay $0x1  }
0x3f5: {  	[tilespmem:v9+s17+$0x0] =	vst.idx.msk $0xffff, v4  }
0x3f6: {  	v4 =	vld [tilespmem:s22+$0xFFFFFFE0]  }
0x3f7: {  	v5 =	vld [tilespmem:s21+$0xFFFFFFE0]  }
0x3f8: {  	v6 =	vld [tilespmem:s19+$0xFFFFFFE0]  }
0x3f9: {  	v7 =	vld [tilespmem:s20+$0xFFFFFFE0];
	_ =	sdelay $0x3  }
0x3fa: {  	v9 =	vadd.s32 v2, v8  }
0x3fb: {  	v4 =	vadd.f32 v5, v4;
	v5 =	vadd.f32 v6, v7;
	_ =	sdelay $0x1  }
0x3fc: {  	v4 =	vadd.f32 v5, v4;
	_ =	sdelay $0x1  }
0x3fd: {  	[tilespmem:v9+s17+$0x0] =	vst.idx.msk $0xffff, v4  }
0x3fe: {  	v4 =	vld [tilespmem:s21+$0xFFFFFFF0]  }
0x3ff: {  	v5 =	vld [tilespmem:s19+$0xFFFFFFF0]  }
0x400: {  	v6 =	vld [tilespmem:s22+$0xFFFFFFF0]  }
0x401: {  	v7 =	vld [tilespmem:s20+$0xFFFFFFF0];
	_ =	sdelay $0x3  }
0x402: {  	v8 =	vadd.s32 v3, v8  }
0x403: {  	v4 =	vadd.f32 v4, v6;
	v5 =	vadd.f32 v5, v7;
	_ =	sdelay $0x1  }
0x404: {  	v4 =	vadd.f32 v5, v4;
	_ =	sdelay $0x1  }
0x405: {  	[tilespmem:v8+s17+$0x0] =	vst.idx.msk $0xffff, v4  }
0x406: {  	v5 =	vld [tilespmem:s22+$0x0]  }
0x407: {  	v6 =	vld [tilespmem:s21+$0x0]  }
0x408: {  	v7 =	vld [tilespmem:s19+$0x0]  }
0x409: {  	v8 =	vld [tilespmem:s20+$0x0]  }
0x40a: {  	s30 =	simm.s32 $0x1  }
0x40b: {  	v4 =	vmov s30  }
0x40c: {  	v4 =	vand.u32 $0x7F, v4  }
0x40d: {  	v9 =	vadd.s32 v0, v4  }
0x40e: {  	v5 =	vadd.f32 v6, v5;
	v6 =	vadd.f32 v7, v8;
	_ =	sdelay $0x1  }
0x40f: {  	v5 =	vadd.f32 v6, v5;
	_ =	sdelay $0x1  }
0x410: {  	[tilespmem:v9+s17+$0x0] =	vst.idx.msk $0xffff, v5  }
0x411: {  	v5 =	vld [tilespmem:s21+$0x10]  }
0x412: {  	v6 =	vld [tilespmem:s22+$0x10]  }
0x413: {  	v7 =	vld [tilespmem:s19+$0x10]  }
0x414: {  	v8 =	vld [tilespmem:s20+$0x10];
	_ =	sdelay $0x3  }
0x415: {  	v9 =	vadd.s32 v1, v4  }
0x416: {  	v5 =	vadd.f32 v5, v6;
	v6 =	vadd.f32 v7, v8;
	_ =	sdelay $0x1  }
0x417: {  	v5 =	vadd.f32 v6, v5;
	_ =	sdelay $0x1  }
0x418: {  	[tilespmem:v9+s17+$0x0] =	vst.idx.msk $0xffff, v5  }
0x419: {  	v6 =	vld [tilespmem:s21+$0x20]  }
0x41a: {  	v5 =	vld [tilespmem:s19+$0x20]  }
0x41b: {  	s28 =	simm.s32 $0x2;
	s29 =	simm.s32 $0xE8C0;
	v7 =	vld [tilespmem:s22+$0x20]  }
0x41c: {  	s23 =	simm.s32 $0xA840;
	s24 =	simm.s32 $0x8840;
	s26 =	simm.s32 $0xC840;
	v8 =	vld [tilespmem:s20+$0x20]  }
.LBB2_8:
0x41d: {  	s22 =	sadd.s32 $0x80, s22;
	s21 =	sadd.s32 $0x80, s21;
	s20 =	sadd.s32 $0x80, s20  }
0x41e: {  	p0 =	sne.s32 s28, $0x7E;
	s30 =	smov.u32 s28;
	s28 =	sadd.s32 $0x2, s28  }
0x41f: {  	_ = 	snop  }
0x420: {  	v6 =	vadd.f32 v6, v7;
	v7 =	vadd.s32 v2, v4  }
0x421: {  	v5 =	vadd.f32 v5, v8;
	_ =	sdelay $0x1  }
0x422: {  	v5 =	vadd.f32 v5, v6;
	_ =	sdelay $0x1  }
0x423: {  	[tilespmem:v7+s17+$0x0] =	vst.idx.msk $0xffff, v5  }
0x424: {  	v5 =	vld [tilespmem:s19+$0x30];
	s19 =	smov.u32 s29  }
0x425: {  	v6 =	vld [tilespmem:s23+$0x30];
	s23 =	smov.u32 s21  }
0x426: {  	v7 =	vld [tilespmem:s24+$0x30];
	s24 =	smov.u32 s22  }
0x427: {  	v8 =	vld [tilespmem:s26+$0x30];
	s26 =	smov.u32 s20;
	_ =	sdelay $0x2  }
0x428: {  	v4 =	vadd.s32 v3, v4  }
0x429: {  	v6 =	vadd.f32 v6, v7  }
0x42a: {  	v5 =	vadd.f32 v5, v8;
	_ =	sdelay $0x1  }
0x42b: {  	v5 =	vadd.f32 v5, v6;
	_ =	sdelay $0x1  }
0x42c: {  	[tilespmem:v4+s17+$0x0] =	vst.idx.msk $0xffff, v5  }
0x42d: {  	v4 =	vld [tilespmem:s29+$0xFFFFFFC0]  }
0x42e: {  	v5 =	vld [tilespmem:s20+$0xFFFFFFC0]  }
0x42f: {  	v6 =	vld [tilespmem:s21+$0xFFFFFFC0]  }
0x430: {  	v7 =	vld [tilespmem:s22+$0xFFFFFFC0];
	_ =	sdelay $0x1  }
0x431: {  	v8 =	vmov s30  }
0x432: {  	v4 =	vadd.f32 v4, v5;
	v5 =	vand.u32 $0x7E, v8  }
0x433: {  	v8 =	vadd.s32 v0, v5  }
0x434: {  	v6 =	vadd.f32 v6, v7;
	_ =	sdelay $0x1  }
0x435: {  	v4 =	vadd.f32 v4, v6;
	_ =	sdelay $0x1  }
0x436: {  	[tilespmem:v8+s17+$0x0] =	vst.idx.msk $0xffff, v4  }
0x437: {  	v4 =	vld [tilespmem:s29+$0xFFFFFFD0]  }
0x438: {  	v6 =	vld [tilespmem:s21+$0xFFFFFFD0]  }
0x439: {  	v7 =	vld [tilespmem:s20+$0xFFFFFFD0]  }
0x43a: {  	v8 =	vld [tilespmem:s22+$0xFFFFFFD0];
	_ =	sdelay $0x3  }
0x43b: {  	v4 =	vadd.f32 v4, v7;
	v7 =	vadd.s32 v1, v5  }
0x43c: {  	v6 =	vadd.f32 v6, v8;
	_ =	sdelay $0x1  }
0x43d: {  	v4 =	vadd.f32 v4, v6;
	_ =	sdelay $0x1  }
0x43e: {  	[tilespmem:v7+s17+$0x0] =	vst.idx.msk $0xffff, v4  }
0x43f: {  	v4 =	vld [tilespmem:s22+$0xFFFFFFE0]  }
0x440: {  	v6 =	vld [tilespmem:s21+$0xFFFFFFE0]  }
0x441: {  	v7 =	vld [tilespmem:s29+$0xFFFFFFE0]  }
0x442: {  	v8 =	vld [tilespmem:s20+$0xFFFFFFE0];
	_ =	sdelay $0x2  }
0x443: {  	v4 =	vadd.f32 v6, v4  }
0x444: {  	v6 =	vadd.s32 v2, v5  }
0x445: {  	v7 =	vadd.f32 v7, v8;
	_ =	sdelay $0x1  }
0x446: {  	v4 =	vadd.f32 v7, v4;
	_ =	sdelay $0x1  }
0x447: {  	[tilespmem:v6+s17+$0x0] =	vst.idx.msk $0xffff, v4  }
0x448: {  	v4 =	vld [tilespmem:s21+$0xFFFFFFF0]  }
0x449: {  	v6 =	vld [tilespmem:s29+$0xFFFFFFF0]  }
0x44a: {  	v7 =	vld [tilespmem:s22+$0xFFFFFFF0]  }
0x44b: {  	v8 =	vld [tilespmem:s20+$0xFFFFFFF0];
	_ =	sdelay $0x3  }
0x44c: {  	v5 =	vadd.s32 v3, v5;
	v4 =	vadd.f32 v4, v7  }
0x44d: {  	v6 =	vadd.f32 v6, v8;
	_ =	sdelay $0x1  }
0x44e: {  	v4 =	vadd.f32 v6, v4;
	_ =	sdelay $0x1  }
0x44f: {  	[tilespmem:v5+s17+$0x0] =	vst.idx.msk $0xffff, v4  }
0x450: {  	v4 =	vld [tilespmem:s22+$0x0]  }
0x451: {  	v5 =	vld [tilespmem:s21+$0x0]  }
0x452: {  	v6 =	vld [tilespmem:s29+$0x0]  }
0x453: {  	v7 =	vld [tilespmem:s20+$0x0]  }
0x454: {  	s30 =	sadd.s32 $0x1, s30  }
0x455: {  	v8 =	vmov s30  }
0x456: {  	v5 =	vadd.f32 v5, v4;
	v4 =	vand.u32 $0x7F, v8  }
0x457: {  	v8 =	vadd.s32 v0, v4  }
0x458: {  	v6 =	vadd.f32 v6, v7;
	_ =	sdelay $0x1  }
0x459: {  	v5 =	vadd.f32 v6, v5;
	_ =	sdelay $0x1  }
0x45a: {  	[tilespmem:v8+s17+$0x0] =	vst.idx.msk $0xffff, v5  }
0x45b: {  	v5 =	vld [tilespmem:s21+$0x10]  }
0x45c: {  	v6 =	vld [tilespmem:s22+$0x10]  }
0x45d: {  	v7 =	vld [tilespmem:s29+$0x10]  }
0x45e: {  	v8 =	vld [tilespmem:s20+$0x10];
	_ =	sdelay $0x2  }
0x45f: {  	v5 =	vadd.f32 v5, v6  }
0x460: {  	v6 =	vadd.s32 v1, v4  }
0x461: {  	v7 =	vadd.f32 v7, v8;
	_ =	sdelay $0x1  }
0x462: {  	v5 =	vadd.f32 v7, v5;
	_ =	sdelay $0x1  }
.Ltmp3:
0x463: {  	[tilespmem:v6+s17+$0x0] =	vst.idx.msk $0xffff, v5;
	(pc) =	sbr.rel @p0 .LBB2_8-.Ltmp3, $4  }
0x464: {  	v6 =	vld [tilespmem:s21+$0x20]  }
0x465: {  	v5 =	vld [tilespmem:s29+$0x20]  }
0x466: {  	v7 =	vld [tilespmem:s22+$0x20]  }
0x467: {  	s29 =	sadd.s32 $0x80, s29;
	v8 =	vld [tilespmem:s20+$0x20]  }
0x468: {  	_ =	sdelay $0x2  }
0x469: {  	v9 =	vadd.s32 v2, v4  }
0x46a: {  	v6 =	vadd.f32 v6, v7;
	v5 =	vadd.f32 v5, v8;
	_ =	sdelay $0x1  }
0x46b: {  	v5 =	vadd.f32 v5, v6;
	_ =	sdelay $0x1  }
0x46c: {  	[tilespmem:v9+s17+$0x0] =	vst.idx.msk $0xffff, v5  }
0x46d: {  	v5 =	vld [tilespmem:s19+$0x30]  }
0x46e: {  	v61 =	vld [tilespmem:s23+$0x30]  }
0x46f: {  	v62 =	vld [tilespmem:s24+$0x30]  }
0x470: {  	v63 =	vld [tilespmem:s26+$0x30];
	_ =	sdelay $0x3  }
0x471: {  	v4 =	vadd.s32 v3, v4  }
0x472: {  	v6 =	vadd.f32 v61, v62;
	v5 =	vadd.f32 v5, v63;
	_ =	sdelay $0x1  }
0x473: {  	v5 =	vadd.f32 v5, v6;
	_ =	sdelay $0x1  }
0x474: {  	[tilespmem:v4+s17+$0x0] =	vst.idx.msk $0xffff, v5  }
0x475: {  	[hbm4b:s10+s1] =	stream.linear.scatter [tilespmem:s17], [sflag:$0x2], $0x80, $0x38;
	[tilespmem:$0x14C00] =	vst v63  }
0x476: {  	s30 =	sadd.s32 $0x10, s10;
	s20 =	simm.s32 $0x12A88  }
0x477: {  	[hbm4b:s30+s1] =	stream.linear.scatter [tilespmem:s20], [sflag:$0x2], $0x80, $0x38;
	[tilespmem:$0x14C00] =	vst v63  }
0x478: {  	s21 =	sadd.s32 $0x20, s10;
	s22 =	simm.s32 $0x12B10  }
0x479: {  	[hbm4b:s21+s1] =	stream.linear.scatter [tilespmem:s22], [sflag:$0x2], $0x80, $0x38;
	[tilespmem:$0x14C00] =	vst v63  }
0x47a: {  	s23 =	sadd.s32 $0x30, s10;
	s24 =	simm.s32 $0x12B98  }
0x47b: {  	[hbm4b:s23+s1] =	stream.linear.scatter [tilespmem:s24], [sflag:$0x2], $0x80, $0x38;
	[tilespmem:$0x14C00] =	vst v63  }
0x47c: {  	s28 =	simm.s32 $0x12C20;
	s26 =	sadd.s32 $0x40, s10  }
0x47d: {  	[hbm4b:s26+s1] =	stream.linear.scatter [tilespmem:s28], [sflag:$0x2], $0x80, $0x38;
	[tilespmem:$0x14C00] =	vst v63  }
0x47e: {  	s29 =	sadd.s32 $0x50, s10;
	s30 =	simm.s32 $0x12CA8  }
0x47f: {  	[hbm4b:s29+s1] =	stream.linear.scatter [tilespmem:s30], [sflag:$0x2], $0x80, $0x38;
	[tilespmem:$0x14C00] =	vst v63  }
0x480: {  	s20 =	sadd.s32 $0x60, s10;
	s21 =	simm.s32 $0x12D30  }
0x481: {  	[hbm4b:s20+s1] =	stream.linear.scatter [tilespmem:s21], [sflag:$0x2], $0x80, $0x38;
	[tilespmem:$0x14C00] =	vst v63  }
0x482: {  	s22 =	sadd.s32 $0x70, s10;
	s23 =	simm.s32 $0x12DB8  }
0x483: {  	[hbm4b:s22+s1] =	stream.linear.scatter [tilespmem:s23], [sflag:$0x2], $0x80, $0x38;
	[tilespmem:$0x14C00] =	vst v63  }
0x484: {  	s24 =	simm.s32 $0x12E40  }
0x485: {  	[hbm4b:s25+s1] =	stream.linear.scatter [tilespmem:s24], [sflag:$0x2], $0x80, $0x38;
	[tilespmem:$0x14C00] =	vst v63  }
0x486: {  	s26 =	sadd.s32 $0x10, s25;
	s28 =	simm.s32 $0x12EC8  }
0x487: {  	[hbm4b:s26+s1] =	stream.linear.scatter [tilespmem:s28], [sflag:$0x2], $0x80, $0x38;
	[tilespmem:$0x14C00] =	vst v63  }
0x488: {  	s29 =	sadd.s32 $0x20, s25;
	s30 =	simm.s32 $0x12F50  }
0x489: {  	[hbm4b:s29+s1] =	stream.linear.scatter [tilespmem:s30], [sflag:$0x2], $0x80, $0x38;
	[tilespmem:$0x14C00] =	vst v63  }
0x48a: {  	s21 =	sadd.s32 $0x30, s25;
	s22 =	simm.s32 $0x12FD8  }
0x48b: {  	[hbm4b:s21+s1] =	stream.linear.scatter [tilespmem:s22], [sflag:$0x2], $0x80, $0x38;
	[tilespmem:$0x14C00] =	vst v63  }
0x48c: {  	s23 =	sadd.s32 $0x40, s25;
	s24 =	simm.s32 $0x13060  }
0x48d: {  	[hbm4b:s23+s1] =	stream.linear.scatter [tilespmem:s24], [sflag:$0x2], $0x80, $0x38;
	[tilespmem:$0x14C00] =	vst v63  }
0x48e: {  	s26 =	sadd.s32 $0x50, s25;
	s28 =	simm.s32 $0x130E8  }
0x48f: {  	[hbm4b:s26+s1] =	stream.linear.scatter [tilespmem:s28], [sflag:$0x2], $0x80, $0x38;
	[tilespmem:$0x14C00] =	vst v63  }
0x490: {  	s29 =	sadd.s32 $0x60, s25;
	s30 =	simm.s32 $0x13170  }
0x491: {  	[hbm4b:s29+s1] =	stream.linear.scatter [tilespmem:s30], [sflag:$0x2], $0x80, $0x38;
	[tilespmem:$0x14C00] =	vst v63  }
0x492: {  	s20 =	sadd.s32 $0x70, s25;
	s21 =	simm.s32 $0x131F8  }
0x493: {  	[hbm4b:s20+s1] =	stream.linear.scatter [tilespmem:s21], [sflag:$0x2], $0x80, $0x38;
	[tilespmem:$0x14C00] =	vst v63  }
0x494: {  	s22 =	simm.s32 $0x13280  }
0x495: {  	[hbm4b:s3+s1] =	stream.linear.scatter [tilespmem:s22], [sflag:$0x2], $0x80, $0x38;
	[tilespmem:$0x14C00] =	vst v63  }
0x496: {  	s23 =	sadd.s32 $0x10, s3;
	s24 =	simm.s32 $0x13308  }
0x497: {  	[hbm4b:s23+s1] =	stream.linear.scatter [tilespmem:s24], [sflag:$0x2], $0x80, $0x38;
	[tilespmem:$0x14C00] =	vst v63  }
0x498: {  	s26 =	sadd.s32 $0x20, s3;
	s28 =	simm.s32 $0x13390  }
0x499: {  	[hbm4b:s26+s1] =	stream.linear.scatter [tilespmem:s28], [sflag:$0x2], $0x80, $0x38;
	[tilespmem:$0x14C00] =	vst v63  }
0x49a: {  	s29 =	sadd.s32 $0x30, s3;
	s30 =	simm.s32 $0x13418  }
0x49b: {  	[hbm4b:s29+s1] =	stream.linear.scatter [tilespmem:s30], [sflag:$0x2], $0x80, $0x38;
	[tilespmem:$0x14C00] =	vst v63  }
0x49c: {  	s21 =	sadd.s32 $0x40, s3;
	s22 =	simm.s32 $0x134A0  }
0x49d: {  	[hbm4b:s21+s1] =	stream.linear.scatter [tilespmem:s22], [sflag:$0x2], $0x80, $0x38;
	[tilespmem:$0x14C00] =	vst v63  }
0x49e: {  	s23 =	sadd.s32 $0x50, s3;
	s24 =	simm.s32 $0x13528  }
0x49f: {  	[hbm4b:s23+s1] =	stream.linear.scatter [tilespmem:s24], [sflag:$0x2], $0x80, $0x38;
	[tilespmem:$0x14C00] =	vst v63  }
0x4a0: {  	s26 =	sadd.s32 $0x60, s3;
	s28 =	simm.s32 $0x135B0  }
0x4a1: {  	[hbm4b:s26+s1] =	stream.linear.scatter [tilespmem:s28], [sflag:$0x2], $0x80, $0x38;
	[tilespmem:$0x14C00] =	vst v63  }
0x4a2: {  	s29 =	sadd.s32 $0x70, s3;
	s30 =	simm.s32 $0x13638  }
0x4a3: {  	[hbm4b:s29+s1] =	stream.linear.scatter [tilespmem:s30], [sflag:$0x2], $0x80, $0x38;
	[tilespmem:$0x14C00] =	vst v63  }
0x4a4: {  	s20 =	simm.s32 $0x136C0  }
0x4a5: {  	[hbm4b:s4+s1] =	stream.linear.scatter [tilespmem:s20], [sflag:$0x2], $0x80, $0x38;
	[tilespmem:$0x14C00] =	vst v63  }
0x4a6: {  	s21 =	sadd.s32 $0x10, s4;
	s22 =	simm.s32 $0x13748  }
0x4a7: {  	[hbm4b:s21+s1] =	stream.linear.scatter [tilespmem:s22], [sflag:$0x2], $0x80, $0x38;
	[tilespmem:$0x14C00] =	vst v63  }
0x4a8: {  	s23 =	sadd.s32 $0x20, s4;
	s24 =	simm.s32 $0x137D0  }
0x4a9: {  	[hbm4b:s23+s1] =	stream.linear.scatter [tilespmem:s24], [sflag:$0x2], $0x80, $0x38;
	[tilespmem:$0x14C00] =	vst v63  }
0x4aa: {  	s26 =	sadd.s32 $0x30, s4;
	s28 =	simm.s32 $0x13858  }
0x4ab: {  	[hbm4b:s26+s1] =	stream.linear.scatter [tilespmem:s28], [sflag:$0x2], $0x80, $0x38;
	[tilespmem:$0x14C00] =	vst v63  }
0x4ac: {  	s29 =	sadd.s32 $0x40, s4;
	s30 =	simm.s32 $0x138E0  }
0x4ad: {  	[hbm4b:s29+s1] =	stream.linear.scatter [tilespmem:s30], [sflag:$0x2], $0x80, $0x38;
	[tilespmem:$0x14C00] =	vst v63  }
0x4ae: {  	s20 =	sadd.s32 $0x50, s4;
	s21 =	simm.s32 $0x13968  }
0x4af: {  	[hbm4b:s20+s1] =	stream.linear.scatter [tilespmem:s21], [sflag:$0x2], $0x80, $0x38;
	[tilespmem:$0x14C00] =	vst v63  }
0x4b0: {  	s22 =	sadd.s32 $0x60, s4;
	s23 =	simm.s32 $0x139F0  }
0x4b1: {  	[hbm4b:s22+s1] =	stream.linear.scatter [tilespmem:s23], [sflag:$0x2], $0x80, $0x38;
	[tilespmem:$0x14C00] =	vst v63  }
0x4b2: {  	s24 =	sadd.s32 $0x70, s4;
	s26 =	simm.s32 $0x13A78  }
0x4b3: {  	[hbm4b:s24+s1] =	stream.linear.scatter [tilespmem:s26], [sflag:$0x2], $0x80, $0x38;
	[tilespmem:$0x14C00] =	vst v63  }
0x4b4: {  	s28 =	simm.s32 $0x13B00  }
0x4b5: {  	[hbm4b:s5+s1] =	stream.linear.scatter [tilespmem:s28], [sflag:$0x2], $0x80, $0x38;
	[tilespmem:$0x14C00] =	vst v63  }
0x4b6: {  	s29 =	sadd.s32 $0x10, s5;
	s30 =	simm.s32 $0x13B88  }
0x4b7: {  	[hbm4b:s29+s1] =	stream.linear.scatter [tilespmem:s30], [sflag:$0x2], $0x80, $0x38;
	[tilespmem:$0x14C00] =	vst v63  }
0x4b8: {  	s21 =	sadd.s32 $0x20, s5;
	s22 =	simm.s32 $0x13C10  }
0x4b9: {  	[hbm4b:s21+s1] =	stream.linear.scatter [tilespmem:s22], [sflag:$0x2], $0x80, $0x38;
	[tilespmem:$0x14C00] =	vst v63  }
0x4ba: {  	s23 =	sadd.s32 $0x30, s5;
	s24 =	simm.s32 $0x13C98  }
0x4bb: {  	[hbm4b:s23+s1] =	stream.linear.scatter [tilespmem:s24], [sflag:$0x2], $0x80, $0x38;
	[tilespmem:$0x14C00] =	vst v63  }
0x4bc: {  	s26 =	sadd.s32 $0x40, s5;
	s28 =	simm.s32 $0x13D20  }
0x4bd: {  	[hbm4b:s26+s1] =	stream.linear.scatter [tilespmem:s28], [sflag:$0x2], $0x80, $0x38;
	[tilespmem:$0x14C00] =	vst v63  }
0x4be: {  	s29 =	sadd.s32 $0x50, s5;
	s30 =	simm.s32 $0x13DA8  }
0x4bf: {  	[hbm4b:s29+s1] =	stream.linear.scatter [tilespmem:s30], [sflag:$0x2], $0x80, $0x38;
	[tilespmem:$0x14C00] =	vst v63  }
0x4c0: {  	s20 =	sadd.s32 $0x60, s5;
	s21 =	simm.s32 $0x13E30  }
0x4c1: {  	[hbm4b:s20+s1] =	stream.linear.scatter [tilespmem:s21], [sflag:$0x2], $0x80, $0x38;
	[tilespmem:$0x14C00] =	vst v63  }
0x4c2: {  	s22 =	sadd.s32 $0x70, s5;
	s23 =	simm.s32 $0x13EB8  }
0x4c3: {  	[hbm4b:s22+s1] =	stream.linear.scatter [tilespmem:s23], [sflag:$0x2], $0x80, $0x38;
	[tilespmem:$0x14C00] =	vst v63  }
0x4c4: {  	s24 =	simm.s32 $0x13F40  }
0x4c5: {  	[hbm4b:s6+s1] =	stream.linear.scatter [tilespmem:s24], [sflag:$0x2], $0x80, $0x38;
	[tilespmem:$0x14C00] =	vst v63  }
0x4c6: {  	s26 =	sadd.s32 $0x10, s6;
	s28 =	simm.s32 $0x13FC8  }
0x4c7: {  	[hbm4b:s26+s1] =	stream.linear.scatter [tilespmem:s28], [sflag:$0x2], $0x80, $0x38;
	[tilespmem:$0x14C00] =	vst v63  }
0x4c8: {  	s29 =	sadd.s32 $0x20, s6;
	s30 =	simm.s32 $0x14050  }
0x4c9: {  	[hbm4b:s29+s1] =	stream.linear.scatter [tilespmem:s30], [sflag:$0x2], $0x80, $0x38;
	[tilespmem:$0x14C00] =	vst v63  }
0x4ca: {  	s21 =	sadd.s32 $0x30, s6;
	s22 =	simm.s32 $0x140D8  }
0x4cb: {  	[hbm4b:s21+s1] =	stream.linear.scatter [tilespmem:s22], [sflag:$0x2], $0x80, $0x38;
	[tilespmem:$0x14C00] =	vst v63  }
0x4cc: {  	s23 =	sadd.s32 $0x40, s6;
	s24 =	simm.s32 $0x14160  }
0x4cd: {  	[hbm4b:s23+s1] =	stream.linear.scatter [tilespmem:s24], [sflag:$0x2], $0x80, $0x38;
	[tilespmem:$0x14C00] =	vst v63  }
0x4ce: {  	s26 =	sadd.s32 $0x50, s6;
	s28 =	simm.s32 $0x141E8  }
0x4cf: {  	[hbm4b:s26+s1] =	stream.linear.scatter [tilespmem:s28], [sflag:$0x2], $0x80, $0x38;
	[tilespmem:$0x14C00] =	vst v63  }
0x4d0: {  	s29 =	sadd.s32 $0x60, s6;
	s30 =	simm.s32 $0x14270  }
0x4d1: {  	[hbm4b:s29+s1] =	stream.linear.scatter [tilespmem:s30], [sflag:$0x2], $0x80, $0x38;
	[tilespmem:$0x14C00] =	vst v63  }
0x4d2: {  	s20 =	sadd.s32 $0x70, s6;
	s21 =	simm.s32 $0x142F8  }
0x4d3: {  	[hbm4b:s20+s1] =	stream.linear.scatter [tilespmem:s21], [sflag:$0x2], $0x80, $0x38;
	[tilespmem:$0x14C00] =	vst v63  }
0x4d4: {  	s22 =	simm.s32 $0x14380  }
0x4d5: {  	[hbm4b:s12+s1] =	stream.linear.scatter [tilespmem:s22], [sflag:$0x2], $0x80, $0x38;
	[tilespmem:$0x14C00] =	vst v63  }
0x4d6: {  	s23 =	sadd.s32 $0x10, s12;
	s24 =	simm.s32 $0x14408  }
0x4d7: {  	[hbm4b:s23+s1] =	stream.linear.scatter [tilespmem:s24], [sflag:$0x2], $0x80, $0x38;
	[tilespmem:$0x14C00] =	vst v63  }
0x4d8: {  	s26 =	sadd.s32 $0x20, s12;
	s28 =	simm.s32 $0x14490  }
0x4d9: {  	[hbm4b:s26+s1] =	stream.linear.scatter [tilespmem:s28], [sflag:$0x2], $0x80, $0x38;
	[tilespmem:$0x14C00] =	vst v63  }
0x4da: {  	s29 =	sadd.s32 $0x30, s12;
	s30 =	simm.s32 $0x14518  }
0x4db: {  	[hbm4b:s29+s1] =	stream.linear.scatter [tilespmem:s30], [sflag:$0x2], $0x80, $0x38;
	[tilespmem:$0x14C00] =	vst v63  }
0x4dc: {  	s21 =	sadd.s32 $0x40, s12;
	s22 =	simm.s32 $0x145A0  }
0x4dd: {  	[hbm4b:s21+s1] =	stream.linear.scatter [tilespmem:s22], [sflag:$0x2], $0x80, $0x38;
	[tilespmem:$0x14C00] =	vst v63  }
0x4de: {  	s23 =	sadd.s32 $0x50, s12;
	s24 =	simm.s32 $0x14628  }
0x4df: {  	[hbm4b:s23+s1] =	stream.linear.scatter [tilespmem:s24], [sflag:$0x2], $0x80, $0x38;
	[tilespmem:$0x14C00] =	vst v63  }
0x4e0: {  	s26 =	sadd.s32 $0x60, s12;
	s28 =	simm.s32 $0x146B0  }
0x4e1: {  	[hbm4b:s26+s1] =	stream.linear.scatter [tilespmem:s28], [sflag:$0x2], $0x80, $0x38;
	[tilespmem:$0x14C00] =	vst v63  }
0x4e2: {  	s29 =	sadd.s32 $0x70, s12;
	s30 =	simm.s32 $0x14738  }
0x4e3: {  	[hbm4b:s29+s1] =	stream.linear.scatter [tilespmem:s30], [sflag:$0x2], $0x80, $0x38;
	[tilespmem:$0x14C00] =	vst v63  }
0x4e4: {  	s20 =	simm.s32 $0x147C0  }
0x4e5: {  	[hbm4b:s13+s1] =	stream.linear.scatter [tilespmem:s20], [sflag:$0x2], $0x80, $0x38;
	[tilespmem:$0x14C00] =	vst v63  }
0x4e6: {  	s21 =	sadd.s32 $0x10, s13;
	s22 =	simm.s32 $0x14848  }
0x4e7: {  	[hbm4b:s21+s1] =	stream.linear.scatter [tilespmem:s22], [sflag:$0x2], $0x80, $0x38;
	[tilespmem:$0x14C00] =	vst v63  }
0x4e8: {  	s23 =	sadd.s32 $0x20, s13;
	s24 =	simm.s32 $0x148D0  }
0x4e9: {  	[hbm4b:s23+s1] =	stream.linear.scatter [tilespmem:s24], [sflag:$0x2], $0x80, $0x38;
	[tilespmem:$0x14C00] =	vst v63  }
0x4ea: {  	s26 =	sadd.s32 $0x30, s13;
	s28 =	simm.s32 $0x14958  }
0x4eb: {  	[hbm4b:s26+s1] =	stream.linear.scatter [tilespmem:s28], [sflag:$0x2], $0x80, $0x38;
	[tilespmem:$0x14C00] =	vst v63  }
0x4ec: {  	s29 =	sadd.s32 $0x40, s13;
	s30 =	simm.s32 $0x149E0  }
0x4ed: {  	[hbm4b:s29+s1] =	stream.linear.scatter [tilespmem:s30], [sflag:$0x2], $0x80, $0x38;
	[tilespmem:$0x14C00] =	vst v63  }
0x4ee: {  	s21 =	sadd.s32 $0x50, s13;
	s22 =	simm.s32 $0x14A68  }
0x4ef: {  	[hbm4b:s21+s1] =	stream.linear.scatter [tilespmem:s22], [sflag:$0x2], $0x80, $0x38;
	[tilespmem:$0x14C00] =	vst v63  }
0x4f0: {  	s23 =	sadd.s32 $0x60, s13;
	s24 =	simm.s32 $0x14AF0  }
0x4f1: {  	[hbm4b:s23+s1] =	stream.linear.scatter [tilespmem:s24], [sflag:$0x2], $0x80, $0x38;
	[tilespmem:$0x14C00] =	vst v63  }
0x4f2: {  	s26 =	sadd.s32 $0x70, s13;
	s28 =	simm.s32 $0x14B78  }
0x4f3: {  	[hbm4b:s26+s1] =	stream.linear.scatter [tilespmem:s28], [sflag:$0x2], $0x80, $0x38;
	[tilespmem:$0x14C00] =	vst v63  }
0x4f4: {  	_ =	swait.ge [sflag:s18], $0x400  }
0x4f5: {  	[sflag:s18] =	ssyncset.done $0x0  }
0x4f6: {  	[sflag:s18] =	ssyncadd.s32 $0xFFFFFC00  }
0x4f7: {  	_ =	swait.ge [sflag:s18], $0x400  }
0x4f8: {  	[sflag:s18] =	ssyncset.done $0x0  }
0x4f9: {  	[sflag:s18] =	ssyncadd.s32 $0xFFFFFC00  }
0x4fa: {  	_ =	swait.ge [sflag:s18], $0x400  }
0x4fb: {  	[sflag:s18] =	ssyncset.done $0x0  }
0x4fc: {  	[sflag:s18] =	ssyncadd.s32 $0xFFFFFC00  }
0x4fd: {  	_ =	swait.ge [sflag:s18], $0x400  }
0x4fe: {  	[sflag:s18] =	ssyncset.done $0x0  }
0x4ff: {  	[sflag:s18] =	ssyncadd.s32 $0xFFFFFC00  }
0x500: {  	_ =	swait.ge [sflag:s18], $0x400  }
0x501: {  	[sflag:s18] =	ssyncset.done $0x0  }
0x502: {  	[sflag:s18] =	ssyncadd.s32 $0xFFFFFC00  }
0x503: {  	_ =	swait.ge [sflag:s18], $0x400  }
0x504: {  	[sflag:s18] =	ssyncset.done $0x0  }
0x505: {  	[sflag:s18] =	ssyncadd.s32 $0xFFFFFC00  }
0x506: {  	_ =	swait.ge [sflag:s18], $0x400  }
0x507: {  	[sflag:s18] =	ssyncset.done $0x0  }
0x508: {  	[sflag:s18] =	ssyncadd.s32 $0xFFFFFC00  }
0x509: {  	_ =	swait.ge [sflag:s18], $0x400  }
0x50a: {  	[sflag:s18] =	ssyncset.done $0x0  }
0x50b: {  	[sflag:s18] =	ssyncadd.s32 $0xFFFFFC00  }
0x50c: {  	_ =	swait.ge [sflag:s18], $0x400  }
0x50d: {  	[sflag:s18] =	ssyncset.done $0x0  }
0x50e: {  	[sflag:s18] =	ssyncadd.s32 $0xFFFFFC00  }
0x50f: {  	_ =	swait.ge [sflag:s18], $0x400  }
0x510: {  	[sflag:s18] =	ssyncset.done $0x0  }
0x511: {  	[sflag:s18] =	ssyncadd.s32 $0xFFFFFC00  }
0x512: {  	_ =	swait.ge [sflag:s18], $0x400  }
0x513: {  	[sflag:s18] =	ssyncset.done $0x0  }
0x514: {  	[sflag:s18] =	ssyncadd.s32 $0xFFFFFC00  }
0x515: {  	_ =	swait.ge [sflag:s18], $0x400  }
0x516: {  	[sflag:s18] =	ssyncset.done $0x0  }
0x517: {  	[sflag:s18] =	ssyncadd.s32 $0xFFFFFC00  }
0x518: {  	_ =	swait.ge [sflag:s18], $0x400  }
0x519: {  	[sflag:s18] =	ssyncset.done $0x0  }
0x51a: {  	[sflag:s18] =	ssyncadd.s32 $0xFFFFFC00  }
0x51b: {  	_ =	swait.ge [sflag:s18], $0x400  }
0x51c: {  	[sflag:s18] =	ssyncset.done $0x0  }
0x51d: {  	[sflag:s18] =	ssyncadd.s32 $0xFFFFFC00  }
0x51e: {  	_ =	swait.ge [sflag:s18], $0x400  }
0x51f: {  	[sflag:s18] =	ssyncset.done $0x0  }
0x520: {  	[sflag:s18] =	ssyncadd.s32 $0xFFFFFC00  }
0x521: {  	_ =	swait.ge [sflag:s18], $0x400  }
0x522: {  	s29 =	sld [smem:$0x7FC];
	_ =	sdelay $0x2  }
0x523: {  	s30 =	rddreg [dreg:$0x1c];
	s20 =	sadd.s32 $0x1, s29  }
0x524: {  	p0 =	sne.s32 s20, s30  }
.Ltmp4:
0x525: {  	_ = 	snop;
	(pc) =	sbr.rel @p0 .LBB2_1-.Ltmp4, $3  }
0x526: {  	_ =	sdelay $0x1  }
0x527: {  	[sflag:s18] =	ssyncset.done $0x0  }
0x528: {  	[sflag:s18] =	ssyncadd.s32 $0xFFFFFC00  }
0x529: {  	_ =	sfence.sel $0x180000  }
0x52a: {  	[bflag:$0x0] =	sbarrier.arrive $0xFFFF  }
0x52b: {  	_ =	strace $0x90000047  }
0x52c: {  	s0 =	stileid.u32;
	[bflag:$0x2] =	sbarrier.arrive $0xFFFF  }
0x52d: {  	p0 =	sne.s32 s0, $0x0;
	s0 =	rddreg [dreg:$0x6]  }
0x52e: {  	s0 =	sadd.s32 @!p0 $0x100000, s0  }
0x52f: {  	[sflag:s0] =	ssyncadd.tile.s32 @!p0 $0x1;
	_ =	shalt  }
.Lfunc_end2:
_tile_overlayer_lowered:
.L_overlay_start_2:
0x530: {  	(tag) =	ssettag $0x2  }
0x531: {  	s0 =	rddreg [dreg:$0x0];
	s2 =	stileid.u32  }
0x532: {  	s1 =	rddreg [dreg:$0x1];
	p0 =	sne.s32 s2, $0x0  }
0x533: {  	s3 =	rddreg [dreg:$0x2];
	[bflag:$0x3] =	sbarrier.arrive $0xFFFF;
	s2 =	simm.s32 @!p0 $0x1C03  }
0x534: {  	[timem:s3], [sflag:s2] =	dma.local @!p0 [hbm:s0], s1  }
0x535: {  	s0 =	simm.s32 @!p0 $0x3  }
0x536: {  	_ =	swait.ge @!p0 [sflag:s0], s1  }
0x537: {  	s1 =	ssub.s32 @!p0 $0x0, s1;
	[sflag:s0] =	ssyncset.done @!p0 $0x0  }
0x538: {  	[sflag:s0] =	ssyncadd.s32 @!p0 s1  }
0x539: {  	[bflag:$0x3] =	sbarrier.arrive $0xFFFF  }
0x53a: {  	_ =	shalt  }

</sc_bundles>
